<compile_context>
chip_gen: v7x
topology: tpu7x:2x2x1
jax: 0.10.2.dev20260603
libtpu: 0.0.44.dev20260713+nightly
codegen_flags: <defaults>
</compile_context>

<pallas_src>
import jax
import jax.numpy as jnp
from jax import lax
from jax.experimental import pallas as pl
from jax.experimental.pallas import tpu as pltpu
from jax.experimental.pallas import tpu_sc as plsc

L = 16
NC = 2
NS = 16
B, C, H, W = 16, 3, 512, 512
NIMG = B * C
IMG_PER_CORE = NIMG // NC
G = 4
NGRP = IMG_PER_CORE // G
ROWS = H // NS
NK = W // L
NB = 256 // L


def _he_body(x_hbm, out_hbm, buf, obuf, hist, mhistg, mhist, merge, lut,
             lutbuf, shared_hist, shared_lut, in_sem, out_sem):
    cid = lax.axis_index("c")
    sid = lax.axis_index("s")
    row0 = sid * ROWS
    lane = lax.broadcasted_iota(jnp.int32, (L,), 0)
    lane_base = lane * 256
    ones = jnp.ones((L,), jnp.float32)
    zeros = jnp.zeros((L,), jnp.float32)

    for g in range(G):
        img = cid * IMG_PER_CORE + g
        bi, ci = img // C, img % C
        pltpu.async_copy(
            x_hbm.at[bi, ci, pl.ds(row0, ROWS)], buf.at[g], in_sem.at[g])

    def group(grp, _):
        img0 = cid * IMG_PER_CORE + grp * G

        for g in range(G):
            img = img0 + g
            bi, ci = img // C, img % C
            pltpu.make_async_copy(
                x_hbm.at[bi, ci, pl.ds(row0, ROWS)], buf.at[g],
                in_sem.at[g]).wait()

            @plsc.parallel_loop(0, 256, unroll=8)
            def zero_hist(i):
                hist[pl.ds(i * L, L)] = zeros

            @plsc.parallel_loop(0, ROWS * NK, unroll=8)
            def hist_px(i):
                r = i >> 5
                k = i & (NK - 1)
                v = buf[g, r, pl.ds(k * L, L)]
                xi = (v * 255.0).astype(jnp.int32)
                plsc.store_scatter(hist, [lane_base + xi], ones)

            @plsc.parallel_loop(0, NB, unroll=2)
            def merge_lanes(c):
                acc = hist[pl.ds(c * L, L)]
                for r in range(1, L):
                    acc = acc + hist[pl.ds(r * 256 + c * L, L)]
                mhistg[g, pl.ds(c * L, L)] = acc

        pltpu.sync_copy(mhistg, shared_hist.at[sid])
        plsc.subcore_barrier()

        @pl.when(sid < G)
        def _():
            g = sid
            pltpu.sync_copy(shared_hist, merge)

            def merge_subcores(c, carry):
                tot, m = carry
                acc = merge[0, g, pl.ds(c * L, L)]
                for r in range(1, NS):
                    acc = acc + merge[r, g, pl.ds(c * L, L)]
                mhist[pl.ds(c * L, L)] = acc
                idx = lane + c * L
                comb = jnp.where(acc != 0.0,
                                 idx * 524288 + acc.astype(jnp.int32),
                                 -1)
                return tot + jnp.sum(acc), jnp.maximum(m, jnp.max(comb))

            tot, m = lax.fori_loop(
                0, NB, merge_subcores,
                (jnp.float32(0.0), jnp.int32(-1)))

            tot_v = jnp.full((L,), tot, jnp.float32)
            last_v = jnp.bitwise_and(jnp.full((L,), m, jnp.int32),
                                     524287).astype(jnp.float32)
            step_v = ((tot_v - last_v) / 255.0).astype(
                jnp.int32).astype(jnp.float32)
            half_v = (step_v * 0.5).astype(jnp.int32).astype(jnp.float32)
            safe_v = jnp.maximum(step_v, 1.0)
            is_id = step_v == 0.0

            def lut_chunk(c, carry_f):
                v = mhist[pl.ds(c * L, L)]
                excl = plsc.cumsum(v) + carry_f - v
                q = ((excl + half_v) / safe_v).astype(
                    jnp.int32).astype(jnp.float32)
                qc = jnp.clip(q, 0.0, 255.0)
                idx_f = (lane + c * L).astype(jnp.float32)
                lut[pl.ds(c * L, L)] = jnp.where(is_id, idx_f, qc) / 255.0
                return carry_f + jnp.sum(v)

            lax.fori_loop(0, NB, lut_chunk, jnp.float32(0.0))
            pltpu.sync_copy(lut, shared_lut.at[pl.ds(g * 256, 256)])

        plsc.subcore_barrier()
        pltpu.sync_copy(shared_lut, lutbuf)

        for g in range(G):
            img = img0 + g
            bi, ci = img // C, img % C
            rb = g & 1

            if g >= 2:
                pltpu.make_async_copy(
                    obuf.at[rb], out_hbm.at[bi, ci, pl.ds(row0, ROWS)],
                    out_sem.at[rb]).wait()
            else:
                @pl.when(grp > 0)
                def _():
                    pltpu.make_async_copy(
                        obuf.at[rb], out_hbm.at[bi, ci, pl.ds(row0, ROWS)],
                        out_sem.at[rb]).wait()

            @plsc.parallel_loop(0, ROWS * NK, unroll=8)
            def gather_px(i):
                r = i >> 5
                k = i & (NK - 1)
                v = buf[g, r, pl.ds(k * L, L)]
                xi = (v * 255.0).astype(jnp.int32) + g * 256
                obuf[rb, r, pl.ds(k * L, L)] = plsc.load_gather(
                    lutbuf, [xi])

            pltpu.async_copy(
                obuf.at[rb], out_hbm.at[bi, ci, pl.ds(row0, ROWS)],
                out_sem.at[rb])

            nimg = img + G
            nb, ncl = nimg // C, nimg % C

            @pl.when(grp < NGRP - 1)
            def _():
                pltpu.async_copy(
                    x_hbm.at[nb, ncl, pl.ds(row0, ROWS)], buf.at[g],
                    in_sem.at[g])
        return 0

    lax.fori_loop(0, NGRP, group, 0)

    for rb in range(2):
        img = cid * IMG_PER_CORE + (NGRP - 1) * G + 2 + rb
        bi, ci = img // C, img % C
        pltpu.make_async_copy(
            obuf.at[rb], out_hbm.at[bi, ci, pl.ds(row0, ROWS)],
            out_sem.at[rb]).wait()


_he = pl.kernel(
    _he_body,
    out_type=jax.ShapeDtypeStruct((B, C, H, W), jnp.float32),
    mesh=plsc.VectorSubcoreMesh(core_axis_name="c", subcore_axis_name="s"),
    compiler_params=pltpu.CompilerParams(
        needs_layout_passes=False, use_tc_tiling_on_sc=True),
    scratch_types=[
        pltpu.VMEM((G, ROWS, W), jnp.float32),
        pltpu.VMEM((2, ROWS, W), jnp.float32),
        pltpu.VMEM((L * 256,), jnp.float32),
        pltpu.VMEM((G, 256), jnp.float32),
        pltpu.VMEM((256,), jnp.float32),
        pltpu.VMEM((NS, G, 256), jnp.float32),
        pltpu.VMEM((256,), jnp.float32),
        pltpu.VMEM((G * 256,), jnp.float32),
        pltpu.VMEM_SHARED((NS, G, 256), jnp.float32),
        pltpu.VMEM_SHARED((G * 256,), jnp.float32),
        pltpu.SemaphoreType.DMA((G,)),
        pltpu.SemaphoreType.DMA((2,)),
    ],
)


def kernel(x):
    return _he(x)

# --- scband reference (transcript-rebuilt; emitter-appended) ---
"""Pipeline reference for scband-compressed-he-13297218748877 (READ-ONLY COPY).

The authoritative reference and input builder live on the scoring server;
editing this copy changes nothing except your own understanding.
"""

import jax, jax.numpy as jnp
import numpy as np


def setup_inputs(seed: int = 0) -> dict:
    key = jax.random.key(seed)
    x = jax.random.uniform(key, (16, 3, 512, 512), dtype=jnp.float32)
    return {"x": x}


def _scale_channel(im):
    # im: int32 [H, W], values in [0, 255]
    flat = im.reshape(-1)
    # torch.histc(im, bins=256, min=0, max=255) on integer-valued data == bincount
    histo = jnp.bincount(flat, length=256).astype(jnp.float32)
    # last nonzero histogram value (nonzero_histo[-1]) without dynamic shapes
    nz = histo != 0
    last_idx = jnp.max(jnp.where(nz, jnp.arange(256), -1))
    last_val = histo[last_idx]
    # sum(nonzero_histo) == sum(histo) since zero bins contribute nothing
    step = jnp.floor_divide(jnp.sum(histo) - last_val, 255.0)
    safe_step = jnp.maximum(step, 1.0)
    lut = jnp.floor_divide(jnp.cumsum(histo) + jnp.floor_divide(step, 2.0), safe_step)
    lut = jnp.concatenate([jnp.zeros((1,), jnp.float32), lut[:-1]])
    lut = jnp.clip(lut, 0.0, 255.0)
    gathered = jnp.take(lut, flat, axis=0).reshape(im.shape)
    result = jnp.where(step == 0, im.astype(jnp.float32), gathered)
    return result


def reference(x):
    # x: float32 [B, 3, H, W]
    xi = (x * 255.0).astype(jnp.int32)
    outs = []
    for i in range(x.shape[0]):
        chans = [_scale_channel(xi[i, c]) for c in range(3)]
        outs.append(jnp.stack(chans, axis=0))
    out = jnp.stack(outs, axis=0).astype(jnp.float32) / 255.0
    return out

if __name__ == "__main__":
    import jax
    _d = setup_inputs()
    print(jax.jit(kernel)(*tuple(_d.values())))

</pallas_src>

<mosaic_0001>
#map = affine_map<(d0, d1) -> (0, 0, 0, 0)>
module attributes {stable_mosaic.version = 14 : i64} {
  func.func @_he_body(%arg0: i32, %arg1: i32, %arg2: memref<16x3x512x512xf32, #tpu.memory_space<hbm>>, %arg3: memref<16x3x512x512xf32, #tpu.memory_space<hbm>>, %arg4: memref<4x32x512xf32, #tpu.memory_space<vmem>>, %arg5: memref<2x32x512xf32, #tpu.memory_space<vmem>>, %arg6: memref<4096xf32, #tpu.memory_space<vmem>>, %arg7: memref<4x256xf32, #tpu.memory_space<vmem>>, %arg8: memref<256xf32, #tpu.memory_space<vmem>>, %arg9: memref<16x4x256xf32, #tpu.memory_space<vmem>>, %arg10: memref<256xf32, #tpu.memory_space<vmem>>, %arg11: memref<1024xf32, #tpu.memory_space<vmem>>, %arg12: memref<16x4x256xf32, #tpu.memory_space<vmem_shared>>, %arg13: memref<1024xf32, #tpu.memory_space<vmem_shared>>, %arg14: memref<4x!tpu.dma_semaphore, #tpu.memory_space<semaphore_mem>>, %arg15: memref<2x!tpu.dma_semaphore, #tpu.memory_space<semaphore_mem>>) attributes {dimension_semantics = [#tpu.dimension_semantics<core_parallel>, #tpu.dimension_semantics<subcore_parallel>], iteration_bounds = array<i64: 2, 16>, scalar_prefetch = 0 : i64, scratch_operands = 12 : i64, tpu.core_type = #tpu.core_type<sc_vector_subcore>, window_params = [{transform_indices = #map}, {transform_indices = #map}]} {
    %mul3A = arith.constant 32 : i32
    %mul3A_0 = arith.muli %arg1, %mul3A : i32
    %iota3A = tpu.iota {dimensions = array<i32: 0>} : vector<16xi32>
    %mul3A_1 = arith.constant 256 : i32
    %mul3A_2 = vector.broadcast %mul3A_1 : i32 to vector<16xi32>
    %mul3A_3 = arith.muli %iota3A, %mul3A_2 : vector<16xi32>
    %broadcast_in_dim3A = arith.constant 1.000000e+00 : f32
    %broadcast_in_dim3A_4 = vector.broadcast %broadcast_in_dim3A : f32 to vector<16xf32>
    %broadcast_in_dim3A_5 = arith.constant 0.000000e+00 : f32
    %broadcast_in_dim3A_6 = vector.broadcast %broadcast_in_dim3A_5 : f32 to vector<16xf32>
    %mul3A_7 = arith.constant 24 : i32
    %mul3A_8 = arith.muli %arg0, %mul3A_7 : i32
    %add3A = arith.constant 0 : i32
    %add3A_9 = arith.addi %mul3A_8, %add3A : i32
    %jit3A = arith.constant 3 : i32
    %div3A = arith.divsi %add3A_9, %jit3A : i32
    %sign3A = arith.constant 0 : i32
    %sign3A_10 = arith.cmpi sgt, %add3A_9, %sign3A : i32
    %sign3A_11 = arith.extui %sign3A_10 : i1 to i32
    %sign3A_12 = arith.constant 0 : i32
    %sign3A_13 = arith.cmpi slt, %add3A_9, %sign3A_12 : i32
    %sign3A_14 = arith.extui %sign3A_13 : i1 to i32
    %sign3A_15 = arith.subi %sign3A_11, %sign3A_14 : i32
    %sign3A_16 = arith.constant 0 : i32
    %sign3A_17 = arith.cmpi sgt, %jit3A, %sign3A_16 : i32
    %sign3A_18 = arith.extui %sign3A_17 : i1 to i32
    %sign3A_19 = arith.constant 0 : i32
    %sign3A_20 = arith.cmpi slt, %jit3A, %sign3A_19 : i32
    %sign3A_21 = arith.extui %sign3A_20 : i1 to i32
    %sign3A_22 = arith.subi %sign3A_18, %sign3A_21 : i32
    %ne3A = arith.cmpi ne, %sign3A_15, %sign3A_22 : i32
    %rem3A = arith.remsi %add3A_9, %jit3A : i32
    %ne3A_23 = arith.constant 0 : i32
    %ne3A_24 = arith.cmpi ne, %rem3A, %ne3A_23 : i32
    %and3A = arith.andi %ne3A, %ne3A_24 : i1
    %sub3A = arith.constant 1 : i32
    %sub3A_25 = arith.subi %div3A, %sub3A : i32
    %select_n3A = arith.select %and3A, %sub3A_25, %div3A : i32
    %jit3A_26 = arith.constant 3 : i32
    %eq3A = arith.constant 0 : i32
    %eq3A_27 = arith.cmpi eq, %jit3A_26, %eq3A : i32
    %jit3A_28 = arith.constant 1 : i32
    %select_n3A_29 = arith.select %eq3A_27, %jit3A_28, %jit3A_26 : i32
    %rem3A_30 = arith.remsi %add3A_9, %select_n3A_29 : i32
    %ne3A_31 = arith.constant 0 : i32
    %ne3A_32 = arith.cmpi ne, %rem3A_30, %ne3A_31 : i32
    %lt3A = arith.constant 0 : i32
    %lt3A_33 = arith.cmpi slt, %rem3A_30, %lt3A : i32
    %lt3A_34 = arith.constant 0 : i32
    %lt3A_35 = arith.cmpi slt, %select_n3A_29, %lt3A_34 : i32
    %ne3A_36 = arith.xori %lt3A_33, %lt3A_35 : i1
    %and3A_37 = arith.andi %ne3A_36, %ne3A_32 : i1
    %add3A_38 = arith.addi %rem3A_30, %select_n3A_29 : i32
    %select_n3A_39 = arith.select %and3A_37, %add3A_38, %rem3A_30 : i32
    %dma_start3A = arith.constant 0 : i32
    %dma_start3A_40 = arith.constant 0 : i32
    %dma_start3A_41 = arith.constant 0 : i32
    %dma_start3A_42 = arith.constant 0 : i32
    %dma_start3A_43 = tpu.memref_slice %arg4[%dma_start3A, %dma_start3A_41, %dma_start3A_42] : memref<4x32x512xf32, #tpu.memory_space<vmem>> -> memref<1x32x512xf32, #tpu.memory_space<vmem>>
    %dma_start3A_44 = tpu.memref_squeeze %dma_start3A_43 : memref<1x32x512xf32, #tpu.memory_space<vmem>> -> memref<32x512xf32, #tpu.memory_space<vmem>>
    %dma_start3A_45 = arith.constant 0 : i32
    %dma_start3A_46 = tpu.memref_slice %arg2[%select_n3A, %select_n3A_39, %mul3A_0, %dma_start3A_45] : memref<16x3x512x512xf32, #tpu.memory_space<hbm>> -> memref<1x1x32x512xf32, #tpu.memory_space<hbm>>
    %dma_start3A_47 = tpu.memref_squeeze %dma_start3A_46 : memref<1x1x32x512xf32, #tpu.memory_space<hbm>> -> memref<32x512xf32, #tpu.memory_space<hbm>>
    %dma_start3A_48 = tpu.memref_slice %arg14[%dma_start3A_40] : memref<4x!tpu.dma_semaphore, #tpu.memory_space<semaphore_mem>> -> memref<1x!tpu.dma_semaphore, #tpu.memory_space<semaphore_mem>>
    %dma_start3A_49 = tpu.memref_squeeze %dma_start3A_48 : memref<1x!tpu.dma_semaphore, #tpu.memory_space<semaphore_mem>> -> memref<!tpu.dma_semaphore, #tpu.memory_space<semaphore_mem>>
    %dma_start3A_50 = arith.constant 0 : i32
    %dma_start3A_51 = arith.constant 0 : i32
    %dma_start3A_52 = tpu.memref_slice %arg4[%dma_start3A, %dma_start3A_50, %dma_start3A_51] : memref<4x32x512xf32, #tpu.memory_space<vmem>> -> memref<1x32x512xf32, #tpu.memory_space<vmem>>
    %dma_start3A_53 = tpu.memref_squeeze %dma_start3A_52 : memref<1x32x512xf32, #tpu.memory_space<vmem>> -> memref<32x512xf32, #tpu.memory_space<vmem>>
    %dma_start3A_54 = arith.constant 0 : i32
    %dma_start3A_55 = tpu.memref_slice %arg2[%select_n3A, %select_n3A_39, %mul3A_0, %dma_start3A_54] : memref<16x3x512x512xf32, #tpu.memory_space<hbm>> -> memref<1x1x32x512xf32, #tpu.memory_space<hbm>>
    %dma_start3A_56 = tpu.memref_squeeze %dma_start3A_55 : memref<1x1x32x512xf32, #tpu.memory_space<hbm>> -> memref<32x512xf32, #tpu.memory_space<hbm>>
    tpu.enqueue_dma source(%dma_start3A_56 : memref<32x512xf32, #tpu.memory_space<hbm>>) target(%dma_start3A_53 : memref<32x512xf32, #tpu.memory_space<vmem>>) target_semaphore(%dma_start3A_49 : memref<!tpu.dma_semaphore, #tpu.memory_space<semaphore_mem>>)
    %mul3A_57 = arith.constant 24 : i32
    %mul3A_58 = arith.muli %arg0, %mul3A_57 : i32
    %add3A_59 = arith.constant 1 : i32
    %add3A_60 = arith.addi %mul3A_58, %add3A_59 : i32
    %jit3A_61 = arith.constant 3 : i32
    %div3A_62 = arith.divsi %add3A_60, %jit3A_61 : i32
    %sign3A_63 = arith.constant 0 : i32
    %sign3A_64 = arith.cmpi sgt, %add3A_60, %sign3A_63 : i32
    %sign3A_65 = arith.extui %sign3A_64 : i1 to i32
    %sign3A_66 = arith.constant 0 : i32
    %sign3A_67 = arith.cmpi slt, %add3A_60, %sign3A_66 : i32
    %sign3A_68 = arith.extui %sign3A_67 : i1 to i32
    %sign3A_69 = arith.subi %sign3A_65, %sign3A_68 : i32
    %sign3A_70 = arith.constant 0 : i32
    %sign3A_71 = arith.cmpi sgt, %jit3A_61, %sign3A_70 : i32
    %sign3A_72 = arith.extui %sign3A_71 : i1 to i32
    %sign3A_73 = arith.constant 0 : i32
    %sign3A_74 = arith.cmpi slt, %jit3A_61, %sign3A_73 : i32
    %sign3A_75 = arith.extui %sign3A_74 : i1 to i32
    %sign3A_76 = arith.subi %sign3A_72, %sign3A_75 : i32
    %ne3A_77 = arith.cmpi ne, %sign3A_69, %sign3A_76 : i32
    %rem3A_78 = arith.remsi %add3A_60, %jit3A_61 : i32
    %ne3A_79 = arith.constant 0 : i32
    %ne3A_80 = arith.cmpi ne, %rem3A_78, %ne3A_79 : i32
    %and3A_81 = arith.andi %ne3A_77, %ne3A_80 : i1
    %sub3A_82 = arith.constant 1 : i32
    %sub3A_83 = arith.subi %div3A_62, %sub3A_82 : i32
    %select_n3A_84 = arith.select %and3A_81, %sub3A_83, %div3A_62 : i32
    %jit3A_85 = arith.constant 3 : i32
    %eq3A_86 = arith.constant 0 : i32
    %eq3A_87 = arith.cmpi eq, %jit3A_85, %eq3A_86 : i32
    %jit3A_88 = arith.constant 1 : i32
    %select_n3A_89 = arith.select %eq3A_87, %jit3A_88, %jit3A_85 : i32
    %rem3A_90 = arith.remsi %add3A_60, %select_n3A_89 : i32
    %ne3A_91 = arith.constant 0 : i32
    %ne3A_92 = arith.cmpi ne, %rem3A_90, %ne3A_91 : i32
    %lt3A_93 = arith.constant 0 : i32
    %lt3A_94 = arith.cmpi slt, %rem3A_90, %lt3A_93 : i32
    %lt3A_95 = arith.constant 0 : i32
    %lt3A_96 = arith.cmpi slt, %select_n3A_89, %lt3A_95 : i32
    %ne3A_97 = arith.xori %lt3A_94, %lt3A_96 : i1
    %and3A_98 = arith.andi %ne3A_97, %ne3A_92 : i1
    %add3A_99 = arith.addi %rem3A_90, %select_n3A_89 : i32
    %select_n3A_100 = arith.select %and3A_98, %add3A_99, %rem3A_90 : i32
    %dma_start3A_101 = arith.constant 1 : i32
    %dma_start3A_102 = arith.constant 1 : i32
    %dma_start3A_103 = arith.constant 0 : i32
    %dma_start3A_104 = arith.constant 0 : i32
    %dma_start3A_105 = tpu.memref_slice %arg4[%dma_start3A_101, %dma_start3A_103, %dma_start3A_104] : memref<4x32x512xf32, #tpu.memory_space<vmem>> -> memref<1x32x512xf32, #tpu.memory_space<vmem>>
    %dma_start3A_106 = tpu.memref_squeeze %dma_start3A_105 : memref<1x32x512xf32, #tpu.memory_space<vmem>> -> memref<32x512xf32, #tpu.memory_space<vmem>>
    %dma_start3A_107 = arith.constant 0 : i32
    %dma_start3A_108 = tpu.memref_slice %arg2[%select_n3A_84, %select_n3A_100, %mul3A_0, %dma_start3A_107] : memref<16x3x512x512xf32, #tpu.memory_space<hbm>> -> memref<1x1x32x512xf32, #tpu.memory_space<hbm>>
    %dma_start3A_109 = tpu.memref_squeeze %dma_start3A_108 : memref<1x1x32x512xf32, #tpu.memory_space<hbm>> -> memref<32x512xf32, #tpu.memory_space<hbm>>
    %dma_start3A_110 = tpu.memref_slice %arg14[%dma_start3A_102] : memref<4x!tpu.dma_semaphore, #tpu.memory_space<semaphore_mem>> -> memref<1x!tpu.dma_semaphore, #tpu.memory_space<semaphore_mem>>
    %dma_start3A_111 = tpu.memref_squeeze %dma_start3A_110 : memref<1x!tpu.dma_semaphore, #tpu.memory_space<semaphore_mem>> -> memref<!tpu.dma_semaphore, #tpu.memory_space<semaphore_mem>>
    %dma_start3A_112 = arith.constant 0 : i32
    %dma_start3A_113 = arith.constant 0 : i32
    %dma_start3A_114 = tpu.memref_slice %arg4[%dma_start3A_101, %dma_start3A_112, %dma_start3A_113] : memref<4x32x512xf32, #tpu.memory_space<vmem>> -> memref<1x32x512xf32, #tpu.memory_space<vmem>>
    %dma_start3A_115 = tpu.memref_squeeze %dma_start3A_114 : memref<1x32x512xf32, #tpu.memory_space<vmem>> -> memref<32x512xf32, #tpu.memory_space<vmem>>
    %dma_start3A_116 = arith.constant 0 : i32
    %dma_start3A_117 = tpu.memref_slice %arg2[%select_n3A_84, %select_n3A_100, %mul3A_0, %dma_start3A_116] : memref<16x3x512x512xf32, #tpu.memory_space<hbm>> -> memref<1x1x32x512xf32, #tpu.memory_space<hbm>>
    %dma_start3A_118 = tpu.memref_squeeze %dma_start3A_117 : memref<1x1x32x512xf32, #tpu.memory_space<hbm>> -> memref<32x512xf32, #tpu.memory_space<hbm>>
    tpu.enqueue_dma source(%dma_start3A_118 : memref<32x512xf32, #tpu.memory_space<hbm>>) target(%dma_start3A_115 : memref<32x512xf32, #tpu.memory_space<vmem>>) target_semaphore(%dma_start3A_111 : memref<!tpu.dma_semaphore, #tpu.memory_space<semaphore_mem>>)
    %mul3A_119 = arith.constant 24 : i32
    %mul3A_120 = arith.muli %arg0, %mul3A_119 : i32
    %add3A_121 = arith.constant 2 : i32
    %add3A_122 = arith.addi %mul3A_120, %add3A_121 : i32
    %jit3A_123 = arith.constant 3 : i32
    %div3A_124 = arith.divsi %add3A_122, %jit3A_123 : i32
    %sign3A_125 = arith.constant 0 : i32
    %sign3A_126 = arith.cmpi sgt, %add3A_122, %sign3A_125 : i32
    %sign3A_127 = arith.extui %sign3A_126 : i1 to i32
    %sign3A_128 = arith.constant 0 : i32
    %sign3A_129 = arith.cmpi slt, %add3A_122, %sign3A_128 : i32
    %sign3A_130 = arith.extui %sign3A_129 : i1 to i32
    %sign3A_131 = arith.subi %sign3A_127, %sign3A_130 : i32
    %sign3A_132 = arith.constant 0 : i32
    %sign3A_133 = arith.cmpi sgt, %jit3A_123, %sign3A_132 : i32
    %sign3A_134 = arith.extui %sign3A_133 : i1 to i32
    %sign3A_135 = arith.constant 0 : i32
    %sign3A_136 = arith.cmpi slt, %jit3A_123, %sign3A_135 : i32
    %sign3A_137 = arith.extui %sign3A_136 : i1 to i32
    %sign3A_138 = arith.subi %sign3A_134, %sign3A_137 : i32
    %ne3A_139 = arith.cmpi ne, %sign3A_131, %sign3A_138 : i32
    %rem3A_140 = arith.remsi %add3A_122, %jit3A_123 : i32
    %ne3A_141 = arith.constant 0 : i32
    %ne3A_142 = arith.cmpi ne, %rem3A_140, %ne3A_141 : i32
    %and3A_143 = arith.andi %ne3A_139, %ne3A_142 : i1
    %sub3A_144 = arith.constant 1 : i32
    %sub3A_145 = arith.subi %div3A_124, %sub3A_144 : i32
    %select_n3A_146 = arith.select %and3A_143, %sub3A_145, %div3A_124 : i32
    %jit3A_147 = arith.constant 3 : i32
    %eq3A_148 = arith.constant 0 : i32
    %eq3A_149 = arith.cmpi eq, %jit3A_147, %eq3A_148 : i32
    %jit3A_150 = arith.constant 1 : i32
    %select_n3A_151 = arith.select %eq3A_149, %jit3A_150, %jit3A_147 : i32
    %rem3A_152 = arith.remsi %add3A_122, %select_n3A_151 : i32
    %ne3A_153 = arith.constant 0 : i32
    %ne3A_154 = arith.cmpi ne, %rem3A_152, %ne3A_153 : i32
    %lt3A_155 = arith.constant 0 : i32
    %lt3A_156 = arith.cmpi slt, %rem3A_152, %lt3A_155 : i32
    %lt3A_157 = arith.constant 0 : i32
    %lt3A_158 = arith.cmpi slt, %select_n3A_151, %lt3A_157 : i32
    %ne3A_159 = arith.xori %lt3A_156, %lt3A_158 : i1
    %and3A_160 = arith.andi %ne3A_159, %ne3A_154 : i1
    %add3A_161 = arith.addi %rem3A_152, %select_n3A_151 : i32
    %select_n3A_162 = arith.select %and3A_160, %add3A_161, %rem3A_152 : i32
    %dma_start3A_163 = arith.constant 2 : i32
    %dma_start3A_164 = arith.constant 2 : i32
    %dma_start3A_165 = arith.constant 0 : i32
    %dma_start3A_166 = arith.constant 0 : i32
    %dma_start3A_167 = tpu.memref_slice %arg4[%dma_start3A_163, %dma_start3A_165, %dma_start3A_166] : memref<4x32x512xf32, #tpu.memory_space<vmem>> -> memref<1x32x512xf32, #tpu.memory_space<vmem>>
    %dma_start3A_168 = tpu.memref_squeeze %dma_start3A_167 : memref<1x32x512xf32, #tpu.memory_space<vmem>> -> memref<32x512xf32, #tpu.memory_space<vmem>>
    %dma_start3A_169 = arith.constant 0 : i32
    %dma_start3A_170 = tpu.memref_slice %arg2[%select_n3A_146, %select_n3A_162, %mul3A_0, %dma_start3A_169] : memref<16x3x512x512xf32, #tpu.memory_space<hbm>> -> memref<1x1x32x512xf32, #tpu.memory_space<hbm>>
    %dma_start3A_171 = tpu.memref_squeeze %dma_start3A_170 : memref<1x1x32x512xf32, #tpu.memory_space<hbm>> -> memref<32x512xf32, #tpu.memory_space<hbm>>
    %dma_start3A_172 = tpu.memref_slice %arg14[%dma_start3A_164] : memref<4x!tpu.dma_semaphore, #tpu.memory_space<semaphore_mem>> -> memref<1x!tpu.dma_semaphore, #tpu.memory_space<semaphore_mem>>
    %dma_start3A_173 = tpu.memref_squeeze %dma_start3A_172 : memref<1x!tpu.dma_semaphore, #tpu.memory_space<semaphore_mem>> -> memref<!tpu.dma_semaphore, #tpu.memory_space<semaphore_mem>>
    %dma_start3A_174 = arith.constant 0 : i32
    %dma_start3A_175 = arith.constant 0 : i32
    %dma_start3A_176 = tpu.memref_slice %arg4[%dma_start3A_163, %dma_start3A_174, %dma_start3A_175] : memref<4x32x512xf32, #tpu.memory_space<vmem>> -> memref<1x32x512xf32, #tpu.memory_space<vmem>>
    %dma_start3A_177 = tpu.memref_squeeze %dma_start3A_176 : memref<1x32x512xf32, #tpu.memory_space<vmem>> -> memref<32x512xf32, #tpu.memory_space<vmem>>
    %dma_start3A_178 = arith.constant 0 : i32
    %dma_start3A_179 = tpu.memref_slice %arg2[%select_n3A_146, %select_n3A_162, %mul3A_0, %dma_start3A_178] : memref<16x3x512x512xf32, #tpu.memory_space<hbm>> -> memref<1x1x32x512xf32, #tpu.memory_space<hbm>>
    %dma_start3A_180 = tpu.memref_squeeze %dma_start3A_179 : memref<1x1x32x512xf32, #tpu.memory_space<hbm>> -> memref<32x512xf32, #tpu.memory_space<hbm>>
    tpu.enqueue_dma source(%dma_start3A_180 : memref<32x512xf32, #tpu.memory_space<hbm>>) target(%dma_start3A_177 : memref<32x512xf32, #tpu.memory_space<vmem>>) target_semaphore(%dma_start3A_173 : memref<!tpu.dma_semaphore, #tpu.memory_space<semaphore_mem>>)
    %mul3A_181 = arith.constant 24 : i32
    %mul3A_182 = arith.muli %arg0, %mul3A_181 : i32
    %add3A_183 = arith.constant 3 : i32
    %add3A_184 = arith.addi %mul3A_182, %add3A_183 : i32
    %jit3A_185 = arith.constant 3 : i32
    %div3A_186 = arith.divsi %add3A_184, %jit3A_185 : i32
    %sign3A_187 = arith.constant 0 : i32
    %sign3A_188 = arith.cmpi sgt, %add3A_184, %sign3A_187 : i32
    %sign3A_189 = arith.extui %sign3A_188 : i1 to i32
    %sign3A_190 = arith.constant 0 : i32
    %sign3A_191 = arith.cmpi slt, %add3A_184, %sign3A_190 : i32
    %sign3A_192 = arith.extui %sign3A_191 : i1 to i32
    %sign3A_193 = arith.subi %sign3A_189, %sign3A_192 : i32
    %sign3A_194 = arith.constant 0 : i32
    %sign3A_195 = arith.cmpi sgt, %jit3A_185, %sign3A_194 : i32
    %sign3A_196 = arith.extui %sign3A_195 : i1 to i32
    %sign3A_197 = arith.constant 0 : i32
    %sign3A_198 = arith.cmpi slt, %jit3A_185, %sign3A_197 : i32
    %sign3A_199 = arith.extui %sign3A_198 : i1 to i32
    %sign3A_200 = arith.subi %sign3A_196, %sign3A_199 : i32
    %ne3A_201 = arith.cmpi ne, %sign3A_193, %sign3A_200 : i32
    %rem3A_202 = arith.remsi %add3A_184, %jit3A_185 : i32
    %ne3A_203 = arith.constant 0 : i32
    %ne3A_204 = arith.cmpi ne, %rem3A_202, %ne3A_203 : i32
    %and3A_205 = arith.andi %ne3A_201, %ne3A_204 : i1
    %sub3A_206 = arith.constant 1 : i32
    %sub3A_207 = arith.subi %div3A_186, %sub3A_206 : i32
    %select_n3A_208 = arith.select %and3A_205, %sub3A_207, %div3A_186 : i32
    %jit3A_209 = arith.constant 3 : i32
    %eq3A_210 = arith.constant 0 : i32
    %eq3A_211 = arith.cmpi eq, %jit3A_209, %eq3A_210 : i32
    %jit3A_212 = arith.constant 1 : i32
    %select_n3A_213 = arith.select %eq3A_211, %jit3A_212, %jit3A_209 : i32
    %rem3A_214 = arith.remsi %add3A_184, %select_n3A_213 : i32
    %ne3A_215 = arith.constant 0 : i32
    %ne3A_216 = arith.cmpi ne, %rem3A_214, %ne3A_215 : i32
    %lt3A_217 = arith.constant 0 : i32
    %lt3A_218 = arith.cmpi slt, %rem3A_214, %lt3A_217 : i32
    %lt3A_219 = arith.constant 0 : i32
    %lt3A_220 = arith.cmpi slt, %select_n3A_213, %lt3A_219 : i32
    %ne3A_221 = arith.xori %lt3A_218, %lt3A_220 : i1
    %and3A_222 = arith.andi %ne3A_221, %ne3A_216 : i1
    %add3A_223 = arith.addi %rem3A_214, %select_n3A_213 : i32
    %select_n3A_224 = arith.select %and3A_222, %add3A_223, %rem3A_214 : i32
    %dma_start3A_225 = arith.constant 3 : i32
    %dma_start3A_226 = arith.constant 3 : i32
    %dma_start3A_227 = arith.constant 0 : i32
    %dma_start3A_228 = arith.constant 0 : i32
    %dma_start3A_229 = tpu.memref_slice %arg4[%dma_start3A_225, %dma_start3A_227, %dma_start3A_228] : memref<4x32x512xf32, #tpu.memory_space<vmem>> -> memref<1x32x512xf32, #tpu.memory_space<vmem>>
    %dma_start3A_230 = tpu.memref_squeeze %dma_start3A_229 : memref<1x32x512xf32, #tpu.memory_space<vmem>> -> memref<32x512xf32, #tpu.memory_space<vmem>>
    %dma_start3A_231 = arith.constant 0 : i32
    %dma_start3A_232 = tpu.memref_slice %arg2[%select_n3A_208, %select_n3A_224, %mul3A_0, %dma_start3A_231] : memref<16x3x512x512xf32, #tpu.memory_space<hbm>> -> memref<1x1x32x512xf32, #tpu.memory_space<hbm>>
    %dma_start3A_233 = tpu.memref_squeeze %dma_start3A_232 : memref<1x1x32x512xf32, #tpu.memory_space<hbm>> -> memref<32x512xf32, #tpu.memory_space<hbm>>
    %dma_start3A_234 = tpu.memref_slice %arg14[%dma_start3A_226] : memref<4x!tpu.dma_semaphore, #tpu.memory_space<semaphore_mem>> -> memref<1x!tpu.dma_semaphore, #tpu.memory_space<semaphore_mem>>
    %dma_start3A_235 = tpu.memref_squeeze %dma_start3A_234 : memref<1x!tpu.dma_semaphore, #tpu.memory_space<semaphore_mem>> -> memref<!tpu.dma_semaphore, #tpu.memory_space<semaphore_mem>>
    %dma_start3A_236 = arith.constant 0 : i32
    %dma_start3A_237 = arith.constant 0 : i32
    %dma_start3A_238 = tpu.memref_slice %arg4[%dma_start3A_225, %dma_start3A_236, %dma_start3A_237] : memref<4x32x512xf32, #tpu.memory_space<vmem>> -> memref<1x32x512xf32, #tpu.memory_space<vmem>>
    %dma_start3A_239 = tpu.memref_squeeze %dma_start3A_238 : memref<1x32x512xf32, #tpu.memory_space<vmem>> -> memref<32x512xf32, #tpu.memory_space<vmem>>
    %dma_start3A_240 = arith.constant 0 : i32
    %dma_start3A_241 = tpu.memref_slice %arg2[%select_n3A_208, %select_n3A_224, %mul3A_0, %dma_start3A_240] : memref<16x3x512x512xf32, #tpu.memory_space<hbm>> -> memref<1x1x32x512xf32, #tpu.memory_space<hbm>>
    %dma_start3A_242 = tpu.memref_squeeze %dma_start3A_241 : memref<1x1x32x512xf32, #tpu.memory_space<hbm>> -> memref<32x512xf32, #tpu.memory_space<hbm>>
    tpu.enqueue_dma source(%dma_start3A_242 : memref<32x512xf32, #tpu.memory_space<hbm>>) target(%dma_start3A_239 : memref<32x512xf32, #tpu.memory_space<vmem>>) target_semaphore(%dma_start3A_235 : memref<!tpu.dma_semaphore, #tpu.memory_space<semaphore_mem>>)
    %scan3A = arith.constant 0 : i32
    %scan3A_243 = arith.constant 0 : i32
    %scan3A_244 = arith.constant 6 : i32
    %scan3A_245 = arith.addi %scan3A_243, %scan3A_244 : i32
    %scan3A_246 = arith.constant 1 : i32
    %scan3A_247 = scf.for %scan3A_380 = %scan3A_243 to %scan3A_245 step %scan3A_246 iter_args(%scan3A_381 = %scan3A) -> (i32)  : i32 {
      %mul3A_382 = arith.constant 24 : i32
      %mul3A_383 = arith.muli %arg0, %mul3A_382 : i32
      %mul3A_384 = arith.constant 4 : i32
      %mul3A_385 = arith.muli %scan3A_380, %mul3A_384 : i32
      %add3A_386 = arith.addi %mul3A_383, %mul3A_385 : i32
      %add3A_387 = arith.constant 0 : i32
      %add3A_388 = arith.addi %add3A_386, %add3A_387 : i32
      %jit3A_389 = arith.constant 3 : i32
      %div3A_390 = arith.divsi %add3A_388, %jit3A_389 : i32
      %sign3A_391 = arith.constant 0 : i32
      %sign3A_392 = arith.cmpi sgt, %add3A_388, %sign3A_391 : i32
      %sign3A_393 = arith.extui %sign3A_392 : i1 to i32
      %sign3A_394 = arith.constant 0 : i32
      %sign3A_395 = arith.cmpi slt, %add3A_388, %sign3A_394 : i32
      %sign3A_396 = arith.extui %sign3A_395 : i1 to i32
      %sign3A_397 = arith.subi %sign3A_393, %sign3A_396 : i32
      %sign3A_398 = arith.constant 0 : i32
      %sign3A_399 = arith.cmpi sgt, %jit3A_389, %sign3A_398 : i32
      %sign3A_400 = arith.extui %sign3A_399 : i1 to i32
      %sign3A_401 = arith.constant 0 : i32
      %sign3A_402 = arith.cmpi slt, %jit3A_389, %sign3A_401 : i32
      %sign3A_403 = arith.extui %sign3A_402 : i1 to i32
      %sign3A_404 = arith.subi %sign3A_400, %sign3A_403 : i32
      %ne3A_405 = arith.cmpi ne, %sign3A_397, %sign3A_404 : i32
      %rem3A_406 = arith.remsi %add3A_388, %jit3A_389 : i32
      %ne3A_407 = arith.constant 0 : i32
      %ne3A_408 = arith.cmpi ne, %rem3A_406, %ne3A_407 : i32
      %and3A_409 = arith.andi %ne3A_405, %ne3A_408 : i1
      %sub3A_410 = arith.constant 1 : i32
      %sub3A_411 = arith.subi %div3A_390, %sub3A_410 : i32
      %select_n3A_412 = arith.select %and3A_409, %sub3A_411, %div3A_390 : i32
      %jit3A_413 = arith.constant 3 : i32
      %eq3A_414 = arith.constant 0 : i32
      %eq3A_415 = arith.cmpi eq, %jit3A_413, %eq3A_414 : i32
      %jit3A_416 = arith.constant 1 : i32
      %select_n3A_417 = arith.select %eq3A_415, %jit3A_416, %jit3A_413 : i32
      %rem3A_418 = arith.remsi %add3A_388, %select_n3A_417 : i32
      %ne3A_419 = arith.constant 0 : i32
      %ne3A_420 = arith.cmpi ne, %rem3A_418, %ne3A_419 : i32
      %lt3A_421 = arith.constant 0 : i32
      %lt3A_422 = arith.cmpi slt, %rem3A_418, %lt3A_421 : i32
      %lt3A_423 = arith.constant 0 : i32
      %lt3A_424 = arith.cmpi slt, %select_n3A_417, %lt3A_423 : i32
      %ne3A_425 = arith.xori %lt3A_422, %lt3A_424 : i1
      %and3A_426 = arith.andi %ne3A_425, %ne3A_420 : i1
      %add3A_427 = arith.addi %rem3A_418, %select_n3A_417 : i32
      %select_n3A_428 = arith.select %and3A_426, %add3A_427, %rem3A_418 : i32
      %dma_wait3A_429 = arith.constant 0 : i32
      %dma_wait3A_430 = arith.constant 0 : i32
      %dma_wait3A_431 = arith.constant 0 : i32
      %dma_wait3A_432 = arith.constant 0 : i32
      %dma_wait3A_433 = tpu.memref_slice %arg4[%dma_wait3A_429, %dma_wait3A_431, %dma_wait3A_432] : memref<4x32x512xf32, #tpu.memory_space<vmem>> -> memref<1x32x512xf32, #tpu.memory_space<vmem>>
      %dma_wait3A_434 = tpu.memref_squeeze %dma_wait3A_433 : memref<1x32x512xf32, #tpu.memory_space<vmem>> -> memref<32x512xf32, #tpu.memory_space<vmem>>
      %dma_wait3A_435 = arith.constant 0 : i32
      %dma_wait3A_436 = tpu.memref_slice %arg2[%select_n3A_412, %select_n3A_428, %mul3A_0, %dma_wait3A_435] : memref<16x3x512x512xf32, #tpu.memory_space<hbm>> -> memref<1x1x32x512xf32, #tpu.memory_space<hbm>>
      %dma_wait3A_437 = tpu.memref_squeeze %dma_wait3A_436 : memref<1x1x32x512xf32, #tpu.memory_space<hbm>> -> memref<32x512xf32, #tpu.memory_space<hbm>>
      %dma_wait3A_438 = tpu.memref_slice %arg14[%dma_wait3A_430] : memref<4x!tpu.dma_semaphore, #tpu.memory_space<semaphore_mem>> -> memref<1x!tpu.dma_semaphore, #tpu.memory_space<semaphore_mem>>
      %dma_wait3A_439 = tpu.memref_squeeze %dma_wait3A_438 : memref<1x!tpu.dma_semaphore, #tpu.memory_space<semaphore_mem>> -> memref<!tpu.dma_semaphore, #tpu.memory_space<semaphore_mem>>
      %dma_wait3A_440 = arith.constant 0 : i32
      %dma_wait3A_441 = arith.constant 0 : i32
      %dma_wait3A_442 = tpu.memref_slice %arg4[%dma_wait3A_429, %dma_wait3A_440, %dma_wait3A_441] : memref<4x32x512xf32, #tpu.memory_space<vmem>> -> memref<1x32x512xf32, #tpu.memory_space<vmem>>
      %dma_wait3A_443 = tpu.memref_squeeze %dma_wait3A_442 : memref<1x32x512xf32, #tpu.memory_space<vmem>> -> memref<32x512xf32, #tpu.memory_space<vmem>>
      %dma_wait3A_444 = arith.constant 0 : i32
      %dma_wait3A_445 = tpu.memref_slice %arg2[%select_n3A_412, %select_n3A_428, %mul3A_0, %dma_wait3A_444] : memref<16x3x512x512xf32, #tpu.memory_space<hbm>> -> memref<1x1x32x512xf32, #tpu.memory_space<hbm>>
      %dma_wait3A_446 = tpu.memref_squeeze %dma_wait3A_445 : memref<1x1x32x512xf32, #tpu.memory_space<hbm>> -> memref<32x512xf32, #tpu.memory_space<hbm>>
      tpu.wait_dma2 semaphore(%dma_wait3A_439 : memref<!tpu.dma_semaphore, #tpu.memory_space<semaphore_mem>>) src(%dma_wait3A_446 : memref<32x512xf32, #tpu.memory_space<hbm>>) dst(%dma_wait3A_443 : memref<32x512xf32, #tpu.memory_space<vmem>>)
      %parallel_loop3A = arith.constant 0 : i32
      %parallel_loop3A_447 = arith.constant 256 : i32
      %parallel_loop3A_448 = arith.constant 1 : i32
      scf.for %parallel_loop3A_1152 = %parallel_loop3A to %parallel_loop3A_447 step %parallel_loop3A_448  : i32 {
        %parallel_loop3A_1153 = arith.constant 16 : i32
        %parallel_loop3A_1154 = arith.muli %parallel_loop3A_1152, %parallel_loop3A_1153 : i32
        %parallel_loop3A_1155 = arith.index_cast %parallel_loop3A_1154 : i32 to index
        %parallel_loop3A_1156 = tpu.vector_load %arg6[%parallel_loop3A_1155] {strides = array<i32>} : memref<4096xf32, #tpu.memory_space<vmem>>, vector<16xf32>,
        tpu.vector_store %arg6[%parallel_loop3A_1155], %broadcast_in_dim3A_6 {strides = array<i32>} : memref<4096xf32, #tpu.memory_space<vmem>>, vector<16xf32>,
      } {sc.loop_unroll_factor = 8 : i64, sc.parallel_access}
      %parallel_loop3A_449 = arith.constant 0 : i32
      %parallel_loop3A_450 = arith.constant 1024 : i32
      %parallel_loop3A_451 = arith.constant 1 : i32
      scf.for %parallel_loop3A_1152 = %parallel_loop3A_449 to %parallel_loop3A_450 step %parallel_loop3A_451  : i32 {
        %parallel_loop3A_1153 = arith.constant 5 : i32
        %parallel_loop3A_1154 = arith.shrsi %parallel_loop3A_1152, %parallel_loop3A_1153 : i32
        %parallel_loop3A_1155 = arith.constant 31 : i32
        %parallel_loop3A_1156 = arith.andi %parallel_loop3A_1152, %parallel_loop3A_1155 : i32
        %parallel_loop3A_1157 = arith.constant 16 : i32
        %parallel_loop3A_1158 = arith.muli %parallel_loop3A_1156, %parallel_loop3A_1157 : i32
        %parallel_loop3A_1159 = arith.constant 0 : i32
        %parallel_loop3A_1160 = arith.index_cast %parallel_loop3A_1159 : i32 to index
        %parallel_loop3A_1161 = arith.index_cast %parallel_loop3A_1154 : i32 to index
        %parallel_loop3A_1162 = arith.index_cast %parallel_loop3A_1158 : i32 to index
        %parallel_loop3A_1163 = tpu.vector_load %arg4[%parallel_loop3A_1160, %parallel_loop3A_1161, %parallel_loop3A_1162] {strides = array<i32>} : memref<4x32x512xf32, #tpu.memory_space<vmem>>, vector<16xf32>,
        %parallel_loop3A_1164 = arith.constant 2.550000e+02 : f32
        %parallel_loop3A_1165 = vector.broadcast %parallel_loop3A_1164 : f32 to vector<16xf32>
        %parallel_loop3A_1166 = arith.mulf %parallel_loop3A_1163, %parallel_loop3A_1165 : vector<16xf32>
        %parallel_loop3A_1167 = arith.fptosi %parallel_loop3A_1166 : vector<16xf32> to vector<16xi32>
        %parallel_loop3A_1168 = arith.addi %mul3A_3, %parallel_loop3A_1167 : vector<16xi32>
        tpu.vector_store_idx %arg6[%parallel_loop3A_1168], %broadcast_in_dim3A_4 : memref<4096xf32, #tpu.memory_space<vmem>>[vector<16xi32>], vector<16xf32>,
      } {sc.loop_unroll_factor = 8 : i64, sc.parallel_access}
      %parallel_loop3A_452 = arith.constant 0 : i32
      %parallel_loop3A_453 = arith.constant 16 : i32
      %parallel_loop3A_454 = arith.constant 1 : i32
      scf.for %parallel_loop3A_1152 = %parallel_loop3A_452 to %parallel_loop3A_453 step %parallel_loop3A_454  : i32 {
        %parallel_loop3A_1153 = arith.constant 16 : i32
        %parallel_loop3A_1154 = arith.muli %parallel_loop3A_1152, %parallel_loop3A_1153 : i32
        %parallel_loop3A_1155 = arith.index_cast %parallel_loop3A_1154 : i32 to index
        %parallel_loop3A_1156 = tpu.vector_load %arg6[%parallel_loop3A_1155] {strides = array<i32>} : memref<4096xf32, #tpu.memory_space<vmem>>, vector<16xf32>,
        %parallel_loop3A_1157 = arith.constant 16 : i32
        %parallel_loop3A_1158 = arith.muli %parallel_loop3A_1152, %parallel_loop3A_1157 : i32
        %parallel_loop3A_1159 = arith.constant 256 : i32
        %parallel_loop3A_1160 = arith.addi %parallel_loop3A_1159, %parallel_loop3A_1158 : i32
        %parallel_loop3A_1161 = arith.index_cast %parallel_loop3A_1160 : i32 to index
        %parallel_loop3A_1162 = tpu.vector_load %arg6[%parallel_loop3A_1161] {strides = array<i32>} : memref<4096xf32, #tpu.memory_space<vmem>>, vector<16xf32>,
        %parallel_loop3A_1163 = arith.addf %parallel_loop3A_1156, %parallel_loop3A_1162 : vector<16xf32>
        %parallel_loop3A_1164 = arith.constant 16 : i32
        %parallel_loop3A_1165 = arith.muli %parallel_loop3A_1152, %parallel_loop3A_1164 : i32
        %parallel_loop3A_1166 = arith.constant 512 : i32
        %parallel_loop3A_1167 = arith.addi %parallel_loop3A_1166, %parallel_loop3A_1165 : i32
        %parallel_loop3A_1168 = arith.index_cast %parallel_loop3A_1167 : i32 to index
        %parallel_loop3A_1169 = tpu.vector_load %arg6[%parallel_loop3A_1168] {strides = array<i32>} : memref<4096xf32, #tpu.memory_space<vmem>>, vector<16xf32>,
        %parallel_loop3A_1170 = arith.addf %parallel_loop3A_1163, %parallel_loop3A_1169 : vector<16xf32>
        %parallel_loop3A_1171 = arith.constant 16 : i32
        %parallel_loop3A_1172 = arith.muli %parallel_loop3A_1152, %parallel_loop3A_1171 : i32
        %parallel_loop3A_1173 = arith.constant 768 : i32
        %parallel_loop3A_1174 = arith.addi %parallel_loop3A_1173, %parallel_loop3A_1172 : i32
        %parallel_loop3A_1175 = arith.index_cast %parallel_loop3A_1174 : i32 to index
        %parallel_loop3A_1176 = tpu.vector_load %arg6[%parallel_loop3A_1175] {strides = array<i32>} : memref<4096xf32, #tpu.memory_space<vmem>>, vector<16xf32>,
        %parallel_loop3A_1177 = arith.addf %parallel_loop3A_1170, %parallel_loop3A_1176 : vector<16xf32>
        %parallel_loop3A_1178 = arith.constant 16 : i32
        %parallel_loop3A_1179 = arith.muli %parallel_loop3A_1152, %parallel_loop3A_1178 : i32
        %parallel_loop3A_1180 = arith.constant 1024 : i32
        %parallel_loop3A_1181 = arith.addi %parallel_loop3A_1180, %parallel_loop3A_1179 : i32
        %parallel_loop3A_1182 = arith.index_cast %parallel_loop3A_1181 : i32 to index
        %parallel_loop3A_1183 = tpu.vector_load %arg6[%parallel_loop3A_1182] {strides = array<i32>} : memref<4096xf32, #tpu.memory_space<vmem>>, vector<16xf32>,
        %parallel_loop3A_1184 = arith.addf %parallel_loop3A_1177, %parallel_loop3A_1183 : vector<16xf32>
        %parallel_loop3A_1185 = arith.constant 16 : i32
        %parallel_loop3A_1186 = arith.muli %parallel_loop3A_1152, %parallel_loop3A_1185 : i32
        %parallel_loop3A_1187 = arith.constant 1280 : i32
        %parallel_loop3A_1188 = arith.addi %parallel_loop3A_1187, %parallel_loop3A_1186 : i32
        %parallel_loop3A_1189 = arith.index_cast %parallel_loop3A_1188 : i32 to index
        %parallel_loop3A_1190 = tpu.vector_load %arg6[%parallel_loop3A_1189] {strides = array<i32>} : memref<4096xf32, #tpu.memory_space<vmem>>, vector<16xf32>,
        %parallel_loop3A_1191 = arith.addf %parallel_loop3A_1184, %parallel_loop3A_1190 : vector<16xf32>
        %parallel_loop3A_1192 = arith.constant 16 : i32
        %parallel_loop3A_1193 = arith.muli %parallel_loop3A_1152, %parallel_loop3A_1192 : i32
        %parallel_loop3A_1194 = arith.constant 1536 : i32
        %parallel_loop3A_1195 = arith.addi %parallel_loop3A_1194, %parallel_loop3A_1193 : i32
        %parallel_loop3A_1196 = arith.index_cast %parallel_loop3A_1195 : i32 to index
        %parallel_loop3A_1197 = tpu.vector_load %arg6[%parallel_loop3A_1196] {strides = array<i32>} : memref<4096xf32, #tpu.memory_space<vmem>>, vector<16xf32>,
        %parallel_loop3A_1198 = arith.addf %parallel_loop3A_1191, %parallel_loop3A_1197 : vector<16xf32>
        %parallel_loop3A_1199 = arith.constant 16 : i32
        %parallel_loop3A_1200 = arith.muli %parallel_loop3A_1152, %parallel_loop3A_1199 : i32
        %parallel_loop3A_1201 = arith.constant 1792 : i32
        %parallel_loop3A_1202 = arith.addi %parallel_loop3A_1201, %parallel_loop3A_1200 : i32
        %parallel_loop3A_1203 = arith.index_cast %parallel_loop3A_1202 : i32 to index
        %parallel_loop3A_1204 = tpu.vector_load %arg6[%parallel_loop3A_1203] {strides = array<i32>} : memref<4096xf32, #tpu.memory_space<vmem>>, vector<16xf32>,
        %parallel_loop3A_1205 = arith.addf %parallel_loop3A_1198, %parallel_loop3A_1204 : vector<16xf32>
        %parallel_loop3A_1206 = arith.constant 16 : i32
        %parallel_loop3A_1207 = arith.muli %parallel_loop3A_1152, %parallel_loop3A_1206 : i32
        %parallel_loop3A_1208 = arith.constant 2048 : i32
        %parallel_loop3A_1209 = arith.addi %parallel_loop3A_1208, %parallel_loop3A_1207 : i32
        %parallel_loop3A_1210 = arith.index_cast %parallel_loop3A_1209 : i32 to index
        %parallel_loop3A_1211 = tpu.vector_load %arg6[%parallel_loop3A_1210] {strides = array<i32>} : memref<4096xf32, #tpu.memory_space<vmem>>, vector<16xf32>,
        %parallel_loop3A_1212 = arith.addf %parallel_loop3A_1205, %parallel_loop3A_1211 : vector<16xf32>
        %parallel_loop3A_1213 = arith.constant 16 : i32
        %parallel_loop3A_1214 = arith.muli %parallel_loop3A_1152, %parallel_loop3A_1213 : i32
        %parallel_loop3A_1215 = arith.constant 2304 : i32
        %parallel_loop3A_1216 = arith.addi %parallel_loop3A_1215, %parallel_loop3A_1214 : i32
        %parallel_loop3A_1217 = arith.index_cast %parallel_loop3A_1216 : i32 to index
        %parallel_loop3A_1218 = tpu.vector_load %arg6[%parallel_loop3A_1217] {strides = array<i32>} : memref<4096xf32, #tpu.memory_space<vmem>>, vector<16xf32>,
        %parallel_loop3A_1219 = arith.addf %parallel_loop3A_1212, %parallel_loop3A_1218 : vector<16xf32>
        %parallel_loop3A_1220 = arith.constant 16 : i32
        %parallel_loop3A_1221 = arith.muli %parallel_loop3A_1152, %parallel_loop3A_1220 : i32
        %parallel_loop3A_1222 = arith.constant 2560 : i32
        %parallel_loop3A_1223 = arith.addi %parallel_loop3A_1222, %parallel_loop3A_1221 : i32
        %parallel_loop3A_1224 = arith.index_cast %parallel_loop3A_1223 : i32 to index
        %parallel_loop3A_1225 = tpu.vector_load %arg6[%parallel_loop3A_1224] {strides = array<i32>} : memref<4096xf32, #tpu.memory_space<vmem>>, vector<16xf32>,
        %parallel_loop3A_1226 = arith.addf %parallel_loop3A_1219, %parallel_loop3A_1225 : vector<16xf32>
        %parallel_loop3A_1227 = arith.constant 16 : i32
        %parallel_loop3A_1228 = arith.muli %parallel_loop3A_1152, %parallel_loop3A_1227 : i32
        %parallel_loop3A_1229 = arith.constant 2816 : i32
        %parallel_loop3A_1230 = arith.addi %parallel_loop3A_1229, %parallel_loop3A_1228 : i32
        %parallel_loop3A_1231 = arith.index_cast %parallel_loop3A_1230 : i32 to index
        %parallel_loop3A_1232 = tpu.vector_load %arg6[%parallel_loop3A_1231] {strides = array<i32>} : memref<4096xf32, #tpu.memory_space<vmem>>, vector<16xf32>,
        %parallel_loop3A_1233 = arith.addf %parallel_loop3A_1226, %parallel_loop3A_1232 : vector<16xf32>
        %parallel_loop3A_1234 = arith.constant 16 : i32
        %parallel_loop3A_1235 = arith.muli %parallel_loop3A_1152, %parallel_loop3A_1234 : i32
        %parallel_loop3A_1236 = arith.constant 3072 : i32
        %parallel_loop3A_1237 = arith.addi %parallel_loop3A_1236, %parallel_loop3A_1235 : i32
        %parallel_loop3A_1238 = arith.index_cast %parallel_loop3A_1237 : i32 to index
        %parallel_loop3A_1239 = tpu.vector_load %arg6[%parallel_loop3A_1238] {strides = array<i32>} : memref<4096xf32, #tpu.memory_space<vmem>>, vector<16xf32>,
        %parallel_loop3A_1240 = arith.addf %parallel_loop3A_1233, %parallel_loop3A_1239 : vector<16xf32>
        %parallel_loop3A_1241 = arith.constant 16 : i32
        %parallel_loop3A_1242 = arith.muli %parallel_loop3A_1152, %parallel_loop3A_1241 : i32
        %parallel_loop3A_1243 = arith.constant 3328 : i32
        %parallel_loop3A_1244 = arith.addi %parallel_loop3A_1243, %parallel_loop3A_1242 : i32
        %parallel_loop3A_1245 = arith.index_cast %parallel_loop3A_1244 : i32 to index
        %parallel_loop3A_1246 = tpu.vector_load %arg6[%parallel_loop3A_1245] {strides = array<i32>} : memref<4096xf32, #tpu.memory_space<vmem>>, vector<16xf32>,
        %parallel_loop3A_1247 = arith.addf %parallel_loop3A_1240, %parallel_loop3A_1246 : vector<16xf32>
        %parallel_loop3A_1248 = arith.constant 16 : i32
        %parallel_loop3A_1249 = arith.muli %parallel_loop3A_1152, %parallel_loop3A_1248 : i32
        %parallel_loop3A_1250 = arith.constant 3584 : i32
        %parallel_loop3A_1251 = arith.addi %parallel_loop3A_1250, %parallel_loop3A_1249 : i32
        %parallel_loop3A_1252 = arith.index_cast %parallel_loop3A_1251 : i32 to index
        %parallel_loop3A_1253 = tpu.vector_load %arg6[%parallel_loop3A_1252] {strides = array<i32>} : memref<4096xf32, #tpu.memory_space<vmem>>, vector<16xf32>,
        %parallel_loop3A_1254 = arith.addf %parallel_loop3A_1247, %parallel_loop3A_1253 : vector<16xf32>
        %parallel_loop3A_1255 = arith.constant 16 : i32
        %parallel_loop3A_1256 = arith.muli %parallel_loop3A_1152, %parallel_loop3A_1255 : i32
        %parallel_loop3A_1257 = arith.constant 3840 : i32
        %parallel_loop3A_1258 = arith.addi %parallel_loop3A_1257, %parallel_loop3A_1256 : i32
        %parallel_loop3A_1259 = arith.index_cast %parallel_loop3A_1258 : i32 to index
        %parallel_loop3A_1260 = tpu.vector_load %arg6[%parallel_loop3A_1259] {strides = array<i32>} : memref<4096xf32, #tpu.memory_space<vmem>>, vector<16xf32>,
        %parallel_loop3A_1261 = arith.addf %parallel_loop3A_1254, %parallel_loop3A_1260 : vector<16xf32>
        %parallel_loop3A_1262 = arith.constant 16 : i32
        %parallel_loop3A_1263 = arith.muli %parallel_loop3A_1152, %parallel_loop3A_1262 : i32
        %parallel_loop3A_1264 = arith.constant 0 : i32
        %parallel_loop3A_1265 = arith.index_cast %parallel_loop3A_1264 : i32 to index
        %parallel_loop3A_1266 = arith.index_cast %parallel_loop3A_1263 : i32 to index
        %parallel_loop3A_1267 = tpu.vector_load %arg7[%parallel_loop3A_1265, %parallel_loop3A_1266] {strides = array<i32>} : memref<4x256xf32, #tpu.memory_space<vmem>>, vector<16xf32>,
        tpu.vector_store %arg7[%parallel_loop3A_1265, %parallel_loop3A_1266], %parallel_loop3A_1261 {strides = array<i32>} : memref<4x256xf32, #tpu.memory_space<vmem>>, vector<16xf32>,
      } {sc.loop_unroll_factor = 2 : i64, sc.parallel_access}
      %add3A_455 = arith.constant 1 : i32
      %add3A_456 = arith.addi %add3A_386, %add3A_455 : i32
      %jit3A_457 = arith.constant 3 : i32
      %div3A_458 = arith.divsi %add3A_456, %jit3A_457 : i32
      %sign3A_459 = arith.constant 0 : i32
      %sign3A_460 = arith.cmpi sgt, %add3A_456, %sign3A_459 : i32
      %sign3A_461 = arith.extui %sign3A_460 : i1 to i32
      %sign3A_462 = arith.constant 0 : i32
      %sign3A_463 = arith.cmpi slt, %add3A_456, %sign3A_462 : i32
      %sign3A_464 = arith.extui %sign3A_463 : i1 to i32
      %sign3A_465 = arith.subi %sign3A_461, %sign3A_464 : i32
      %sign3A_466 = arith.constant 0 : i32
      %sign3A_467 = arith.cmpi sgt, %jit3A_457, %sign3A_466 : i32
      %sign3A_468 = arith.extui %sign3A_467 : i1 to i32
      %sign3A_469 = arith.constant 0 : i32
      %sign3A_470 = arith.cmpi slt, %jit3A_457, %sign3A_469 : i32
      %sign3A_471 = arith.extui %sign3A_470 : i1 to i32
      %sign3A_472 = arith.subi %sign3A_468, %sign3A_471 : i32
      %ne3A_473 = arith.cmpi ne, %sign3A_465, %sign3A_472 : i32
      %rem3A_474 = arith.remsi %add3A_456, %jit3A_457 : i32
      %ne3A_475 = arith.constant 0 : i32
      %ne3A_476 = arith.cmpi ne, %rem3A_474, %ne3A_475 : i32
      %and3A_477 = arith.andi %ne3A_473, %ne3A_476 : i1
      %sub3A_478 = arith.constant 1 : i32
      %sub3A_479 = arith.subi %div3A_458, %sub3A_478 : i32
      %select_n3A_480 = arith.select %and3A_477, %sub3A_479, %div3A_458 : i32
      %jit3A_481 = arith.constant 3 : i32
      %eq3A_482 = arith.constant 0 : i32
      %eq3A_483 = arith.cmpi eq, %jit3A_481, %eq3A_482 : i32
      %jit3A_484 = arith.constant 1 : i32
      %select_n3A_485 = arith.select %eq3A_483, %jit3A_484, %jit3A_481 : i32
      %rem3A_486 = arith.remsi %add3A_456, %select_n3A_485 : i32
      %ne3A_487 = arith.constant 0 : i32
      %ne3A_488 = arith.cmpi ne, %rem3A_486, %ne3A_487 : i32
      %lt3A_489 = arith.constant 0 : i32
      %lt3A_490 = arith.cmpi slt, %rem3A_486, %lt3A_489 : i32
      %lt3A_491 = arith.constant 0 : i32
      %lt3A_492 = arith.cmpi slt, %select_n3A_485, %lt3A_491 : i32
      %ne3A_493 = arith.xori %lt3A_490, %lt3A_492 : i1
      %and3A_494 = arith.andi %ne3A_493, %ne3A_488 : i1
      %add3A_495 = arith.addi %rem3A_486, %select_n3A_485 : i32
      %select_n3A_496 = arith.select %and3A_494, %add3A_495, %rem3A_486 : i32
      %dma_wait3A_497 = arith.constant 1 : i32
      %dma_wait3A_498 = arith.constant 1 : i32
      %dma_wait3A_499 = arith.constant 0 : i32
      %dma_wait3A_500 = arith.constant 0 : i32
      %dma_wait3A_501 = tpu.memref_slice %arg4[%dma_wait3A_497, %dma_wait3A_499, %dma_wait3A_500] : memref<4x32x512xf32, #tpu.memory_space<vmem>> -> memref<1x32x512xf32, #tpu.memory_space<vmem>>
      %dma_wait3A_502 = tpu.memref_squeeze %dma_wait3A_501 : memref<1x32x512xf32, #tpu.memory_space<vmem>> -> memref<32x512xf32, #tpu.memory_space<vmem>>
      %dma_wait3A_503 = arith.constant 0 : i32
      %dma_wait3A_504 = tpu.memref_slice %arg2[%select_n3A_480, %select_n3A_496, %mul3A_0, %dma_wait3A_503] : memref<16x3x512x512xf32, #tpu.memory_space<hbm>> -> memref<1x1x32x512xf32, #tpu.memory_space<hbm>>
      %dma_wait3A_505 = tpu.memref_squeeze %dma_wait3A_504 : memref<1x1x32x512xf32, #tpu.memory_space<hbm>> -> memref<32x512xf32, #tpu.memory_space<hbm>>
      %dma_wait3A_506 = tpu.memref_slice %arg14[%dma_wait3A_498] : memref<4x!tpu.dma_semaphore, #tpu.memory_space<semaphore_mem>> -> memref<1x!tpu.dma_semaphore, #tpu.memory_space<semaphore_mem>>
      %dma_wait3A_507 = tpu.memref_squeeze %dma_wait3A_506 : memref<1x!tpu.dma_semaphore, #tpu.memory_space<semaphore_mem>> -> memref<!tpu.dma_semaphore, #tpu.memory_space<semaphore_mem>>
      %dma_wait3A_508 = arith.constant 0 : i32
      %dma_wait3A_509 = arith.constant 0 : i32
      %dma_wait3A_510 = tpu.memref_slice %arg4[%dma_wait3A_497, %dma_wait3A_508, %dma_wait3A_509] : memref<4x32x512xf32, #tpu.memory_space<vmem>> -> memref<1x32x512xf32, #tpu.memory_space<vmem>>
      %dma_wait3A_511 = tpu.memref_squeeze %dma_wait3A_510 : memref<1x32x512xf32, #tpu.memory_space<vmem>> -> memref<32x512xf32, #tpu.memory_space<vmem>>
      %dma_wait3A_512 = arith.constant 0 : i32
      %dma_wait3A_513 = tpu.memref_slice %arg2[%select_n3A_480, %select_n3A_496, %mul3A_0, %dma_wait3A_512] : memref<16x3x512x512xf32, #tpu.memory_space<hbm>> -> memref<1x1x32x512xf32, #tpu.memory_space<hbm>>
      %dma_wait3A_514 = tpu.memref_squeeze %dma_wait3A_513 : memref<1x1x32x512xf32, #tpu.memory_space<hbm>> -> memref<32x512xf32, #tpu.memory_space<hbm>>
      tpu.wait_dma2 semaphore(%dma_wait3A_507 : memref<!tpu.dma_semaphore, #tpu.memory_space<semaphore_mem>>) src(%dma_wait3A_514 : memref<32x512xf32, #tpu.memory_space<hbm>>) dst(%dma_wait3A_511 : memref<32x512xf32, #tpu.memory_space<vmem>>)
      %parallel_loop3A_515 = arith.constant 0 : i32
      %parallel_loop3A_516 = arith.constant 256 : i32
      %parallel_loop3A_517 = arith.constant 1 : i32
      scf.for %parallel_loop3A_1152 = %parallel_loop3A_515 to %parallel_loop3A_516 step %parallel_loop3A_517  : i32 {
        %parallel_loop3A_1153 = arith.constant 16 : i32
        %parallel_loop3A_1154 = arith.muli %parallel_loop3A_1152, %parallel_loop3A_1153 : i32
        %parallel_loop3A_1155 = arith.index_cast %parallel_loop3A_1154 : i32 to index
        %parallel_loop3A_1156 = tpu.vector_load %arg6[%parallel_loop3A_1155] {strides = array<i32>} : memref<4096xf32, #tpu.memory_space<vmem>>, vector<16xf32>,
        tpu.vector_store %arg6[%parallel_loop3A_1155], %broadcast_in_dim3A_6 {strides = array<i32>} : memref<4096xf32, #tpu.memory_space<vmem>>, vector<16xf32>,
      } {sc.loop_unroll_factor = 8 : i64, sc.parallel_access}
      %parallel_loop3A_518 = arith.constant 0 : i32
      %parallel_loop3A_519 = arith.constant 1024 : i32
      %parallel_loop3A_520 = arith.constant 1 : i32
      scf.for %parallel_loop3A_1152 = %parallel_loop3A_518 to %parallel_loop3A_519 step %parallel_loop3A_520  : i32 {
        %parallel_loop3A_1153 = arith.constant 5 : i32
        %parallel_loop3A_1154 = arith.shrsi %parallel_loop3A_1152, %parallel_loop3A_1153 : i32
        %parallel_loop3A_1155 = arith.constant 31 : i32
        %parallel_loop3A_1156 = arith.andi %parallel_loop3A_1152, %parallel_loop3A_1155 : i32
        %parallel_loop3A_1157 = arith.constant 16 : i32
        %parallel_loop3A_1158 = arith.muli %parallel_loop3A_1156, %parallel_loop3A_1157 : i32
        %parallel_loop3A_1159 = arith.constant 1 : i32
        %parallel_loop3A_1160 = arith.index_cast %parallel_loop3A_1159 : i32 to index
        %parallel_loop3A_1161 = arith.index_cast %parallel_loop3A_1154 : i32 to index
        %parallel_loop3A_1162 = arith.index_cast %parallel_loop3A_1158 : i32 to index
        %parallel_loop3A_1163 = tpu.vector_load %arg4[%parallel_loop3A_1160, %parallel_loop3A_1161, %parallel_loop3A_1162] {strides = array<i32>} : memref<4x32x512xf32, #tpu.memory_space<vmem>>, vector<16xf32>,
        %parallel_loop3A_1164 = arith.constant 2.550000e+02 : f32
        %parallel_loop3A_1165 = vector.broadcast %parallel_loop3A_1164 : f32 to vector<16xf32>
        %parallel_loop3A_1166 = arith.mulf %parallel_loop3A_1163, %parallel_loop3A_1165 : vector<16xf32>
        %parallel_loop3A_1167 = arith.fptosi %parallel_loop3A_1166 : vector<16xf32> to vector<16xi32>
        %parallel_loop3A_1168 = arith.addi %mul3A_3, %parallel_loop3A_1167 : vector<16xi32>
        tpu.vector_store_idx %arg6[%parallel_loop3A_1168], %broadcast_in_dim3A_4 : memref<4096xf32, #tpu.memory_space<vmem>>[vector<16xi32>], vector<16xf32>,
      } {sc.loop_unroll_factor = 8 : i64, sc.parallel_access}
      %parallel_loop3A_521 = arith.constant 0 : i32
      %parallel_loop3A_522 = arith.constant 16 : i32
      %parallel_loop3A_523 = arith.constant 1 : i32
      scf.for %parallel_loop3A_1152 = %parallel_loop3A_521 to %parallel_loop3A_522 step %parallel_loop3A_523  : i32 {
        %parallel_loop3A_1153 = arith.constant 16 : i32
        %parallel_loop3A_1154 = arith.muli %parallel_loop3A_1152, %parallel_loop3A_1153 : i32
        %parallel_loop3A_1155 = arith.index_cast %parallel_loop3A_1154 : i32 to index
        %parallel_loop3A_1156 = tpu.vector_load %arg6[%parallel_loop3A_1155] {strides = array<i32>} : memref<4096xf32, #tpu.memory_space<vmem>>, vector<16xf32>,
        %parallel_loop3A_1157 = arith.constant 16 : i32
        %parallel_loop3A_1158 = arith.muli %parallel_loop3A_1152, %parallel_loop3A_1157 : i32
        %parallel_loop3A_1159 = arith.constant 256 : i32
        %parallel_loop3A_1160 = arith.addi %parallel_loop3A_1159, %parallel_loop3A_1158 : i32
        %parallel_loop3A_1161 = arith.index_cast %parallel_loop3A_1160 : i32 to index
        %parallel_loop3A_1162 = tpu.vector_load %arg6[%parallel_loop3A_1161] {strides = array<i32>} : memref<4096xf32, #tpu.memory_space<vmem>>, vector<16xf32>,
        %parallel_loop3A_1163 = arith.addf %parallel_loop3A_1156, %parallel_loop3A_1162 : vector<16xf32>
        %parallel_loop3A_1164 = arith.constant 16 : i32
        %parallel_loop3A_1165 = arith.muli %parallel_loop3A_1152, %parallel_loop3A_1164 : i32
        %parallel_loop3A_1166 = arith.constant 512 : i32
        %parallel_loop3A_1167 = arith.addi %parallel_loop3A_1166, %parallel_loop3A_1165 : i32
        %parallel_loop3A_1168 = arith.index_cast %parallel_loop3A_1167 : i32 to index
        %parallel_loop3A_1169 = tpu.vector_load %arg6[%parallel_loop3A_1168] {strides = array<i32>} : memref<4096xf32, #tpu.memory_space<vmem>>, vector<16xf32>,
        %parallel_loop3A_1170 = arith.addf %parallel_loop3A_1163, %parallel_loop3A_1169 : vector<16xf32>
        %parallel_loop3A_1171 = arith.constant 16 : i32
        %parallel_loop3A_1172 = arith.muli %parallel_loop3A_1152, %parallel_loop3A_1171 : i32
        %parallel_loop3A_1173 = arith.constant 768 : i32
        %parallel_loop3A_1174 = arith.addi %parallel_loop3A_1173, %parallel_loop3A_1172 : i32
        %parallel_loop3A_1175 = arith.index_cast %parallel_loop3A_1174 : i32 to index
        %parallel_loop3A_1176 = tpu.vector_load %arg6[%parallel_loop3A_1175] {strides = array<i32>} : memref<4096xf32, #tpu.memory_space<vmem>>, vector<16xf32>,
        %parallel_loop3A_1177 = arith.addf %parallel_loop3A_1170, %parallel_loop3A_1176 : vector<16xf32>
        %parallel_loop3A_1178 = arith.constant 16 : i32
        %parallel_loop3A_1179 = arith.muli %parallel_loop3A_1152, %parallel_loop3A_1178 : i32
        %parallel_loop3A_1180 = arith.constant 1024 : i32
        %parallel_loop3A_1181 = arith.addi %parallel_loop3A_1180, %parallel_loop3A_1179 : i32
        %parallel_loop3A_1182 = arith.index_cast %parallel_loop3A_1181 : i32 to index
        %parallel_loop3A_1183 = tpu.vector_load %arg6[%parallel_loop3A_1182] {strides = array<i32>} : memref<4096xf32, #tpu.memory_space<vmem>>, vector<16xf32>,
        %parallel_loop3A_1184 = arith.addf %parallel_loop3A_1177, %parallel_loop3A_1183 : vector<16xf32>
        %parallel_loop3A_1185 = arith.constant 16 : i32
        %parallel_loop3A_1186 = arith.muli %parallel_loop3A_1152, %parallel_loop3A_1185 : i32
        %parallel_loop3A_1187 = arith.constant 1280 : i32
        %parallel_loop3A_1188 = arith.addi %parallel_loop3A_1187, %parallel_loop3A_1186 : i32
        %parallel_loop3A_1189 = arith.index_cast %parallel_loop3A_1188 : i32 to index
        %parallel_loop3A_1190 = tpu.vector_load %arg6[%parallel_loop3A_1189] {strides = array<i32>} : memref<4096xf32, #tpu.memory_space<vmem>>, vector<16xf32>,
        %parallel_loop3A_1191 = arith.addf %parallel_loop3A_1184, %parallel_loop3A_1190 : vector<16xf32>
        %parallel_loop3A_1192 = arith.constant 16 : i32
        %parallel_loop3A_1193 = arith.muli %parallel_loop3A_1152, %parallel_loop3A_1192 : i32
        %parallel_loop3A_1194 = arith.constant 1536 : i32
        %parallel_loop3A_1195 = arith.addi %parallel_loop3A_1194, %parallel_loop3A_1193 : i32
        %parallel_loop3A_1196 = arith.index_cast %parallel_loop3A_1195 : i32 to index
        %parallel_loop3A_1197 = tpu.vector_load %arg6[%parallel_loop3A_1196] {strides = array<i32>} : memref<4096xf32, #tpu.memory_space<vmem>>, vector<16xf32>,
        %parallel_loop3A_1198 = arith.addf %parallel_loop3A_1191, %parallel_loop3A_1197 : vector<16xf32>
        %parallel_loop3A_1199 = arith.constant 16 : i32
        %parallel_loop3A_1200 = arith.muli %parallel_loop3A_1152, %parallel_loop3A_1199 : i32
        %parallel_loop3A_1201 = arith.constant 1792 : i32
        %parallel_loop3A_1202 = arith.addi %parallel_loop3A_1201, %parallel_loop3A_1200 : i32
        %parallel_loop3A_1203 = arith.index_cast %parallel_loop3A_1202 : i32 to index
        %parallel_loop3A_1204 = tpu.vector_load %arg6[%parallel_loop3A_1203] {strides = array<i32>} : memref<4096xf32, #tpu.memory_space<vmem>>, vector<16xf32>,
        %parallel_loop3A_1205 = arith.addf %parallel_loop3A_1198, %parallel_loop3A_1204 : vector<16xf32>
        %parallel_loop3A_1206 = arith.constant 16 : i32
        %parallel_loop3A_1207 = arith.muli %parallel_loop3A_1152, %parallel_loop3A_1206 : i32
        %parallel_loop3A_1208 = arith.constant 2048 : i32
        %parallel_loop3A_1209 = arith.addi %parallel_loop3A_1208, %parallel_loop3A_1207 : i32
        %parallel_loop3A_1210 = arith.index_cast %parallel_loop3A_1209 : i32 to index
        %parallel_loop3A_1211 = tpu.vector_load %arg6[%parallel_loop3A_1210] {strides = array<i32>} : memref<4096xf32, #tpu.memory_space<vmem>>, vector<16xf32>,
        %parallel_loop3A_1212 = arith.addf %parallel_loop3A_1205, %parallel_loop3A_1211 : vector<16xf32>
        %parallel_loop3A_1213 = arith.constant 16 : i32
        %parallel_loop3A_1214 = arith.muli %parallel_loop3A_1152, %parallel_loop3A_1213 : i32
        %parallel_loop3A_1215 = arith.constant 2304 : i32
        %parallel_loop3A_1216 = arith.addi %parallel_loop3A_1215, %parallel_loop3A_1214 : i32
        %parallel_loop3A_1217 = arith.index_cast %parallel_loop3A_1216 : i32 to index
        %parallel_loop3A_1218 = tpu.vector_load %arg6[%parallel_loop3A_1217] {strides = array<i32>} : memref<4096xf32, #tpu.memory_space<vmem>>, vector<16xf32>,
        %parallel_loop3A_1219 = arith.addf %parallel_loop3A_1212, %parallel_loop3A_1218 : vector<16xf32>
        %parallel_loop3A_1220 = arith.constant 16 : i32
        %parallel_loop3A_1221 = arith.muli %parallel_loop3A_1152, %parallel_loop3A_1220 : i32
        %parallel_loop3A_1222 = arith.constant 2560 : i32
        %parallel_loop3A_1223 = arith.addi %parallel_loop3A_1222, %parallel_loop3A_1221 : i32
        %parallel_loop3A_1224 = arith.index_cast %parallel_loop3A_1223 : i32 to index
        %parallel_loop3A_1225 = tpu.vector_load %arg6[%parallel_loop3A_1224] {strides = array<i32>} : memref<4096xf32, #tpu.memory_space<vmem>>, vector<16xf32>,
        %parallel_loop3A_1226 = arith.addf %parallel_loop3A_1219, %parallel_loop3A_1225 : vector<16xf32>
        %parallel_loop3A_1227 = arith.constant 16 : i32
        %parallel_loop3A_1228 = arith.muli %parallel_loop3A_1152, %parallel_loop3A_1227 : i32
        %parallel_loop3A_1229 = arith.constant 2816 : i32
        %parallel_loop3A_1230 = arith.addi %parallel_loop3A_1229, %parallel_loop3A_1228 : i32
        %parallel_loop3A_1231 = arith.index_cast %parallel_loop3A_1230 : i32 to index
        %parallel_loop3A_1232 = tpu.vector_load %arg6[%parallel_loop3A_1231] {strides = array<i32>} : memref<4096xf32, #tpu.memory_space<vmem>>, vector<16xf32>,
        %parallel_loop3A_1233 = arith.addf %parallel_loop3A_1226, %parallel_loop3A_1232 : vector<16xf32>
        %parallel_loop3A_1234 = arith.constant 16 : i32
        %parallel_loop3A_1235 = arith.muli %parallel_loop3A_1152, %parallel_loop3A_1234 : i32
        %parallel_loop3A_1236 = arith.constant 3072 : i32
        %parallel_loop3A_1237 = arith.addi %parallel_loop3A_1236, %parallel_loop3A_1235 : i32
        %parallel_loop3A_1238 = arith.index_cast %parallel_loop3A_1237 : i32 to index
        %parallel_loop3A_1239 = tpu.vector_load %arg6[%parallel_loop3A_1238] {strides = array<i32>} : memref<4096xf32, #tpu.memory_space<vmem>>, vector<16xf32>,
        %parallel_loop3A_1240 = arith.addf %parallel_loop3A_1233, %parallel_loop3A_1239 : vector<16xf32>
        %parallel_loop3A_1241 = arith.constant 16 : i32
        %parallel_loop3A_1242 = arith.muli %parallel_loop3A_1152, %parallel_loop3A_1241 : i32
        %parallel_loop3A_1243 = arith.constant 3328 : i32
        %parallel_loop3A_1244 = arith.addi %parallel_loop3A_1243, %parallel_loop3A_1242 : i32
        %parallel_loop3A_1245 = arith.index_cast %parallel_loop3A_1244 : i32 to index
        %parallel_loop3A_1246 = tpu.vector_load %arg6[%parallel_loop3A_1245] {strides = array<i32>} : memref<4096xf32, #tpu.memory_space<vmem>>, vector<16xf32>,
        %parallel_loop3A_1247 = arith.addf %parallel_loop3A_1240, %parallel_loop3A_1246 : vector<16xf32>
        %parallel_loop3A_1248 = arith.constant 16 : i32
        %parallel_loop3A_1249 = arith.muli %parallel_loop3A_1152, %parallel_loop3A_1248 : i32
        %parallel_loop3A_1250 = arith.constant 3584 : i32
        %parallel_loop3A_1251 = arith.addi %parallel_loop3A_1250, %parallel_loop3A_1249 : i32
        %parallel_loop3A_1252 = arith.index_cast %parallel_loop3A_1251 : i32 to index
        %parallel_loop3A_1253 = tpu.vector_load %arg6[%parallel_loop3A_1252] {strides = array<i32>} : memref<4096xf32, #tpu.memory_space<vmem>>, vector<16xf32>,
        %parallel_loop3A_1254 = arith.addf %parallel_loop3A_1247, %parallel_loop3A_1253 : vector<16xf32>
        %parallel_loop3A_1255 = arith.constant 16 : i32
        %parallel_loop3A_1256 = arith.muli %parallel_loop3A_1152, %parallel_loop3A_1255 : i32
        %parallel_loop3A_1257 = arith.constant 3840 : i32
        %parallel_loop3A_1258 = arith.addi %parallel_loop3A_1257, %parallel_loop3A_1256 : i32
        %parallel_loop3A_1259 = arith.index_cast %parallel_loop3A_1258 : i32 to index
        %parallel_loop3A_1260 = tpu.vector_load %arg6[%parallel_loop3A_1259] {strides = array<i32>} : memref<4096xf32, #tpu.memory_space<vmem>>, vector<16xf32>,
        %parallel_loop3A_1261 = arith.addf %parallel_loop3A_1254, %parallel_loop3A_1260 : vector<16xf32>
        %parallel_loop3A_1262 = arith.constant 16 : i32
        %parallel_loop3A_1263 = arith.muli %parallel_loop3A_1152, %parallel_loop3A_1262 : i32
        %parallel_loop3A_1264 = arith.constant 1 : i32
        %parallel_loop3A_1265 = arith.index_cast %parallel_loop3A_1264 : i32 to index
        %parallel_loop3A_1266 = arith.index_cast %parallel_loop3A_1263 : i32 to index
        %parallel_loop3A_1267 = tpu.vector_load %arg7[%parallel_loop3A_1265, %parallel_loop3A_1266] {strides = array<i32>} : memref<4x256xf32, #tpu.memory_space<vmem>>, vector<16xf32>,
        tpu.vector_store %arg7[%parallel_loop3A_1265, %parallel_loop3A_1266], %parallel_loop3A_1261 {strides = array<i32>} : memref<4x256xf32, #tpu.memory_space<vmem>>, vector<16xf32>,
      } {sc.loop_unroll_factor = 2 : i64, sc.parallel_access}
      %add3A_524 = arith.constant 2 : i32
      %add3A_525 = arith.addi %add3A_386, %add3A_524 : i32
      %jit3A_526 = arith.constant 3 : i32
      %div3A_527 = arith.divsi %add3A_525, %jit3A_526 : i32
      %sign3A_528 = arith.constant 0 : i32
      %sign3A_529 = arith.cmpi sgt, %add3A_525, %sign3A_528 : i32
      %sign3A_530 = arith.extui %sign3A_529 : i1 to i32
      %sign3A_531 = arith.constant 0 : i32
      %sign3A_532 = arith.cmpi slt, %add3A_525, %sign3A_531 : i32
      %sign3A_533 = arith.extui %sign3A_532 : i1 to i32
      %sign3A_534 = arith.subi %sign3A_530, %sign3A_533 : i32
      %sign3A_535 = arith.constant 0 : i32
      %sign3A_536 = arith.cmpi sgt, %jit3A_526, %sign3A_535 : i32
      %sign3A_537 = arith.extui %sign3A_536 : i1 to i32
      %sign3A_538 = arith.constant 0 : i32
      %sign3A_539 = arith.cmpi slt, %jit3A_526, %sign3A_538 : i32
      %sign3A_540 = arith.extui %sign3A_539 : i1 to i32
      %sign3A_541 = arith.subi %sign3A_537, %sign3A_540 : i32
      %ne3A_542 = arith.cmpi ne, %sign3A_534, %sign3A_541 : i32
      %rem3A_543 = arith.remsi %add3A_525, %jit3A_526 : i32
      %ne3A_544 = arith.constant 0 : i32
      %ne3A_545 = arith.cmpi ne, %rem3A_543, %ne3A_544 : i32
      %and3A_546 = arith.andi %ne3A_542, %ne3A_545 : i1
      %sub3A_547 = arith.constant 1 : i32
      %sub3A_548 = arith.subi %div3A_527, %sub3A_547 : i32
      %select_n3A_549 = arith.select %and3A_546, %sub3A_548, %div3A_527 : i32
      %jit3A_550 = arith.constant 3 : i32
      %eq3A_551 = arith.constant 0 : i32
      %eq3A_552 = arith.cmpi eq, %jit3A_550, %eq3A_551 : i32
      %jit3A_553 = arith.constant 1 : i32
      %select_n3A_554 = arith.select %eq3A_552, %jit3A_553, %jit3A_550 : i32
      %rem3A_555 = arith.remsi %add3A_525, %select_n3A_554 : i32
      %ne3A_556 = arith.constant 0 : i32
      %ne3A_557 = arith.cmpi ne, %rem3A_555, %ne3A_556 : i32
      %lt3A_558 = arith.constant 0 : i32
      %lt3A_559 = arith.cmpi slt, %rem3A_555, %lt3A_558 : i32
      %lt3A_560 = arith.constant 0 : i32
      %lt3A_561 = arith.cmpi slt, %select_n3A_554, %lt3A_560 : i32
      %ne3A_562 = arith.xori %lt3A_559, %lt3A_561 : i1
      %and3A_563 = arith.andi %ne3A_562, %ne3A_557 : i1
      %add3A_564 = arith.addi %rem3A_555, %select_n3A_554 : i32
      %select_n3A_565 = arith.select %and3A_563, %add3A_564, %rem3A_555 : i32
      %dma_wait3A_566 = arith.constant 2 : i32
      %dma_wait3A_567 = arith.constant 2 : i32
      %dma_wait3A_568 = arith.constant 0 : i32
      %dma_wait3A_569 = arith.constant 0 : i32
      %dma_wait3A_570 = tpu.memref_slice %arg4[%dma_wait3A_566, %dma_wait3A_568, %dma_wait3A_569] : memref<4x32x512xf32, #tpu.memory_space<vmem>> -> memref<1x32x512xf32, #tpu.memory_space<vmem>>
      %dma_wait3A_571 = tpu.memref_squeeze %dma_wait3A_570 : memref<1x32x512xf32, #tpu.memory_space<vmem>> -> memref<32x512xf32, #tpu.memory_space<vmem>>
      %dma_wait3A_572 = arith.constant 0 : i32
      %dma_wait3A_573 = tpu.memref_slice %arg2[%select_n3A_549, %select_n3A_565, %mul3A_0, %dma_wait3A_572] : memref<16x3x512x512xf32, #tpu.memory_space<hbm>> -> memref<1x1x32x512xf32, #tpu.memory_space<hbm>>
      %dma_wait3A_574 = tpu.memref_squeeze %dma_wait3A_573 : memref<1x1x32x512xf32, #tpu.memory_space<hbm>> -> memref<32x512xf32, #tpu.memory_space<hbm>>
      %dma_wait3A_575 = tpu.memref_slice %arg14[%dma_wait3A_567] : memref<4x!tpu.dma_semaphore, #tpu.memory_space<semaphore_mem>> -> memref<1x!tpu.dma_semaphore, #tpu.memory_space<semaphore_mem>>
      %dma_wait3A_576 = tpu.memref_squeeze %dma_wait3A_575 : memref<1x!tpu.dma_semaphore, #tpu.memory_space<semaphore_mem>> -> memref<!tpu.dma_semaphore, #tpu.memory_space<semaphore_mem>>
      %dma_wait3A_577 = arith.constant 0 : i32
      %dma_wait3A_578 = arith.constant 0 : i32
      %dma_wait3A_579 = tpu.memref_slice %arg4[%dma_wait3A_566, %dma_wait3A_577, %dma_wait3A_578] : memref<4x32x512xf32, #tpu.memory_space<vmem>> -> memref<1x32x512xf32, #tpu.memory_space<vmem>>
      %dma_wait3A_580 = tpu.memref_squeeze %dma_wait3A_579 : memref<1x32x512xf32, #tpu.memory_space<vmem>> -> memref<32x512xf32, #tpu.memory_space<vmem>>
      %dma_wait3A_581 = arith.constant 0 : i32
      %dma_wait3A_582 = tpu.memref_slice %arg2[%select_n3A_549, %select_n3A_565, %mul3A_0, %dma_wait3A_581] : memref<16x3x512x512xf32, #tpu.memory_space<hbm>> -> memref<1x1x32x512xf32, #tpu.memory_space<hbm>>
      %dma_wait3A_583 = tpu.memref_squeeze %dma_wait3A_582 : memref<1x1x32x512xf32, #tpu.memory_space<hbm>> -> memref<32x512xf32, #tpu.memory_space<hbm>>
      tpu.wait_dma2 semaphore(%dma_wait3A_576 : memref<!tpu.dma_semaphore, #tpu.memory_space<semaphore_mem>>) src(%dma_wait3A_583 : memref<32x512xf32, #tpu.memory_space<hbm>>) dst(%dma_wait3A_580 : memref<32x512xf32, #tpu.memory_space<vmem>>)
      %parallel_loop3A_584 = arith.constant 0 : i32
      %parallel_loop3A_585 = arith.constant 256 : i32
      %parallel_loop3A_586 = arith.constant 1 : i32
      scf.for %parallel_loop3A_1152 = %parallel_loop3A_584 to %parallel_loop3A_585 step %parallel_loop3A_586  : i32 {
        %parallel_loop3A_1153 = arith.constant 16 : i32
        %parallel_loop3A_1154 = arith.muli %parallel_loop3A_1152, %parallel_loop3A_1153 : i32
        %parallel_loop3A_1155 = arith.index_cast %parallel_loop3A_1154 : i32 to index
        %parallel_loop3A_1156 = tpu.vector_load %arg6[%parallel_loop3A_1155] {strides = array<i32>} : memref<4096xf32, #tpu.memory_space<vmem>>, vector<16xf32>,
        tpu.vector_store %arg6[%parallel_loop3A_1155], %broadcast_in_dim3A_6 {strides = array<i32>} : memref<4096xf32, #tpu.memory_space<vmem>>, vector<16xf32>,
      } {sc.loop_unroll_factor = 8 : i64, sc.parallel_access}
      %parallel_loop3A_587 = arith.constant 0 : i32
      %parallel_loop3A_588 = arith.constant 1024 : i32
      %parallel_loop3A_589 = arith.constant 1 : i32
      scf.for %parallel_loop3A_1152 = %parallel_loop3A_587 to %parallel_loop3A_588 step %parallel_loop3A_589  : i32 {
        %parallel_loop3A_1153 = arith.constant 5 : i32
        %parallel_loop3A_1154 = arith.shrsi %parallel_loop3A_1152, %parallel_loop3A_1153 : i32
        %parallel_loop3A_1155 = arith.constant 31 : i32
        %parallel_loop3A_1156 = arith.andi %parallel_loop3A_1152, %parallel_loop3A_1155 : i32
        %parallel_loop3A_1157 = arith.constant 16 : i32
        %parallel_loop3A_1158 = arith.muli %parallel_loop3A_1156, %parallel_loop3A_1157 : i32
        %parallel_loop3A_1159 = arith.constant 2 : i32
        %parallel_loop3A_1160 = arith.index_cast %parallel_loop3A_1159 : i32 to index
        %parallel_loop3A_1161 = arith.index_cast %parallel_loop3A_1154 : i32 to index
        %parallel_loop3A_1162 = arith.index_cast %parallel_loop3A_1158 : i32 to index
        %parallel_loop3A_1163 = tpu.vector_load %arg4[%parallel_loop3A_1160, %parallel_loop3A_1161, %parallel_loop3A_1162] {strides = array<i32>} : memref<4x32x512xf32, #tpu.memory_space<vmem>>, vector<16xf32>,
        %parallel_loop3A_1164 = arith.constant 2.550000e+02 : f32
        %parallel_loop3A_1165 = vector.broadcast %parallel_loop3A_1164 : f32 to vector<16xf32>
        %parallel_loop3A_1166 = arith.mulf %parallel_loop3A_1163, %parallel_loop3A_1165 : vector<16xf32>
        %parallel_loop3A_1167 = arith.fptosi %parallel_loop3A_1166 : vector<16xf32> to vector<16xi32>
        %parallel_loop3A_1168 = arith.addi %mul3A_3, %parallel_loop3A_1167 : vector<16xi32>
        tpu.vector_store_idx %arg6[%parallel_loop3A_1168], %broadcast_in_dim3A_4 : memref<4096xf32, #tpu.memory_space<vmem>>[vector<16xi32>], vector<16xf32>,
      } {sc.loop_unroll_factor = 8 : i64, sc.parallel_access}
      %parallel_loop3A_590 = arith.constant 0 : i32
      %parallel_loop3A_591 = arith.constant 16 : i32
      %parallel_loop3A_592 = arith.constant 1 : i32
      scf.for %parallel_loop3A_1152 = %parallel_loop3A_590 to %parallel_loop3A_591 step %parallel_loop3A_592  : i32 {
        %parallel_loop3A_1153 = arith.constant 16 : i32
        %parallel_loop3A_1154 = arith.muli %parallel_loop3A_1152, %parallel_loop3A_1153 : i32
        %parallel_loop3A_1155 = arith.index_cast %parallel_loop3A_1154 : i32 to index
        %parallel_loop3A_1156 = tpu.vector_load %arg6[%parallel_loop3A_1155] {strides = array<i32>} : memref<4096xf32, #tpu.memory_space<vmem>>, vector<16xf32>,
        %parallel_loop3A_1157 = arith.constant 16 : i32
        %parallel_loop3A_1158 = arith.muli %parallel_loop3A_1152, %parallel_loop3A_1157 : i32
        %parallel_loop3A_1159 = arith.constant 256 : i32
        %parallel_loop3A_1160 = arith.addi %parallel_loop3A_1159, %parallel_loop3A_1158 : i32
        %parallel_loop3A_1161 = arith.index_cast %parallel_loop3A_1160 : i32 to index
        %parallel_loop3A_1162 = tpu.vector_load %arg6[%parallel_loop3A_1161] {strides = array<i32>} : memref<4096xf32, #tpu.memory_space<vmem>>, vector<16xf32>,
        %parallel_loop3A_1163 = arith.addf %parallel_loop3A_1156, %parallel_loop3A_1162 : vector<16xf32>
        %parallel_loop3A_1164 = arith.constant 16 : i32
        %parallel_loop3A_1165 = arith.muli %parallel_loop3A_1152, %parallel_loop3A_1164 : i32
        %parallel_loop3A_1166 = arith.constant 512 : i32
        %parallel_loop3A_1167 = arith.addi %parallel_loop3A_1166, %parallel_loop3A_1165 : i32
        %parallel_loop3A_1168 = arith.index_cast %parallel_loop3A_1167 : i32 to index
        %parallel_loop3A_1169 = tpu.vector_load %arg6[%parallel_loop3A_1168] {strides = array<i32>} : memref<4096xf32, #tpu.memory_space<vmem>>, vector<16xf32>,
        %parallel_loop3A_1170 = arith.addf %parallel_loop3A_1163, %parallel_loop3A_1169 : vector<16xf32>
        %parallel_loop3A_1171 = arith.constant 16 : i32
        %parallel_loop3A_1172 = arith.muli %parallel_loop3A_1152, %parallel_loop3A_1171 : i32
        %parallel_loop3A_1173 = arith.constant 768 : i32
        %parallel_loop3A_1174 = arith.addi %parallel_loop3A_1173, %parallel_loop3A_1172 : i32
        %parallel_loop3A_1175 = arith.index_cast %parallel_loop3A_1174 : i32 to index
        %parallel_loop3A_1176 = tpu.vector_load %arg6[%parallel_loop3A_1175] {strides = array<i32>} : memref<4096xf32, #tpu.memory_space<vmem>>, vector<16xf32>,
        %parallel_loop3A_1177 = arith.addf %parallel_loop3A_1170, %parallel_loop3A_1176 : vector<16xf32>
        %parallel_loop3A_1178 = arith.constant 16 : i32
        %parallel_loop3A_1179 = arith.muli %parallel_loop3A_1152, %parallel_loop3A_1178 : i32
        %parallel_loop3A_1180 = arith.constant 1024 : i32
        %parallel_loop3A_1181 = arith.addi %parallel_loop3A_1180, %parallel_loop3A_1179 : i32
        %parallel_loop3A_1182 = arith.index_cast %parallel_loop3A_1181 : i32 to index
        %parallel_loop3A_1183 = tpu.vector_load %arg6[%parallel_loop3A_1182] {strides = array<i32>} : memref<4096xf32, #tpu.memory_space<vmem>>, vector<16xf32>,
        %parallel_loop3A_1184 = arith.addf %parallel_loop3A_1177, %parallel_loop3A_1183 : vector<16xf32>
        %parallel_loop3A_1185 = arith.constant 16 : i32
        %parallel_loop3A_1186 = arith.muli %parallel_loop3A_1152, %parallel_loop3A_1185 : i32
        %parallel_loop3A_1187 = arith.constant 1280 : i32
        %parallel_loop3A_1188 = arith.addi %parallel_loop3A_1187, %parallel_loop3A_1186 : i32
        %parallel_loop3A_1189 = arith.index_cast %parallel_loop3A_1188 : i32 to index
        %parallel_loop3A_1190 = tpu.vector_load %arg6[%parallel_loop3A_1189] {strides = array<i32>} : memref<4096xf32, #tpu.memory_space<vmem>>, vector<16xf32>,
        %parallel_loop3A_1191 = arith.addf %parallel_loop3A_1184, %parallel_loop3A_1190 : vector<16xf32>
        %parallel_loop3A_1192 = arith.constant 16 : i32
        %parallel_loop3A_1193 = arith.muli %parallel_loop3A_1152, %parallel_loop3A_1192 : i32
        %parallel_loop3A_1194 = arith.constant 1536 : i32
        %parallel_loop3A_1195 = arith.addi %parallel_loop3A_1194, %parallel_loop3A_1193 : i32
        %parallel_loop3A_1196 = arith.index_cast %parallel_loop3A_1195 : i32 to index
        %parallel_loop3A_1197 = tpu.vector_load %arg6[%parallel_loop3A_1196] {strides = array<i32>} : memref<4096xf32, #tpu.memory_space<vmem>>, vector<16xf32>,
        %parallel_loop3A_1198 = arith.addf %parallel_loop3A_1191, %parallel_loop3A_1197 : vector<16xf32>
        %parallel_loop3A_1199 = arith.constant 16 : i32
        %parallel_loop3A_1200 = arith.muli %parallel_loop3A_1152, %parallel_loop3A_1199 : i32
        %parallel_loop3A_1201 = arith.constant 1792 : i32
        %parallel_loop3A_1202 = arith.addi %parallel_loop3A_1201, %parallel_loop3A_1200 : i32
        %parallel_loop3A_1203 = arith.index_cast %parallel_loop3A_1202 : i32 to index
        %parallel_loop3A_1204 = tpu.vector_load %arg6[%parallel_loop3A_1203] {strides = array<i32>} : memref<4096xf32, #tpu.memory_space<vmem>>, vector<16xf32>,
        %parallel_loop3A_1205 = arith.addf %parallel_loop3A_1198, %parallel_loop3A_1204 : vector<16xf32>
        %parallel_loop3A_1206 = arith.constant 16 : i32
        %parallel_loop3A_1207 = arith.muli %parallel_loop3A_1152, %parallel_loop3A_1206 : i32
        %parallel_loop3A_1208 = arith.constant 2048 : i32
        %parallel_loop3A_1209 = arith.addi %parallel_loop3A_1208, %parallel_loop3A_1207 : i32
        %parallel_loop3A_1210 = arith.index_cast %parallel_loop3A_1209 : i32 to index
        %parallel_loop3A_1211 = tpu.vector_load %arg6[%parallel_loop3A_1210] {strides = array<i32>} : memref<4096xf32, #tpu.memory_space<vmem>>, vector<16xf32>,
        %parallel_loop3A_1212 = arith.addf %parallel_loop3A_1205, %parallel_loop3A_1211 : vector<16xf32>
        %parallel_loop3A_1213 = arith.constant 16 : i32
        %parallel_loop3A_1214 = arith.muli %parallel_loop3A_1152, %parallel_loop3A_1213 : i32
        %parallel_loop3A_1215 = arith.constant 2304 : i32
        %parallel_loop3A_1216 = arith.addi %parallel_loop3A_1215, %parallel_loop3A_1214 : i32
        %parallel_loop3A_1217 = arith.index_cast %parallel_loop3A_1216 : i32 to index
        %parallel_loop3A_1218 = tpu.vector_load %arg6[%parallel_loop3A_1217] {strides = array<i32>} : memref<4096xf32, #tpu.memory_space<vmem>>, vector<16xf32>,
        %parallel_loop3A_1219 = arith.addf %parallel_loop3A_1212, %parallel_loop3A_1218 : vector<16xf32>
        %parallel_loop3A_1220 = arith.constant 16 : i32
        %parallel_loop3A_1221 = arith.muli %parallel_loop3A_1152, %parallel_loop3A_1220 : i32
        %parallel_loop3A_1222 = arith.constant 2560 : i32
        %parallel_loop3A_1223 = arith.addi %parallel_loop3A_1222, %parallel_loop3A_1221 : i32
        %parallel_loop3A_1224 = arith.index_cast %parallel_loop3A_1223 : i32 to index
        %parallel_loop3A_1225 = tpu.vector_load %arg6[%parallel_loop3A_1224] {strides = array<i32>} : memref<4096xf32, #tpu.memory_space<vmem>>, vector<16xf32>,
        %parallel_loop3A_1226 = arith.addf %parallel_loop3A_1219, %parallel_loop3A_1225 : vector<16xf32>
        %parallel_loop3A_1227 = arith.constant 16 : i32
        %parallel_loop3A_1228 = arith.muli %parallel_loop3A_1152, %parallel_loop3A_1227 : i32
        %parallel_loop3A_1229 = arith.constant 2816 : i32
        %parallel_loop3A_1230 = arith.addi %parallel_loop3A_1229, %parallel_loop3A_1228 : i32
        %parallel_loop3A_1231 = arith.index_cast %parallel_loop3A_1230 : i32 to index
        %parallel_loop3A_1232 = tpu.vector_load %arg6[%parallel_loop3A_1231] {strides = array<i32>} : memref<4096xf32, #tpu.memory_space<vmem>>, vector<16xf32>,
        %parallel_loop3A_1233 = arith.addf %parallel_loop3A_1226, %parallel_loop3A_1232 : vector<16xf32>
        %parallel_loop3A_1234 = arith.constant 16 : i32
        %parallel_loop3A_1235 = arith.muli %parallel_loop3A_1152, %parallel_loop3A_1234 : i32
        %parallel_loop3A_1236 = arith.constant 3072 : i32
        %parallel_loop3A_1237 = arith.addi %parallel_loop3A_1236, %parallel_loop3A_1235 : i32
        %parallel_loop3A_1238 = arith.index_cast %parallel_loop3A_1237 : i32 to index
        %parallel_loop3A_1239 = tpu.vector_load %arg6[%parallel_loop3A_1238] {strides = array<i32>} : memref<4096xf32, #tpu.memory_space<vmem>>, vector<16xf32>,
        %parallel_loop3A_1240 = arith.addf %parallel_loop3A_1233, %parallel_loop3A_1239 : vector<16xf32>
        %parallel_loop3A_1241 = arith.constant 16 : i32
        %parallel_loop3A_1242 = arith.muli %parallel_loop3A_1152, %parallel_loop3A_1241 : i32
        %parallel_loop3A_1243 = arith.constant 3328 : i32
        %parallel_loop3A_1244 = arith.addi %parallel_loop3A_1243, %parallel_loop3A_1242 : i32
        %parallel_loop3A_1245 = arith.index_cast %parallel_loop3A_1244 : i32 to index
        %parallel_loop3A_1246 = tpu.vector_load %arg6[%parallel_loop3A_1245] {strides = array<i32>} : memref<4096xf32, #tpu.memory_space<vmem>>, vector<16xf32>,
        %parallel_loop3A_1247 = arith.addf %parallel_loop3A_1240, %parallel_loop3A_1246 : vector<16xf32>
        %parallel_loop3A_1248 = arith.constant 16 : i32
        %parallel_loop3A_1249 = arith.muli %parallel_loop3A_1152, %parallel_loop3A_1248 : i32
        %parallel_loop3A_1250 = arith.constant 3584 : i32
        %parallel_loop3A_1251 = arith.addi %parallel_loop3A_1250, %parallel_loop3A_1249 : i32
        %parallel_loop3A_1252 = arith.index_cast %parallel_loop3A_1251 : i32 to index
        %parallel_loop3A_1253 = tpu.vector_load %arg6[%parallel_loop3A_1252] {strides = array<i32>} : memref<4096xf32, #tpu.memory_space<vmem>>, vector<16xf32>,
        %parallel_loop3A_1254 = arith.addf %parallel_loop3A_1247, %parallel_loop3A_1253 : vector<16xf32>
        %parallel_loop3A_1255 = arith.constant 16 : i32
        %parallel_loop3A_1256 = arith.muli %parallel_loop3A_1152, %parallel_loop3A_1255 : i32
        %parallel_loop3A_1257 = arith.constant 3840 : i32
        %parallel_loop3A_1258 = arith.addi %parallel_loop3A_1257, %parallel_loop3A_1256 : i32
        %parallel_loop3A_1259 = arith.index_cast %parallel_loop3A_1258 : i32 to index
        %parallel_loop3A_1260 = tpu.vector_load %arg6[%parallel_loop3A_1259] {strides = array<i32>} : memref<4096xf32, #tpu.memory_space<vmem>>, vector<16xf32>,
        %parallel_loop3A_1261 = arith.addf %parallel_loop3A_1254, %parallel_loop3A_1260 : vector<16xf32>
        %parallel_loop3A_1262 = arith.constant 16 : i32
        %parallel_loop3A_1263 = arith.muli %parallel_loop3A_1152, %parallel_loop3A_1262 : i32
        %parallel_loop3A_1264 = arith.constant 2 : i32
        %parallel_loop3A_1265 = arith.index_cast %parallel_loop3A_1264 : i32 to index
        %parallel_loop3A_1266 = arith.index_cast %parallel_loop3A_1263 : i32 to index
        %parallel_loop3A_1267 = tpu.vector_load %arg7[%parallel_loop3A_1265, %parallel_loop3A_1266] {strides = array<i32>} : memref<4x256xf32, #tpu.memory_space<vmem>>, vector<16xf32>,
        tpu.vector_store %arg7[%parallel_loop3A_1265, %parallel_loop3A_1266], %parallel_loop3A_1261 {strides = array<i32>} : memref<4x256xf32, #tpu.memory_space<vmem>>, vector<16xf32>,
      } {sc.loop_unroll_factor = 2 : i64, sc.parallel_access}
      %add3A_593 = arith.constant 3 : i32
      %add3A_594 = arith.addi %add3A_386, %add3A_593 : i32
      %jit3A_595 = arith.constant 3 : i32
      %div3A_596 = arith.divsi %add3A_594, %jit3A_595 : i32
      %sign3A_597 = arith.constant 0 : i32
      %sign3A_598 = arith.cmpi sgt, %add3A_594, %sign3A_597 : i32
      %sign3A_599 = arith.extui %sign3A_598 : i1 to i32
      %sign3A_600 = arith.constant 0 : i32
      %sign3A_601 = arith.cmpi slt, %add3A_594, %sign3A_600 : i32
      %sign3A_602 = arith.extui %sign3A_601 : i1 to i32
      %sign3A_603 = arith.subi %sign3A_599, %sign3A_602 : i32
      %sign3A_604 = arith.constant 0 : i32
      %sign3A_605 = arith.cmpi sgt, %jit3A_595, %sign3A_604 : i32
      %sign3A_606 = arith.extui %sign3A_605 : i1 to i32
      %sign3A_607 = arith.constant 0 : i32
      %sign3A_608 = arith.cmpi slt, %jit3A_595, %sign3A_607 : i32
      %sign3A_609 = arith.extui %sign3A_608 : i1 to i32
      %sign3A_610 = arith.subi %sign3A_606, %sign3A_609 : i32
      %ne3A_611 = arith.cmpi ne, %sign3A_603, %sign3A_610 : i32
      %rem3A_612 = arith.remsi %add3A_594, %jit3A_595 : i32
      %ne3A_613 = arith.constant 0 : i32
      %ne3A_614 = arith.cmpi ne, %rem3A_612, %ne3A_613 : i32
      %and3A_615 = arith.andi %ne3A_611, %ne3A_614 : i1
      %sub3A_616 = arith.constant 1 : i32
      %sub3A_617 = arith.subi %div3A_596, %sub3A_616 : i32
      %select_n3A_618 = arith.select %and3A_615, %sub3A_617, %div3A_596 : i32
      %jit3A_619 = arith.constant 3 : i32
      %eq3A_620 = arith.constant 0 : i32
      %eq3A_621 = arith.cmpi eq, %jit3A_619, %eq3A_620 : i32
      %jit3A_622 = arith.constant 1 : i32
      %select_n3A_623 = arith.select %eq3A_621, %jit3A_622, %jit3A_619 : i32
      %rem3A_624 = arith.remsi %add3A_594, %select_n3A_623 : i32
      %ne3A_625 = arith.constant 0 : i32
      %ne3A_626 = arith.cmpi ne, %rem3A_624, %ne3A_625 : i32
      %lt3A_627 = arith.constant 0 : i32
      %lt3A_628 = arith.cmpi slt, %rem3A_624, %lt3A_627 : i32
      %lt3A_629 = arith.constant 0 : i32
      %lt3A_630 = arith.cmpi slt, %select_n3A_623, %lt3A_629 : i32
      %ne3A_631 = arith.xori %lt3A_628, %lt3A_630 : i1
      %and3A_632 = arith.andi %ne3A_631, %ne3A_626 : i1
      %add3A_633 = arith.addi %rem3A_624, %select_n3A_623 : i32
      %select_n3A_634 = arith.select %and3A_632, %add3A_633, %rem3A_624 : i32
      %dma_wait3A_635 = arith.constant 3 : i32
      %dma_wait3A_636 = arith.constant 3 : i32
      %dma_wait3A_637 = arith.constant 0 : i32
      %dma_wait3A_638 = arith.constant 0 : i32
      %dma_wait3A_639 = tpu.memref_slice %arg4[%dma_wait3A_635, %dma_wait3A_637, %dma_wait3A_638] : memref<4x32x512xf32, #tpu.memory_space<vmem>> -> memref<1x32x512xf32, #tpu.memory_space<vmem>>
      %dma_wait3A_640 = tpu.memref_squeeze %dma_wait3A_639 : memref<1x32x512xf32, #tpu.memory_space<vmem>> -> memref<32x512xf32, #tpu.memory_space<vmem>>
      %dma_wait3A_641 = arith.constant 0 : i32
      %dma_wait3A_642 = tpu.memref_slice %arg2[%select_n3A_618, %select_n3A_634, %mul3A_0, %dma_wait3A_641] : memref<16x3x512x512xf32, #tpu.memory_space<hbm>> -> memref<1x1x32x512xf32, #tpu.memory_space<hbm>>
      %dma_wait3A_643 = tpu.memref_squeeze %dma_wait3A_642 : memref<1x1x32x512xf32, #tpu.memory_space<hbm>> -> memref<32x512xf32, #tpu.memory_space<hbm>>
      %dma_wait3A_644 = tpu.memref_slice %arg14[%dma_wait3A_636] : memref<4x!tpu.dma_semaphore, #tpu.memory_space<semaphore_mem>> -> memref<1x!tpu.dma_semaphore, #tpu.memory_space<semaphore_mem>>
      %dma_wait3A_645 = tpu.memref_squeeze %dma_wait3A_644 : memref<1x!tpu.dma_semaphore, #tpu.memory_space<semaphore_mem>> -> memref<!tpu.dma_semaphore, #tpu.memory_space<semaphore_mem>>
      %dma_wait3A_646 = arith.constant 0 : i32
      %dma_wait3A_647 = arith.constant 0 : i32
      %dma_wait3A_648 = tpu.memref_slice %arg4[%dma_wait3A_635, %dma_wait3A_646, %dma_wait3A_647] : memref<4x32x512xf32, #tpu.memory_space<vmem>> -> memref<1x32x512xf32, #tpu.memory_space<vmem>>
      %dma_wait3A_649 = tpu.memref_squeeze %dma_wait3A_648 : memref<1x32x512xf32, #tpu.memory_space<vmem>> -> memref<32x512xf32, #tpu.memory_space<vmem>>
      %dma_wait3A_650 = arith.constant 0 : i32
      %dma_wait3A_651 = tpu.memref_slice %arg2[%select_n3A_618, %select_n3A_634, %mul3A_0, %dma_wait3A_650] : memref<16x3x512x512xf32, #tpu.memory_space<hbm>> -> memref<1x1x32x512xf32, #tpu.memory_space<hbm>>
      %dma_wait3A_652 = tpu.memref_squeeze %dma_wait3A_651 : memref<1x1x32x512xf32, #tpu.memory_space<hbm>> -> memref<32x512xf32, #tpu.memory_space<hbm>>
      tpu.wait_dma2 semaphore(%dma_wait3A_645 : memref<!tpu.dma_semaphore, #tpu.memory_space<semaphore_mem>>) src(%dma_wait3A_652 : memref<32x512xf32, #tpu.memory_space<hbm>>) dst(%dma_wait3A_649 : memref<32x512xf32, #tpu.memory_space<vmem>>)
      %parallel_loop3A_653 = arith.constant 0 : i32
      %parallel_loop3A_654 = arith.constant 256 : i32
      %parallel_loop3A_655 = arith.constant 1 : i32
      scf.for %parallel_loop3A_1152 = %parallel_loop3A_653 to %parallel_loop3A_654 step %parallel_loop3A_655  : i32 {
        %parallel_loop3A_1153 = arith.constant 16 : i32
        %parallel_loop3A_1154 = arith.muli %parallel_loop3A_1152, %parallel_loop3A_1153 : i32
        %parallel_loop3A_1155 = arith.index_cast %parallel_loop3A_1154 : i32 to index
        %parallel_loop3A_1156 = tpu.vector_load %arg6[%parallel_loop3A_1155] {strides = array<i32>} : memref<4096xf32, #tpu.memory_space<vmem>>, vector<16xf32>,
        tpu.vector_store %arg6[%parallel_loop3A_1155], %broadcast_in_dim3A_6 {strides = array<i32>} : memref<4096xf32, #tpu.memory_space<vmem>>, vector<16xf32>,
      } {sc.loop_unroll_factor = 8 : i64, sc.parallel_access}
      %parallel_loop3A_656 = arith.constant 0 : i32
      %parallel_loop3A_657 = arith.constant 1024 : i32
      %parallel_loop3A_658 = arith.constant 1 : i32
      scf.for %parallel_loop3A_1152 = %parallel_loop3A_656 to %parallel_loop3A_657 step %parallel_loop3A_658  : i32 {
        %parallel_loop3A_1153 = arith.constant 5 : i32
        %parallel_loop3A_1154 = arith.shrsi %parallel_loop3A_1152, %parallel_loop3A_1153 : i32
        %parallel_loop3A_1155 = arith.constant 31 : i32
        %parallel_loop3A_1156 = arith.andi %parallel_loop3A_1152, %parallel_loop3A_1155 : i32
        %parallel_loop3A_1157 = arith.constant 16 : i32
        %parallel_loop3A_1158 = arith.muli %parallel_loop3A_1156, %parallel_loop3A_1157 : i32
        %parallel_loop3A_1159 = arith.constant 3 : i32
        %parallel_loop3A_1160 = arith.index_cast %parallel_loop3A_1159 : i32 to index
        %parallel_loop3A_1161 = arith.index_cast %parallel_loop3A_1154 : i32 to index
        %parallel_loop3A_1162 = arith.index_cast %parallel_loop3A_1158 : i32 to index
        %parallel_loop3A_1163 = tpu.vector_load %arg4[%parallel_loop3A_1160, %parallel_loop3A_1161, %parallel_loop3A_1162] {strides = array<i32>} : memref<4x32x512xf32, #tpu.memory_space<vmem>>, vector<16xf32>,
        %parallel_loop3A_1164 = arith.constant 2.550000e+02 : f32
        %parallel_loop3A_1165 = vector.broadcast %parallel_loop3A_1164 : f32 to vector<16xf32>
        %parallel_loop3A_1166 = arith.mulf %parallel_loop3A_1163, %parallel_loop3A_1165 : vector<16xf32>
        %parallel_loop3A_1167 = arith.fptosi %parallel_loop3A_1166 : vector<16xf32> to vector<16xi32>
        %parallel_loop3A_1168 = arith.addi %mul3A_3, %parallel_loop3A_1167 : vector<16xi32>
        tpu.vector_store_idx %arg6[%parallel_loop3A_1168], %broadcast_in_dim3A_4 : memref<4096xf32, #tpu.memory_space<vmem>>[vector<16xi32>], vector<16xf32>,
      } {sc.loop_unroll_factor = 8 : i64, sc.parallel_access}
      %parallel_loop3A_659 = arith.constant 0 : i32
      %parallel_loop3A_660 = arith.constant 16 : i32
      %parallel_loop3A_661 = arith.constant 1 : i32
      scf.for %parallel_loop3A_1152 = %parallel_loop3A_659 to %parallel_loop3A_660 step %parallel_loop3A_661  : i32 {
        %parallel_loop3A_1153 = arith.constant 16 : i32
        %parallel_loop3A_1154 = arith.muli %parallel_loop3A_1152, %parallel_loop3A_1153 : i32
        %parallel_loop3A_1155 = arith.index_cast %parallel_loop3A_1154 : i32 to index
        %parallel_loop3A_1156 = tpu.vector_load %arg6[%parallel_loop3A_1155] {strides = array<i32>} : memref<4096xf32, #tpu.memory_space<vmem>>, vector<16xf32>,
        %parallel_loop3A_1157 = arith.constant 16 : i32
        %parallel_loop3A_1158 = arith.muli %parallel_loop3A_1152, %parallel_loop3A_1157 : i32
        %parallel_loop3A_1159 = arith.constant 256 : i32
        %parallel_loop3A_1160 = arith.addi %parallel_loop3A_1159, %parallel_loop3A_1158 : i32
        %parallel_loop3A_1161 = arith.index_cast %parallel_loop3A_1160 : i32 to index
        %parallel_loop3A_1162 = tpu.vector_load %arg6[%parallel_loop3A_1161] {strides = array<i32>} : memref<4096xf32, #tpu.memory_space<vmem>>, vector<16xf32>,
        %parallel_loop3A_1163 = arith.addf %parallel_loop3A_1156, %parallel_loop3A_1162 : vector<16xf32>
        %parallel_loop3A_1164 = arith.constant 16 : i32
        %parallel_loop3A_1165 = arith.muli %parallel_loop3A_1152, %parallel_loop3A_1164 : i32
        %parallel_loop3A_1166 = arith.constant 512 : i32
        %parallel_loop3A_1167 = arith.addi %parallel_loop3A_1166, %parallel_loop3A_1165 : i32
        %parallel_loop3A_1168 = arith.index_cast %parallel_loop3A_1167 : i32 to index
        %parallel_loop3A_1169 = tpu.vector_load %arg6[%parallel_loop3A_1168] {strides = array<i32>} : memref<4096xf32, #tpu.memory_space<vmem>>, vector<16xf32>,
        %parallel_loop3A_1170 = arith.addf %parallel_loop3A_1163, %parallel_loop3A_1169 : vector<16xf32>
        %parallel_loop3A_1171 = arith.constant 16 : i32
        %parallel_loop3A_1172 = arith.muli %parallel_loop3A_1152, %parallel_loop3A_1171 : i32
        %parallel_loop3A_1173 = arith.constant 768 : i32
        %parallel_loop3A_1174 = arith.addi %parallel_loop3A_1173, %parallel_loop3A_1172 : i32
        %parallel_loop3A_1175 = arith.index_cast %parallel_loop3A_1174 : i32 to index
        %parallel_loop3A_1176 = tpu.vector_load %arg6[%parallel_loop3A_1175] {strides = array<i32>} : memref<4096xf32, #tpu.memory_space<vmem>>, vector<16xf32>,
        %parallel_loop3A_1177 = arith.addf %parallel_loop3A_1170, %parallel_loop3A_1176 : vector<16xf32>
        %parallel_loop3A_1178 = arith.constant 16 : i32
        %parallel_loop3A_1179 = arith.muli %parallel_loop3A_1152, %parallel_loop3A_1178 : i32
        %parallel_loop3A_1180 = arith.constant 1024 : i32
        %parallel_loop3A_1181 = arith.addi %parallel_loop3A_1180, %parallel_loop3A_1179 : i32
        %parallel_loop3A_1182 = arith.index_cast %parallel_loop3A_1181 : i32 to index
        %parallel_loop3A_1183 = tpu.vector_load %arg6[%parallel_loop3A_1182] {strides = array<i32>} : memref<4096xf32, #tpu.memory_space<vmem>>, vector<16xf32>,
        %parallel_loop3A_1184 = arith.addf %parallel_loop3A_1177, %parallel_loop3A_1183 : vector<16xf32>
        %parallel_loop3A_1185 = arith.constant 16 : i32
        %parallel_loop3A_1186 = arith.muli %parallel_loop3A_1152, %parallel_loop3A_1185 : i32
        %parallel_loop3A_1187 = arith.constant 1280 : i32
        %parallel_loop3A_1188 = arith.addi %parallel_loop3A_1187, %parallel_loop3A_1186 : i32
        %parallel_loop3A_1189 = arith.index_cast %parallel_loop3A_1188 : i32 to index
        %parallel_loop3A_1190 = tpu.vector_load %arg6[%parallel_loop3A_1189] {strides = array<i32>} : memref<4096xf32, #tpu.memory_space<vmem>>, vector<16xf32>,
        %parallel_loop3A_1191 = arith.addf %parallel_loop3A_1184, %parallel_loop3A_1190 : vector<16xf32>
        %parallel_loop3A_1192 = arith.constant 16 : i32
        %parallel_loop3A_1193 = arith.muli %parallel_loop3A_1152, %parallel_loop3A_1192 : i32
        %parallel_loop3A_1194 = arith.constant 1536 : i32
        %parallel_loop3A_1195 = arith.addi %parallel_loop3A_1194, %parallel_loop3A_1193 : i32
        %parallel_loop3A_1196 = arith.index_cast %parallel_loop3A_1195 : i32 to index
        %parallel_loop3A_1197 = tpu.vector_load %arg6[%parallel_loop3A_1196] {strides = array<i32>} : memref<4096xf32, #tpu.memory_space<vmem>>, vector<16xf32>,
        %parallel_loop3A_1198 = arith.addf %parallel_loop3A_1191, %parallel_loop3A_1197 : vector<16xf32>
        %parallel_loop3A_1199 = arith.constant 16 : i32
        %parallel_loop3A_1200 = arith.muli %parallel_loop3A_1152, %parallel_loop3A_1199 : i32
        %parallel_loop3A_1201 = arith.constant 1792 : i32
        %parallel_loop3A_1202 = arith.addi %parallel_loop3A_1201, %parallel_loop3A_1200 : i32
        %parallel_loop3A_1203 = arith.index_cast %parallel_loop3A_1202 : i32 to index
        %parallel_loop3A_1204 = tpu.vector_load %arg6[%parallel_loop3A_1203] {strides = array<i32>} : memref<4096xf32, #tpu.memory_space<vmem>>, vector<16xf32>,
        %parallel_loop3A_1205 = arith.addf %parallel_loop3A_1198, %parallel_loop3A_1204 : vector<16xf32>
        %parallel_loop3A_1206 = arith.constant 16 : i32
        %parallel_loop3A_1207 = arith.muli %parallel_loop3A_1152, %parallel_loop3A_1206 : i32
        %parallel_loop3A_1208 = arith.constant 2048 : i32
        %parallel_loop3A_1209 = arith.addi %parallel_loop3A_1208, %parallel_loop3A_1207 : i32
        %parallel_loop3A_1210 = arith.index_cast %parallel_loop3A_1209 : i32 to index
        %parallel_loop3A_1211 = tpu.vector_load %arg6[%parallel_loop3A_1210] {strides = array<i32>} : memref<4096xf32, #tpu.memory_space<vmem>>, vector<16xf32>,
        %parallel_loop3A_1212 = arith.addf %parallel_loop3A_1205, %parallel_loop3A_1211 : vector<16xf32>
        %parallel_loop3A_1213 = arith.constant 16 : i32
        %parallel_loop3A_1214 = arith.muli %parallel_loop3A_1152, %parallel_loop3A_1213 : i32
        %parallel_loop3A_1215 = arith.constant 2304 : i32
        %parallel_loop3A_1216 = arith.addi %parallel_loop3A_1215, %parallel_loop3A_1214 : i32
        %parallel_loop3A_1217 = arith.index_cast %parallel_loop3A_1216 : i32 to index
        %parallel_loop3A_1218 = tpu.vector_load %arg6[%parallel_loop3A_1217] {strides = array<i32>} : memref<4096xf32, #tpu.memory_space<vmem>>, vector<16xf32>,
        %parallel_loop3A_1219 = arith.addf %parallel_loop3A_1212, %parallel_loop3A_1218 : vector<16xf32>
        %parallel_loop3A_1220 = arith.constant 16 : i32
        %parallel_loop3A_1221 = arith.muli %parallel_loop3A_1152, %parallel_loop3A_1220 : i32
        %parallel_loop3A_1222 = arith.constant 2560 : i32
        %parallel_loop3A_1223 = arith.addi %parallel_loop3A_1222, %parallel_loop3A_1221 : i32
        %parallel_loop3A_1224 = arith.index_cast %parallel_loop3A_1223 : i32 to index
        %parallel_loop3A_1225 = tpu.vector_load %arg6[%parallel_loop3A_1224] {strides = array<i32>} : memref<4096xf32, #tpu.memory_space<vmem>>, vector<16xf32>,
        %parallel_loop3A_1226 = arith.addf %parallel_loop3A_1219, %parallel_loop3A_1225 : vector<16xf32>
        %parallel_loop3A_1227 = arith.constant 16 : i32
        %parallel_loop3A_1228 = arith.muli %parallel_loop3A_1152, %parallel_loop3A_1227 : i32
        %parallel_loop3A_1229 = arith.constant 2816 : i32
        %parallel_loop3A_1230 = arith.addi %parallel_loop3A_1229, %parallel_loop3A_1228 : i32
        %parallel_loop3A_1231 = arith.index_cast %parallel_loop3A_1230 : i32 to index
        %parallel_loop3A_1232 = tpu.vector_load %arg6[%parallel_loop3A_1231] {strides = array<i32>} : memref<4096xf32, #tpu.memory_space<vmem>>, vector<16xf32>,
        %parallel_loop3A_1233 = arith.addf %parallel_loop3A_1226, %parallel_loop3A_1232 : vector<16xf32>
        %parallel_loop3A_1234 = arith.constant 16 : i32
        %parallel_loop3A_1235 = arith.muli %parallel_loop3A_1152, %parallel_loop3A_1234 : i32
        %parallel_loop3A_1236 = arith.constant 3072 : i32
        %parallel_loop3A_1237 = arith.addi %parallel_loop3A_1236, %parallel_loop3A_1235 : i32
        %parallel_loop3A_1238 = arith.index_cast %parallel_loop3A_1237 : i32 to index
        %parallel_loop3A_1239 = tpu.vector_load %arg6[%parallel_loop3A_1238] {strides = array<i32>} : memref<4096xf32, #tpu.memory_space<vmem>>, vector<16xf32>,
        %parallel_loop3A_1240 = arith.addf %parallel_loop3A_1233, %parallel_loop3A_1239 : vector<16xf32>
        %parallel_loop3A_1241 = arith.constant 16 : i32
        %parallel_loop3A_1242 = arith.muli %parallel_loop3A_1152, %parallel_loop3A_1241 : i32
        %parallel_loop3A_1243 = arith.constant 3328 : i32
        %parallel_loop3A_1244 = arith.addi %parallel_loop3A_1243, %parallel_loop3A_1242 : i32
        %parallel_loop3A_1245 = arith.index_cast %parallel_loop3A_1244 : i32 to index
        %parallel_loop3A_1246 = tpu.vector_load %arg6[%parallel_loop3A_1245] {strides = array<i32>} : memref<4096xf32, #tpu.memory_space<vmem>>, vector<16xf32>,
        %parallel_loop3A_1247 = arith.addf %parallel_loop3A_1240, %parallel_loop3A_1246 : vector<16xf32>
        %parallel_loop3A_1248 = arith.constant 16 : i32
        %parallel_loop3A_1249 = arith.muli %parallel_loop3A_1152, %parallel_loop3A_1248 : i32
        %parallel_loop3A_1250 = arith.constant 3584 : i32
        %parallel_loop3A_1251 = arith.addi %parallel_loop3A_1250, %parallel_loop3A_1249 : i32
        %parallel_loop3A_1252 = arith.index_cast %parallel_loop3A_1251 : i32 to index
        %parallel_loop3A_1253 = tpu.vector_load %arg6[%parallel_loop3A_1252] {strides = array<i32>} : memref<4096xf32, #tpu.memory_space<vmem>>, vector<16xf32>,
        %parallel_loop3A_1254 = arith.addf %parallel_loop3A_1247, %parallel_loop3A_1253 : vector<16xf32>
        %parallel_loop3A_1255 = arith.constant 16 : i32
        %parallel_loop3A_1256 = arith.muli %parallel_loop3A_1152, %parallel_loop3A_1255 : i32
        %parallel_loop3A_1257 = arith.constant 3840 : i32
        %parallel_loop3A_1258 = arith.addi %parallel_loop3A_1257, %parallel_loop3A_1256 : i32
        %parallel_loop3A_1259 = arith.index_cast %parallel_loop3A_1258 : i32 to index
        %parallel_loop3A_1260 = tpu.vector_load %arg6[%parallel_loop3A_1259] {strides = array<i32>} : memref<4096xf32, #tpu.memory_space<vmem>>, vector<16xf32>,
        %parallel_loop3A_1261 = arith.addf %parallel_loop3A_1254, %parallel_loop3A_1260 : vector<16xf32>
        %parallel_loop3A_1262 = arith.constant 16 : i32
        %parallel_loop3A_1263 = arith.muli %parallel_loop3A_1152, %parallel_loop3A_1262 : i32
        %parallel_loop3A_1264 = arith.constant 3 : i32
        %parallel_loop3A_1265 = arith.index_cast %parallel_loop3A_1264 : i32 to index
        %parallel_loop3A_1266 = arith.index_cast %parallel_loop3A_1263 : i32 to index
        %parallel_loop3A_1267 = tpu.vector_load %arg7[%parallel_loop3A_1265, %parallel_loop3A_1266] {strides = array<i32>} : memref<4x256xf32, #tpu.memory_space<vmem>>, vector<16xf32>,
        tpu.vector_store %arg7[%parallel_loop3A_1265, %parallel_loop3A_1266], %parallel_loop3A_1261 {strides = array<i32>} : memref<4x256xf32, #tpu.memory_space<vmem>>, vector<16xf32>,
      } {sc.loop_unroll_factor = 2 : i64, sc.parallel_access}
      "tpu.region"() ({
        %run_scoped3A = tpu.sem_alloc : memref<!tpu.dma_semaphore, #tpu.memory_space<semaphore_mem>>
        %dma_start3A_1152 = arith.constant 0 : i32
        %dma_start3A_1153 = arith.constant 0 : i32
        %dma_start3A_1154 = tpu.memref_slice %arg12[%arg1, %dma_start3A_1152, %dma_start3A_1153] : memref<16x4x256xf32, #tpu.memory_space<vmem_shared>> -> memref<1x4x256xf32, #tpu.memory_space<vmem_shared>>
        %dma_start3A_1155 = tpu.memref_squeeze %dma_start3A_1154 : memref<1x4x256xf32, #tpu.memory_space<vmem_shared>> -> memref<4x256xf32, #tpu.memory_space<vmem_shared>>
        %dma_start3A_1156 = arith.constant 0 : i32
        %dma_start3A_1157 = arith.constant 0 : i32
        %dma_start3A_1158 = tpu.memref_slice %arg12[%arg1, %dma_start3A_1156, %dma_start3A_1157] : memref<16x4x256xf32, #tpu.memory_space<vmem_shared>> -> memref<1x4x256xf32, #tpu.memory_space<vmem_shared>>
        %dma_start3A_1159 = tpu.memref_squeeze %dma_start3A_1158 : memref<1x4x256xf32, #tpu.memory_space<vmem_shared>> -> memref<4x256xf32, #tpu.memory_space<vmem_shared>>
        tpu.enqueue_dma source(%arg7 : memref<4x256xf32, #tpu.memory_space<vmem>>) target(%dma_start3A_1159 : memref<4x256xf32, #tpu.memory_space<vmem_shared>>) target_semaphore(%run_scoped3A : memref<!tpu.dma_semaphore, #tpu.memory_space<semaphore_mem>>)
        %dma_wait3A_1160 = arith.constant 0 : i32
        %dma_wait3A_1161 = arith.constant 0 : i32
        %dma_wait3A_1162 = tpu.memref_slice %arg12[%arg1, %dma_wait3A_1160, %dma_wait3A_1161] : memref<16x4x256xf32, #tpu.memory_space<vmem_shared>> -> memref<1x4x256xf32, #tpu.memory_space<vmem_shared>>
        %dma_wait3A_1163 = tpu.memref_squeeze %dma_wait3A_1162 : memref<1x4x256xf32, #tpu.memory_space<vmem_shared>> -> memref<4x256xf32, #tpu.memory_space<vmem_shared>>
        %dma_wait3A_1164 = arith.constant 0 : i32
        %dma_wait3A_1165 = arith.constant 0 : i32
        %dma_wait3A_1166 = tpu.memref_slice %arg12[%arg1, %dma_wait3A_1164, %dma_wait3A_1165] : memref<16x4x256xf32, #tpu.memory_space<vmem_shared>> -> memref<1x4x256xf32, #tpu.memory_space<vmem_shared>>
        %dma_wait3A_1167 = tpu.memref_squeeze %dma_wait3A_1166 : memref<1x4x256xf32, #tpu.memory_space<vmem_shared>> -> memref<4x256xf32, #tpu.memory_space<vmem_shared>>
        tpu.wait_dma2 semaphore(%run_scoped3A : memref<!tpu.dma_semaphore, #tpu.memory_space<semaphore_mem>>) src(%arg7 : memref<4x256xf32, #tpu.memory_space<vmem>>) dst(%dma_wait3A_1167 : memref<4x256xf32, #tpu.memory_space<vmem_shared>>)
        tpu.yield
      }) : () -> ()
      %barrier3A = arith.constant 0 : index
      tpu.barrier barrier_id(%barrier3A)
      %lt3A_662 = arith.constant 4 : i32
      %lt3A_663 = arith.cmpi slt, %arg1, %lt3A_662 : i32
      %convert_element_type3A = arith.extui %lt3A_663 : i1 to i32
      %cond3A = arith.constant 0 : i32
      %cond3A_664 = arith.cmpi ne, %convert_element_type3A, %cond3A : i32
      scf.if %cond3A_664 {
        "tpu.region"() ({
          %run_scoped3A = tpu.sem_alloc : memref<!tpu.dma_semaphore, #tpu.memory_space<semaphore_mem>>
          tpu.enqueue_dma source(%arg12 : memref<16x4x256xf32, #tpu.memory_space<vmem_shared>>) target(%arg9 : memref<16x4x256xf32, #tpu.memory_space<vmem>>) target_semaphore(%run_scoped3A : memref<!tpu.dma_semaphore, #tpu.memory_space<semaphore_mem>>)
          tpu.wait_dma2 semaphore(%run_scoped3A : memref<!tpu.dma_semaphore, #tpu.memory_space<semaphore_mem>>) src(%arg12 : memref<16x4x256xf32, #tpu.memory_space<vmem_shared>>) dst(%arg9 : memref<16x4x256xf32, #tpu.memory_space<vmem>>)
          tpu.yield
        }) : () -> ()
        %scan3A_1152 = arith.constant 0.000000e+00 : f32
        %scan3A_1153 = arith.constant -1 : i32
        %scan3A_1154 = arith.constant 0 : i32
        %scan3A_1155 = arith.constant 16 : i32
        %scan3A_1156 = arith.addi %scan3A_1154, %scan3A_1155 : i32
        %scan3A_1157 = arith.constant 1 : i32
        %scan3A_1158:2 = scf.for %scan3A_1191 = %scan3A_1154 to %scan3A_1156 step %scan3A_1157 iter_args(%scan3A_1192 = %scan3A_1152, %scan3A_1193 = %scan3A_1153) -> (f32, i32)  : i32 {
          %mul3A_1194 = arith.constant 16 : i32
          %mul3A_1195 = arith.muli %scan3A_1191, %mul3A_1194 : i32
          %get3A = arith.constant 0 : i32
          %get3A_1196 = arith.index_cast %get3A : i32 to index
          %get3A_1197 = arith.index_cast %arg1 : i32 to index
          %get3A_1198 = arith.index_cast %mul3A_1195 : i32 to index
          %get3A_1199 = tpu.vector_load %arg9[%get3A_1196, %get3A_1197, %get3A_1198] {strides = array<i32>} : memref<16x4x256xf32, #tpu.memory_space<vmem>>, vector<16xf32>,
          %mul3A_1200 = arith.constant 16 : i32
          %mul3A_1201 = arith.muli %scan3A_1191, %mul3A_1200 : i32
          %get3A_1202 = arith.constant 1 : i32
          %get3A_1203 = arith.index_cast %get3A_1202 : i32 to index
          %get3A_1204 = arith.index_cast %arg1 : i32 to index
          %get3A_1205 = arith.index_cast %mul3A_1201 : i32 to index
          %get3A_1206 = tpu.vector_load %arg9[%get3A_1203, %get3A_1204, %get3A_1205] {strides = array<i32>} : memref<16x4x256xf32, #tpu.memory_space<vmem>>, vector<16xf32>,
          %add3A_1207 = arith.addf %get3A_1199, %get3A_1206 : vector<16xf32>
          %mul3A_1208 = arith.constant 16 : i32
          %mul3A_1209 = arith.muli %scan3A_1191, %mul3A_1208 : i32
          %get3A_1210 = arith.constant 2 : i32
          %get3A_1211 = arith.index_cast %get3A_1210 : i32 to index
          %get3A_1212 = arith.index_cast %arg1 : i32 to index
          %get3A_1213 = arith.index_cast %mul3A_1209 : i32 to index
          %get3A_1214 = tpu.vector_load %arg9[%get3A_1211, %get3A_1212, %get3A_1213] {strides = array<i32>} : memref<16x4x256xf32, #tpu.memory_space<vmem>>, vector<16xf32>,
          %add3A_1215 = arith.addf %add3A_1207, %get3A_1214 : vector<16xf32>
          %mul3A_1216 = arith.constant 16 : i32
          %mul3A_1217 = arith.muli %scan3A_1191, %mul3A_1216 : i32
          %get3A_1218 = arith.constant 3 : i32
          %get3A_1219 = arith.index_cast %get3A_1218 : i32 to index
          %get3A_1220 = arith.index_cast %arg1 : i32 to index
          %get3A_1221 = arith.index_cast %mul3A_1217 : i32 to index
          %get3A_1222 = tpu.vector_load %arg9[%get3A_1219, %get3A_1220, %get3A_1221] {strides = array<i32>} : memref<16x4x256xf32, #tpu.memory_space<vmem>>, vector<16xf32>,
          %add3A_1223 = arith.addf %add3A_1215, %get3A_1222 : vector<16xf32>
          %mul3A_1224 = arith.constant 16 : i32
          %mul3A_1225 = arith.muli %scan3A_1191, %mul3A_1224 : i32
          %get3A_1226 = arith.constant 4 : i32
          %get3A_1227 = arith.index_cast %get3A_1226 : i32 to index
          %get3A_1228 = arith.index_cast %arg1 : i32 to index
          %get3A_1229 = arith.index_cast %mul3A_1225 : i32 to index
          %get3A_1230 = tpu.vector_load %arg9[%get3A_1227, %get3A_1228, %get3A_1229] {strides = array<i32>} : memref<16x4x256xf32, #tpu.memory_space<vmem>>, vector<16xf32>,
          %add3A_1231 = arith.addf %add3A_1223, %get3A_1230 : vector<16xf32>
          %mul3A_1232 = arith.constant 16 : i32
          %mul3A_1233 = arith.muli %scan3A_1191, %mul3A_1232 : i32
          %get3A_1234 = arith.constant 5 : i32
          %get3A_1235 = arith.index_cast %get3A_1234 : i32 to index
          %get3A_1236 = arith.index_cast %arg1 : i32 to index
          %get3A_1237 = arith.index_cast %mul3A_1233 : i32 to index
          %get3A_1238 = tpu.vector_load %arg9[%get3A_1235, %get3A_1236, %get3A_1237] {strides = array<i32>} : memref<16x4x256xf32, #tpu.memory_space<vmem>>, vector<16xf32>,
          %add3A_1239 = arith.addf %add3A_1231, %get3A_1238 : vector<16xf32>
          %mul3A_1240 = arith.constant 16 : i32
          %mul3A_1241 = arith.muli %scan3A_1191, %mul3A_1240 : i32
          %get3A_1242 = arith.constant 6 : i32
          %get3A_1243 = arith.index_cast %get3A_1242 : i32 to index
          %get3A_1244 = arith.index_cast %arg1 : i32 to index
          %get3A_1245 = arith.index_cast %mul3A_1241 : i32 to index
          %get3A_1246 = tpu.vector_load %arg9[%get3A_1243, %get3A_1244, %get3A_1245] {strides = array<i32>} : memref<16x4x256xf32, #tpu.memory_space<vmem>>, vector<16xf32>,
          %add3A_1247 = arith.addf %add3A_1239, %get3A_1246 : vector<16xf32>
          %mul3A_1248 = arith.constant 16 : i32
          %mul3A_1249 = arith.muli %scan3A_1191, %mul3A_1248 : i32
          %get3A_1250 = arith.constant 7 : i32
          %get3A_1251 = arith.index_cast %get3A_1250 : i32 to index
          %get3A_1252 = arith.index_cast %arg1 : i32 to index
          %get3A_1253 = arith.index_cast %mul3A_1249 : i32 to index
          %get3A_1254 = tpu.vector_load %arg9[%get3A_1251, %get3A_1252, %get3A_1253] {strides = array<i32>} : memref<16x4x256xf32, #tpu.memory_space<vmem>>, vector<16xf32>,
          %add3A_1255 = arith.addf %add3A_1247, %get3A_1254 : vector<16xf32>
          %mul3A_1256 = arith.constant 16 : i32
          %mul3A_1257 = arith.muli %scan3A_1191, %mul3A_1256 : i32
          %get3A_1258 = arith.constant 8 : i32
          %get3A_1259 = arith.index_cast %get3A_1258 : i32 to index
          %get3A_1260 = arith.index_cast %arg1 : i32 to index
          %get3A_1261 = arith.index_cast %mul3A_1257 : i32 to index
          %get3A_1262 = tpu.vector_load %arg9[%get3A_1259, %get3A_1260, %get3A_1261] {strides = array<i32>} : memref<16x4x256xf32, #tpu.memory_space<vmem>>, vector<16xf32>,
          %add3A_1263 = arith.addf %add3A_1255, %get3A_1262 : vector<16xf32>
          %mul3A_1264 = arith.constant 16 : i32
          %mul3A_1265 = arith.muli %scan3A_1191, %mul3A_1264 : i32
          %get3A_1266 = arith.constant 9 : i32
          %get3A_1267 = arith.index_cast %get3A_1266 : i32 to index
          %get3A_1268 = arith.index_cast %arg1 : i32 to index
          %get3A_1269 = arith.index_cast %mul3A_1265 : i32 to index
          %get3A_1270 = tpu.vector_load %arg9[%get3A_1267, %get3A_1268, %get3A_1269] {strides = array<i32>} : memref<16x4x256xf32, #tpu.memory_space<vmem>>, vector<16xf32>,
          %add3A_1271 = arith.addf %add3A_1263, %get3A_1270 : vector<16xf32>
          %mul3A_1272 = arith.constant 16 : i32
          %mul3A_1273 = arith.muli %scan3A_1191, %mul3A_1272 : i32
          %get3A_1274 = arith.constant 10 : i32
          %get3A_1275 = arith.index_cast %get3A_1274 : i32 to index
          %get3A_1276 = arith.index_cast %arg1 : i32 to index
          %get3A_1277 = arith.index_cast %mul3A_1273 : i32 to index
          %get3A_1278 = tpu.vector_load %arg9[%get3A_1275, %get3A_1276, %get3A_1277] {strides = array<i32>} : memref<16x4x256xf32, #tpu.memory_space<vmem>>, vector<16xf32>,
          %add3A_1279 = arith.addf %add3A_1271, %get3A_1278 : vector<16xf32>
          %mul3A_1280 = arith.constant 16 : i32
          %mul3A_1281 = arith.muli %scan3A_1191, %mul3A_1280 : i32
          %get3A_1282 = arith.constant 11 : i32
          %get3A_1283 = arith.index_cast %get3A_1282 : i32 to index
          %get3A_1284 = arith.index_cast %arg1 : i32 to index
          %get3A_1285 = arith.index_cast %mul3A_1281 : i32 to index
          %get3A_1286 = tpu.vector_load %arg9[%get3A_1283, %get3A_1284, %get3A_1285] {strides = array<i32>} : memref<16x4x256xf32, #tpu.memory_space<vmem>>, vector<16xf32>,
          %add3A_1287 = arith.addf %add3A_1279, %get3A_1286 : vector<16xf32>
          %mul3A_1288 = arith.constant 16 : i32
          %mul3A_1289 = arith.muli %scan3A_1191, %mul3A_1288 : i32
          %get3A_1290 = arith.constant 12 : i32
          %get3A_1291 = arith.index_cast %get3A_1290 : i32 to index
          %get3A_1292 = arith.index_cast %arg1 : i32 to index
          %get3A_1293 = arith.index_cast %mul3A_1289 : i32 to index
          %get3A_1294 = tpu.vector_load %arg9[%get3A_1291, %get3A_1292, %get3A_1293] {strides = array<i32>} : memref<16x4x256xf32, #tpu.memory_space<vmem>>, vector<16xf32>,
          %add3A_1295 = arith.addf %add3A_1287, %get3A_1294 : vector<16xf32>
          %mul3A_1296 = arith.constant 16 : i32
          %mul3A_1297 = arith.muli %scan3A_1191, %mul3A_1296 : i32
          %get3A_1298 = arith.constant 13 : i32
          %get3A_1299 = arith.index_cast %get3A_1298 : i32 to index
          %get3A_1300 = arith.index_cast %arg1 : i32 to index
          %get3A_1301 = arith.index_cast %mul3A_1297 : i32 to index
          %get3A_1302 = tpu.vector_load %arg9[%get3A_1299, %get3A_1300, %get3A_1301] {strides = array<i32>} : memref<16x4x256xf32, #tpu.memory_space<vmem>>, vector<16xf32>,
          %add3A_1303 = arith.addf %add3A_1295, %get3A_1302 : vector<16xf32>
          %mul3A_1304 = arith.constant 16 : i32
          %mul3A_1305 = arith.muli %scan3A_1191, %mul3A_1304 : i32
          %get3A_1306 = arith.constant 14 : i32
          %get3A_1307 = arith.index_cast %get3A_1306 : i32 to index
          %get3A_1308 = arith.index_cast %arg1 : i32 to index
          %get3A_1309 = arith.index_cast %mul3A_1305 : i32 to index
          %get3A_1310 = tpu.vector_load %arg9[%get3A_1307, %get3A_1308, %get3A_1309] {strides = array<i32>} : memref<16x4x256xf32, #tpu.memory_space<vmem>>, vector<16xf32>,
          %add3A_1311 = arith.addf %add3A_1303, %get3A_1310 : vector<16xf32>
          %mul3A_1312 = arith.constant 16 : i32
          %mul3A_1313 = arith.muli %scan3A_1191, %mul3A_1312 : i32
          %get3A_1314 = arith.constant 15 : i32
          %get3A_1315 = arith.index_cast %get3A_1314 : i32 to index
          %get3A_1316 = arith.index_cast %arg1 : i32 to index
          %get3A_1317 = arith.index_cast %mul3A_1313 : i32 to index
          %get3A_1318 = tpu.vector_load %arg9[%get3A_1315, %get3A_1316, %get3A_1317] {strides = array<i32>} : memref<16x4x256xf32, #tpu.memory_space<vmem>>, vector<16xf32>,
          %add3A_1319 = arith.addf %add3A_1311, %get3A_1318 : vector<16xf32>
          %mul3A_1320 = arith.constant 16 : i32
          %mul3A_1321 = arith.muli %scan3A_1191, %mul3A_1320 : i32
          %swap3A = arith.index_cast %mul3A_1321 : i32 to index
          %swap3A_1322 = tpu.vector_load %arg8[%swap3A] {strides = array<i32>} : memref<256xf32, #tpu.memory_space<vmem>>, vector<16xf32>,
          tpu.vector_store %arg8[%swap3A], %add3A_1319 {strides = array<i32>} : memref<256xf32, #tpu.memory_space<vmem>>, vector<16xf32>,
          %mul3A_1323 = arith.constant 16 : i32
          %mul3A_1324 = arith.muli %scan3A_1191, %mul3A_1323 : i32
          %add3A_1325 = vector.broadcast %mul3A_1324 : i32 to vector<16xi32>
          %add3A_1326 = arith.addi %iota3A, %add3A_1325 : vector<16xi32>
          %ne3A_1327 = arith.constant 0.000000e+00 : f32
          %ne3A_1328 = vector.broadcast %ne3A_1327 : f32 to vector<16xf32>
          %ne3A_1329 = arith.cmpf one, %add3A_1319, %ne3A_1328 : vector<16xf32>
          %mul3A_1330 = arith.constant 524288 : i32
          %mul3A_1331 = vector.broadcast %mul3A_1330 : i32 to vector<16xi32>
          %mul3A_1332 = arith.muli %add3A_1326, %mul3A_1331 : vector<16xi32>
          %convert_element_type3A_1333 = arith.fptosi %add3A_1319 : vector<16xf32> to vector<16xi32>
          %add3A_1334 = arith.addi %mul3A_1332, %convert_element_type3A_1333 : vector<16xi32>
          %jit3A_1335 = arith.constant -1 : i32
          %broadcast_in_dim3A_1336 = vector.broadcast %jit3A_1335 : i32 to vector<16xi32>
          %select_n3A_1337 = arith.select %ne3A_1329, %add3A_1334, %broadcast_in_dim3A_1336 : vector<16xi1>, vector<16xi32>
          %reduce_sum3A = arith.constant true
          %reduce_sum3A_1338 = vector.broadcast %reduce_sum3A : i1 to vector<16xi1>
          %reduce_sum3A_1339 = tpu.scan <sum>, %add3A_1319 masked %reduce_sum3A_1338 : vector<16xf32>, vector<16xi1> -> vector<16xf32>
          %reduce_sum3A_1340 = vector.extract %reduce_sum3A_1339[15] : f32 from vector<16xf32>
          %add3A_1341 = arith.addf %scan3A_1192, %reduce_sum3A_1340 : f32
          %reduce_max3A = arith.constant true
          %reduce_max3A_1342 = vector.broadcast %reduce_max3A : i1 to vector<16xi1>
          %reduce_max3A_1343 = arith.constant -2147483648 : i32
          %reduce_max3A_1344 = vector.broadcast %reduce_max3A_1343 : i32 to vector<16xi32>
          %reduce_max3A_1345 = arith.xori %select_n3A_1337, %reduce_max3A_1344 : vector<16xi32>
          %reduce_max3A_1346 = tpu.scan <max>, %reduce_max3A_1345 masked %reduce_max3A_1342 : vector<16xi32>, vector<16xi1> -> vector<16xi32>
          %reduce_max3A_1347 = arith.xori %reduce_max3A_1346, %reduce_max3A_1344 : vector<16xi32>
          %reduce_max3A_1348 = vector.extract %reduce_max3A_1347[15] : i32 from vector<16xi32>
          %max3A_1349 = arith.maxsi %scan3A_1193, %reduce_max3A_1348 : i32
          scf.yield %add3A_1341, %max3A_1349 : f32, i32
        }
        %scan3A_1159 = arith.constant 16 : i32
        %broadcast_in_dim3A_1160 = vector.broadcast %scan3A_1158#0 : f32 to vector<16xf32>
        %broadcast_in_dim3A_1161 = vector.broadcast %scan3A_1158#1 : i32 to vector<16xi32>
        %and3A_1162 = arith.constant 524287 : i32
        %and3A_1163 = vector.broadcast %and3A_1162 : i32 to vector<16xi32>
        %and3A_1164 = arith.andi %broadcast_in_dim3A_1161, %and3A_1163 : vector<16xi32>
        %convert_element_type3A_1165 = arith.sitofp %and3A_1164 : vector<16xi32> to vector<16xf32>
        %sub3A_1166 = arith.subf %broadcast_in_dim3A_1160, %convert_element_type3A_1165 : vector<16xf32>
        %div3A_1167 = arith.constant 2.550000e+02 : f32
        %div3A_1168 = vector.broadcast %div3A_1167 : f32 to vector<16xf32>
        %div3A_1169 = arith.divf %sub3A_1166, %div3A_1168 : vector<16xf32>
        %convert_element_type3A_1170 = arith.fptosi %div3A_1169 : vector<16xf32> to vector<16xi32>
        %convert_element_type3A_1171 = arith.sitofp %convert_element_type3A_1170 : vector<16xi32> to vector<16xf32>
        %mul3A_1172 = arith.constant 5.000000e-01 : f32
        %mul3A_1173 = vector.broadcast %mul3A_1172 : f32 to vector<16xf32>
        %mul3A_1174 = arith.mulf %convert_element_type3A_1171, %mul3A_1173 : vector<16xf32>
        %convert_element_type3A_1175 = arith.fptosi %mul3A_1174 : vector<16xf32> to vector<16xi32>
        %convert_element_type3A_1176 = arith.sitofp %convert_element_type3A_1175 : vector<16xi32> to vector<16xf32>
        %max3A = arith.constant 1.000000e+00 : f32
        %max3A_1177 = vector.broadcast %max3A : f32 to vector<16xf32>
        %max3A_1178 = arith.maximumf %convert_element_type3A_1171, %max3A_1177 : vector<16xf32>
        %eq3A_1179 = arith.constant 0.000000e+00 : f32
        %eq3A_1180 = vector.broadcast %eq3A_1179 : f32 to vector<16xf32>
        %eq3A_1181 = arith.cmpf oeq, %convert_element_type3A_1171, %eq3A_1180 : vector<16xf32>
        %scan3A_1182 = arith.constant 0.000000e+00 : f32
        %scan3A_1183 = arith.constant 0 : i32
        %scan3A_1184 = arith.constant 16 : i32
        %scan3A_1185 = arith.addi %scan3A_1183, %scan3A_1184 : i32
        %scan3A_1186 = arith.constant 1 : i32
        %scan3A_1187 = scf.for %scan3A_1191 = %scan3A_1183 to %scan3A_1185 step %scan3A_1186 iter_args(%scan3A_1192 = %scan3A_1182) -> (f32)  : i32 {
          %mul3A_1193 = arith.constant 16 : i32
          %mul3A_1194 = arith.muli %scan3A_1191, %mul3A_1193 : i32
          %get3A = arith.index_cast %mul3A_1194 : i32 to index
          %get3A_1195 = tpu.vector_load %arg8[%get3A] {strides = array<i32>} : memref<256xf32, #tpu.memory_space<vmem>>, vector<16xf32>,
          %broadcast_in_dim3A_1196 = arith.constant true
          %broadcast_in_dim3A_1197 = vector.broadcast %broadcast_in_dim3A_1196 : i1 to vector<16xi1>
          %masked_cumsum3A = tpu.scan <sum>, %get3A_1195 masked %broadcast_in_dim3A_1197 : vector<16xf32>, vector<16xi1> -> vector<16xf32>
          %add3A_1198 = vector.broadcast %scan3A_1192 : f32 to vector<16xf32>
          %add3A_1199 = arith.addf %masked_cumsum3A, %add3A_1198 : vector<16xf32>
          %sub3A_1200 = arith.subf %add3A_1199, %get3A_1195 : vector<16xf32>
          %add3A_1201 = arith.addf %sub3A_1200, %convert_element_type3A_1176 : vector<16xf32>
          %div3A_1202 = arith.divf %add3A_1201, %max3A_1178 : vector<16xf32>
          %convert_element_type3A_1203 = arith.fptosi %div3A_1202 : vector<16xf32> to vector<16xi32>
          %convert_element_type3A_1204 = arith.sitofp %convert_element_type3A_1203 : vector<16xi32> to vector<16xf32>
          %jit3A_1205 = arith.constant 0.000000e+00 : f32
          %jit3A_1206 = arith.constant 2.550000e+02 : f32
          %max3A_1207 = vector.broadcast %jit3A_1205 : f32 to vector<16xf32>
          %max3A_1208 = arith.maximumf %max3A_1207, %convert_element_type3A_1204 : vector<16xf32>
          %min3A = vector.broadcast %jit3A_1206 : f32 to vector<16xf32>
          %min3A_1209 = arith.minimumf %min3A, %max3A_1208 : vector<16xf32>
          %mul3A_1210 = arith.constant 16 : i32
          %mul3A_1211 = arith.muli %scan3A_1191, %mul3A_1210 : i32
          %add3A_1212 = vector.broadcast %mul3A_1211 : i32 to vector<16xi32>
          %add3A_1213 = arith.addi %iota3A, %add3A_1212 : vector<16xi32>
          %convert_element_type3A_1214 = arith.sitofp %add3A_1213 : vector<16xi32> to vector<16xf32>
          %select_n3A_1215 = arith.select %eq3A_1181, %convert_element_type3A_1214, %min3A_1209 : vector<16xi1>, vector<16xf32>
          %div3A_1216 = arith.constant 2.550000e+02 : f32
          %div3A_1217 = vector.broadcast %div3A_1216 : f32 to vector<16xf32>
          %div3A_1218 = arith.divf %select_n3A_1215, %div3A_1217 : vector<16xf32>
          %mul3A_1219 = arith.constant 16 : i32
          %mul3A_1220 = arith.muli %scan3A_1191, %mul3A_1219 : i32
          %swap3A = arith.index_cast %mul3A_1220 : i32 to index
          %swap3A_1221 = tpu.vector_load %arg10[%swap3A] {strides = array<i32>} : memref<256xf32, #tpu.memory_space<vmem>>, vector<16xf32>,
          tpu.vector_store %arg10[%swap3A], %div3A_1218 {strides = array<i32>} : memref<256xf32, #tpu.memory_space<vmem>>, vector<16xf32>,
          %reduce_sum3A = arith.constant true
          %reduce_sum3A_1222 = vector.broadcast %reduce_sum3A : i1 to vector<16xi1>
          %reduce_sum3A_1223 = tpu.scan <sum>, %get3A_1195 masked %reduce_sum3A_1222 : vector<16xf32>, vector<16xi1> -> vector<16xf32>
          %reduce_sum3A_1224 = vector.extract %reduce_sum3A_1223[15] : f32 from vector<16xf32>
          %add3A_1225 = arith.addf %scan3A_1192, %reduce_sum3A_1224 : f32
          scf.yield %add3A_1225 : f32
        }
        %scan3A_1188 = arith.constant 16 : i32
        %mul3A_1189 = arith.constant 256 : i32
        %mul3A_1190 = arith.muli %arg1, %mul3A_1189 : i32
        "tpu.region"() ({
          %run_scoped3A = tpu.sem_alloc : memref<!tpu.dma_semaphore, #tpu.memory_space<semaphore_mem>>
          %dma_start3A_1191 = tpu.memref_slice %arg13[%mul3A_1190] : memref<1024xf32, #tpu.memory_space<vmem_shared>> -> memref<256xf32, #tpu.memory_space<vmem_shared>>
          %dma_start3A_1192 = tpu.memref_slice %arg13[%mul3A_1190] : memref<1024xf32, #tpu.memory_space<vmem_shared>> -> memref<256xf32, #tpu.memory_space<vmem_shared>>
          tpu.enqueue_dma source(%arg10 : memref<256xf32, #tpu.memory_space<vmem>>) target(%dma_start3A_1192 : memref<256xf32, #tpu.memory_space<vmem_shared>>) target_semaphore(%run_scoped3A : memref<!tpu.dma_semaphore, #tpu.memory_space<semaphore_mem>>)
          %dma_wait3A_1193 = tpu.memref_slice %arg13[%mul3A_1190] : memref<1024xf32, #tpu.memory_space<vmem_shared>> -> memref<256xf32, #tpu.memory_space<vmem_shared>>
          %dma_wait3A_1194 = tpu.memref_slice %arg13[%mul3A_1190] : memref<1024xf32, #tpu.memory_space<vmem_shared>> -> memref<256xf32, #tpu.memory_space<vmem_shared>>
          tpu.wait_dma2 semaphore(%run_scoped3A : memref<!tpu.dma_semaphore, #tpu.memory_space<semaphore_mem>>) src(%arg10 : memref<256xf32, #tpu.memory_space<vmem>>) dst(%dma_wait3A_1194 : memref<256xf32, #tpu.memory_space<vmem_shared>>)
          tpu.yield
        }) : () -> ()
      } else {
      }
      %barrier3A_665 = arith.constant 0 : index
      tpu.barrier barrier_id(%barrier3A_665)
      "tpu.region"() ({
        %run_scoped3A = tpu.sem_alloc : memref<!tpu.dma_semaphore, #tpu.memory_space<semaphore_mem>>
        tpu.enqueue_dma source(%arg13 : memref<1024xf32, #tpu.memory_space<vmem_shared>>) target(%arg11 : memref<1024xf32, #tpu.memory_space<vmem>>) target_semaphore(%run_scoped3A : memref<!tpu.dma_semaphore, #tpu.memory_space<semaphore_mem>>)
        tpu.wait_dma2 semaphore(%run_scoped3A : memref<!tpu.dma_semaphore, #tpu.memory_space<semaphore_mem>>) src(%arg13 : memref<1024xf32, #tpu.memory_space<vmem_shared>>) dst(%arg11 : memref<1024xf32, #tpu.memory_space<vmem>>)
        tpu.yield
      }) : () -> ()
      %add3A_666 = arith.constant 0 : i32
      %add3A_667 = arith.addi %add3A_386, %add3A_666 : i32
      %jit3A_668 = arith.constant 3 : i32
      %div3A_669 = arith.divsi %add3A_667, %jit3A_668 : i32
      %sign3A_670 = arith.constant 0 : i32
      %sign3A_671 = arith.cmpi sgt, %add3A_667, %sign3A_670 : i32
      %sign3A_672 = arith.extui %sign3A_671 : i1 to i32
      %sign3A_673 = arith.constant 0 : i32
      %sign3A_674 = arith.cmpi slt, %add3A_667, %sign3A_673 : i32
      %sign3A_675 = arith.extui %sign3A_674 : i1 to i32
      %sign3A_676 = arith.subi %sign3A_672, %sign3A_675 : i32
      %sign3A_677 = arith.constant 0 : i32
      %sign3A_678 = arith.cmpi sgt, %jit3A_668, %sign3A_677 : i32
      %sign3A_679 = arith.extui %sign3A_678 : i1 to i32
      %sign3A_680 = arith.constant 0 : i32
      %sign3A_681 = arith.cmpi slt, %jit3A_668, %sign3A_680 : i32
      %sign3A_682 = arith.extui %sign3A_681 : i1 to i32
      %sign3A_683 = arith.subi %sign3A_679, %sign3A_682 : i32
      %ne3A_684 = arith.cmpi ne, %sign3A_676, %sign3A_683 : i32
      %rem3A_685 = arith.remsi %add3A_667, %jit3A_668 : i32
      %ne3A_686 = arith.constant 0 : i32
      %ne3A_687 = arith.cmpi ne, %rem3A_685, %ne3A_686 : i32
      %and3A_688 = arith.andi %ne3A_684, %ne3A_687 : i1
      %sub3A_689 = arith.constant 1 : i32
      %sub3A_690 = arith.subi %div3A_669, %sub3A_689 : i32
      %select_n3A_691 = arith.select %and3A_688, %sub3A_690, %div3A_669 : i32
      %jit3A_692 = arith.constant 3 : i32
      %eq3A_693 = arith.constant 0 : i32
      %eq3A_694 = arith.cmpi eq, %jit3A_692, %eq3A_693 : i32
      %jit3A_695 = arith.constant 1 : i32
      %select_n3A_696 = arith.select %eq3A_694, %jit3A_695, %jit3A_692 : i32
      %rem3A_697 = arith.remsi %add3A_667, %select_n3A_696 : i32
      %ne3A_698 = arith.constant 0 : i32
      %ne3A_699 = arith.cmpi ne, %rem3A_697, %ne3A_698 : i32
      %lt3A_700 = arith.constant 0 : i32
      %lt3A_701 = arith.cmpi slt, %rem3A_697, %lt3A_700 : i32
      %lt3A_702 = arith.constant 0 : i32
      %lt3A_703 = arith.cmpi slt, %select_n3A_696, %lt3A_702 : i32
      %ne3A_704 = arith.xori %lt3A_701, %lt3A_703 : i1
      %and3A_705 = arith.andi %ne3A_704, %ne3A_699 : i1
      %add3A_706 = arith.addi %rem3A_697, %select_n3A_696 : i32
      %select_n3A_707 = arith.select %and3A_705, %add3A_706, %rem3A_697 : i32
      %gt3A = arith.constant 0 : i32
      %gt3A_708 = arith.cmpi sgt, %scan3A_380, %gt3A : i32
      %convert_element_type3A_709 = arith.extui %gt3A_708 : i1 to i32
      %cond3A_710 = arith.constant 0 : i32
      %cond3A_711 = arith.cmpi ne, %convert_element_type3A_709, %cond3A_710 : i32
      scf.if %cond3A_711 {
        %dma_wait3A_1152 = arith.constant 0 : i32
        %dma_wait3A_1153 = arith.constant 0 : i32
        %dma_wait3A_1154 = arith.constant 0 : i32
        %dma_wait3A_1155 = arith.constant 0 : i32
        %dma_wait3A_1156 = tpu.memref_slice %arg5[%dma_wait3A_1152, %dma_wait3A_1154, %dma_wait3A_1155] : memref<2x32x512xf32, #tpu.memory_space<vmem>> -> memref<1x32x512xf32, #tpu.memory_space<vmem>>
        %dma_wait3A_1157 = tpu.memref_squeeze %dma_wait3A_1156 : memref<1x32x512xf32, #tpu.memory_space<vmem>> -> memref<32x512xf32, #tpu.memory_space<vmem>>
        %dma_wait3A_1158 = arith.constant 0 : i32
        %dma_wait3A_1159 = tpu.memref_slice %arg3[%select_n3A_691, %select_n3A_707, %mul3A_0, %dma_wait3A_1158] : memref<16x3x512x512xf32, #tpu.memory_space<hbm>> -> memref<1x1x32x512xf32, #tpu.memory_space<hbm>>
        %dma_wait3A_1160 = tpu.memref_squeeze %dma_wait3A_1159 : memref<1x1x32x512xf32, #tpu.memory_space<hbm>> -> memref<32x512xf32, #tpu.memory_space<hbm>>
        %dma_wait3A_1161 = tpu.memref_slice %arg15[%dma_wait3A_1153] : memref<2x!tpu.dma_semaphore, #tpu.memory_space<semaphore_mem>> -> memref<1x!tpu.dma_semaphore, #tpu.memory_space<semaphore_mem>>
        %dma_wait3A_1162 = tpu.memref_squeeze %dma_wait3A_1161 : memref<1x!tpu.dma_semaphore, #tpu.memory_space<semaphore_mem>> -> memref<!tpu.dma_semaphore, #tpu.memory_space<semaphore_mem>>
        %dma_wait3A_1163 = arith.constant 0 : i32
        %dma_wait3A_1164 = tpu.memref_slice %arg3[%select_n3A_691, %select_n3A_707, %mul3A_0, %dma_wait3A_1163] : memref<16x3x512x512xf32, #tpu.memory_space<hbm>> -> memref<1x1x32x512xf32, #tpu.memory_space<hbm>>
        %dma_wait3A_1165 = tpu.memref_squeeze %dma_wait3A_1164 : memref<1x1x32x512xf32, #tpu.memory_space<hbm>> -> memref<32x512xf32, #tpu.memory_space<hbm>>
        %dma_wait3A_1166 = arith.constant 0 : i32
        %dma_wait3A_1167 = arith.constant 0 : i32
        %dma_wait3A_1168 = tpu.memref_slice %arg5[%dma_wait3A_1152, %dma_wait3A_1166, %dma_wait3A_1167] : memref<2x32x512xf32, #tpu.memory_space<vmem>> -> memref<1x32x512xf32, #tpu.memory_space<vmem>>
        %dma_wait3A_1169 = tpu.memref_squeeze %dma_wait3A_1168 : memref<1x32x512xf32, #tpu.memory_space<vmem>> -> memref<32x512xf32, #tpu.memory_space<vmem>>
        tpu.wait_dma2 semaphore(%dma_wait3A_1162 : memref<!tpu.dma_semaphore, #tpu.memory_space<semaphore_mem>>) src(%dma_wait3A_1169 : memref<32x512xf32, #tpu.memory_space<vmem>>) dst(%dma_wait3A_1165 : memref<32x512xf32, #tpu.memory_space<hbm>>)
      } else {
      }
      %parallel_loop3A_712 = arith.constant 0 : i32
      %parallel_loop3A_713 = arith.constant 1024 : i32
      %parallel_loop3A_714 = arith.constant 1 : i32
      scf.for %parallel_loop3A_1152 = %parallel_loop3A_712 to %parallel_loop3A_713 step %parallel_loop3A_714  : i32 {
        %parallel_loop3A_1153 = arith.constant 5 : i32
        %parallel_loop3A_1154 = arith.shrsi %parallel_loop3A_1152, %parallel_loop3A_1153 : i32
        %parallel_loop3A_1155 = arith.constant 31 : i32
        %parallel_loop3A_1156 = arith.andi %parallel_loop3A_1152, %parallel_loop3A_1155 : i32
        %parallel_loop3A_1157 = arith.constant 16 : i32
        %parallel_loop3A_1158 = arith.muli %parallel_loop3A_1156, %parallel_loop3A_1157 : i32
        %parallel_loop3A_1159 = arith.constant 0 : i32
        %parallel_loop3A_1160 = arith.index_cast %parallel_loop3A_1159 : i32 to index
        %parallel_loop3A_1161 = arith.index_cast %parallel_loop3A_1154 : i32 to index
        %parallel_loop3A_1162 = arith.index_cast %parallel_loop3A_1158 : i32 to index
        %parallel_loop3A_1163 = tpu.vector_load %arg4[%parallel_loop3A_1160, %parallel_loop3A_1161, %parallel_loop3A_1162] {strides = array<i32>} : memref<4x32x512xf32, #tpu.memory_space<vmem>>, vector<16xf32>,
        %parallel_loop3A_1164 = arith.constant 2.550000e+02 : f32
        %parallel_loop3A_1165 = vector.broadcast %parallel_loop3A_1164 : f32 to vector<16xf32>
        %parallel_loop3A_1166 = arith.mulf %parallel_loop3A_1163, %parallel_loop3A_1165 : vector<16xf32>
        %parallel_loop3A_1167 = arith.fptosi %parallel_loop3A_1166 : vector<16xf32> to vector<16xi32>
        %parallel_loop3A_1168 = arith.constant 0 : i32
        %parallel_loop3A_1169 = vector.broadcast %parallel_loop3A_1168 : i32 to vector<16xi32>
        %parallel_loop3A_1170 = arith.addi %parallel_loop3A_1167, %parallel_loop3A_1169 : vector<16xi32>
        %parallel_loop3A_1171 = tpu.vector_load_idx %arg11[%parallel_loop3A_1170] : memref<1024xf32, #tpu.memory_space<vmem>>[vector<16xi32>], vector<16xf32>,
        %parallel_loop3A_1172 = arith.constant 16 : i32
        %parallel_loop3A_1173 = arith.muli %parallel_loop3A_1156, %parallel_loop3A_1172 : i32
        %parallel_loop3A_1174 = arith.constant 0 : i32
        %parallel_loop3A_1175 = arith.index_cast %parallel_loop3A_1174 : i32 to index
        %parallel_loop3A_1176 = arith.index_cast %parallel_loop3A_1154 : i32 to index
        %parallel_loop3A_1177 = arith.index_cast %parallel_loop3A_1173 : i32 to index
        %parallel_loop3A_1178 = tpu.vector_load %arg5[%parallel_loop3A_1175, %parallel_loop3A_1176, %parallel_loop3A_1177] {strides = array<i32>} : memref<2x32x512xf32, #tpu.memory_space<vmem>>, vector<16xf32>,
        tpu.vector_store %arg5[%parallel_loop3A_1175, %parallel_loop3A_1176, %parallel_loop3A_1177], %parallel_loop3A_1171 {strides = array<i32>} : memref<2x32x512xf32, #tpu.memory_space<vmem>>, vector<16xf32>,
      } {sc.loop_unroll_factor = 8 : i64, sc.parallel_access}
      %dma_start3A_715 = arith.constant 0 : i32
      %dma_start3A_716 = arith.constant 0 : i32
      %dma_start3A_717 = arith.constant 0 : i32
      %dma_start3A_718 = arith.constant 0 : i32
      %dma_start3A_719 = tpu.memref_slice %arg5[%dma_start3A_715, %dma_start3A_717, %dma_start3A_718] : memref<2x32x512xf32, #tpu.memory_space<vmem>> -> memref<1x32x512xf32, #tpu.memory_space<vmem>>
      %dma_start3A_720 = tpu.memref_squeeze %dma_start3A_719 : memref<1x32x512xf32, #tpu.memory_space<vmem>> -> memref<32x512xf32, #tpu.memory_space<vmem>>
      %dma_start3A_721 = arith.constant 0 : i32
      %dma_start3A_722 = tpu.memref_slice %arg3[%select_n3A_691, %select_n3A_707, %mul3A_0, %dma_start3A_721] : memref<16x3x512x512xf32, #tpu.memory_space<hbm>> -> memref<1x1x32x512xf32, #tpu.memory_space<hbm>>
      %dma_start3A_723 = tpu.memref_squeeze %dma_start3A_722 : memref<1x1x32x512xf32, #tpu.memory_space<hbm>> -> memref<32x512xf32, #tpu.memory_space<hbm>>
      %dma_start3A_724 = tpu.memref_slice %arg15[%dma_start3A_716] : memref<2x!tpu.dma_semaphore, #tpu.memory_space<semaphore_mem>> -> memref<1x!tpu.dma_semaphore, #tpu.memory_space<semaphore_mem>>
      %dma_start3A_725 = tpu.memref_squeeze %dma_start3A_724 : memref<1x!tpu.dma_semaphore, #tpu.memory_space<semaphore_mem>> -> memref<!tpu.dma_semaphore, #tpu.memory_space<semaphore_mem>>
      %dma_start3A_726 = arith.constant 0 : i32
      %dma_start3A_727 = tpu.memref_slice %arg3[%select_n3A_691, %select_n3A_707, %mul3A_0, %dma_start3A_726] : memref<16x3x512x512xf32, #tpu.memory_space<hbm>> -> memref<1x1x32x512xf32, #tpu.memory_space<hbm>>
      %dma_start3A_728 = tpu.memref_squeeze %dma_start3A_727 : memref<1x1x32x512xf32, #tpu.memory_space<hbm>> -> memref<32x512xf32, #tpu.memory_space<hbm>>
      %dma_start3A_729 = arith.constant 0 : i32
      %dma_start3A_730 = arith.constant 0 : i32
      %dma_start3A_731 = tpu.memref_slice %arg5[%dma_start3A_715, %dma_start3A_729, %dma_start3A_730] : memref<2x32x512xf32, #tpu.memory_space<vmem>> -> memref<1x32x512xf32, #tpu.memory_space<vmem>>
      %dma_start3A_732 = tpu.memref_squeeze %dma_start3A_731 : memref<1x32x512xf32, #tpu.memory_space<vmem>> -> memref<32x512xf32, #tpu.memory_space<vmem>>
      tpu.enqueue_dma source(%dma_start3A_732 : memref<32x512xf32, #tpu.memory_space<vmem>>) target(%dma_start3A_728 : memref<32x512xf32, #tpu.memory_space<hbm>>) target_semaphore(%dma_start3A_725 : memref<!tpu.dma_semaphore, #tpu.memory_space<semaphore_mem>>)
      %add3A_733 = arith.constant 4 : i32
      %add3A_734 = arith.addi %add3A_667, %add3A_733 : i32
      %jit3A_735 = arith.constant 3 : i32
      %div3A_736 = arith.divsi %add3A_734, %jit3A_735 : i32
      %sign3A_737 = arith.constant 0 : i32
      %sign3A_738 = arith.cmpi sgt, %add3A_734, %sign3A_737 : i32
      %sign3A_739 = arith.extui %sign3A_738 : i1 to i32
      %sign3A_740 = arith.constant 0 : i32
      %sign3A_741 = arith.cmpi slt, %add3A_734, %sign3A_740 : i32
      %sign3A_742 = arith.extui %sign3A_741 : i1 to i32
      %sign3A_743 = arith.subi %sign3A_739, %sign3A_742 : i32
      %sign3A_744 = arith.constant 0 : i32
      %sign3A_745 = arith.cmpi sgt, %jit3A_735, %sign3A_744 : i32
      %sign3A_746 = arith.extui %sign3A_745 : i1 to i32
      %sign3A_747 = arith.constant 0 : i32
      %sign3A_748 = arith.cmpi slt, %jit3A_735, %sign3A_747 : i32
      %sign3A_749 = arith.extui %sign3A_748 : i1 to i32
      %sign3A_750 = arith.subi %sign3A_746, %sign3A_749 : i32
      %ne3A_751 = arith.cmpi ne, %sign3A_743, %sign3A_750 : i32
      %rem3A_752 = arith.remsi %add3A_734, %jit3A_735 : i32
      %ne3A_753 = arith.constant 0 : i32
      %ne3A_754 = arith.cmpi ne, %rem3A_752, %ne3A_753 : i32
      %and3A_755 = arith.andi %ne3A_751, %ne3A_754 : i1
      %sub3A_756 = arith.constant 1 : i32
      %sub3A_757 = arith.subi %div3A_736, %sub3A_756 : i32
      %select_n3A_758 = arith.select %and3A_755, %sub3A_757, %div3A_736 : i32
      %jit3A_759 = arith.constant 3 : i32
      %eq3A_760 = arith.constant 0 : i32
      %eq3A_761 = arith.cmpi eq, %jit3A_759, %eq3A_760 : i32
      %jit3A_762 = arith.constant 1 : i32
      %select_n3A_763 = arith.select %eq3A_761, %jit3A_762, %jit3A_759 : i32
      %rem3A_764 = arith.remsi %add3A_734, %select_n3A_763 : i32
      %ne3A_765 = arith.constant 0 : i32
      %ne3A_766 = arith.cmpi ne, %rem3A_764, %ne3A_765 : i32
      %lt3A_767 = arith.constant 0 : i32
      %lt3A_768 = arith.cmpi slt, %rem3A_764, %lt3A_767 : i32
      %lt3A_769 = arith.constant 0 : i32
      %lt3A_770 = arith.cmpi slt, %select_n3A_763, %lt3A_769 : i32
      %ne3A_771 = arith.xori %lt3A_768, %lt3A_770 : i1
      %and3A_772 = arith.andi %ne3A_771, %ne3A_766 : i1
      %add3A_773 = arith.addi %rem3A_764, %select_n3A_763 : i32
      %select_n3A_774 = arith.select %and3A_772, %add3A_773, %rem3A_764 : i32
      %lt3A_775 = arith.constant 5 : i32
      %lt3A_776 = arith.cmpi slt, %scan3A_380, %lt3A_775 : i32
      %convert_element_type3A_777 = arith.extui %lt3A_776 : i1 to i32
      %cond3A_778 = arith.constant 0 : i32
      %cond3A_779 = arith.cmpi ne, %convert_element_type3A_777, %cond3A_778 : i32
      scf.if %cond3A_779 {
        %dma_start3A_1152 = arith.constant 0 : i32
        %dma_start3A_1153 = arith.constant 0 : i32
        %dma_start3A_1154 = arith.constant 0 : i32
        %dma_start3A_1155 = arith.constant 0 : i32
        %dma_start3A_1156 = tpu.memref_slice %arg4[%dma_start3A_1152, %dma_start3A_1154, %dma_start3A_1155] : memref<4x32x512xf32, #tpu.memory_space<vmem>> -> memref<1x32x512xf32, #tpu.memory_space<vmem>>
        %dma_start3A_1157 = tpu.memref_squeeze %dma_start3A_1156 : memref<1x32x512xf32, #tpu.memory_space<vmem>> -> memref<32x512xf32, #tpu.memory_space<vmem>>
        %dma_start3A_1158 = arith.constant 0 : i32
        %dma_start3A_1159 = tpu.memref_slice %arg2[%select_n3A_758, %select_n3A_774, %mul3A_0, %dma_start3A_1158] : memref<16x3x512x512xf32, #tpu.memory_space<hbm>> -> memref<1x1x32x512xf32, #tpu.memory_space<hbm>>
        %dma_start3A_1160 = tpu.memref_squeeze %dma_start3A_1159 : memref<1x1x32x512xf32, #tpu.memory_space<hbm>> -> memref<32x512xf32, #tpu.memory_space<hbm>>
        %dma_start3A_1161 = tpu.memref_slice %arg14[%dma_start3A_1153] : memref<4x!tpu.dma_semaphore, #tpu.memory_space<semaphore_mem>> -> memref<1x!tpu.dma_semaphore, #tpu.memory_space<semaphore_mem>>
        %dma_start3A_1162 = tpu.memref_squeeze %dma_start3A_1161 : memref<1x!tpu.dma_semaphore, #tpu.memory_space<semaphore_mem>> -> memref<!tpu.dma_semaphore, #tpu.memory_space<semaphore_mem>>
        %dma_start3A_1163 = arith.constant 0 : i32
        %dma_start3A_1164 = arith.constant 0 : i32
        %dma_start3A_1165 = tpu.memref_slice %arg4[%dma_start3A_1152, %dma_start3A_1163, %dma_start3A_1164] : memref<4x32x512xf32, #tpu.memory_space<vmem>> -> memref<1x32x512xf32, #tpu.memory_space<vmem>>
        %dma_start3A_1166 = tpu.memref_squeeze %dma_start3A_1165 : memref<1x32x512xf32, #tpu.memory_space<vmem>> -> memref<32x512xf32, #tpu.memory_space<vmem>>
        %dma_start3A_1167 = arith.constant 0 : i32
        %dma_start3A_1168 = tpu.memref_slice %arg2[%select_n3A_758, %select_n3A_774, %mul3A_0, %dma_start3A_1167] : memref<16x3x512x512xf32, #tpu.memory_space<hbm>> -> memref<1x1x32x512xf32, #tpu.memory_space<hbm>>
        %dma_start3A_1169 = tpu.memref_squeeze %dma_start3A_1168 : memref<1x1x32x512xf32, #tpu.memory_space<hbm>> -> memref<32x512xf32, #tpu.memory_space<hbm>>
        tpu.enqueue_dma source(%dma_start3A_1169 : memref<32x512xf32, #tpu.memory_space<hbm>>) target(%dma_start3A_1166 : memref<32x512xf32, #tpu.memory_space<vmem>>) target_semaphore(%dma_start3A_1162 : memref<!tpu.dma_semaphore, #tpu.memory_space<semaphore_mem>>)
      } else {
      }
      %add3A_780 = arith.constant 1 : i32
      %add3A_781 = arith.addi %add3A_386, %add3A_780 : i32
      %jit3A_782 = arith.constant 3 : i32
      %div3A_783 = arith.divsi %add3A_781, %jit3A_782 : i32
      %sign3A_784 = arith.constant 0 : i32
      %sign3A_785 = arith.cmpi sgt, %add3A_781, %sign3A_784 : i32
      %sign3A_786 = arith.extui %sign3A_785 : i1 to i32
      %sign3A_787 = arith.constant 0 : i32
      %sign3A_788 = arith.cmpi slt, %add3A_781, %sign3A_787 : i32
      %sign3A_789 = arith.extui %sign3A_788 : i1 to i32
      %sign3A_790 = arith.subi %sign3A_786, %sign3A_789 : i32
      %sign3A_791 = arith.constant 0 : i32
      %sign3A_792 = arith.cmpi sgt, %jit3A_782, %sign3A_791 : i32
      %sign3A_793 = arith.extui %sign3A_792 : i1 to i32
      %sign3A_794 = arith.constant 0 : i32
      %sign3A_795 = arith.cmpi slt, %jit3A_782, %sign3A_794 : i32
      %sign3A_796 = arith.extui %sign3A_795 : i1 to i32
      %sign3A_797 = arith.subi %sign3A_793, %sign3A_796 : i32
      %ne3A_798 = arith.cmpi ne, %sign3A_790, %sign3A_797 : i32
      %rem3A_799 = arith.remsi %add3A_781, %jit3A_782 : i32
      %ne3A_800 = arith.constant 0 : i32
      %ne3A_801 = arith.cmpi ne, %rem3A_799, %ne3A_800 : i32
      %and3A_802 = arith.andi %ne3A_798, %ne3A_801 : i1
      %sub3A_803 = arith.constant 1 : i32
      %sub3A_804 = arith.subi %div3A_783, %sub3A_803 : i32
      %select_n3A_805 = arith.select %and3A_802, %sub3A_804, %div3A_783 : i32
      %jit3A_806 = arith.constant 3 : i32
      %eq3A_807 = arith.constant 0 : i32
      %eq3A_808 = arith.cmpi eq, %jit3A_806, %eq3A_807 : i32
      %jit3A_809 = arith.constant 1 : i32
      %select_n3A_810 = arith.select %eq3A_808, %jit3A_809, %jit3A_806 : i32
      %rem3A_811 = arith.remsi %add3A_781, %select_n3A_810 : i32
      %ne3A_812 = arith.constant 0 : i32
      %ne3A_813 = arith.cmpi ne, %rem3A_811, %ne3A_812 : i32
      %lt3A_814 = arith.constant 0 : i32
      %lt3A_815 = arith.cmpi slt, %rem3A_811, %lt3A_814 : i32
      %lt3A_816 = arith.constant 0 : i32
      %lt3A_817 = arith.cmpi slt, %select_n3A_810, %lt3A_816 : i32
      %ne3A_818 = arith.xori %lt3A_815, %lt3A_817 : i1
      %and3A_819 = arith.andi %ne3A_818, %ne3A_813 : i1
      %add3A_820 = arith.addi %rem3A_811, %select_n3A_810 : i32
      %select_n3A_821 = arith.select %and3A_819, %add3A_820, %rem3A_811 : i32
      %gt3A_822 = arith.constant 0 : i32
      %gt3A_823 = arith.cmpi sgt, %scan3A_380, %gt3A_822 : i32
      %convert_element_type3A_824 = arith.extui %gt3A_823 : i1 to i32
      %cond3A_825 = arith.constant 0 : i32
      %cond3A_826 = arith.cmpi ne, %convert_element_type3A_824, %cond3A_825 : i32
      scf.if %cond3A_826 {
        %dma_wait3A_1152 = arith.constant 1 : i32
        %dma_wait3A_1153 = arith.constant 1 : i32
        %dma_wait3A_1154 = arith.constant 0 : i32
        %dma_wait3A_1155 = arith.constant 0 : i32
        %dma_wait3A_1156 = tpu.memref_slice %arg5[%dma_wait3A_1152, %dma_wait3A_1154, %dma_wait3A_1155] : memref<2x32x512xf32, #tpu.memory_space<vmem>> -> memref<1x32x512xf32, #tpu.memory_space<vmem>>
        %dma_wait3A_1157 = tpu.memref_squeeze %dma_wait3A_1156 : memref<1x32x512xf32, #tpu.memory_space<vmem>> -> memref<32x512xf32, #tpu.memory_space<vmem>>
        %dma_wait3A_1158 = arith.constant 0 : i32
        %dma_wait3A_1159 = tpu.memref_slice %arg3[%select_n3A_805, %select_n3A_821, %mul3A_0, %dma_wait3A_1158] : memref<16x3x512x512xf32, #tpu.memory_space<hbm>> -> memref<1x1x32x512xf32, #tpu.memory_space<hbm>>
        %dma_wait3A_1160 = tpu.memref_squeeze %dma_wait3A_1159 : memref<1x1x32x512xf32, #tpu.memory_space<hbm>> -> memref<32x512xf32, #tpu.memory_space<hbm>>
        %dma_wait3A_1161 = tpu.memref_slice %arg15[%dma_wait3A_1153] : memref<2x!tpu.dma_semaphore, #tpu.memory_space<semaphore_mem>> -> memref<1x!tpu.dma_semaphore, #tpu.memory_space<semaphore_mem>>
        %dma_wait3A_1162 = tpu.memref_squeeze %dma_wait3A_1161 : memref<1x!tpu.dma_semaphore, #tpu.memory_space<semaphore_mem>> -> memref<!tpu.dma_semaphore, #tpu.memory_space<semaphore_mem>>
        %dma_wait3A_1163 = arith.constant 0 : i32
        %dma_wait3A_1164 = tpu.memref_slice %arg3[%select_n3A_805, %select_n3A_821, %mul3A_0, %dma_wait3A_1163] : memref<16x3x512x512xf32, #tpu.memory_space<hbm>> -> memref<1x1x32x512xf32, #tpu.memory_space<hbm>>
        %dma_wait3A_1165 = tpu.memref_squeeze %dma_wait3A_1164 : memref<1x1x32x512xf32, #tpu.memory_space<hbm>> -> memref<32x512xf32, #tpu.memory_space<hbm>>
        %dma_wait3A_1166 = arith.constant 0 : i32
        %dma_wait3A_1167 = arith.constant 0 : i32
        %dma_wait3A_1168 = tpu.memref_slice %arg5[%dma_wait3A_1152, %dma_wait3A_1166, %dma_wait3A_1167] : memref<2x32x512xf32, #tpu.memory_space<vmem>> -> memref<1x32x512xf32, #tpu.memory_space<vmem>>
        %dma_wait3A_1169 = tpu.memref_squeeze %dma_wait3A_1168 : memref<1x32x512xf32, #tpu.memory_space<vmem>> -> memref<32x512xf32, #tpu.memory_space<vmem>>
        tpu.wait_dma2 semaphore(%dma_wait3A_1162 : memref<!tpu.dma_semaphore, #tpu.memory_space<semaphore_mem>>) src(%dma_wait3A_1169 : memref<32x512xf32, #tpu.memory_space<vmem>>) dst(%dma_wait3A_1165 : memref<32x512xf32, #tpu.memory_space<hbm>>)
      } else {
      }
      %parallel_loop3A_827 = arith.constant 0 : i32
      %parallel_loop3A_828 = arith.constant 1024 : i32
      %parallel_loop3A_829 = arith.constant 1 : i32
      scf.for %parallel_loop3A_1152 = %parallel_loop3A_827 to %parallel_loop3A_828 step %parallel_loop3A_829  : i32 {
        %parallel_loop3A_1153 = arith.constant 5 : i32
        %parallel_loop3A_1154 = arith.shrsi %parallel_loop3A_1152, %parallel_loop3A_1153 : i32
        %parallel_loop3A_1155 = arith.constant 31 : i32
        %parallel_loop3A_1156 = arith.andi %parallel_loop3A_1152, %parallel_loop3A_1155 : i32
        %parallel_loop3A_1157 = arith.constant 16 : i32
        %parallel_loop3A_1158 = arith.muli %parallel_loop3A_1156, %parallel_loop3A_1157 : i32
        %parallel_loop3A_1159 = arith.constant 1 : i32
        %parallel_loop3A_1160 = arith.index_cast %parallel_loop3A_1159 : i32 to index
        %parallel_loop3A_1161 = arith.index_cast %parallel_loop3A_1154 : i32 to index
        %parallel_loop3A_1162 = arith.index_cast %parallel_loop3A_1158 : i32 to index
        %parallel_loop3A_1163 = tpu.vector_load %arg4[%parallel_loop3A_1160, %parallel_loop3A_1161, %parallel_loop3A_1162] {strides = array<i32>} : memref<4x32x512xf32, #tpu.memory_space<vmem>>, vector<16xf32>,
        %parallel_loop3A_1164 = arith.constant 2.550000e+02 : f32
        %parallel_loop3A_1165 = vector.broadcast %parallel_loop3A_1164 : f32 to vector<16xf32>
        %parallel_loop3A_1166 = arith.mulf %parallel_loop3A_1163, %parallel_loop3A_1165 : vector<16xf32>
        %parallel_loop3A_1167 = arith.fptosi %parallel_loop3A_1166 : vector<16xf32> to vector<16xi32>
        %parallel_loop3A_1168 = arith.constant 256 : i32
        %parallel_loop3A_1169 = vector.broadcast %parallel_loop3A_1168 : i32 to vector<16xi32>
        %parallel_loop3A_1170 = arith.addi %parallel_loop3A_1167, %parallel_loop3A_1169 : vector<16xi32>
        %parallel_loop3A_1171 = tpu.vector_load_idx %arg11[%parallel_loop3A_1170] : memref<1024xf32, #tpu.memory_space<vmem>>[vector<16xi32>], vector<16xf32>,
        %parallel_loop3A_1172 = arith.constant 16 : i32
        %parallel_loop3A_1173 = arith.muli %parallel_loop3A_1156, %parallel_loop3A_1172 : i32
        %parallel_loop3A_1174 = arith.constant 1 : i32
        %parallel_loop3A_1175 = arith.index_cast %parallel_loop3A_1174 : i32 to index
        %parallel_loop3A_1176 = arith.index_cast %parallel_loop3A_1154 : i32 to index
        %parallel_loop3A_1177 = arith.index_cast %parallel_loop3A_1173 : i32 to index
        %parallel_loop3A_1178 = tpu.vector_load %arg5[%parallel_loop3A_1175, %parallel_loop3A_1176, %parallel_loop3A_1177] {strides = array<i32>} : memref<2x32x512xf32, #tpu.memory_space<vmem>>, vector<16xf32>,
        tpu.vector_store %arg5[%parallel_loop3A_1175, %parallel_loop3A_1176, %parallel_loop3A_1177], %parallel_loop3A_1171 {strides = array<i32>} : memref<2x32x512xf32, #tpu.memory_space<vmem>>, vector<16xf32>,
      } {sc.loop_unroll_factor = 8 : i64, sc.parallel_access}
      %dma_start3A_830 = arith.constant 1 : i32
      %dma_start3A_831 = arith.constant 1 : i32
      %dma_start3A_832 = arith.constant 0 : i32
      %dma_start3A_833 = arith.constant 0 : i32
      %dma_start3A_834 = tpu.memref_slice %arg5[%dma_start3A_830, %dma_start3A_832, %dma_start3A_833] : memref<2x32x512xf32, #tpu.memory_space<vmem>> -> memref<1x32x512xf32, #tpu.memory_space<vmem>>
      %dma_start3A_835 = tpu.memref_squeeze %dma_start3A_834 : memref<1x32x512xf32, #tpu.memory_space<vmem>> -> memref<32x512xf32, #tpu.memory_space<vmem>>
      %dma_start3A_836 = arith.constant 0 : i32
      %dma_start3A_837 = tpu.memref_slice %arg3[%select_n3A_805, %select_n3A_821, %mul3A_0, %dma_start3A_836] : memref<16x3x512x512xf32, #tpu.memory_space<hbm>> -> memref<1x1x32x512xf32, #tpu.memory_space<hbm>>
      %dma_start3A_838 = tpu.memref_squeeze %dma_start3A_837 : memref<1x1x32x512xf32, #tpu.memory_space<hbm>> -> memref<32x512xf32, #tpu.memory_space<hbm>>
      %dma_start3A_839 = tpu.memref_slice %arg15[%dma_start3A_831] : memref<2x!tpu.dma_semaphore, #tpu.memory_space<semaphore_mem>> -> memref<1x!tpu.dma_semaphore, #tpu.memory_space<semaphore_mem>>
      %dma_start3A_840 = tpu.memref_squeeze %dma_start3A_839 : memref<1x!tpu.dma_semaphore, #tpu.memory_space<semaphore_mem>> -> memref<!tpu.dma_semaphore, #tpu.memory_space<semaphore_mem>>
      %dma_start3A_841 = arith.constant 0 : i32
      %dma_start3A_842 = tpu.memref_slice %arg3[%select_n3A_805, %select_n3A_821, %mul3A_0, %dma_start3A_841] : memref<16x3x512x512xf32, #tpu.memory_space<hbm>> -> memref<1x1x32x512xf32, #tpu.memory_space<hbm>>
      %dma_start3A_843 = tpu.memref_squeeze %dma_start3A_842 : memref<1x1x32x512xf32, #tpu.memory_space<hbm>> -> memref<32x512xf32, #tpu.memory_space<hbm>>
      %dma_start3A_844 = arith.constant 0 : i32
      %dma_start3A_845 = arith.constant 0 : i32
      %dma_start3A_846 = tpu.memref_slice %arg5[%dma_start3A_830, %dma_start3A_844, %dma_start3A_845] : memref<2x32x512xf32, #tpu.memory_space<vmem>> -> memref<1x32x512xf32, #tpu.memory_space<vmem>>
      %dma_start3A_847 = tpu.memref_squeeze %dma_start3A_846 : memref<1x32x512xf32, #tpu.memory_space<vmem>> -> memref<32x512xf32, #tpu.memory_space<vmem>>
      tpu.enqueue_dma source(%dma_start3A_847 : memref<32x512xf32, #tpu.memory_space<vmem>>) target(%dma_start3A_843 : memref<32x512xf32, #tpu.memory_space<hbm>>) target_semaphore(%dma_start3A_840 : memref<!tpu.dma_semaphore, #tpu.memory_space<semaphore_mem>>)
      %add3A_848 = arith.constant 4 : i32
      %add3A_849 = arith.addi %add3A_781, %add3A_848 : i32
      %jit3A_850 = arith.constant 3 : i32
      %div3A_851 = arith.divsi %add3A_849, %jit3A_850 : i32
      %sign3A_852 = arith.constant 0 : i32
      %sign3A_853 = arith.cmpi sgt, %add3A_849, %sign3A_852 : i32
      %sign3A_854 = arith.extui %sign3A_853 : i1 to i32
      %sign3A_855 = arith.constant 0 : i32
      %sign3A_856 = arith.cmpi slt, %add3A_849, %sign3A_855 : i32
      %sign3A_857 = arith.extui %sign3A_856 : i1 to i32
      %sign3A_858 = arith.subi %sign3A_854, %sign3A_857 : i32
      %sign3A_859 = arith.constant 0 : i32
      %sign3A_860 = arith.cmpi sgt, %jit3A_850, %sign3A_859 : i32
      %sign3A_861 = arith.extui %sign3A_860 : i1 to i32
      %sign3A_862 = arith.constant 0 : i32
      %sign3A_863 = arith.cmpi slt, %jit3A_850, %sign3A_862 : i32
      %sign3A_864 = arith.extui %sign3A_863 : i1 to i32
      %sign3A_865 = arith.subi %sign3A_861, %sign3A_864 : i32
      %ne3A_866 = arith.cmpi ne, %sign3A_858, %sign3A_865 : i32
      %rem3A_867 = arith.remsi %add3A_849, %jit3A_850 : i32
      %ne3A_868 = arith.constant 0 : i32
      %ne3A_869 = arith.cmpi ne, %rem3A_867, %ne3A_868 : i32
      %and3A_870 = arith.andi %ne3A_866, %ne3A_869 : i1
      %sub3A_871 = arith.constant 1 : i32
      %sub3A_872 = arith.subi %div3A_851, %sub3A_871 : i32
      %select_n3A_873 = arith.select %and3A_870, %sub3A_872, %div3A_851 : i32
      %jit3A_874 = arith.constant 3 : i32
      %eq3A_875 = arith.constant 0 : i32
      %eq3A_876 = arith.cmpi eq, %jit3A_874, %eq3A_875 : i32
      %jit3A_877 = arith.constant 1 : i32
      %select_n3A_878 = arith.select %eq3A_876, %jit3A_877, %jit3A_874 : i32
      %rem3A_879 = arith.remsi %add3A_849, %select_n3A_878 : i32
      %ne3A_880 = arith.constant 0 : i32
      %ne3A_881 = arith.cmpi ne, %rem3A_879, %ne3A_880 : i32
      %lt3A_882 = arith.constant 0 : i32
      %lt3A_883 = arith.cmpi slt, %rem3A_879, %lt3A_882 : i32
      %lt3A_884 = arith.constant 0 : i32
      %lt3A_885 = arith.cmpi slt, %select_n3A_878, %lt3A_884 : i32
      %ne3A_886 = arith.xori %lt3A_883, %lt3A_885 : i1
      %and3A_887 = arith.andi %ne3A_886, %ne3A_881 : i1
      %add3A_888 = arith.addi %rem3A_879, %select_n3A_878 : i32
      %select_n3A_889 = arith.select %and3A_887, %add3A_888, %rem3A_879 : i32
      %lt3A_890 = arith.constant 5 : i32
      %lt3A_891 = arith.cmpi slt, %scan3A_380, %lt3A_890 : i32
      %convert_element_type3A_892 = arith.extui %lt3A_891 : i1 to i32
      %cond3A_893 = arith.constant 0 : i32
      %cond3A_894 = arith.cmpi ne, %convert_element_type3A_892, %cond3A_893 : i32
      scf.if %cond3A_894 {
        %dma_start3A_1152 = arith.constant 1 : i32
        %dma_start3A_1153 = arith.constant 1 : i32
        %dma_start3A_1154 = arith.constant 0 : i32
        %dma_start3A_1155 = arith.constant 0 : i32
        %dma_start3A_1156 = tpu.memref_slice %arg4[%dma_start3A_1152, %dma_start3A_1154, %dma_start3A_1155] : memref<4x32x512xf32, #tpu.memory_space<vmem>> -> memref<1x32x512xf32, #tpu.memory_space<vmem>>
        %dma_start3A_1157 = tpu.memref_squeeze %dma_start3A_1156 : memref<1x32x512xf32, #tpu.memory_space<vmem>> -> memref<32x512xf32, #tpu.memory_space<vmem>>
        %dma_start3A_1158 = arith.constant 0 : i32
        %dma_start3A_1159 = tpu.memref_slice %arg2[%select_n3A_873, %select_n3A_889, %mul3A_0, %dma_start3A_1158] : memref<16x3x512x512xf32, #tpu.memory_space<hbm>> -> memref<1x1x32x512xf32, #tpu.memory_space<hbm>>
        %dma_start3A_1160 = tpu.memref_squeeze %dma_start3A_1159 : memref<1x1x32x512xf32, #tpu.memory_space<hbm>> -> memref<32x512xf32, #tpu.memory_space<hbm>>
        %dma_start3A_1161 = tpu.memref_slice %arg14[%dma_start3A_1153] : memref<4x!tpu.dma_semaphore, #tpu.memory_space<semaphore_mem>> -> memref<1x!tpu.dma_semaphore, #tpu.memory_space<semaphore_mem>>
        %dma_start3A_1162 = tpu.memref_squeeze %dma_start3A_1161 : memref<1x!tpu.dma_semaphore, #tpu.memory_space<semaphore_mem>> -> memref<!tpu.dma_semaphore, #tpu.memory_space<semaphore_mem>>
        %dma_start3A_1163 = arith.constant 0 : i32
        %dma_start3A_1164 = arith.constant 0 : i32
        %dma_start3A_1165 = tpu.memref_slice %arg4[%dma_start3A_1152, %dma_start3A_1163, %dma_start3A_1164] : memref<4x32x512xf32, #tpu.memory_space<vmem>> -> memref<1x32x512xf32, #tpu.memory_space<vmem>>
        %dma_start3A_1166 = tpu.memref_squeeze %dma_start3A_1165 : memref<1x32x512xf32, #tpu.memory_space<vmem>> -> memref<32x512xf32, #tpu.memory_space<vmem>>
        %dma_start3A_1167 = arith.constant 0 : i32
        %dma_start3A_1168 = tpu.memref_slice %arg2[%select_n3A_873, %select_n3A_889, %mul3A_0, %dma_start3A_1167] : memref<16x3x512x512xf32, #tpu.memory_space<hbm>> -> memref<1x1x32x512xf32, #tpu.memory_space<hbm>>
        %dma_start3A_1169 = tpu.memref_squeeze %dma_start3A_1168 : memref<1x1x32x512xf32, #tpu.memory_space<hbm>> -> memref<32x512xf32, #tpu.memory_space<hbm>>
        tpu.enqueue_dma source(%dma_start3A_1169 : memref<32x512xf32, #tpu.memory_space<hbm>>) target(%dma_start3A_1166 : memref<32x512xf32, #tpu.memory_space<vmem>>) target_semaphore(%dma_start3A_1162 : memref<!tpu.dma_semaphore, #tpu.memory_space<semaphore_mem>>)
      } else {
      }
      %add3A_895 = arith.constant 2 : i32
      %add3A_896 = arith.addi %add3A_386, %add3A_895 : i32
      %jit3A_897 = arith.constant 3 : i32
      %div3A_898 = arith.divsi %add3A_896, %jit3A_897 : i32
      %sign3A_899 = arith.constant 0 : i32
      %sign3A_900 = arith.cmpi sgt, %add3A_896, %sign3A_899 : i32
      %sign3A_901 = arith.extui %sign3A_900 : i1 to i32
      %sign3A_902 = arith.constant 0 : i32
      %sign3A_903 = arith.cmpi slt, %add3A_896, %sign3A_902 : i32
      %sign3A_904 = arith.extui %sign3A_903 : i1 to i32
      %sign3A_905 = arith.subi %sign3A_901, %sign3A_904 : i32
      %sign3A_906 = arith.constant 0 : i32
      %sign3A_907 = arith.cmpi sgt, %jit3A_897, %sign3A_906 : i32
      %sign3A_908 = arith.extui %sign3A_907 : i1 to i32
      %sign3A_909 = arith.constant 0 : i32
      %sign3A_910 = arith.cmpi slt, %jit3A_897, %sign3A_909 : i32
      %sign3A_911 = arith.extui %sign3A_910 : i1 to i32
      %sign3A_912 = arith.subi %sign3A_908, %sign3A_911 : i32
      %ne3A_913 = arith.cmpi ne, %sign3A_905, %sign3A_912 : i32
      %rem3A_914 = arith.remsi %add3A_896, %jit3A_897 : i32
      %ne3A_915 = arith.constant 0 : i32
      %ne3A_916 = arith.cmpi ne, %rem3A_914, %ne3A_915 : i32
      %and3A_917 = arith.andi %ne3A_913, %ne3A_916 : i1
      %sub3A_918 = arith.constant 1 : i32
      %sub3A_919 = arith.subi %div3A_898, %sub3A_918 : i32
      %select_n3A_920 = arith.select %and3A_917, %sub3A_919, %div3A_898 : i32
      %jit3A_921 = arith.constant 3 : i32
      %eq3A_922 = arith.constant 0 : i32
      %eq3A_923 = arith.cmpi eq, %jit3A_921, %eq3A_922 : i32
      %jit3A_924 = arith.constant 1 : i32
      %select_n3A_925 = arith.select %eq3A_923, %jit3A_924, %jit3A_921 : i32
      %rem3A_926 = arith.remsi %add3A_896, %select_n3A_925 : i32
      %ne3A_927 = arith.constant 0 : i32
      %ne3A_928 = arith.cmpi ne, %rem3A_926, %ne3A_927 : i32
      %lt3A_929 = arith.constant 0 : i32
      %lt3A_930 = arith.cmpi slt, %rem3A_926, %lt3A_929 : i32
      %lt3A_931 = arith.constant 0 : i32
      %lt3A_932 = arith.cmpi slt, %select_n3A_925, %lt3A_931 : i32
      %ne3A_933 = arith.xori %lt3A_930, %lt3A_932 : i1
      %and3A_934 = arith.andi %ne3A_933, %ne3A_928 : i1
      %add3A_935 = arith.addi %rem3A_926, %select_n3A_925 : i32
      %select_n3A_936 = arith.select %and3A_934, %add3A_935, %rem3A_926 : i32
      %dma_wait3A_937 = arith.constant 0 : i32
      %dma_wait3A_938 = arith.constant 0 : i32
      %dma_wait3A_939 = arith.constant 0 : i32
      %dma_wait3A_940 = arith.constant 0 : i32
      %dma_wait3A_941 = tpu.memref_slice %arg5[%dma_wait3A_937, %dma_wait3A_939, %dma_wait3A_940] : memref<2x32x512xf32, #tpu.memory_space<vmem>> -> memref<1x32x512xf32, #tpu.memory_space<vmem>>
      %dma_wait3A_942 = tpu.memref_squeeze %dma_wait3A_941 : memref<1x32x512xf32, #tpu.memory_space<vmem>> -> memref<32x512xf32, #tpu.memory_space<vmem>>
      %dma_wait3A_943 = arith.constant 0 : i32
      %dma_wait3A_944 = tpu.memref_slice %arg3[%select_n3A_920, %select_n3A_936, %mul3A_0, %dma_wait3A_943] : memref<16x3x512x512xf32, #tpu.memory_space<hbm>> -> memref<1x1x32x512xf32, #tpu.memory_space<hbm>>
      %dma_wait3A_945 = tpu.memref_squeeze %dma_wait3A_944 : memref<1x1x32x512xf32, #tpu.memory_space<hbm>> -> memref<32x512xf32, #tpu.memory_space<hbm>>
      %dma_wait3A_946 = tpu.memref_slice %arg15[%dma_wait3A_938] : memref<2x!tpu.dma_semaphore, #tpu.memory_space<semaphore_mem>> -> memref<1x!tpu.dma_semaphore, #tpu.memory_space<semaphore_mem>>
      %dma_wait3A_947 = tpu.memref_squeeze %dma_wait3A_946 : memref<1x!tpu.dma_semaphore, #tpu.memory_space<semaphore_mem>> -> memref<!tpu.dma_semaphore, #tpu.memory_space<semaphore_mem>>
      %dma_wait3A_948 = arith.constant 0 : i32
      %dma_wait3A_949 = tpu.memref_slice %arg3[%select_n3A_920, %select_n3A_936, %mul3A_0, %dma_wait3A_948] : memref<16x3x512x512xf32, #tpu.memory_space<hbm>> -> memref<1x1x32x512xf32, #tpu.memory_space<hbm>>
      %dma_wait3A_950 = tpu.memref_squeeze %dma_wait3A_949 : memref<1x1x32x512xf32, #tpu.memory_space<hbm>> -> memref<32x512xf32, #tpu.memory_space<hbm>>
      %dma_wait3A_951 = arith.constant 0 : i32
      %dma_wait3A_952 = arith.constant 0 : i32
      %dma_wait3A_953 = tpu.memref_slice %arg5[%dma_wait3A_937, %dma_wait3A_951, %dma_wait3A_952] : memref<2x32x512xf32, #tpu.memory_space<vmem>> -> memref<1x32x512xf32, #tpu.memory_space<vmem>>
      %dma_wait3A_954 = tpu.memref_squeeze %dma_wait3A_953 : memref<1x32x512xf32, #tpu.memory_space<vmem>> -> memref<32x512xf32, #tpu.memory_space<vmem>>
      tpu.wait_dma2 semaphore(%dma_wait3A_947 : memref<!tpu.dma_semaphore, #tpu.memory_space<semaphore_mem>>) src(%dma_wait3A_954 : memref<32x512xf32, #tpu.memory_space<vmem>>) dst(%dma_wait3A_950 : memref<32x512xf32, #tpu.memory_space<hbm>>)
      %parallel_loop3A_955 = arith.constant 0 : i32
      %parallel_loop3A_956 = arith.constant 1024 : i32
      %parallel_loop3A_957 = arith.constant 1 : i32
      scf.for %parallel_loop3A_1152 = %parallel_loop3A_955 to %parallel_loop3A_956 step %parallel_loop3A_957  : i32 {
        %parallel_loop3A_1153 = arith.constant 5 : i32
        %parallel_loop3A_1154 = arith.shrsi %parallel_loop3A_1152, %parallel_loop3A_1153 : i32
        %parallel_loop3A_1155 = arith.constant 31 : i32
        %parallel_loop3A_1156 = arith.andi %parallel_loop3A_1152, %parallel_loop3A_1155 : i32
        %parallel_loop3A_1157 = arith.constant 16 : i32
        %parallel_loop3A_1158 = arith.muli %parallel_loop3A_1156, %parallel_loop3A_1157 : i32
        %parallel_loop3A_1159 = arith.constant 2 : i32
        %parallel_loop3A_1160 = arith.index_cast %parallel_loop3A_1159 : i32 to index
        %parallel_loop3A_1161 = arith.index_cast %parallel_loop3A_1154 : i32 to index
        %parallel_loop3A_1162 = arith.index_cast %parallel_loop3A_1158 : i32 to index
        %parallel_loop3A_1163 = tpu.vector_load %arg4[%parallel_loop3A_1160, %parallel_loop3A_1161, %parallel_loop3A_1162] {strides = array<i32>} : memref<4x32x512xf32, #tpu.memory_space<vmem>>, vector<16xf32>,
        %parallel_loop3A_1164 = arith.constant 2.550000e+02 : f32
        %parallel_loop3A_1165 = vector.broadcast %parallel_loop3A_1164 : f32 to vector<16xf32>
        %parallel_loop3A_1166 = arith.mulf %parallel_loop3A_1163, %parallel_loop3A_1165 : vector<16xf32>
        %parallel_loop3A_1167 = arith.fptosi %parallel_loop3A_1166 : vector<16xf32> to vector<16xi32>
        %parallel_loop3A_1168 = arith.constant 512 : i32
        %parallel_loop3A_1169 = vector.broadcast %parallel_loop3A_1168 : i32 to vector<16xi32>
        %parallel_loop3A_1170 = arith.addi %parallel_loop3A_1167, %parallel_loop3A_1169 : vector<16xi32>
        %parallel_loop3A_1171 = tpu.vector_load_idx %arg11[%parallel_loop3A_1170] : memref<1024xf32, #tpu.memory_space<vmem>>[vector<16xi32>], vector<16xf32>,
        %parallel_loop3A_1172 = arith.constant 16 : i32
        %parallel_loop3A_1173 = arith.muli %parallel_loop3A_1156, %parallel_loop3A_1172 : i32
        %parallel_loop3A_1174 = arith.constant 0 : i32
        %parallel_loop3A_1175 = arith.index_cast %parallel_loop3A_1174 : i32 to index
        %parallel_loop3A_1176 = arith.index_cast %parallel_loop3A_1154 : i32 to index
        %parallel_loop3A_1177 = arith.index_cast %parallel_loop3A_1173 : i32 to index
        %parallel_loop3A_1178 = tpu.vector_load %arg5[%parallel_loop3A_1175, %parallel_loop3A_1176, %parallel_loop3A_1177] {strides = array<i32>} : memref<2x32x512xf32, #tpu.memory_space<vmem>>, vector<16xf32>,
        tpu.vector_store %arg5[%parallel_loop3A_1175, %parallel_loop3A_1176, %parallel_loop3A_1177], %parallel_loop3A_1171 {strides = array<i32>} : memref<2x32x512xf32, #tpu.memory_space<vmem>>, vector<16xf32>,
      } {sc.loop_unroll_factor = 8 : i64, sc.parallel_access}
      %dma_start3A_958 = arith.constant 0 : i32
      %dma_start3A_959 = arith.constant 0 : i32
      %dma_start3A_960 = arith.constant 0 : i32
      %dma_start3A_961 = arith.constant 0 : i32
      %dma_start3A_962 = tpu.memref_slice %arg5[%dma_start3A_958, %dma_start3A_960, %dma_start3A_961] : memref<2x32x512xf32, #tpu.memory_space<vmem>> -> memref<1x32x512xf32, #tpu.memory_space<vmem>>
      %dma_start3A_963 = tpu.memref_squeeze %dma_start3A_962 : memref<1x32x512xf32, #tpu.memory_space<vmem>> -> memref<32x512xf32, #tpu.memory_space<vmem>>
      %dma_start3A_964 = arith.constant 0 : i32
      %dma_start3A_965 = tpu.memref_slice %arg3[%select_n3A_920, %select_n3A_936, %mul3A_0, %dma_start3A_964] : memref<16x3x512x512xf32, #tpu.memory_space<hbm>> -> memref<1x1x32x512xf32, #tpu.memory_space<hbm>>
      %dma_start3A_966 = tpu.memref_squeeze %dma_start3A_965 : memref<1x1x32x512xf32, #tpu.memory_space<hbm>> -> memref<32x512xf32, #tpu.memory_space<hbm>>
      %dma_start3A_967 = tpu.memref_slice %arg15[%dma_start3A_959] : memref<2x!tpu.dma_semaphore, #tpu.memory_space<semaphore_mem>> -> memref<1x!tpu.dma_semaphore, #tpu.memory_space<semaphore_mem>>
      %dma_start3A_968 = tpu.memref_squeeze %dma_start3A_967 : memref<1x!tpu.dma_semaphore, #tpu.memory_space<semaphore_mem>> -> memref<!tpu.dma_semaphore, #tpu.memory_space<semaphore_mem>>
      %dma_start3A_969 = arith.constant 0 : i32
      %dma_start3A_970 = tpu.memref_slice %arg3[%select_n3A_920, %select_n3A_936, %mul3A_0, %dma_start3A_969] : memref<16x3x512x512xf32, #tpu.memory_space<hbm>> -> memref<1x1x32x512xf32, #tpu.memory_space<hbm>>
      %dma_start3A_971 = tpu.memref_squeeze %dma_start3A_970 : memref<1x1x32x512xf32, #tpu.memory_space<hbm>> -> memref<32x512xf32, #tpu.memory_space<hbm>>
      %dma_start3A_972 = arith.constant 0 : i32
      %dma_start3A_973 = arith.constant 0 : i32
      %dma_start3A_974 = tpu.memref_slice %arg5[%dma_start3A_958, %dma_start3A_972, %dma_start3A_973] : memref<2x32x512xf32, #tpu.memory_space<vmem>> -> memref<1x32x512xf32, #tpu.memory_space<vmem>>
      %dma_start3A_975 = tpu.memref_squeeze %dma_start3A_974 : memref<1x32x512xf32, #tpu.memory_space<vmem>> -> memref<32x512xf32, #tpu.memory_space<vmem>>
      tpu.enqueue_dma source(%dma_start3A_975 : memref<32x512xf32, #tpu.memory_space<vmem>>) target(%dma_start3A_971 : memref<32x512xf32, #tpu.memory_space<hbm>>) target_semaphore(%dma_start3A_968 : memref<!tpu.dma_semaphore, #tpu.memory_space<semaphore_mem>>)
      %add3A_976 = arith.constant 4 : i32
      %add3A_977 = arith.addi %add3A_896, %add3A_976 : i32
      %jit3A_978 = arith.constant 3 : i32
      %div3A_979 = arith.divsi %add3A_977, %jit3A_978 : i32
      %sign3A_980 = arith.constant 0 : i32
      %sign3A_981 = arith.cmpi sgt, %add3A_977, %sign3A_980 : i32
      %sign3A_982 = arith.extui %sign3A_981 : i1 to i32
      %sign3A_983 = arith.constant 0 : i32
      %sign3A_984 = arith.cmpi slt, %add3A_977, %sign3A_983 : i32
      %sign3A_985 = arith.extui %sign3A_984 : i1 to i32
      %sign3A_986 = arith.subi %sign3A_982, %sign3A_985 : i32
      %sign3A_987 = arith.constant 0 : i32
      %sign3A_988 = arith.cmpi sgt, %jit3A_978, %sign3A_987 : i32
      %sign3A_989 = arith.extui %sign3A_988 : i1 to i32
      %sign3A_990 = arith.constant 0 : i32
      %sign3A_991 = arith.cmpi slt, %jit3A_978, %sign3A_990 : i32
      %sign3A_992 = arith.extui %sign3A_991 : i1 to i32
      %sign3A_993 = arith.subi %sign3A_989, %sign3A_992 : i32
      %ne3A_994 = arith.cmpi ne, %sign3A_986, %sign3A_993 : i32
      %rem3A_995 = arith.remsi %add3A_977, %jit3A_978 : i32
      %ne3A_996 = arith.constant 0 : i32
      %ne3A_997 = arith.cmpi ne, %rem3A_995, %ne3A_996 : i32
      %and3A_998 = arith.andi %ne3A_994, %ne3A_997 : i1
      %sub3A_999 = arith.constant 1 : i32
      %sub3A_1000 = arith.subi %div3A_979, %sub3A_999 : i32
      %select_n3A_1001 = arith.select %and3A_998, %sub3A_1000, %div3A_979 : i32
      %jit3A_1002 = arith.constant 3 : i32
      %eq3A_1003 = arith.constant 0 : i32
      %eq3A_1004 = arith.cmpi eq, %jit3A_1002, %eq3A_1003 : i32
      %jit3A_1005 = arith.constant 1 : i32
      %select_n3A_1006 = arith.select %eq3A_1004, %jit3A_1005, %jit3A_1002 : i32
      %rem3A_1007 = arith.remsi %add3A_977, %select_n3A_1006 : i32
      %ne3A_1008 = arith.constant 0 : i32
      %ne3A_1009 = arith.cmpi ne, %rem3A_1007, %ne3A_1008 : i32
      %lt3A_1010 = arith.constant 0 : i32
      %lt3A_1011 = arith.cmpi slt, %rem3A_1007, %lt3A_1010 : i32
      %lt3A_1012 = arith.constant 0 : i32
      %lt3A_1013 = arith.cmpi slt, %select_n3A_1006, %lt3A_1012 : i32
      %ne3A_1014 = arith.xori %lt3A_1011, %lt3A_1013 : i1
      %and3A_1015 = arith.andi %ne3A_1014, %ne3A_1009 : i1
      %add3A_1016 = arith.addi %rem3A_1007, %select_n3A_1006 : i32
      %select_n3A_1017 = arith.select %and3A_1015, %add3A_1016, %rem3A_1007 : i32
      %lt3A_1018 = arith.constant 5 : i32
      %lt3A_1019 = arith.cmpi slt, %scan3A_380, %lt3A_1018 : i32
      %convert_element_type3A_1020 = arith.extui %lt3A_1019 : i1 to i32
      %cond3A_1021 = arith.constant 0 : i32
      %cond3A_1022 = arith.cmpi ne, %convert_element_type3A_1020, %cond3A_1021 : i32
      scf.if %cond3A_1022 {
        %dma_start3A_1152 = arith.constant 2 : i32
        %dma_start3A_1153 = arith.constant 2 : i32
        %dma_start3A_1154 = arith.constant 0 : i32
        %dma_start3A_1155 = arith.constant 0 : i32
        %dma_start3A_1156 = tpu.memref_slice %arg4[%dma_start3A_1152, %dma_start3A_1154, %dma_start3A_1155] : memref<4x32x512xf32, #tpu.memory_space<vmem>> -> memref<1x32x512xf32, #tpu.memory_space<vmem>>
        %dma_start3A_1157 = tpu.memref_squeeze %dma_start3A_1156 : memref<1x32x512xf32, #tpu.memory_space<vmem>> -> memref<32x512xf32, #tpu.memory_space<vmem>>
        %dma_start3A_1158 = arith.constant 0 : i32
        %dma_start3A_1159 = tpu.memref_slice %arg2[%select_n3A_1001, %select_n3A_1017, %mul3A_0, %dma_start3A_1158] : memref<16x3x512x512xf32, #tpu.memory_space<hbm>> -> memref<1x1x32x512xf32, #tpu.memory_space<hbm>>
        %dma_start3A_1160 = tpu.memref_squeeze %dma_start3A_1159 : memref<1x1x32x512xf32, #tpu.memory_space<hbm>> -> memref<32x512xf32, #tpu.memory_space<hbm>>
        %dma_start3A_1161 = tpu.memref_slice %arg14[%dma_start3A_1153] : memref<4x!tpu.dma_semaphore, #tpu.memory_space<semaphore_mem>> -> memref<1x!tpu.dma_semaphore, #tpu.memory_space<semaphore_mem>>
        %dma_start3A_1162 = tpu.memref_squeeze %dma_start3A_1161 : memref<1x!tpu.dma_semaphore, #tpu.memory_space<semaphore_mem>> -> memref<!tpu.dma_semaphore, #tpu.memory_space<semaphore_mem>>
        %dma_start3A_1163 = arith.constant 0 : i32
        %dma_start3A_1164 = arith.constant 0 : i32
        %dma_start3A_1165 = tpu.memref_slice %arg4[%dma_start3A_1152, %dma_start3A_1163, %dma_start3A_1164] : memref<4x32x512xf32, #tpu.memory_space<vmem>> -> memref<1x32x512xf32, #tpu.memory_space<vmem>>
        %dma_start3A_1166 = tpu.memref_squeeze %dma_start3A_1165 : memref<1x32x512xf32, #tpu.memory_space<vmem>> -> memref<32x512xf32, #tpu.memory_space<vmem>>
        %dma_start3A_1167 = arith.constant 0 : i32
        %dma_start3A_1168 = tpu.memref_slice %arg2[%select_n3A_1001, %select_n3A_1017, %mul3A_0, %dma_start3A_1167] : memref<16x3x512x512xf32, #tpu.memory_space<hbm>> -> memref<1x1x32x512xf32, #tpu.memory_space<hbm>>
        %dma_start3A_1169 = tpu.memref_squeeze %dma_start3A_1168 : memref<1x1x32x512xf32, #tpu.memory_space<hbm>> -> memref<32x512xf32, #tpu.memory_space<hbm>>
        tpu.enqueue_dma source(%dma_start3A_1169 : memref<32x512xf32, #tpu.memory_space<hbm>>) target(%dma_start3A_1166 : memref<32x512xf32, #tpu.memory_space<vmem>>) target_semaphore(%dma_start3A_1162 : memref<!tpu.dma_semaphore, #tpu.memory_space<semaphore_mem>>)
      } else {
      }
      %add3A_1023 = arith.constant 3 : i32
      %add3A_1024 = arith.addi %add3A_386, %add3A_1023 : i32
      %jit3A_1025 = arith.constant 3 : i32
      %div3A_1026 = arith.divsi %add3A_1024, %jit3A_1025 : i32
      %sign3A_1027 = arith.constant 0 : i32
      %sign3A_1028 = arith.cmpi sgt, %add3A_1024, %sign3A_1027 : i32
      %sign3A_1029 = arith.extui %sign3A_1028 : i1 to i32
      %sign3A_1030 = arith.constant 0 : i32
      %sign3A_1031 = arith.cmpi slt, %add3A_1024, %sign3A_1030 : i32
      %sign3A_1032 = arith.extui %sign3A_1031 : i1 to i32
      %sign3A_1033 = arith.subi %sign3A_1029, %sign3A_1032 : i32
      %sign3A_1034 = arith.constant 0 : i32
      %sign3A_1035 = arith.cmpi sgt, %jit3A_1025, %sign3A_1034 : i32
      %sign3A_1036 = arith.extui %sign3A_1035 : i1 to i32
      %sign3A_1037 = arith.constant 0 : i32
      %sign3A_1038 = arith.cmpi slt, %jit3A_1025, %sign3A_1037 : i32
      %sign3A_1039 = arith.extui %sign3A_1038 : i1 to i32
      %sign3A_1040 = arith.subi %sign3A_1036, %sign3A_1039 : i32
      %ne3A_1041 = arith.cmpi ne, %sign3A_1033, %sign3A_1040 : i32
      %rem3A_1042 = arith.remsi %add3A_1024, %jit3A_1025 : i32
      %ne3A_1043 = arith.constant 0 : i32
      %ne3A_1044 = arith.cmpi ne, %rem3A_1042, %ne3A_1043 : i32
      %and3A_1045 = arith.andi %ne3A_1041, %ne3A_1044 : i1
      %sub3A_1046 = arith.constant 1 : i32
      %sub3A_1047 = arith.subi %div3A_1026, %sub3A_1046 : i32
      %select_n3A_1048 = arith.select %and3A_1045, %sub3A_1047, %div3A_1026 : i32
      %jit3A_1049 = arith.constant 3 : i32
      %eq3A_1050 = arith.constant 0 : i32
      %eq3A_1051 = arith.cmpi eq, %jit3A_1049, %eq3A_1050 : i32
      %jit3A_1052 = arith.constant 1 : i32
      %select_n3A_1053 = arith.select %eq3A_1051, %jit3A_1052, %jit3A_1049 : i32
      %rem3A_1054 = arith.remsi %add3A_1024, %select_n3A_1053 : i32
      %ne3A_1055 = arith.constant 0 : i32
      %ne3A_1056 = arith.cmpi ne, %rem3A_1054, %ne3A_1055 : i32
      %lt3A_1057 = arith.constant 0 : i32
      %lt3A_1058 = arith.cmpi slt, %rem3A_1054, %lt3A_1057 : i32
      %lt3A_1059 = arith.constant 0 : i32
      %lt3A_1060 = arith.cmpi slt, %select_n3A_1053, %lt3A_1059 : i32
      %ne3A_1061 = arith.xori %lt3A_1058, %lt3A_1060 : i1
      %and3A_1062 = arith.andi %ne3A_1061, %ne3A_1056 : i1
      %add3A_1063 = arith.addi %rem3A_1054, %select_n3A_1053 : i32
      %select_n3A_1064 = arith.select %and3A_1062, %add3A_1063, %rem3A_1054 : i32
      %dma_wait3A_1065 = arith.constant 1 : i32
      %dma_wait3A_1066 = arith.constant 1 : i32
      %dma_wait3A_1067 = arith.constant 0 : i32
      %dma_wait3A_1068 = arith.constant 0 : i32
      %dma_wait3A_1069 = tpu.memref_slice %arg5[%dma_wait3A_1065, %dma_wait3A_1067, %dma_wait3A_1068] : memref<2x32x512xf32, #tpu.memory_space<vmem>> -> memref<1x32x512xf32, #tpu.memory_space<vmem>>
      %dma_wait3A_1070 = tpu.memref_squeeze %dma_wait3A_1069 : memref<1x32x512xf32, #tpu.memory_space<vmem>> -> memref<32x512xf32, #tpu.memory_space<vmem>>
      %dma_wait3A_1071 = arith.constant 0 : i32
      %dma_wait3A_1072 = tpu.memref_slice %arg3[%select_n3A_1048, %select_n3A_1064, %mul3A_0, %dma_wait3A_1071] : memref<16x3x512x512xf32, #tpu.memory_space<hbm>> -> memref<1x1x32x512xf32, #tpu.memory_space<hbm>>
      %dma_wait3A_1073 = tpu.memref_squeeze %dma_wait3A_1072 : memref<1x1x32x512xf32, #tpu.memory_space<hbm>> -> memref<32x512xf32, #tpu.memory_space<hbm>>
      %dma_wait3A_1074 = tpu.memref_slice %arg15[%dma_wait3A_1066] : memref<2x!tpu.dma_semaphore, #tpu.memory_space<semaphore_mem>> -> memref<1x!tpu.dma_semaphore, #tpu.memory_space<semaphore_mem>>
      %dma_wait3A_1075 = tpu.memref_squeeze %dma_wait3A_1074 : memref<1x!tpu.dma_semaphore, #tpu.memory_space<semaphore_mem>> -> memref<!tpu.dma_semaphore, #tpu.memory_space<semaphore_mem>>
      %dma_wait3A_1076 = arith.constant 0 : i32
      %dma_wait3A_1077 = tpu.memref_slice %arg3[%select_n3A_1048, %select_n3A_1064, %mul3A_0, %dma_wait3A_1076] : memref<16x3x512x512xf32, #tpu.memory_space<hbm>> -> memref<1x1x32x512xf32, #tpu.memory_space<hbm>>
      %dma_wait3A_1078 = tpu.memref_squeeze %dma_wait3A_1077 : memref<1x1x32x512xf32, #tpu.memory_space<hbm>> -> memref<32x512xf32, #tpu.memory_space<hbm>>
      %dma_wait3A_1079 = arith.constant 0 : i32
      %dma_wait3A_1080 = arith.constant 0 : i32
      %dma_wait3A_1081 = tpu.memref_slice %arg5[%dma_wait3A_1065, %dma_wait3A_1079, %dma_wait3A_1080] : memref<2x32x512xf32, #tpu.memory_space<vmem>> -> memref<1x32x512xf32, #tpu.memory_space<vmem>>
      %dma_wait3A_1082 = tpu.memref_squeeze %dma_wait3A_1081 : memref<1x32x512xf32, #tpu.memory_space<vmem>> -> memref<32x512xf32, #tpu.memory_space<vmem>>
      tpu.wait_dma2 semaphore(%dma_wait3A_1075 : memref<!tpu.dma_semaphore, #tpu.memory_space<semaphore_mem>>) src(%dma_wait3A_1082 : memref<32x512xf32, #tpu.memory_space<vmem>>) dst(%dma_wait3A_1078 : memref<32x512xf32, #tpu.memory_space<hbm>>)
      %parallel_loop3A_1083 = arith.constant 0 : i32
      %parallel_loop3A_1084 = arith.constant 1024 : i32
      %parallel_loop3A_1085 = arith.constant 1 : i32
      scf.for %parallel_loop3A_1152 = %parallel_loop3A_1083 to %parallel_loop3A_1084 step %parallel_loop3A_1085  : i32 {
        %parallel_loop3A_1153 = arith.constant 5 : i32
        %parallel_loop3A_1154 = arith.shrsi %parallel_loop3A_1152, %parallel_loop3A_1153 : i32
        %parallel_loop3A_1155 = arith.constant 31 : i32
        %parallel_loop3A_1156 = arith.andi %parallel_loop3A_1152, %parallel_loop3A_1155 : i32
        %parallel_loop3A_1157 = arith.constant 16 : i32
        %parallel_loop3A_1158 = arith.muli %parallel_loop3A_1156, %parallel_loop3A_1157 : i32
        %parallel_loop3A_1159 = arith.constant 3 : i32
        %parallel_loop3A_1160 = arith.index_cast %parallel_loop3A_1159 : i32 to index
        %parallel_loop3A_1161 = arith.index_cast %parallel_loop3A_1154 : i32 to index
        %parallel_loop3A_1162 = arith.index_cast %parallel_loop3A_1158 : i32 to index
        %parallel_loop3A_1163 = tpu.vector_load %arg4[%parallel_loop3A_1160, %parallel_loop3A_1161, %parallel_loop3A_1162] {strides = array<i32>} : memref<4x32x512xf32, #tpu.memory_space<vmem>>, vector<16xf32>,
        %parallel_loop3A_1164 = arith.constant 2.550000e+02 : f32
        %parallel_loop3A_1165 = vector.broadcast %parallel_loop3A_1164 : f32 to vector<16xf32>
        %parallel_loop3A_1166 = arith.mulf %parallel_loop3A_1163, %parallel_loop3A_1165 : vector<16xf32>
        %parallel_loop3A_1167 = arith.fptosi %parallel_loop3A_1166 : vector<16xf32> to vector<16xi32>
        %parallel_loop3A_1168 = arith.constant 768 : i32
        %parallel_loop3A_1169 = vector.broadcast %parallel_loop3A_1168 : i32 to vector<16xi32>
        %parallel_loop3A_1170 = arith.addi %parallel_loop3A_1167, %parallel_loop3A_1169 : vector<16xi32>
        %parallel_loop3A_1171 = tpu.vector_load_idx %arg11[%parallel_loop3A_1170] : memref<1024xf32, #tpu.memory_space<vmem>>[vector<16xi32>], vector<16xf32>,
        %parallel_loop3A_1172 = arith.constant 16 : i32
        %parallel_loop3A_1173 = arith.muli %parallel_loop3A_1156, %parallel_loop3A_1172 : i32
        %parallel_loop3A_1174 = arith.constant 1 : i32
        %parallel_loop3A_1175 = arith.index_cast %parallel_loop3A_1174 : i32 to index
        %parallel_loop3A_1176 = arith.index_cast %parallel_loop3A_1154 : i32 to index
        %parallel_loop3A_1177 = arith.index_cast %parallel_loop3A_1173 : i32 to index
        %parallel_loop3A_1178 = tpu.vector_load %arg5[%parallel_loop3A_1175, %parallel_loop3A_1176, %parallel_loop3A_1177] {strides = array<i32>} : memref<2x32x512xf32, #tpu.memory_space<vmem>>, vector<16xf32>,
        tpu.vector_store %arg5[%parallel_loop3A_1175, %parallel_loop3A_1176, %parallel_loop3A_1177], %parallel_loop3A_1171 {strides = array<i32>} : memref<2x32x512xf32, #tpu.memory_space<vmem>>, vector<16xf32>,
      } {sc.loop_unroll_factor = 8 : i64, sc.parallel_access}
      %dma_start3A_1086 = arith.constant 1 : i32
      %dma_start3A_1087 = arith.constant 1 : i32
      %dma_start3A_1088 = arith.constant 0 : i32
      %dma_start3A_1089 = arith.constant 0 : i32
      %dma_start3A_1090 = tpu.memref_slice %arg5[%dma_start3A_1086, %dma_start3A_1088, %dma_start3A_1089] : memref<2x32x512xf32, #tpu.memory_space<vmem>> -> memref<1x32x512xf32, #tpu.memory_space<vmem>>
      %dma_start3A_1091 = tpu.memref_squeeze %dma_start3A_1090 : memref<1x32x512xf32, #tpu.memory_space<vmem>> -> memref<32x512xf32, #tpu.memory_space<vmem>>
      %dma_start3A_1092 = arith.constant 0 : i32
      %dma_start3A_1093 = tpu.memref_slice %arg3[%select_n3A_1048, %select_n3A_1064, %mul3A_0, %dma_start3A_1092] : memref<16x3x512x512xf32, #tpu.memory_space<hbm>> -> memref<1x1x32x512xf32, #tpu.memory_space<hbm>>
      %dma_start3A_1094 = tpu.memref_squeeze %dma_start3A_1093 : memref<1x1x32x512xf32, #tpu.memory_space<hbm>> -> memref<32x512xf32, #tpu.memory_space<hbm>>
      %dma_start3A_1095 = tpu.memref_slice %arg15[%dma_start3A_1087] : memref<2x!tpu.dma_semaphore, #tpu.memory_space<semaphore_mem>> -> memref<1x!tpu.dma_semaphore, #tpu.memory_space<semaphore_mem>>
      %dma_start3A_1096 = tpu.memref_squeeze %dma_start3A_1095 : memref<1x!tpu.dma_semaphore, #tpu.memory_space<semaphore_mem>> -> memref<!tpu.dma_semaphore, #tpu.memory_space<semaphore_mem>>
      %dma_start3A_1097 = arith.constant 0 : i32
      %dma_start3A_1098 = tpu.memref_slice %arg3[%select_n3A_1048, %select_n3A_1064, %mul3A_0, %dma_start3A_1097] : memref<16x3x512x512xf32, #tpu.memory_space<hbm>> -> memref<1x1x32x512xf32, #tpu.memory_space<hbm>>
      %dma_start3A_1099 = tpu.memref_squeeze %dma_start3A_1098 : memref<1x1x32x512xf32, #tpu.memory_space<hbm>> -> memref<32x512xf32, #tpu.memory_space<hbm>>
      %dma_start3A_1100 = arith.constant 0 : i32
      %dma_start3A_1101 = arith.constant 0 : i32
      %dma_start3A_1102 = tpu.memref_slice %arg5[%dma_start3A_1086, %dma_start3A_1100, %dma_start3A_1101] : memref<2x32x512xf32, #tpu.memory_space<vmem>> -> memref<1x32x512xf32, #tpu.memory_space<vmem>>
      %dma_start3A_1103 = tpu.memref_squeeze %dma_start3A_1102 : memref<1x32x512xf32, #tpu.memory_space<vmem>> -> memref<32x512xf32, #tpu.memory_space<vmem>>
      tpu.enqueue_dma source(%dma_start3A_1103 : memref<32x512xf32, #tpu.memory_space<vmem>>) target(%dma_start3A_1099 : memref<32x512xf32, #tpu.memory_space<hbm>>) target_semaphore(%dma_start3A_1096 : memref<!tpu.dma_semaphore, #tpu.memory_space<semaphore_mem>>)
      %add3A_1104 = arith.constant 4 : i32
      %add3A_1105 = arith.addi %add3A_1024, %add3A_1104 : i32
      %jit3A_1106 = arith.constant 3 : i32
      %div3A_1107 = arith.divsi %add3A_1105, %jit3A_1106 : i32
      %sign3A_1108 = arith.constant 0 : i32
      %sign3A_1109 = arith.cmpi sgt, %add3A_1105, %sign3A_1108 : i32
      %sign3A_1110 = arith.extui %sign3A_1109 : i1 to i32
      %sign3A_1111 = arith.constant 0 : i32
      %sign3A_1112 = arith.cmpi slt, %add3A_1105, %sign3A_1111 : i32
      %sign3A_1113 = arith.extui %sign3A_1112 : i1 to i32
      %sign3A_1114 = arith.subi %sign3A_1110, %sign3A_1113 : i32
      %sign3A_1115 = arith.constant 0 : i32
      %sign3A_1116 = arith.cmpi sgt, %jit3A_1106, %sign3A_1115 : i32
      %sign3A_1117 = arith.extui %sign3A_1116 : i1 to i32
      %sign3A_1118 = arith.constant 0 : i32
      %sign3A_1119 = arith.cmpi slt, %jit3A_1106, %sign3A_1118 : i32
      %sign3A_1120 = arith.extui %sign3A_1119 : i1 to i32
      %sign3A_1121 = arith.subi %sign3A_1117, %sign3A_1120 : i32
      %ne3A_1122 = arith.cmpi ne, %sign3A_1114, %sign3A_1121 : i32
      %rem3A_1123 = arith.remsi %add3A_1105, %jit3A_1106 : i32
      %ne3A_1124 = arith.constant 0 : i32
      %ne3A_1125 = arith.cmpi ne, %rem3A_1123, %ne3A_1124 : i32
      %and3A_1126 = arith.andi %ne3A_1122, %ne3A_1125 : i1
      %sub3A_1127 = arith.constant 1 : i32
      %sub3A_1128 = arith.subi %div3A_1107, %sub3A_1127 : i32
      %select_n3A_1129 = arith.select %and3A_1126, %sub3A_1128, %div3A_1107 : i32
      %jit3A_1130 = arith.constant 3 : i32
      %eq3A_1131 = arith.constant 0 : i32
      %eq3A_1132 = arith.cmpi eq, %jit3A_1130, %eq3A_1131 : i32
      %jit3A_1133 = arith.constant 1 : i32
      %select_n3A_1134 = arith.select %eq3A_1132, %jit3A_1133, %jit3A_1130 : i32
      %rem3A_1135 = arith.remsi %add3A_1105, %select_n3A_1134 : i32
      %ne3A_1136 = arith.constant 0 : i32
      %ne3A_1137 = arith.cmpi ne, %rem3A_1135, %ne3A_1136 : i32
      %lt3A_1138 = arith.constant 0 : i32
      %lt3A_1139 = arith.cmpi slt, %rem3A_1135, %lt3A_1138 : i32
      %lt3A_1140 = arith.constant 0 : i32
      %lt3A_1141 = arith.cmpi slt, %select_n3A_1134, %lt3A_1140 : i32
      %ne3A_1142 = arith.xori %lt3A_1139, %lt3A_1141 : i1
      %and3A_1143 = arith.andi %ne3A_1142, %ne3A_1137 : i1
      %add3A_1144 = arith.addi %rem3A_1135, %select_n3A_1134 : i32
      %select_n3A_1145 = arith.select %and3A_1143, %add3A_1144, %rem3A_1135 : i32
      %lt3A_1146 = arith.constant 5 : i32
      %lt3A_1147 = arith.cmpi slt, %scan3A_380, %lt3A_1146 : i32
      %convert_element_type3A_1148 = arith.extui %lt3A_1147 : i1 to i32
      %cond3A_1149 = arith.constant 0 : i32
      %cond3A_1150 = arith.cmpi ne, %convert_element_type3A_1148, %cond3A_1149 : i32
      scf.if %cond3A_1150 {
        %dma_start3A_1152 = arith.constant 3 : i32
        %dma_start3A_1153 = arith.constant 3 : i32
        %dma_start3A_1154 = arith.constant 0 : i32
        %dma_start3A_1155 = arith.constant 0 : i32
        %dma_start3A_1156 = tpu.memref_slice %arg4[%dma_start3A_1152, %dma_start3A_1154, %dma_start3A_1155] : memref<4x32x512xf32, #tpu.memory_space<vmem>> -> memref<1x32x512xf32, #tpu.memory_space<vmem>>
        %dma_start3A_1157 = tpu.memref_squeeze %dma_start3A_1156 : memref<1x32x512xf32, #tpu.memory_space<vmem>> -> memref<32x512xf32, #tpu.memory_space<vmem>>
        %dma_start3A_1158 = arith.constant 0 : i32
        %dma_start3A_1159 = tpu.memref_slice %arg2[%select_n3A_1129, %select_n3A_1145, %mul3A_0, %dma_start3A_1158] : memref<16x3x512x512xf32, #tpu.memory_space<hbm>> -> memref<1x1x32x512xf32, #tpu.memory_space<hbm>>
        %dma_start3A_1160 = tpu.memref_squeeze %dma_start3A_1159 : memref<1x1x32x512xf32, #tpu.memory_space<hbm>> -> memref<32x512xf32, #tpu.memory_space<hbm>>
        %dma_start3A_1161 = tpu.memref_slice %arg14[%dma_start3A_1153] : memref<4x!tpu.dma_semaphore, #tpu.memory_space<semaphore_mem>> -> memref<1x!tpu.dma_semaphore, #tpu.memory_space<semaphore_mem>>
        %dma_start3A_1162 = tpu.memref_squeeze %dma_start3A_1161 : memref<1x!tpu.dma_semaphore, #tpu.memory_space<semaphore_mem>> -> memref<!tpu.dma_semaphore, #tpu.memory_space<semaphore_mem>>
        %dma_start3A_1163 = arith.constant 0 : i32
        %dma_start3A_1164 = arith.constant 0 : i32
        %dma_start3A_1165 = tpu.memref_slice %arg4[%dma_start3A_1152, %dma_start3A_1163, %dma_start3A_1164] : memref<4x32x512xf32, #tpu.memory_space<vmem>> -> memref<1x32x512xf32, #tpu.memory_space<vmem>>
        %dma_start3A_1166 = tpu.memref_squeeze %dma_start3A_1165 : memref<1x32x512xf32, #tpu.memory_space<vmem>> -> memref<32x512xf32, #tpu.memory_space<vmem>>
        %dma_start3A_1167 = arith.constant 0 : i32
        %dma_start3A_1168 = tpu.memref_slice %arg2[%select_n3A_1129, %select_n3A_1145, %mul3A_0, %dma_start3A_1167] : memref<16x3x512x512xf32, #tpu.memory_space<hbm>> -> memref<1x1x32x512xf32, #tpu.memory_space<hbm>>
        %dma_start3A_1169 = tpu.memref_squeeze %dma_start3A_1168 : memref<1x1x32x512xf32, #tpu.memory_space<hbm>> -> memref<32x512xf32, #tpu.memory_space<hbm>>
        tpu.enqueue_dma source(%dma_start3A_1169 : memref<32x512xf32, #tpu.memory_space<hbm>>) target(%dma_start3A_1166 : memref<32x512xf32, #tpu.memory_space<vmem>>) target_semaphore(%dma_start3A_1162 : memref<!tpu.dma_semaphore, #tpu.memory_space<semaphore_mem>>)
      } else {
      }
      %scan3A_1151 = arith.constant 0 : i32
      scf.yield %scan3A_1151 : i32
    }
    %scan3A_248 = arith.constant 6 : i32
    %mul3A_249 = arith.constant 24 : i32
    %mul3A_250 = arith.muli %arg0, %mul3A_249 : i32
    %add3A_251 = arith.constant 20 : i32
    %add3A_252 = arith.addi %mul3A_250, %add3A_251 : i32
    %add3A_253 = arith.constant 2 : i32
    %add3A_254 = arith.addi %add3A_252, %add3A_253 : i32
    %add3A_255 = arith.constant 0 : i32
    %add3A_256 = arith.addi %add3A_254, %add3A_255 : i32
    %jit3A_257 = arith.constant 3 : i32
    %div3A_258 = arith.divsi %add3A_256, %jit3A_257 : i32
    %sign3A_259 = arith.constant 0 : i32
    %sign3A_260 = arith.cmpi sgt, %add3A_256, %sign3A_259 : i32
    %sign3A_261 = arith.extui %sign3A_260 : i1 to i32
    %sign3A_262 = arith.constant 0 : i32
    %sign3A_263 = arith.cmpi slt, %add3A_256, %sign3A_262 : i32
    %sign3A_264 = arith.extui %sign3A_263 : i1 to i32
    %sign3A_265 = arith.subi %sign3A_261, %sign3A_264 : i32
    %sign3A_266 = arith.constant 0 : i32
    %sign3A_267 = arith.cmpi sgt, %jit3A_257, %sign3A_266 : i32
    %sign3A_268 = arith.extui %sign3A_267 : i1 to i32
    %sign3A_269 = arith.constant 0 : i32
    %sign3A_270 = arith.cmpi slt, %jit3A_257, %sign3A_269 : i32
    %sign3A_271 = arith.extui %sign3A_270 : i1 to i32
    %sign3A_272 = arith.subi %sign3A_268, %sign3A_271 : i32
    %ne3A_273 = arith.cmpi ne, %sign3A_265, %sign3A_272 : i32
    %rem3A_274 = arith.remsi %add3A_256, %jit3A_257 : i32
    %ne3A_275 = arith.constant 0 : i32
    %ne3A_276 = arith.cmpi ne, %rem3A_274, %ne3A_275 : i32
    %and3A_277 = arith.andi %ne3A_273, %ne3A_276 : i1
    %sub3A_278 = arith.constant 1 : i32
    %sub3A_279 = arith.subi %div3A_258, %sub3A_278 : i32
    %select_n3A_280 = arith.select %and3A_277, %sub3A_279, %div3A_258 : i32
    %jit3A_281 = arith.constant 3 : i32
    %eq3A_282 = arith.constant 0 : i32
    %eq3A_283 = arith.cmpi eq, %jit3A_281, %eq3A_282 : i32
    %jit3A_284 = arith.constant 1 : i32
    %select_n3A_285 = arith.select %eq3A_283, %jit3A_284, %jit3A_281 : i32
    %rem3A_286 = arith.remsi %add3A_256, %select_n3A_285 : i32
    %ne3A_287 = arith.constant 0 : i32
    %ne3A_288 = arith.cmpi ne, %rem3A_286, %ne3A_287 : i32
    %lt3A_289 = arith.constant 0 : i32
    %lt3A_290 = arith.cmpi slt, %rem3A_286, %lt3A_289 : i32
    %lt3A_291 = arith.constant 0 : i32
    %lt3A_292 = arith.cmpi slt, %select_n3A_285, %lt3A_291 : i32
    %ne3A_293 = arith.xori %lt3A_290, %lt3A_292 : i1
    %and3A_294 = arith.andi %ne3A_293, %ne3A_288 : i1
    %add3A_295 = arith.addi %rem3A_286, %select_n3A_285 : i32
    %select_n3A_296 = arith.select %and3A_294, %add3A_295, %rem3A_286 : i32
    %dma_wait3A = arith.constant 0 : i32
    %dma_wait3A_297 = arith.constant 0 : i32
    %dma_wait3A_298 = arith.constant 0 : i32
    %dma_wait3A_299 = arith.constant 0 : i32
    %dma_wait3A_300 = tpu.memref_slice %arg5[%dma_wait3A, %dma_wait3A_298, %dma_wait3A_299] : memref<2x32x512xf32, #tpu.memory_space<vmem>> -> memref<1x32x512xf32, #tpu.memory_space<vmem>>
    %dma_wait3A_301 = tpu.memref_squeeze %dma_wait3A_300 : memref<1x32x512xf32, #tpu.memory_space<vmem>> -> memref<32x512xf32, #tpu.memory_space<vmem>>
    %dma_wait3A_302 = arith.constant 0 : i32
    %dma_wait3A_303 = tpu.memref_slice %arg3[%select_n3A_280, %select_n3A_296, %mul3A_0, %dma_wait3A_302] : memref<16x3x512x512xf32, #tpu.memory_space<hbm>> -> memref<1x1x32x512xf32, #tpu.memory_space<hbm>>
    %dma_wait3A_304 = tpu.memref_squeeze %dma_wait3A_303 : memref<1x1x32x512xf32, #tpu.memory_space<hbm>> -> memref<32x512xf32, #tpu.memory_space<hbm>>
    %dma_wait3A_305 = tpu.memref_slice %arg15[%dma_wait3A_297] : memref<2x!tpu.dma_semaphore, #tpu.memory_space<semaphore_mem>> -> memref<1x!tpu.dma_semaphore, #tpu.memory_space<semaphore_mem>>
    %dma_wait3A_306 = tpu.memref_squeeze %dma_wait3A_305 : memref<1x!tpu.dma_semaphore, #tpu.memory_space<semaphore_mem>> -> memref<!tpu.dma_semaphore, #tpu.memory_space<semaphore_mem>>
    %dma_wait3A_307 = arith.constant 0 : i32
    %dma_wait3A_308 = tpu.memref_slice %arg3[%select_n3A_280, %select_n3A_296, %mul3A_0, %dma_wait3A_307] : memref<16x3x512x512xf32, #tpu.memory_space<hbm>> -> memref<1x1x32x512xf32, #tpu.memory_space<hbm>>
    %dma_wait3A_309 = tpu.memref_squeeze %dma_wait3A_308 : memref<1x1x32x512xf32, #tpu.memory_space<hbm>> -> memref<32x512xf32, #tpu.memory_space<hbm>>
    %dma_wait3A_310 = arith.constant 0 : i32
    %dma_wait3A_311 = arith.constant 0 : i32
    %dma_wait3A_312 = tpu.memref_slice %arg5[%dma_wait3A, %dma_wait3A_310, %dma_wait3A_311] : memref<2x32x512xf32, #tpu.memory_space<vmem>> -> memref<1x32x512xf32, #tpu.memory_space<vmem>>
    %dma_wait3A_313 = tpu.memref_squeeze %dma_wait3A_312 : memref<1x32x512xf32, #tpu.memory_space<vmem>> -> memref<32x512xf32, #tpu.memory_space<vmem>>
    tpu.wait_dma2 semaphore(%dma_wait3A_306 : memref<!tpu.dma_semaphore, #tpu.memory_space<semaphore_mem>>) src(%dma_wait3A_313 : memref<32x512xf32, #tpu.memory_space<vmem>>) dst(%dma_wait3A_309 : memref<32x512xf32, #tpu.memory_space<hbm>>)
    %mul3A_314 = arith.constant 24 : i32
    %mul3A_315 = arith.muli %arg0, %mul3A_314 : i32
    %add3A_316 = arith.constant 20 : i32
    %add3A_317 = arith.addi %mul3A_315, %add3A_316 : i32
    %add3A_318 = arith.constant 2 : i32
    %add3A_319 = arith.addi %add3A_317, %add3A_318 : i32
    %add3A_320 = arith.constant 1 : i32
    %add3A_321 = arith.addi %add3A_319, %add3A_320 : i32
    %jit3A_322 = arith.constant 3 : i32
    %div3A_323 = arith.divsi %add3A_321, %jit3A_322 : i32
    %sign3A_324 = arith.constant 0 : i32
    %sign3A_325 = arith.cmpi sgt, %add3A_321, %sign3A_324 : i32
    %sign3A_326 = arith.extui %sign3A_325 : i1 to i32
    %sign3A_327 = arith.constant 0 : i32
    %sign3A_328 = arith.cmpi slt, %add3A_321, %sign3A_327 : i32
    %sign3A_329 = arith.extui %sign3A_328 : i1 to i32
    %sign3A_330 = arith.subi %sign3A_326, %sign3A_329 : i32
    %sign3A_331 = arith.constant 0 : i32
    %sign3A_332 = arith.cmpi sgt, %jit3A_322, %sign3A_331 : i32
    %sign3A_333 = arith.extui %sign3A_332 : i1 to i32
    %sign3A_334 = arith.constant 0 : i32
    %sign3A_335 = arith.cmpi slt, %jit3A_322, %sign3A_334 : i32
    %sign3A_336 = arith.extui %sign3A_335 : i1 to i32
    %sign3A_337 = arith.subi %sign3A_333, %sign3A_336 : i32
    %ne3A_338 = arith.cmpi ne, %sign3A_330, %sign3A_337 : i32
    %rem3A_339 = arith.remsi %add3A_321, %jit3A_322 : i32
    %ne3A_340 = arith.constant 0 : i32
    %ne3A_341 = arith.cmpi ne, %rem3A_339, %ne3A_340 : i32
    %and3A_342 = arith.andi %ne3A_338, %ne3A_341 : i1
    %sub3A_343 = arith.constant 1 : i32
    %sub3A_344 = arith.subi %div3A_323, %sub3A_343 : i32
    %select_n3A_345 = arith.select %and3A_342, %sub3A_344, %div3A_323 : i32
    %jit3A_346 = arith.constant 3 : i32
    %eq3A_347 = arith.constant 0 : i32
    %eq3A_348 = arith.cmpi eq, %jit3A_346, %eq3A_347 : i32
    %jit3A_349 = arith.constant 1 : i32
    %select_n3A_350 = arith.select %eq3A_348, %jit3A_349, %jit3A_346 : i32
    %rem3A_351 = arith.remsi %add3A_321, %select_n3A_350 : i32
    %ne3A_352 = arith.constant 0 : i32
    %ne3A_353 = arith.cmpi ne, %rem3A_351, %ne3A_352 : i32
    %lt3A_354 = arith.constant 0 : i32
    %lt3A_355 = arith.cmpi slt, %rem3A_351, %lt3A_354 : i32
    %lt3A_356 = arith.constant 0 : i32
    %lt3A_357 = arith.cmpi slt, %select_n3A_350, %lt3A_356 : i32
    %ne3A_358 = arith.xori %lt3A_355, %lt3A_357 : i1
    %and3A_359 = arith.andi %ne3A_358, %ne3A_353 : i1
    %add3A_360 = arith.addi %rem3A_351, %select_n3A_350 : i32
    %select_n3A_361 = arith.select %and3A_359, %add3A_360, %rem3A_351 : i32
    %dma_wait3A_362 = arith.constant 1 : i32
    %dma_wait3A_363 = arith.constant 1 : i32
    %dma_wait3A_364 = arith.constant 0 : i32
    %dma_wait3A_365 = arith.constant 0 : i32
    %dma_wait3A_366 = tpu.memref_slice %arg5[%dma_wait3A_362, %dma_wait3A_364, %dma_wait3A_365] : memref<2x32x512xf32, #tpu.memory_space<vmem>> -> memref<1x32x512xf32, #tpu.memory_space<vmem>>
    %dma_wait3A_367 = tpu.memref_squeeze %dma_wait3A_366 : memref<1x32x512xf32, #tpu.memory_space<vmem>> -> memref<32x512xf32, #tpu.memory_space<vmem>>
    %dma_wait3A_368 = arith.constant 0 : i32
    %dma_wait3A_369 = tpu.memref_slice %arg3[%select_n3A_345, %select_n3A_361, %mul3A_0, %dma_wait3A_368] : memref<16x3x512x512xf32, #tpu.memory_space<hbm>> -> memref<1x1x32x512xf32, #tpu.memory_space<hbm>>
    %dma_wait3A_370 = tpu.memref_squeeze %dma_wait3A_369 : memref<1x1x32x512xf32, #tpu.memory_space<hbm>> -> memref<32x512xf32, #tpu.memory_space<hbm>>
    %dma_wait3A_371 = tpu.memref_slice %arg15[%dma_wait3A_363] : memref<2x!tpu.dma_semaphore, #tpu.memory_space<semaphore_mem>> -> memref<1x!tpu.dma_semaphore, #tpu.memory_space<semaphore_mem>>
    %dma_wait3A_372 = tpu.memref_squeeze %dma_wait3A_371 : memref<1x!tpu.dma_semaphore, #tpu.memory_space<semaphore_mem>> -> memref<!tpu.dma_semaphore, #tpu.memory_space<semaphore_mem>>
    %dma_wait3A_373 = arith.constant 0 : i32
    %dma_wait3A_374 = tpu.memref_slice %arg3[%select_n3A_345, %select_n3A_361, %mul3A_0, %dma_wait3A_373] : memref<16x3x512x512xf32, #tpu.memory_space<hbm>> -> memref<1x1x32x512xf32, #tpu.memory_space<hbm>>
    %dma_wait3A_375 = tpu.memref_squeeze %dma_wait3A_374 : memref<1x1x32x512xf32, #tpu.memory_space<hbm>> -> memref<32x512xf32, #tpu.memory_space<hbm>>
    %dma_wait3A_376 = arith.constant 0 : i32
    %dma_wait3A_377 = arith.constant 0 : i32
    %dma_wait3A_378 = tpu.memref_slice %arg5[%dma_wait3A_362, %dma_wait3A_376, %dma_wait3A_377] : memref<2x32x512xf32, #tpu.memory_space<vmem>> -> memref<1x32x512xf32, #tpu.memory_space<vmem>>
    %dma_wait3A_379 = tpu.memref_squeeze %dma_wait3A_378 : memref<1x32x512xf32, #tpu.memory_space<vmem>> -> memref<32x512xf32, #tpu.memory_space<vmem>>
    tpu.wait_dma2 semaphore(%dma_wait3A_372 : memref<!tpu.dma_semaphore, #tpu.memory_space<semaphore_mem>>) src(%dma_wait3A_379 : memref<32x512xf32, #tpu.memory_space<vmem>>) dst(%dma_wait3A_375 : memref<32x512xf32, #tpu.memory_space<hbm>>)
    return
  }
}

</mosaic_0001>

<sc_bundles>
// kernel: kernel.3.cloned.1.call-start
scs
__scs_entry_jumppad:
0x0: {  	(pc) =	sbr.rel $0x88, $3  }
0x1: {  	(tag) =	ssettag $0x0;
	lr =	simm.s32 $0x1  }
0x2: {  	[smem:$0x3FA0] =	sst lr;
	_ =	strace $0xD0000000  }
0x3: {  	_ = 	snop  }
0x4: {  	_ = 	snop  }
0x5: {  	_ = 	snop  }
0x6: {  	_ = 	snop  }
0x7: {  	_ = 	snop  }
__scs_overlays_trampoline_lowered:
0x8: {  	[smem:$0x3FAF] =	sst s0  }
0x9: {  	[smem:$0x3FB0] =	sst s1  }
0xa: {  	[smem:$0x3FB1] =	sst s2  }
0xb: {  	[smem:$0x3FB2] =	sst s3  }
0xc: {  	[smem:$0x3FB3] =	sst s4  }
0xd: {  	[smem:$0x3FB4] =	sst s5  }
0xe: {  	[smem:$0x3FB5] =	sst s6  }
0xf: {  	[smem:$0x3FB6] =	sst s7  }
0x10: {  	[smem:$0x3FB7] =	sst s8  }
0x11: {  	[smem:$0x3FB8] =	sst s9;
	s0 =	simm.s32 @!p0 $0x0  }
0x12: {  	s1 =	sld [smem:$0x3F9E];
	s0 =	simm.s32 @p0 $0x1  }
0x13: {  	[smem:$0x3FB9] =	sst s0;
	s0 =	simm.s32 @!p1 $0x0  }
0x14: {  	s2 =	sld [smem:$0x3F9D];
	s0 =	simm.s32 @p1 $0x1  }
0x15: {  	[smem:$0x3FBA] =	sst s0;
	s0 =	simm.s32 @!p2 $0x0  }
0x16: {  	s3 =	sld [smem:$0x3FDB];
	s0 =	simm.s32 @p2 $0x1  }
0x17: {  	s4 =	simm.s32 $0x1BF5;
	[smem:$0x3FBC] =	sst s0  }
0x18: {  	s0 =	sld [smem:$0x3F9F];
	_ =	swait.ge [sflag:s4], $0x0  }
0x19: {  	s7 =	sld [smem:$0x3FA0]  }
0x1a: {  	s8 =	sadd.s32 $0xFFFFE003, lr  }
0x1b: {  	s9 =	sadd.s32 $0xFFFFFEF7, lr;
	s5 =	simm.s32 $0xFFFFFFFF;
	p2 =	slt.u32 s8, $0xFFFFF086  }
0x1c: {  	p1 =	slt.u32 s9, $0xF7A;
	s5 =	simm.s32 @!p2 $0x0  }
0x1d: {  	s5 =	simm.s32 @p1 $0x1;
	p0 =	seq.s32 s7, s2  }
0x1e: {  	s7 =	smul.u32 @!p0 $0xF7A, s2;
	p2 =	seq.s32 @!p0 s5, $0x0  }
0x1f: {  	s9 =	smul.u32 $0xF7A, s1;
	s8 =	simm.s32 @!p0 $0x1BF5;
	p2 =	por !p2, p0  }
0x20: {  	[sflag:s8] =	ssyncset.s32 @!p0 $0xFFFFF086;
	s6 =	sadd.s32 @!p0 s3, s7;
	s7 =	simm.s32 @!p0 $0x108  }
0x21: {  	s3 =	sadd.s32 s3, s9;
	s6 =	sadd.s32 @!p0 $0x88, s6;
	s7 =	simm.s32 @p2 $0x1082  }
0x22: {  	[simem:s7], [sflag:s8] =	dma.local @!p0 [hbm:s6], $0xF7A  }
0x23: {  	s9 =	sor.u32 $0xD0000000, s2;
	s6 =	simm.s32 $0x108;
	_ =	swait.ge @!p0 [sflag:s8], $0x0  }
0x24: {  	s3 =	sadd.s32 $0x88, s3;
	s6 =	simm.s32 @!p1 $0x1082;
	[sflag:s4] =	ssyncset.s32 $0xFFFFF086  }
0x25: {  	[simem:s6], [sflag:s4] =	dma.local [hbm:s3], $0xF7A  }
0x26: {  	[smem:$0x3FA0] =	sst s1;
	(tag) =	ssettag s2;
	_ =	strace s9  }
0x27: {  	s1 =	sld [smem:$0x3FB0]  }
0x28: {  	s2 =	sld [smem:$0x3FB1]  }
0x29: {  	s4 =	sld [smem:$0x3FB3]  }
0x2a: {  	p0 =	seq.s32 s5, $0x0;
	s5 =	sld [smem:$0x3FB4]  }
0x2b: {  	s6 =	sld [smem:$0x3FB5]  }
0x2c: {  	s7 =	sld [smem:$0x3FB6]  }
0x2d: {  	s3 =	simm.s32 $0x108;
	s8 =	sld [smem:$0x3FB7]  }
0x2e: {  	s3 =	simm.s32 @!p0 $0x1082;
	s9 =	sld [smem:$0x3FB8]  }
0x2f: {  	lr =	sadd.s32 s0, s3;
	s0 =	sld [smem:$0x3FAF]  }
0x30: {  	s3 =	sld [smem:$0x3FB2]  }
0x31: {  	[smem:$0x3FBB] =	sst s10  }
0x32: {  	s10 =	sld [smem:$0x3FB9];
	_ =	sdelay $0x3  }
0x33: {  	p0 =	seq.s32 s10, $0x1;
	s10 =	sld [smem:$0x3FBB];
	_ =	sdelay $0x3  }
0x34: {  	[smem:$0x3FBB] =	sst s10  }
0x35: {  	s10 =	sld [smem:$0x3FBA];
	_ =	sdelay $0x3  }
0x36: {  	p1 =	seq.s32 s10, $0x1;
	s10 =	sld [smem:$0x3FBB];
	_ =	sdelay $0x3  }
0x37: {  	[smem:$0x3FBB] =	sst s10  }
0x38: {  	s10 =	sld [smem:$0x3FBC]  }
0x39: {  	_ = 	snop;
	(pc) =	sbr.ind lr, $3  }
0x3a: {  	_ = 	snop  }
0x3b: {  	_ = 	snop  }
0x3c: {  	p2 =	seq.s32 s10, $0x1;
	s10 =	sld [smem:$0x3FBB]  }
0x3d: {  	_ =	shalt  }
0x3e: {  	_ =	shalt  }
0x3f: {  	_ =	shalt  }
0x40: {  	_ =	shalt  }
0x41: {  	_ =	shalt  }
0x42: {  	_ =	shalt  }
0x43: {  	_ =	shalt  }
0x44: {  	_ =	shalt  }
0x45: {  	_ =	shalt  }
0x46: {  	_ =	shalt  }
0x47: {  	_ =	shalt  }
0x48: {  	_ =	shalt  }
0x49: {  	_ =	shalt  }
0x4a: {  	_ =	shalt  }
0x4b: {  	_ =	shalt  }
0x4c: {  	_ =	shalt  }
0x4d: {  	_ =	shalt  }
0x4e: {  	_ =	shalt  }
0x4f: {  	_ =	shalt  }
0x50: {  	_ =	shalt  }
0x51: {  	_ =	shalt  }
0x52: {  	_ =	shalt  }
0x53: {  	_ =	shalt  }
0x54: {  	_ =	shalt  }
0x55: {  	_ =	shalt  }
0x56: {  	_ =	shalt  }
0x57: {  	_ =	shalt  }
0x58: {  	_ =	shalt  }
0x59: {  	_ =	shalt  }
0x5a: {  	_ =	shalt  }
0x5b: {  	_ =	shalt  }
0x5c: {  	_ =	shalt  }
0x5d: {  	_ =	shalt  }
0x5e: {  	_ =	shalt  }
0x5f: {  	_ =	shalt  }
0x60: {  	_ =	shalt  }
0x61: {  	_ =	shalt  }
0x62: {  	_ =	shalt  }
0x63: {  	_ =	shalt  }
0x64: {  	_ =	shalt  }
0x65: {  	_ =	shalt  }
0x66: {  	_ =	shalt  }
0x67: {  	_ =	shalt  }
0x68: {  	_ =	shalt  }
0x69: {  	_ =	shalt  }
0x6a: {  	_ =	shalt  }
0x6b: {  	_ =	shalt  }
0x6c: {  	_ =	shalt  }
0x6d: {  	_ =	shalt  }
0x6e: {  	_ =	shalt  }
0x6f: {  	_ =	shalt  }
0x70: {  	_ =	shalt  }
0x71: {  	_ =	shalt  }
0x72: {  	_ =	shalt  }
0x73: {  	_ =	shalt  }
0x74: {  	_ =	shalt  }
0x75: {  	_ =	shalt  }
0x76: {  	_ =	shalt  }
0x77: {  	_ =	shalt  }
0x78: {  	_ =	shalt  }
0x79: {  	_ =	shalt  }
0x7a: {  	_ =	shalt  }
0x7b: {  	_ =	shalt  }
0x7c: {  	_ =	shalt  }
0x7d: {  	_ =	shalt  }
0x7e: {  	_ =	shalt  }
0x7f: {  	_ =	shalt  }
0x80: {  	_ =	shalt  }
0x81: {  	_ =	shalt  }
0x82: {  	_ =	shalt  }
0x83: {  	_ =	shalt  }
0x84: {  	_ =	shalt  }
0x85: {  	_ =	shalt  }
0x86: {  	_ =	shalt  }
0x87: {  	_ =	shalt  }
.Lfunc_end0:
.L_simem_size_0:
called_computation_lowered:
.L_overlay_start_0:
0x88: {  	s2 =	sld [smem:$0x3FD9]  }
0x89: {  	s3 =	sld [smem:$0x3FFE];
	_ =	sdelay $0x1  }
0x8a: {  	s1 =	srdreg.scid  }
0x8b: {  	s0 =	sand.u32 $0x1, s1  }
0x8c: {  	s18 =	sshll.u32 s0, $0xA;
	s2 =	sadd.s32 s3, s2  }
0x8d: {  	s2 =	sadd.s32 s2, s18  }
0x8e: {  	[smem:$0x3FC7] =	sst s2  }
0x8f: {  	_ = 	snop  }
0x90: {  	s2 =	sld [smem:$0x3FC9]  }
0x91: {  	s19 =	sld [smem:$0x3FD0];
	(tm) =	ssettm $0x1  }
0x92: {  	s4 =	sld [smem:$0x3FFB];
	_ =	sdelay $0x3  }
0x93: {  	_ =	strace s4  }
0x94: {  	s4 =	sld [smem:$0x3FFC];
	_ =	sdelay $0x3  }
0x95: {  	_ =	strace s4  }
0x96: {  	s4 =	sld [smem:$0x3FFD];
	_ =	sdelay $0x3  }
0x97: {  	_ =	strace s4  }
0x98: {  	_ =	strace $0x8FFFFFFF  }
0x99: {  	s20 =	sld [smem:$0x3FDB];
	_ =	sdelay $0x1  }
0x9a: {  	s5 =	simm.s32 $_scs_section_size  }
0x9b: {  	s6 =	simm.s32 $_size__tile_overlayer_lowered;
	s7 =	simm.s32 $_tile_overlayer_lowered  }
0x9c: {  	s23 =	simm.s32 $0x1BFF;
	s22 =	sshll.u32 s7, $0x1;
	s4 =	sadd.s32 s5, s20  }
0x9d: {  	s8 =	simm.s32 $0x0;
	s21 =	sshll.u32 s6, $0x1;
	s6 =	sadd.s32 s22, s4  }
0x9e: {  	[timem:s8], [sflag:s23] =	dma.local [hbm:s6], s21  }
0x9f: {  	_ =	swait.ge [sflag:s23], s21  }
0xa0: {  	s5 =	ssub.s32 $0x0, s21;
	[sflag:s23] =	ssyncset.done $0x0  }
0xa1: {  	[sflag:s23] =	ssyncadd.s32 s5;
	_ =	sdelay $0x1  }
0xa2: {  	s24 =	simm.s32 $0x1B8B  }
0xa3: {  	_ =	swait.ge [sflag:s24], $0x1  }
0xa4: {  	[sflag:s24] =	ssyncset.done $0x0  }
0xa5: {  	s25 =	simm.s32 $0x1B8E;
	[sflag:s24] =	ssyncadd.s32 $0xFFFFFFFF  }
0xa6: {  	s26 =	simm.s32 $execute0_lowered;
	[smem:$0x3FD2] =	sst s25  }
0xa7: {  	s5 =	sshll.u32 s26, $0x1;
	_ =	strace $0x80000046;
	[dreg:$0x1] =	wrdreg $0xFFFFFFFF  }
0xa8: {  	s28 =	simm.s32 $_size_execute0_lowered;
	s4 =	sadd.s32 s4, s5;
	[dreg:$0x0] =	wrdreg $0x0  }
0xa9: {  	s5 =	sshll.u32 s28, $0x1;
	[dreg:$0x2] =	wrdreg s4  }
0xaa: {  	[dreg:$0x3] =	wrdreg s5  }
0xab: {  	[dreg:$0x4] =	wrdreg $0xC0  }
0xac: {  	_ =	task [dreg:s8], $0x5FFFF  }
0xad: {  	[dreg:$0x1] =	wrdreg $0xFFFFFFFF  }
0xae: {  	[dreg:$0x0] =	wrdreg $0x60  }
0xaf: {  	[dreg:$0x2] =	wrdreg s2  }
0xb0: {  	[dreg:$0x3] =	wrdreg s19  }
0xb1: {  	[dreg:$0x4] =	wrdreg $0x1DA000  }
0xb2: {  	[dreg:$0x5] =	wrdreg $0x1DE000  }
0xb3: {  	[dreg:$0x6] =	wrdreg $0x9  }
0xb4: {  	_ =	task.clear_ibuf [dreg:s8], $0x7FFFF;
	_ =	strace $0x90000046  }
0xb5: {  	s29 =	simm.s32 $0x9;
	_ =	strace $0x80000048  }
0xb6: {  	_ =	swait.ge [sflag:s29], $0x1  }
0xb7: {  	[sflag:s29] =	ssyncadd.s32 $0xFFFFFFFF  }
0xb8: {  	_ =	strace $0x90000048  }
0xb9: {  	_ =	sfence  }
0xba: {  	s30 =	sld [smem:$0x0];
	_ =	sdelay $0x2  }
0xbb: {  	s31 =	sshll.u32 s1, $0xD;
	s1 =	sshrl.u32 s1, $0x2  }
0xbc: {  	s3 =	sand.u32 $0x4000, s31;
	s1 =	sadd.s32 s1, s30  }
0xbd: {  	s0 =	sor.u32 s3, s0;
	s1 =	sshll.u32 s1, $0x11  }
0xbe: {  	s0 =	sor.u32 s1, s0  }
0xbf: {  	s0 =	sadd.s32 $0x8F2B, s0  }
0xc0: {  	[sflag:s0] =	ssyncadd.remote.s32 $0x1  }
0xc1: {  	_ =	sfence.sel $0xFFFF  }
0xc2: {  	[dreg:$0x0] =	wrdreg $0xFFFFFFFF;
	(pc) =	sbr.abs _section_cstart, $3  }
0xc3: {  	[dreg:$0x1] =	wrdreg $0xFFFFFFFF  }
0xc4: {  	_ =	task.clear_ibuf [dreg:s8], $0x2FFFF;
	_ =	strace $0x9FFFFFFF  }
0xc5: {  	(tm) =	ssettm $0x7FFFFFFF  }
tec
execute0_lowered:
.L_overlay_start_1:
0x0: {  	(tag) =	ssettag $0x1  }
0x1: {  	s1 =	rddreg [dreg:$0x0]  }
0x2: {  	s2 =	rddreg [dreg:$0x1]  }
0x3: {  	s10 =	rddreg [dreg:$0x2];
	s9 =	stileid.u32  }
0x4: {  	s11 =	rddreg [dreg:$0x3];
	s6 =	simm.s32 $0x0;
	s0 =	sshll.u32 s9, $0x7  }
0x5: {  	[smem:$0x7FF] =	sst s6;
	s3 =	sadd.s32 $0x19500, s0  }
0x6: {  	_ =	strace $0x80000047;
	s26 =	sadd.s32 $0x19900, s0;
	[dreg:$0x5] =	wrdreg s3  }
0x7: {  	s28 =	sadd.s32 $0x19D00, s0;
	[dreg:$0x6] =	wrdreg s26  }
0x8: {  	s30 =	sadd.s32 $0x1A100, s0;
	[dreg:$0x7] =	wrdreg s28  }
0x9: {  	s8 =	sadd.s32 $0x1A500, s0;
	[dreg:$0x8] =	wrdreg s30  }
0xa: {  	s4 =	srdreg.scid;
	s12 =	sadd.s32 $0x1A900, s0;
	[dreg:$0x9] =	wrdreg s8  }
0xb: {  	s29 =	simm.s32 $0x1D600;
	s14 =	sadd.s32 $0x1AD00, s0;
	[dreg:$0xa] =	wrdreg s12  }
0xc: {  	s31 =	simm.s32 $0x14000;
	s15 =	sadd.s32 $0x1B100, s0;
	[dreg:$0xb] =	wrdreg s14  }
0xd: {  	s4 =	sand.u32 $0x1, s4;
	s16 =	sadd.s32 $0x1B500, s0;
	[dreg:$0xc] =	wrdreg s15  }
0xe: {  	s25 =	sshll.u32 s9, $0xA;
	s17 =	sadd.s32 $0x1B900, s0;
	[dreg:$0xd] =	wrdreg s16  }
0xf: {  	p0 =	sgt.u32 s9, $0x3;
	s18 =	sadd.s32 $0x1BD00, s0;
	[dreg:$0xe] =	wrdreg s17  }
0x10: {  	s5 =	ssub.s32 $0x2, s4;
	s19 =	sadd.s32 $0x1C100, s0;
	[dreg:$0xf] =	wrdreg s18  }
0x11: {  	s13 =	smul.u32 $0x18, s4;
	s21 =	sadd.s32 $0x1C500, s0;
	[dreg:$0x10] =	wrdreg s19  }
0x12: {  	s4 =	smul.u32 $0x600000, s4;
	s23 =	sadd.s32 $0x1C900, s0;
	[dreg:$0x11] =	wrdreg s21  }
0x13: {  	s24 =	sadd.s32 $0x1CD00, s0;
	s0 =	sadd.s32 $0x1D100, s0;
	[dreg:$0x12] =	wrdreg s23  }
0x14: {  	v0 =	vimm.f32 $2.550000000e+02;
	s7 =	sshrl.u32 s5, $0x1;
	s8 =	sshll.u32 s9, $0xE;
	[dreg:$0x13] =	wrdreg s24  }
0x15: {  	(erf) = vrcp.f32 v0;
	s26 =	sadd.s32 s25, s10;
	[dreg:$0x14] =	wrdreg s0;
	s28 =	sshll.u32 s9, $0x8  }
0x16: {  	s19 =	simm.s32 $0x1;
	s21 =	simm.s32 $0x2;
	s23 =	simm.s32 $0x4  }
0x17: {  	s25 =	simm.s32 $0x7;
	s5 =	ssub.s32 s5, s7;
	[dreg:$0x15] =	wrdreg s13  }
0x18: {  	s4 =	sor.u32 s8, s4;
	[dreg:$0x1a] =	wrdreg s26;
	s0 =	sadd.s32 s28, s11  }
0x19: {  	s4 =	sshrl.u32 s4, $0x3;
	[dreg:$0x1b] =	wrdreg s0;
	s30 =	smax.u32 s5, $0x1  }
.Ltmp0:
0x1a: {  	s4 =	sadd.s32 s1, s4;
	[dreg:$0x1c] =	wrdreg s30;
	(pc) =	sbr.rel .LBB2_1-.Ltmp0, $4  }
0x1b: {  	s3 =	simm.s32 $0x6;
	s20 =	sadd.s32 $0x8000, s4;
	[dreg:$0x16] =	wrdreg s4  }
0x1c: {  	v1 =	vlaneseq.u32;
	s0 =	simm.s32 $0x5;
	s22 =	sadd.s32 $0x10000, s4;
	[dreg:$0x17] =	wrdreg s20  }
0x1d: {  	v3 =	vmul.u32 $0x100, v1;
	s5 =	simm.s32 $0x0;
	s4 =	sadd.s32 $0x18000, s4;
	[dreg:$0x18] =	wrdreg s22  }
0x1e: {  	v4 =	vimm.f32 $1.000000000e+00;
	v5 =	vmul.u32 $0x80000, v1;
	v0 =	vimm.f32 $0.0e+00;
	[dreg:$0x19] =	wrdreg s4;
	s20 =	simm.s32 $0x18000;
	s22 =	simm.s32 $0x3;
	v2 =	vpop (erf)  }
.LBB2_46:
0x1f: {  	_ =	swait.ge [sflag:s0], $0x4000  }
0x20: {  	[sflag:s0] =	ssyncset.done $0x0  }
0x21: {  	[sflag:s0] =	ssyncadd.s32 $0xFFFFC000  }
0x22: {  	_ =	swait.ge [sflag:s3], $0x4000  }
0x23: {  	s5 =	rddreg [dreg:$0x1d]  }
0x24: {  	s4 =	rddreg [dreg:$0x1c];
	s5 =	sadd.s32 $0x1, s5  }
0x25: {  	p1 =	sne.s32 s5, s4  }
.Ltmp1:
0x26: {  	_ = 	snop;
	(pc) =	sbr.rel @!p1 .LBB2_47-.Ltmp1, $3  }
0x27: {  	_ =	sdelay $0x1  }
0x28: {  	[sflag:s3] =	ssyncset.done $0x0  }
0x29: {  	[sflag:s3] =	ssyncadd.s32 $0xFFFFC000  }
.LBB2_1:
0x2a: {  	[dreg:$0x1d] =	wrdreg s5  }
0x2b: {  	s4 =	rddreg [dreg:$0x16]  }
0x2c: {  	[tilespmem:s6], [sflag:$0x1] =	stream.linear.gather [hbm4b:s4+s6], $0x4000, $0x38;
	[tilespmem:$0x1DE40] =	vst v63  }
0x2d: {  	s17 =	rddreg [dreg:$0x17];
	s18 =	simm.s32 $0x4000  }
0x2e: {  	[tilespmem:s18], [sflag:$0x2] =	stream.linear.gather [hbm4b:s17+s6], $0x4000, $0x38;
	[tilespmem:$0x1DE40] =	vst v63  }
0x2f: {  	s24 =	rddreg [dreg:$0x18];
	s26 =	simm.s32 $0x8000  }
0x30: {  	[tilespmem:s26], [sflag:$0x3] =	stream.linear.gather [hbm4b:s24+s6], $0x4000, $0x38;
	[tilespmem:$0x1DE40] =	vst v63  }
0x31: {  	s28 =	rddreg [dreg:$0x19];
	s30 =	simm.s32 $0xC000;
	s17 =	simm.s32 $0x0  }
0x32: {  	[tilespmem:s30], [sflag:$0x4] =	stream.linear.gather [hbm4b:s28+s6], $0x4000, $0x38;
	[tilespmem:$0x1DE40] =	vst v63  }
.LBB2_2:
0x33: {  	_ =	swait.ge [sflag:s19], $0x4000  }
0x34: {  	[sflag:s19] =	ssyncset.done $0x0  }
0x35: {  	s5 =	simm.s32 $0x18040;
	[sflag:s19] =	ssyncadd.s32 $0xFFFFC000  }
0x36: {  	[tilespmem:s5+$0xFFFFFFC0] =	vst v0  }
0x37: {  	[tilespmem:s5+$0x30] =	vst v0  }
0x38: {  	[tilespmem:s5+$0x20] =	vst v0  }
0x39: {  	[tilespmem:s5+$0x10] =	vst v0  }
0x3a: {  	[tilespmem:s5+$0x0] =	vst v0  }
0x3b: {  	[tilespmem:s5+$0xFFFFFFF0] =	vst v0  }
0x3c: {  	s4 =	simm.s32 $0x0;
	[tilespmem:s5+$0xFFFFFFE0] =	vst v0  }
.LBB2_3:
0x3d: {  	s4 =	sadd.s32 $0x8, s4;
	[tilespmem:s5+$0xFFFFFFD0] =	vst v0;
	s5 =	sadd.s32 $0x80, s5  }
0x3e: {  	[tilespmem:s5+$0xFFFFFFC0] =	vst v0;
	p1 =	slt.u32 s4, $0xF8  }
0x3f: {  	[tilespmem:s5+$0x30] =	vst v0  }
.Ltmp2:
0x40: {  	[tilespmem:s5+$0x20] =	vst v0;
	(pc) =	sbr.rel @p1 .LBB2_3-.Ltmp2, $4  }
0x41: {  	[tilespmem:s5+$0x10] =	vst v0  }
0x42: {  	[tilespmem:s5+$0x0] =	vst v0  }
0x43: {  	[tilespmem:s5+$0xFFFFFFF0] =	vst v0  }
0x44: {  	[tilespmem:s5+$0xFFFFFFE0] =	vst v0  }
0x45: {  	s4 =	simm.s32 $0x0;
	s9 =	simm.s32 $0x0  }
0x46: {  	s11 =	simm.s32 $0x0;
	s9 =	sand.u32 $0x3000, s9;
	s10 =	sand.u32 $0xC00, s4  }
0x47: {  	s11 =	sand.u32 $0x380, s11;
	s9 =	sor.u32 s10, s9  }
0x48: {  	[tilespmem:s5+$0xFFFFFFD0] =	vst v0;
	s24 =	sor.u32 s11, s9  }
0x49: {  	v6 =	vld [tilespmem:s24+$0x70]  }
0x4a: {  	v7 =	vld [tilespmem:s24+$0x0]  }
0x4b: {  	v8 =	vld [tilespmem:s24+$0x10]  }
0x4c: {  	v9 =	vld [tilespmem:s24+$0x20]  }
0x4d: {  	v10 =	vld [tilespmem:s24+$0x30]  }
0x4e: {  	v11 =	vld [tilespmem:s24+$0x40]  }
0x4f: {  	v12 =	vld [tilespmem:s24+$0x50]  }
0x50: {  	s26 =	simm.s32 $0x80;
	s5 =	simm.s32 $0x400;
	v13 =	vld [tilespmem:s24+$0x60]  }
0x51: {  	s30 =	simm.s32 $0x20;
	s28 =	sand.u32 $0xC00, s5;
	s9 =	sand.u32 $0x3000, s26  }
0x52: {  	s11 =	sand.u32 $0x380, s30;
	s9 =	sor.u32 s28, s9;
	v6 =	vmul.f32 $2.550000000e+02, v6;
	v7 =	vmul.f32 $2.550000000e+02, v7  }
0x53: {  	s9 =	sor.u32 s11, s9;
	v8 =	vmul.f32 $2.550000000e+02, v8;
	v9 =	vmul.f32 $2.550000000e+02, v9  }
0x54: {  	v15 =	vld [tilespmem:s9+$0x70];
	v10 =	vmul.f32 $2.550000000e+02, v10;
	v11 =	vmul.f32 $2.550000000e+02, v11  }
0x55: {  	v12 =	vmul.f32 $2.550000000e+02, v12;
	v13 =	vmul.f32 $2.550000000e+02, v13  }
0x56: {  	v6 =	vtrunc.f32 v6;
	v7 =	vtrunc.f32 v7  }
0x57: {  	v8 =	vtrunc.f32 v8;
	v6 =	vcvt.f32.s32 v6  }
0x58: {  	v9 =	vtrunc.f32 v9;
	v10 =	vtrunc.f32 v10  }
0x59: {  	v20 =	vld [tilespmem:s9+$0x0];
	v21 =	vtrunc.f32 v13;
	v19 =	vmul.f32 $2.550000000e+02, v15;
	v18 =	vadd.s32 v3, v6  }
0x5a: {  	v14 =	vld [tilespmem:s9+$0x10];
	v7 =	vcvt.f32.s32 v7;
	v6 =	vtrunc.f32 v11  }
0x5b: {  	v13 =	vld [tilespmem:s9+$0x20];
	v11 =	vtrunc.f32 v12;
	v12 =	vcvt.f32.s32 v8  }
0x5c: {  	v22 =	vcvt.f32.s32 v9;
	v9 =	vld [tilespmem:s9+$0x30];
	v17 =	vcvt.f32.s32 v10;
	v7 =	vadd.s32 v3, v7  }
0x5d: {  	v8 =	vld [tilespmem:s9+$0x40];
	v16 =	vcvt.f32.s32 v6;
	v15 =	vcvt.f32.s32 v11;
	v6 =	vadd.s32 v3, v12  }
0x5e: {  	s10 =	simm.s32 $0x8;
	v10 =	vadd.s32 v3, v22;
	v11 =	vcvt.f32.s32 v21;
	v12 =	vld [tilespmem:s9+$0x50];
	[tilespmem:v18+s20+$0x0] =	vst.idx.msk $0xffff, v4;
	v18 =	vmul.f32 $2.550000000e+02, v20  }
.LBB2_5:
0x5f: {  	s10 =	sadd.s32 $0x8, s10;
	v14 =	vmul.f32 $2.550000000e+02, v14;
	v20 =	vld [tilespmem:s9+$0x60];
	v19 =	vtrunc.f32 v19;
	v17 =	vadd.s32 v3, v17  }
0x60: {  	s5 =	sadd.s32 $0x400, s5;
	v16 =	vadd.s32 v3, v16;
	s9 =	sshll.u32 s10, $0x4;
	p1 =	slt.u32 s10, $0x3F8;
	v13 =	vmul.f32 $2.550000000e+02, v13;
	v19 =	vcvt.f32.s32 v19  }
0x61: {  	s11 =	sand.u32 $0xC00, s5;
	s12 =	sshll.u32 s10, $0x2;
	v18 =	vtrunc.f32 v18;
	s9 =	sand.u32 $0x3000, s9;
	v9 =	vmul.f32 $2.550000000e+02, v9;
	[tilespmem:v7+s20+$0x0] =	vst.idx.msk $0xffff, v4;
	v7 =	vadd.s32 v3, v15  }
0x62: {  	s12 =	sand.u32 $0x380, s12;
	v15 =	vtrunc.f32 v14;
	s9 =	sor.u32 s11, s9;
	v8 =	vmul.f32 $2.550000000e+02, v8;
	v19 =	vadd.s32 v3, v19;
	[tilespmem:v6+s20+$0x0] =	vst.idx.msk $0xffff, v4  }
0x63: {  	v6 =	vtrunc.f32 v13;
	s9 =	sor.u32 s12, s9;
	v12 =	vmul.f32 $2.550000000e+02, v12;
	[tilespmem:v10+s20+$0x0] =	vst.idx.msk $0xffff, v4;
	v10 =	vadd.s32 v3, v11  }
0x64: {  	v21 =	vtrunc.f32 v9;
	v11 =	vld [tilespmem:s9+$0x70];
	v9 =	vmul.f32 $2.550000000e+02, v20;
	[tilespmem:v17+s20+$0x0] =	vst.idx.msk $0xffff, v4  }
0x65: {  	v8 =	vtrunc.f32 v8;
	v20 =	vld [tilespmem:s9+$0x0];
	v12 =	vtrunc.f32 v12;
	[tilespmem:v16+s20+$0x0] =	vst.idx.msk $0xffff, v4  }
.Ltmp3:
0x66: {  	v16 =	vcvt.f32.s32 v18;
	v14 =	vld [tilespmem:s9+$0x10];
	v22 =	vtrunc.f32 v9;
	[tilespmem:v7+s20+$0x0] =	vst.idx.msk $0xffff, v4;
	(pc) =	sbr.rel @p1 .LBB2_5-.Ltmp3, $4  }
0x67: {  	v15 =	vcvt.f32.s32 v15;
	v23 =	vcvt.f32.s32 v6;
	v13 =	vld [tilespmem:s9+$0x20];
	[tilespmem:v19+s20+$0x0] =	vst.idx.msk $0xffff, v4  }
0x68: {  	v17 =	vcvt.f32.s32 v21;
	v7 =	vadd.s32 v3, v16;
	v16 =	vcvt.f32.s32 v8;
	v9 =	vld [tilespmem:s9+$0x30];
	[tilespmem:v10+s20+$0x0] =	vst.idx.msk $0xffff, v4  }
0x69: {  	v6 =	vadd.s32 v3, v15;
	v15 =	vcvt.f32.s32 v12;
	v8 =	vld [tilespmem:s9+$0x40];
	v19 =	vmul.f32 $2.550000000e+02, v11  }
0x6a: {  	v10 =	vadd.s32 v3, v23;
	v11 =	vcvt.f32.s32 v22;
	v18 =	vmul.f32 $2.550000000e+02, v20;
	v12 =	vld [tilespmem:s9+$0x50]  }
0x6b: {  	_ = 	snop  }
0x6c: {  	v14 =	vmul.f32 $2.550000000e+02, v14  }
0x6d: {  	v19 =	vtrunc.f32 v19;
	v13 =	vmul.f32 $2.550000000e+02, v13  }
0x6e: {  	v20 =	vld [tilespmem:s9+$0x60];
	v17 =	vadd.s32 v3, v17;
	v19 =	vcvt.f32.s32 v19;
	v18 =	vtrunc.f32 v18  }
0x6f: {  	v16 =	vadd.s32 v3, v16;
	[tilespmem:v7+s20+$0x0] =	vst.idx.msk $0xffff, v4;
	v9 =	vmul.f32 $2.550000000e+02, v9;
	v14 =	vtrunc.f32 v14  }
0x70: {  	v7 =	vadd.s32 v3, v15;
	[tilespmem:v6+s20+$0x0] =	vst.idx.msk $0xffff, v4;
	v8 =	vmul.f32 $2.550000000e+02, v8;
	v13 =	vtrunc.f32 v13  }
0x71: {  	[tilespmem:v10+s20+$0x0] =	vst.idx.msk $0xffff, v4;
	v10 =	vadd.s32 v3, v11;
	v11 =	vcvt.f32.s32 v14;
	v6 =	vmul.f32 $2.550000000e+02, v12  }
0x72: {  	v15 =	vadd.s32 v3, v19;
	v12 =	vcvt.f32.s32 v18;
	v9 =	vtrunc.f32 v9  }
0x73: {  	v13 =	vcvt.f32.s32 v13;
	v14 =	vmul.f32 $2.550000000e+02, v20;
	[tilespmem:v17+s20+$0x0] =	vst.idx.msk $0xffff, v4;
	v11 =	vadd.s32 v3, v11  }
0x74: {  	v8 =	vtrunc.f32 v8;
	[tilespmem:v16+s20+$0x0] =	vst.idx.msk $0xffff, v4;
	v9 =	vcvt.f32.s32 v9;
	v12 =	vadd.s32 v3, v12  }
0x75: {  	[tilespmem:v7+s20+$0x0] =	vst.idx.msk $0xffff, v4;
	v6 =	vtrunc.f32 v6;
	v7 =	vcvt.f32.s32 v8;
	v8 =	vadd.s32 v3, v13  }
0x76: {  	[tilespmem:v10+s20+$0x0] =	vst.idx.msk $0xffff, v4;
	v13 =	vtrunc.f32 v14;
	v6 =	vcvt.f32.s32 v6;
	v9 =	vadd.s32 v3, v9  }
0x77: {  	[tilespmem:v15+s20+$0x0] =	vst.idx.msk $0xffff, v4;
	v10 =	vcvt.f32.s32 v13;
	v7 =	vadd.s32 v3, v7  }
0x78: {  	v6 =	vadd.s32 v3, v6;
	[tilespmem:v11+s20+$0x0] =	vst.idx.msk $0xffff, v4  }
0x79: {  	v10 =	vadd.s32 v3, v10;
	[tilespmem:v12+s20+$0x0] =	vst.idx.msk $0xffff, v4  }
0x7a: {  	[tilespmem:v8+s20+$0x0] =	vst.idx.msk $0xffff, v4  }
0x7b: {  	[tilespmem:v9+s20+$0x0] =	vst.idx.msk $0xffff, v4  }
0x7c: {  	[tilespmem:v7+s20+$0x0] =	vst.idx.msk $0xffff, v4  }
0x7d: {  	[tilespmem:v6+s20+$0x0] =	vst.idx.msk $0xffff, v4  }
0x7e: {  	s9 =	simm.s32 $0x0;
	s10 =	simm.s32 $0x0;
	[tilespmem:v10+s20+$0x0] =	vst.idx.msk $0xffff, v4  }
0x7f: {  	s5 =	sand.u32 $0xE0, s9;
	v6 =	vld [tilespmem:s10+$0x18000]  }
0x80: {  	v7 =	vld [tilespmem:s5+$0x18100]  }
0x81: {  	v8 =	vld [tilespmem:s10+$0x18010]  }
0x82: {  	v9 =	vld [tilespmem:s5+$0x18200]  }
0x83: {  	v10 =	vld [tilespmem:s10+$0x18110]  }
0x84: {  	v11 =	vld [tilespmem:s5+$0x18300]  }
0x85: {  	v6 =	vadd.f32 v7, v6;
	v7 =	vld [tilespmem:s10+$0x18210]  }
0x86: {  	v12 =	vld [tilespmem:s5+$0x18400]  }
0x87: {  	v6 =	vadd.f32 v9, v6;
	v9 =	vld [tilespmem:s10+$0x18310]  }
0x88: {  	v13 =	vld [tilespmem:s5+$0x18500];
	v8 =	vadd.f32 v10, v8  }
0x89: {  	v10 =	vld [tilespmem:s10+$0x18410];
	v6 =	vadd.f32 v11, v6  }
0x8a: {  	v11 =	vld [tilespmem:s5+$0x18600];
	v7 =	vadd.f32 v7, v8  }
0x8b: {  	v8 =	vld [tilespmem:s10+$0x18510];
	v6 =	vadd.f32 v12, v6  }
0x8c: {  	v12 =	vld [tilespmem:s5+$0x18700];
	v7 =	vadd.f32 v9, v7  }
0x8d: {  	v9 =	vld [tilespmem:s10+$0x18610];
	v6 =	vadd.f32 v13, v6  }
0x8e: {  	v13 =	vld [tilespmem:s5+$0x18800];
	v7 =	vadd.f32 v10, v7  }
0x8f: {  	v10 =	vld [tilespmem:s10+$0x18710];
	v6 =	vadd.f32 v11, v6  }
0x90: {  	v11 =	vld [tilespmem:s5+$0x18900];
	v7 =	vadd.f32 v8, v7  }
0x91: {  	v8 =	vld [tilespmem:s10+$0x18810];
	v6 =	vadd.f32 v12, v6  }
0x92: {  	v12 =	vld [tilespmem:s5+$0x18A00];
	v7 =	vadd.f32 v9, v7  }
0x93: {  	v9 =	vld [tilespmem:s10+$0x18910];
	v6 =	vadd.f32 v13, v6  }
0x94: {  	v13 =	vld [tilespmem:s5+$0x18B00];
	v7 =	vadd.f32 v10, v7  }
0x95: {  	v6 =	vadd.f32 v11, v6;
	v11 =	vld [tilespmem:s10+$0x18A10]  }
0x96: {  	v14 =	vld [tilespmem:s5+$0x18C00];
	v7 =	vadd.f32 v8, v7  }
0x97: {  	v6 =	vadd.f32 v12, v6;
	v12 =	vld [tilespmem:s10+$0x18B10]  }
0x98: {  	p1 =	por $0x1, $0x1;
	v15 =	vld [tilespmem:s5+$0x18D00];
	v7 =	vadd.f32 v9, v7  }
.Ltmp4:
0x99: {  	v10 =	vld [tilespmem:s10+$0x18C10];
	v8 =	vadd.f32 v13, v6;
	(pc) =	sbr.rel @!p1 .LBB2_8-.Ltmp4, $4  }
0x9a: {  	v6 =	vld [tilespmem:s5+$0x18E00];
	v9 =	vadd.f32 v11, v7  }
0x9b: {  	v11 =	vadd.f32 v14, v8;
	v8 =	vld [tilespmem:s10+$0x18D10]  }
0x9c: {  	s12 =	simm.s32 $0x10;
	s11 =	simm.s32 $0x0;
	v7 =	vld [tilespmem:s5+$0x18F00];
	v12 =	vadd.f32 v12, v9  }
0x9d: {  	s14 =	simm.s32 $0x30;
	s5 =	sand.u32 $0x70, s12;
	s12 =	simm.s32 $0x80;
	v9 =	vld [tilespmem:s10+$0x18E10];
	v11 =	vadd.f32 v15, v11  }
.LBB2_7:
0x9e: {  	s16 =	sadd.s32 $0xFFFFFFF0, s14;
	s11 =	sadd.s32 $0x2, s11;
	v10 =	vadd.f32 v10, v12;
	v12 =	vld [tilespmem:s10+$0x18F10];
	s10 =	sshra.s32 s12, $0x2  }
0x9f: {  	s18 =	sand.u32 $0x70, s14;
	v13 =	vld [tilespmem:s10+$0x18000];
	s15 =	sand.u32 $0xE0, s16;
	p1 =	slt.u32 s11, $0xE;
	v6 =	vadd.f32 v6, v11  }
0xa0: {  	s24 =	sand.u32 $0x200, s4;
	s4 =	smov.u32 s12;
	v11 =	vld [tilespmem:s15+$0x18100];
	v8 =	vadd.f32 v8, v10  }
0xa1: {  	s26 =	sand.u32 $0x60, s9;
	s24 =	sor.u32 $0x19000, s24;
	s9 =	smov.u32 s16;
	v10 =	vld [tilespmem:s10+$0x18010];
	v6 =	vadd.f32 v7, v6  }
0xa2: {  	s16 =	sor.u32 s26, s24;
	s24 =	sor.u32 s5, s24;
	s5 =	smov.u32 s18;
	v7 =	vld [tilespmem:s15+$0x18200];
	v8 =	vadd.f32 v9, v8  }
0xa3: {  	v9 =	vld [tilespmem:s10+$0x18110];
	[tilespmem:s16+$0x0] =	vst v6  }
0xa4: {  	v6 =	vld [tilespmem:s15+$0x18300];
	v8 =	vadd.f32 v12, v8  }
0xa5: {  	v11 =	vadd.f32 v11, v13;
	v12 =	vld [tilespmem:s10+$0x18210]  }
0xa6: {  	v13 =	vld [tilespmem:s15+$0x18400];
	[tilespmem:s24+$0x0] =	vst v8  }
0xa7: {  	v7 =	vadd.f32 v7, v11;
	v8 =	vld [tilespmem:s10+$0x18310]  }
0xa8: {  	v11 =	vld [tilespmem:s15+$0x18500];
	v9 =	vadd.f32 v9, v10  }
0xa9: {  	v6 =	vadd.f32 v6, v7;
	v7 =	vld [tilespmem:s10+$0x18410]  }
0xaa: {  	v10 =	vld [tilespmem:s15+$0x18600];
	v9 =	vadd.f32 v12, v9  }
0xab: {  	v6 =	vadd.f32 v13, v6;
	v12 =	vld [tilespmem:s10+$0x18510]  }
0xac: {  	v13 =	vld [tilespmem:s15+$0x18700];
	v8 =	vadd.f32 v8, v9  }
0xad: {  	v6 =	vadd.f32 v11, v6;
	v9 =	vld [tilespmem:s10+$0x18610]  }
0xae: {  	v11 =	vld [tilespmem:s15+$0x18800];
	v7 =	vadd.f32 v7, v8  }
0xaf: {  	v6 =	vadd.f32 v10, v6;
	v8 =	vld [tilespmem:s10+$0x18710]  }
0xb0: {  	v10 =	vld [tilespmem:s15+$0x18900];
	v7 =	vadd.f32 v12, v7  }
0xb1: {  	v6 =	vadd.f32 v13, v6;
	v12 =	vld [tilespmem:s10+$0x18810]  }
0xb2: {  	v13 =	vld [tilespmem:s15+$0x18A00];
	v7 =	vadd.f32 v9, v7  }
0xb3: {  	v6 =	vadd.f32 v11, v6;
	v9 =	vld [tilespmem:s10+$0x18910]  }
0xb4: {  	v11 =	vld [tilespmem:s15+$0x18B00];
	v7 =	vadd.f32 v8, v7  }
0xb5: {  	v6 =	vadd.f32 v10, v6;
	v8 =	vld [tilespmem:s10+$0x18A10]  }
0xb6: {  	v14 =	vld [tilespmem:s15+$0x18C00];
	v7 =	vadd.f32 v12, v7  }
0xb7: {  	v6 =	vadd.f32 v13, v6;
	v12 =	vld [tilespmem:s10+$0x18B10]  }
0xb8: {  	v13 =	vld [tilespmem:s15+$0x18D00];
	v7 =	vadd.f32 v9, v7  }
.Ltmp5:
0xb9: {  	v9 =	vadd.f32 v11, v6;
	v10 =	vld [tilespmem:s10+$0x18C10];
	(pc) =	sbr.rel @p1 .LBB2_7-.Ltmp5, $4  }
0xba: {  	v6 =	vld [tilespmem:s15+$0x18E00];
	v11 =	vadd.f32 v8, v7  }
0xbb: {  	v9 =	vadd.f32 v14, v9;
	v8 =	vld [tilespmem:s10+$0x18D10]  }
0xbc: {  	v7 =	vld [tilespmem:s15+$0x18F00];
	v12 =	vadd.f32 v12, v11  }
0xbd: {  	s12 =	sadd.s32 $0x80, s12;
	s14 =	sadd.s32 $0x20, s14;
	v11 =	vadd.f32 v13, v9;
	v9 =	vld [tilespmem:s10+$0x18E10]  }
.LBB2_8:
0xbe: {  	v10 =	vadd.f32 v10, v12  }
0xbf: {  	v63 =	vld [tilespmem:s10+$0x18F10]  }
0xc0: {  	v8 =	vadd.f32 v8, v10  }
0xc1: {  	v6 =	vadd.f32 v6, v11  }
0xc2: {  	s4 =	sand.u32 $0x200, s4;
	v8 =	vadd.f32 v9, v8  }
0xc3: {  	s9 =	sand.u32 $0x60, s9;
	s4 =	sor.u32 $0x19000, s4;
	v6 =	vadd.f32 v7, v6  }
0xc4: {  	s9 =	sor.u32 s9, s4;
	v7 =	vadd.f32 v63, v8  }
0xc5: {  	s4 =	sor.u32 s5, s4;
	[tilespmem:s9+$0x0] =	vst v6  }
0xc6: {  	[tilespmem:s4+$0x0] =	vst v7  }
0xc7: {  	_ =	swait.ge [sflag:s21], $0x4000  }
0xc8: {  	[sflag:s21] =	ssyncset.done $0x0  }
0xc9: {  	s5 =	simm.s32 $0x18040;
	[sflag:s21] =	ssyncadd.s32 $0xFFFFC000  }
0xca: {  	[tilespmem:s5+$0xFFFFFFC0] =	vst v0  }
0xcb: {  	[tilespmem:s5+$0x30] =	vst v0  }
0xcc: {  	[tilespmem:s5+$0x20] =	vst v0  }
0xcd: {  	[tilespmem:s5+$0x10] =	vst v0  }
0xce: {  	[tilespmem:s5+$0x0] =	vst v0  }
0xcf: {  	[tilespmem:s5+$0xFFFFFFF0] =	vst v0  }
0xd0: {  	s4 =	simm.s32 $0x0;
	[tilespmem:s5+$0xFFFFFFE0] =	vst v0  }
.LBB2_9:
0xd1: {  	s4 =	sadd.s32 $0x8, s4;
	[tilespmem:s5+$0xFFFFFFD0] =	vst v0;
	s5 =	sadd.s32 $0x80, s5  }
0xd2: {  	[tilespmem:s5+$0xFFFFFFC0] =	vst v0;
	p1 =	slt.u32 s4, $0xF8  }
0xd3: {  	[tilespmem:s5+$0x30] =	vst v0  }
.Ltmp6:
0xd4: {  	[tilespmem:s5+$0x20] =	vst v0;
	(pc) =	sbr.rel @p1 .LBB2_9-.Ltmp6, $4  }
0xd5: {  	[tilespmem:s5+$0x10] =	vst v0  }
0xd6: {  	[tilespmem:s5+$0x0] =	vst v0  }
0xd7: {  	[tilespmem:s5+$0xFFFFFFF0] =	vst v0  }
0xd8: {  	[tilespmem:s5+$0xFFFFFFE0] =	vst v0  }
0xd9: {  	s4 =	simm.s32 $0x0;
	s9 =	simm.s32 $0x0  }
0xda: {  	s11 =	simm.s32 $0x0;
	s9 =	sand.u32 $0x3000, s9;
	s10 =	sand.u32 $0xC00, s4  }
0xdb: {  	s11 =	sand.u32 $0x380, s11;
	s9 =	sor.u32 s10, s9  }
0xdc: {  	[tilespmem:s5+$0xFFFFFFD0] =	vst v0;
	s24 =	sor.u32 s11, s9  }
0xdd: {  	v6 =	vld [tilespmem:s24+$0x4070]  }
0xde: {  	v7 =	vld [tilespmem:s24+$0x4000]  }
0xdf: {  	v8 =	vld [tilespmem:s24+$0x4010]  }
0xe0: {  	v9 =	vld [tilespmem:s24+$0x4020]  }
0xe1: {  	v10 =	vld [tilespmem:s24+$0x4030]  }
0xe2: {  	v11 =	vld [tilespmem:s24+$0x4040]  }
0xe3: {  	v12 =	vld [tilespmem:s24+$0x4050]  }
0xe4: {  	s26 =	simm.s32 $0x80;
	s5 =	simm.s32 $0x400;
	v13 =	vld [tilespmem:s24+$0x4060]  }
0xe5: {  	s30 =	simm.s32 $0x20;
	s28 =	sand.u32 $0xC00, s5;
	s9 =	sand.u32 $0x3000, s26  }
0xe6: {  	s11 =	sand.u32 $0x380, s30;
	s9 =	sor.u32 s28, s9;
	v6 =	vmul.f32 $2.550000000e+02, v6;
	v7 =	vmul.f32 $2.550000000e+02, v7  }
0xe7: {  	s9 =	sor.u32 s11, s9;
	v8 =	vmul.f32 $2.550000000e+02, v8;
	v9 =	vmul.f32 $2.550000000e+02, v9  }
0xe8: {  	v15 =	vld [tilespmem:s9+$0x4070];
	v10 =	vmul.f32 $2.550000000e+02, v10;
	v11 =	vmul.f32 $2.550000000e+02, v11  }
0xe9: {  	v12 =	vmul.f32 $2.550000000e+02, v12;
	v13 =	vmul.f32 $2.550000000e+02, v13  }
0xea: {  	v6 =	vtrunc.f32 v6;
	v7 =	vtrunc.f32 v7  }
0xeb: {  	v8 =	vtrunc.f32 v8;
	v6 =	vcvt.f32.s32 v6  }
0xec: {  	v9 =	vtrunc.f32 v9;
	v10 =	vtrunc.f32 v10  }
0xed: {  	v20 =	vld [tilespmem:s9+$0x4000];
	v21 =	vtrunc.f32 v13;
	v19 =	vmul.f32 $2.550000000e+02, v15;
	v18 =	vadd.s32 v3, v6  }
0xee: {  	v14 =	vld [tilespmem:s9+$0x4010];
	v7 =	vcvt.f32.s32 v7;
	v6 =	vtrunc.f32 v11  }
0xef: {  	v13 =	vld [tilespmem:s9+$0x4020];
	v11 =	vtrunc.f32 v12;
	v12 =	vcvt.f32.s32 v8  }
0xf0: {  	v22 =	vcvt.f32.s32 v9;
	v9 =	vld [tilespmem:s9+$0x4030];
	v17 =	vcvt.f32.s32 v10;
	v7 =	vadd.s32 v3, v7  }
0xf1: {  	v8 =	vld [tilespmem:s9+$0x4040];
	v16 =	vcvt.f32.s32 v6;
	v15 =	vcvt.f32.s32 v11;
	v6 =	vadd.s32 v3, v12  }
0xf2: {  	s10 =	simm.s32 $0x8;
	v10 =	vadd.s32 v3, v22;
	v11 =	vcvt.f32.s32 v21;
	v12 =	vld [tilespmem:s9+$0x4050];
	[tilespmem:v18+s20+$0x0] =	vst.idx.msk $0xffff, v4;
	v18 =	vmul.f32 $2.550000000e+02, v20  }
.LBB2_11:
0xf3: {  	s10 =	sadd.s32 $0x8, s10;
	v14 =	vmul.f32 $2.550000000e+02, v14;
	v20 =	vld [tilespmem:s9+$0x4060];
	v19 =	vtrunc.f32 v19;
	v17 =	vadd.s32 v3, v17  }
0xf4: {  	s5 =	sadd.s32 $0x400, s5;
	v16 =	vadd.s32 v3, v16;
	s9 =	sshll.u32 s10, $0x4;
	p1 =	slt.u32 s10, $0x3F8;
	v13 =	vmul.f32 $2.550000000e+02, v13;
	v19 =	vcvt.f32.s32 v19  }
0xf5: {  	s11 =	sand.u32 $0xC00, s5;
	s12 =	sshll.u32 s10, $0x2;
	v18 =	vtrunc.f32 v18;
	s9 =	sand.u32 $0x3000, s9;
	v9 =	vmul.f32 $2.550000000e+02, v9;
	[tilespmem:v7+s20+$0x0] =	vst.idx.msk $0xffff, v4;
	v7 =	vadd.s32 v3, v15  }
0xf6: {  	s12 =	sand.u32 $0x380, s12;
	v15 =	vtrunc.f32 v14;
	s9 =	sor.u32 s11, s9;
	v8 =	vmul.f32 $2.550000000e+02, v8;
	v19 =	vadd.s32 v3, v19;
	[tilespmem:v6+s20+$0x0] =	vst.idx.msk $0xffff, v4  }
0xf7: {  	v6 =	vtrunc.f32 v13;
	s9 =	sor.u32 s12, s9;
	v12 =	vmul.f32 $2.550000000e+02, v12;
	[tilespmem:v10+s20+$0x0] =	vst.idx.msk $0xffff, v4;
	v10 =	vadd.s32 v3, v11  }
0xf8: {  	v21 =	vtrunc.f32 v9;
	v11 =	vld [tilespmem:s9+$0x4070];
	v9 =	vmul.f32 $2.550000000e+02, v20;
	[tilespmem:v17+s20+$0x0] =	vst.idx.msk $0xffff, v4  }
0xf9: {  	v8 =	vtrunc.f32 v8;
	v20 =	vld [tilespmem:s9+$0x4000];
	v12 =	vtrunc.f32 v12;
	[tilespmem:v16+s20+$0x0] =	vst.idx.msk $0xffff, v4  }
.Ltmp7:
0xfa: {  	v16 =	vcvt.f32.s32 v18;
	v14 =	vld [tilespmem:s9+$0x4010];
	v22 =	vtrunc.f32 v9;
	[tilespmem:v7+s20+$0x0] =	vst.idx.msk $0xffff, v4;
	(pc) =	sbr.rel @p1 .LBB2_11-.Ltmp7, $4  }
0xfb: {  	v15 =	vcvt.f32.s32 v15;
	v23 =	vcvt.f32.s32 v6;
	v13 =	vld [tilespmem:s9+$0x4020];
	[tilespmem:v19+s20+$0x0] =	vst.idx.msk $0xffff, v4  }
0xfc: {  	v17 =	vcvt.f32.s32 v21;
	v7 =	vadd.s32 v3, v16;
	v16 =	vcvt.f32.s32 v8;
	v9 =	vld [tilespmem:s9+$0x4030];
	[tilespmem:v10+s20+$0x0] =	vst.idx.msk $0xffff, v4  }
0xfd: {  	v6 =	vadd.s32 v3, v15;
	v15 =	vcvt.f32.s32 v12;
	v8 =	vld [tilespmem:s9+$0x4040];
	v19 =	vmul.f32 $2.550000000e+02, v11  }
0xfe: {  	v10 =	vadd.s32 v3, v23;
	v11 =	vcvt.f32.s32 v22;
	v18 =	vmul.f32 $2.550000000e+02, v20;
	v12 =	vld [tilespmem:s9+$0x4050]  }
0xff: {  	_ = 	snop  }
0x100: {  	v14 =	vmul.f32 $2.550000000e+02, v14  }
0x101: {  	v19 =	vtrunc.f32 v19;
	v13 =	vmul.f32 $2.550000000e+02, v13  }
0x102: {  	v20 =	vld [tilespmem:s9+$0x4060];
	v17 =	vadd.s32 v3, v17;
	v19 =	vcvt.f32.s32 v19;
	v18 =	vtrunc.f32 v18  }
0x103: {  	v16 =	vadd.s32 v3, v16;
	[tilespmem:v7+s20+$0x0] =	vst.idx.msk $0xffff, v4;
	v9 =	vmul.f32 $2.550000000e+02, v9;
	v14 =	vtrunc.f32 v14  }
0x104: {  	v7 =	vadd.s32 v3, v15;
	[tilespmem:v6+s20+$0x0] =	vst.idx.msk $0xffff, v4;
	v8 =	vmul.f32 $2.550000000e+02, v8;
	v13 =	vtrunc.f32 v13  }
0x105: {  	[tilespmem:v10+s20+$0x0] =	vst.idx.msk $0xffff, v4;
	v10 =	vadd.s32 v3, v11;
	v11 =	vcvt.f32.s32 v14;
	v6 =	vmul.f32 $2.550000000e+02, v12  }
0x106: {  	v15 =	vadd.s32 v3, v19;
	v12 =	vcvt.f32.s32 v18;
	v9 =	vtrunc.f32 v9  }
0x107: {  	v13 =	vcvt.f32.s32 v13;
	v14 =	vmul.f32 $2.550000000e+02, v20;
	[tilespmem:v17+s20+$0x0] =	vst.idx.msk $0xffff, v4;
	v11 =	vadd.s32 v3, v11  }
0x108: {  	v8 =	vtrunc.f32 v8;
	[tilespmem:v16+s20+$0x0] =	vst.idx.msk $0xffff, v4;
	v9 =	vcvt.f32.s32 v9;
	v12 =	vadd.s32 v3, v12  }
0x109: {  	[tilespmem:v7+s20+$0x0] =	vst.idx.msk $0xffff, v4;
	v6 =	vtrunc.f32 v6;
	v7 =	vcvt.f32.s32 v8;
	v8 =	vadd.s32 v3, v13  }
0x10a: {  	[tilespmem:v10+s20+$0x0] =	vst.idx.msk $0xffff, v4;
	v13 =	vtrunc.f32 v14;
	v6 =	vcvt.f32.s32 v6;
	v9 =	vadd.s32 v3, v9  }
0x10b: {  	[tilespmem:v15+s20+$0x0] =	vst.idx.msk $0xffff, v4;
	v10 =	vcvt.f32.s32 v13;
	v7 =	vadd.s32 v3, v7  }
0x10c: {  	v6 =	vadd.s32 v3, v6;
	[tilespmem:v11+s20+$0x0] =	vst.idx.msk $0xffff, v4  }
0x10d: {  	v10 =	vadd.s32 v3, v10;
	[tilespmem:v12+s20+$0x0] =	vst.idx.msk $0xffff, v4  }
0x10e: {  	[tilespmem:v8+s20+$0x0] =	vst.idx.msk $0xffff, v4  }
0x10f: {  	[tilespmem:v9+s20+$0x0] =	vst.idx.msk $0xffff, v4  }
0x110: {  	[tilespmem:v7+s20+$0x0] =	vst.idx.msk $0xffff, v4  }
0x111: {  	[tilespmem:v6+s20+$0x0] =	vst.idx.msk $0xffff, v4  }
0x112: {  	s9 =	simm.s32 $0x0;
	s10 =	simm.s32 $0x0;
	[tilespmem:v10+s20+$0x0] =	vst.idx.msk $0xffff, v4  }
0x113: {  	s5 =	sand.u32 $0xE0, s9;
	v6 =	vld [tilespmem:s10+$0x18000]  }
0x114: {  	v7 =	vld [tilespmem:s5+$0x18100]  }
0x115: {  	v8 =	vld [tilespmem:s10+$0x18010]  }
0x116: {  	v9 =	vld [tilespmem:s5+$0x18200]  }
0x117: {  	v10 =	vld [tilespmem:s10+$0x18110]  }
0x118: {  	v11 =	vld [tilespmem:s5+$0x18300]  }
0x119: {  	v6 =	vadd.f32 v7, v6;
	v7 =	vld [tilespmem:s10+$0x18210]  }
0x11a: {  	v12 =	vld [tilespmem:s5+$0x18400]  }
0x11b: {  	v6 =	vadd.f32 v9, v6;
	v9 =	vld [tilespmem:s10+$0x18310]  }
0x11c: {  	v13 =	vld [tilespmem:s5+$0x18500];
	v8 =	vadd.f32 v10, v8  }
0x11d: {  	v10 =	vld [tilespmem:s10+$0x18410];
	v6 =	vadd.f32 v11, v6  }
0x11e: {  	v11 =	vld [tilespmem:s5+$0x18600];
	v7 =	vadd.f32 v7, v8  }
0x11f: {  	v8 =	vld [tilespmem:s10+$0x18510];
	v6 =	vadd.f32 v12, v6  }
0x120: {  	v12 =	vld [tilespmem:s5+$0x18700];
	v7 =	vadd.f32 v9, v7  }
0x121: {  	v9 =	vld [tilespmem:s10+$0x18610];
	v6 =	vadd.f32 v13, v6  }
0x122: {  	v13 =	vld [tilespmem:s5+$0x18800];
	v7 =	vadd.f32 v10, v7  }
0x123: {  	v10 =	vld [tilespmem:s10+$0x18710];
	v6 =	vadd.f32 v11, v6  }
0x124: {  	v11 =	vld [tilespmem:s5+$0x18900];
	v7 =	vadd.f32 v8, v7  }
0x125: {  	v8 =	vld [tilespmem:s10+$0x18810];
	v6 =	vadd.f32 v12, v6  }
0x126: {  	v12 =	vld [tilespmem:s5+$0x18A00];
	v7 =	vadd.f32 v9, v7  }
0x127: {  	v9 =	vld [tilespmem:s10+$0x18910];
	v6 =	vadd.f32 v13, v6  }
0x128: {  	v13 =	vld [tilespmem:s5+$0x18B00];
	v7 =	vadd.f32 v10, v7  }
0x129: {  	v6 =	vadd.f32 v11, v6;
	v11 =	vld [tilespmem:s10+$0x18A10]  }
0x12a: {  	v14 =	vld [tilespmem:s5+$0x18C00];
	v7 =	vadd.f32 v8, v7  }
0x12b: {  	v6 =	vadd.f32 v12, v6;
	v12 =	vld [tilespmem:s10+$0x18B10]  }
0x12c: {  	p1 =	por $0x1, $0x1;
	v15 =	vld [tilespmem:s5+$0x18D00];
	v7 =	vadd.f32 v9, v7  }
.Ltmp8:
0x12d: {  	v10 =	vld [tilespmem:s10+$0x18C10];
	v8 =	vadd.f32 v13, v6;
	(pc) =	sbr.rel @!p1 .LBB2_14-.Ltmp8, $4  }
0x12e: {  	v6 =	vld [tilespmem:s5+$0x18E00];
	v9 =	vadd.f32 v11, v7  }
0x12f: {  	v11 =	vadd.f32 v14, v8;
	v8 =	vld [tilespmem:s10+$0x18D10]  }
0x130: {  	s12 =	simm.s32 $0x10;
	s11 =	simm.s32 $0x0;
	v7 =	vld [tilespmem:s5+$0x18F00];
	v12 =	vadd.f32 v12, v9  }
0x131: {  	s14 =	simm.s32 $0x30;
	s5 =	sand.u32 $0x70, s12;
	s12 =	simm.s32 $0x80;
	v9 =	vld [tilespmem:s10+$0x18E10];
	v11 =	vadd.f32 v15, v11  }
.LBB2_13:
0x132: {  	s16 =	sadd.s32 $0xFFFFFFF0, s14;
	s11 =	sadd.s32 $0x2, s11;
	v10 =	vadd.f32 v10, v12;
	v12 =	vld [tilespmem:s10+$0x18F10];
	s10 =	sshra.s32 s12, $0x2  }
0x133: {  	s18 =	sand.u32 $0x70, s14;
	v13 =	vld [tilespmem:s10+$0x18000];
	s15 =	sand.u32 $0xE0, s16;
	p1 =	slt.u32 s11, $0xE;
	v6 =	vadd.f32 v6, v11  }
0x134: {  	s24 =	sand.u32 $0x200, s4;
	s4 =	smov.u32 s12;
	v11 =	vld [tilespmem:s15+$0x18100];
	v8 =	vadd.f32 v8, v10  }
0x135: {  	s26 =	sand.u32 $0x60, s9;
	s24 =	sor.u32 $0x19000, s24;
	s9 =	smov.u32 s16;
	v10 =	vld [tilespmem:s10+$0x18010];
	v6 =	vadd.f32 v7, v6  }
0x136: {  	s16 =	sor.u32 s26, s24;
	s24 =	sor.u32 s5, s24;
	s5 =	smov.u32 s18;
	v7 =	vld [tilespmem:s15+$0x18200];
	v8 =	vadd.f32 v9, v8  }
0x137: {  	v9 =	vld [tilespmem:s10+$0x18110];
	[tilespmem:s16+$0x80] =	vst v6  }
0x138: {  	v6 =	vld [tilespmem:s15+$0x18300];
	v8 =	vadd.f32 v12, v8  }
0x139: {  	v11 =	vadd.f32 v11, v13;
	v12 =	vld [tilespmem:s10+$0x18210]  }
0x13a: {  	v13 =	vld [tilespmem:s15+$0x18400];
	[tilespmem:s24+$0x80] =	vst v8  }
0x13b: {  	v7 =	vadd.f32 v7, v11;
	v8 =	vld [tilespmem:s10+$0x18310]  }
0x13c: {  	v11 =	vld [tilespmem:s15+$0x18500];
	v9 =	vadd.f32 v9, v10  }
0x13d: {  	v6 =	vadd.f32 v6, v7;
	v7 =	vld [tilespmem:s10+$0x18410]  }
0x13e: {  	v10 =	vld [tilespmem:s15+$0x18600];
	v9 =	vadd.f32 v12, v9  }
0x13f: {  	v6 =	vadd.f32 v13, v6;
	v12 =	vld [tilespmem:s10+$0x18510]  }
0x140: {  	v13 =	vld [tilespmem:s15+$0x18700];
	v8 =	vadd.f32 v8, v9  }
0x141: {  	v6 =	vadd.f32 v11, v6;
	v9 =	vld [tilespmem:s10+$0x18610]  }
0x142: {  	v11 =	vld [tilespmem:s15+$0x18800];
	v7 =	vadd.f32 v7, v8  }
0x143: {  	v6 =	vadd.f32 v10, v6;
	v8 =	vld [tilespmem:s10+$0x18710]  }
0x144: {  	v10 =	vld [tilespmem:s15+$0x18900];
	v7 =	vadd.f32 v12, v7  }
0x145: {  	v6 =	vadd.f32 v13, v6;
	v12 =	vld [tilespmem:s10+$0x18810]  }
0x146: {  	v13 =	vld [tilespmem:s15+$0x18A00];
	v7 =	vadd.f32 v9, v7  }
0x147: {  	v6 =	vadd.f32 v11, v6;
	v9 =	vld [tilespmem:s10+$0x18910]  }
0x148: {  	v11 =	vld [tilespmem:s15+$0x18B00];
	v7 =	vadd.f32 v8, v7  }
0x149: {  	v6 =	vadd.f32 v10, v6;
	v8 =	vld [tilespmem:s10+$0x18A10]  }
0x14a: {  	v14 =	vld [tilespmem:s15+$0x18C00];
	v7 =	vadd.f32 v12, v7  }
0x14b: {  	v6 =	vadd.f32 v13, v6;
	v12 =	vld [tilespmem:s10+$0x18B10]  }
0x14c: {  	v13 =	vld [tilespmem:s15+$0x18D00];
	v7 =	vadd.f32 v9, v7  }
.Ltmp9:
0x14d: {  	v9 =	vadd.f32 v11, v6;
	v10 =	vld [tilespmem:s10+$0x18C10];
	(pc) =	sbr.rel @p1 .LBB2_13-.Ltmp9, $4  }
0x14e: {  	v6 =	vld [tilespmem:s15+$0x18E00];
	v11 =	vadd.f32 v8, v7  }
0x14f: {  	v9 =	vadd.f32 v14, v9;
	v8 =	vld [tilespmem:s10+$0x18D10]  }
0x150: {  	v7 =	vld [tilespmem:s15+$0x18F00];
	v12 =	vadd.f32 v12, v11  }
0x151: {  	s12 =	sadd.s32 $0x80, s12;
	s14 =	sadd.s32 $0x20, s14;
	v11 =	vadd.f32 v13, v9;
	v9 =	vld [tilespmem:s10+$0x18E10]  }
.LBB2_14:
0x152: {  	v10 =	vadd.f32 v10, v12  }
0x153: {  	v63 =	vld [tilespmem:s10+$0x18F10]  }
0x154: {  	v8 =	vadd.f32 v8, v10  }
0x155: {  	v6 =	vadd.f32 v6, v11  }
0x156: {  	s4 =	sand.u32 $0x200, s4;
	v8 =	vadd.f32 v9, v8  }
0x157: {  	s9 =	sand.u32 $0x60, s9;
	s4 =	sor.u32 $0x19000, s4;
	v6 =	vadd.f32 v7, v6  }
0x158: {  	s9 =	sor.u32 s9, s4;
	v7 =	vadd.f32 v63, v8  }
0x159: {  	s4 =	sor.u32 s5, s4;
	[tilespmem:s9+$0x80] =	vst v6  }
0x15a: {  	[tilespmem:s4+$0x80] =	vst v7  }
0x15b: {  	_ =	swait.ge [sflag:s22], $0x4000  }
0x15c: {  	[sflag:s22] =	ssyncset.done $0x0  }
0x15d: {  	s5 =	simm.s32 $0x18040;
	[sflag:s22] =	ssyncadd.s32 $0xFFFFC000  }
0x15e: {  	[tilespmem:s5+$0xFFFFFFC0] =	vst v0  }
0x15f: {  	[tilespmem:s5+$0x30] =	vst v0  }
0x160: {  	[tilespmem:s5+$0x20] =	vst v0  }
0x161: {  	[tilespmem:s5+$0x10] =	vst v0  }
0x162: {  	[tilespmem:s5+$0x0] =	vst v0  }
0x163: {  	[tilespmem:s5+$0xFFFFFFF0] =	vst v0  }
0x164: {  	s4 =	simm.s32 $0x0;
	[tilespmem:s5+$0xFFFFFFE0] =	vst v0  }
.LBB2_15:
0x165: {  	s4 =	sadd.s32 $0x8, s4;
	[tilespmem:s5+$0xFFFFFFD0] =	vst v0;
	s5 =	sadd.s32 $0x80, s5  }
0x166: {  	[tilespmem:s5+$0xFFFFFFC0] =	vst v0;
	p1 =	slt.u32 s4, $0xF8  }
0x167: {  	[tilespmem:s5+$0x30] =	vst v0  }
.Ltmp10:
0x168: {  	[tilespmem:s5+$0x20] =	vst v0;
	(pc) =	sbr.rel @p1 .LBB2_15-.Ltmp10, $4  }
0x169: {  	[tilespmem:s5+$0x10] =	vst v0  }
0x16a: {  	[tilespmem:s5+$0x0] =	vst v0  }
0x16b: {  	[tilespmem:s5+$0xFFFFFFF0] =	vst v0  }
0x16c: {  	[tilespmem:s5+$0xFFFFFFE0] =	vst v0  }
0x16d: {  	s4 =	simm.s32 $0x0;
	s9 =	simm.s32 $0x0  }
0x16e: {  	s11 =	simm.s32 $0x0;
	s9 =	sand.u32 $0x3000, s9;
	s10 =	sand.u32 $0xC00, s4  }
0x16f: {  	s11 =	sand.u32 $0x380, s11;
	s9 =	sor.u32 s10, s9  }
0x170: {  	[tilespmem:s5+$0xFFFFFFD0] =	vst v0;
	s24 =	sor.u32 s11, s9  }
0x171: {  	v6 =	vld [tilespmem:s24+$0x8070]  }
0x172: {  	v7 =	vld [tilespmem:s24+$0x8000]  }
0x173: {  	v8 =	vld [tilespmem:s24+$0x8010]  }
0x174: {  	v9 =	vld [tilespmem:s24+$0x8020]  }
0x175: {  	v10 =	vld [tilespmem:s24+$0x8030]  }
0x176: {  	v11 =	vld [tilespmem:s24+$0x8040]  }
0x177: {  	v12 =	vld [tilespmem:s24+$0x8050]  }
0x178: {  	s26 =	simm.s32 $0x80;
	s5 =	simm.s32 $0x400;
	v13 =	vld [tilespmem:s24+$0x8060]  }
0x179: {  	s30 =	simm.s32 $0x20;
	s28 =	sand.u32 $0xC00, s5;
	s9 =	sand.u32 $0x3000, s26  }
0x17a: {  	s11 =	sand.u32 $0x380, s30;
	s9 =	sor.u32 s28, s9;
	v6 =	vmul.f32 $2.550000000e+02, v6;
	v7 =	vmul.f32 $2.550000000e+02, v7  }
0x17b: {  	s9 =	sor.u32 s11, s9;
	v8 =	vmul.f32 $2.550000000e+02, v8;
	v9 =	vmul.f32 $2.550000000e+02, v9  }
0x17c: {  	v15 =	vld [tilespmem:s9+$0x8070];
	v10 =	vmul.f32 $2.550000000e+02, v10;
	v11 =	vmul.f32 $2.550000000e+02, v11  }
0x17d: {  	v12 =	vmul.f32 $2.550000000e+02, v12;
	v13 =	vmul.f32 $2.550000000e+02, v13  }
0x17e: {  	v6 =	vtrunc.f32 v6;
	v7 =	vtrunc.f32 v7  }
0x17f: {  	v8 =	vtrunc.f32 v8;
	v6 =	vcvt.f32.s32 v6  }
0x180: {  	v9 =	vtrunc.f32 v9;
	v10 =	vtrunc.f32 v10  }
0x181: {  	v20 =	vld [tilespmem:s9+$0x8000];
	v21 =	vtrunc.f32 v13;
	v19 =	vmul.f32 $2.550000000e+02, v15;
	v18 =	vadd.s32 v3, v6  }
0x182: {  	v14 =	vld [tilespmem:s9+$0x8010];
	v7 =	vcvt.f32.s32 v7;
	v6 =	vtrunc.f32 v11  }
0x183: {  	v13 =	vld [tilespmem:s9+$0x8020];
	v11 =	vtrunc.f32 v12;
	v12 =	vcvt.f32.s32 v8  }
0x184: {  	v22 =	vcvt.f32.s32 v9;
	v9 =	vld [tilespmem:s9+$0x8030];
	v17 =	vcvt.f32.s32 v10;
	v7 =	vadd.s32 v3, v7  }
0x185: {  	v8 =	vld [tilespmem:s9+$0x8040];
	v16 =	vcvt.f32.s32 v6;
	v15 =	vcvt.f32.s32 v11;
	v6 =	vadd.s32 v3, v12  }
0x186: {  	s10 =	simm.s32 $0x8;
	v10 =	vadd.s32 v3, v22;
	v11 =	vcvt.f32.s32 v21;
	v12 =	vld [tilespmem:s9+$0x8050];
	[tilespmem:v18+s20+$0x0] =	vst.idx.msk $0xffff, v4;
	v18 =	vmul.f32 $2.550000000e+02, v20  }
.LBB2_17:
0x187: {  	s10 =	sadd.s32 $0x8, s10;
	v14 =	vmul.f32 $2.550000000e+02, v14;
	v20 =	vld [tilespmem:s9+$0x8060];
	v19 =	vtrunc.f32 v19;
	v17 =	vadd.s32 v3, v17  }
0x188: {  	s5 =	sadd.s32 $0x400, s5;
	v16 =	vadd.s32 v3, v16;
	s9 =	sshll.u32 s10, $0x4;
	p1 =	slt.u32 s10, $0x3F8;
	v13 =	vmul.f32 $2.550000000e+02, v13;
	v19 =	vcvt.f32.s32 v19  }
0x189: {  	s11 =	sand.u32 $0xC00, s5;
	s12 =	sshll.u32 s10, $0x2;
	v18 =	vtrunc.f32 v18;
	s9 =	sand.u32 $0x3000, s9;
	v9 =	vmul.f32 $2.550000000e+02, v9;
	[tilespmem:v7+s20+$0x0] =	vst.idx.msk $0xffff, v4;
	v7 =	vadd.s32 v3, v15  }
0x18a: {  	s12 =	sand.u32 $0x380, s12;
	v15 =	vtrunc.f32 v14;
	s9 =	sor.u32 s11, s9;
	v8 =	vmul.f32 $2.550000000e+02, v8;
	v19 =	vadd.s32 v3, v19;
	[tilespmem:v6+s20+$0x0] =	vst.idx.msk $0xffff, v4  }
0x18b: {  	v6 =	vtrunc.f32 v13;
	s9 =	sor.u32 s12, s9;
	v12 =	vmul.f32 $2.550000000e+02, v12;
	[tilespmem:v10+s20+$0x0] =	vst.idx.msk $0xffff, v4;
	v10 =	vadd.s32 v3, v11  }
0x18c: {  	v21 =	vtrunc.f32 v9;
	v11 =	vld [tilespmem:s9+$0x8070];
	v9 =	vmul.f32 $2.550000000e+02, v20;
	[tilespmem:v17+s20+$0x0] =	vst.idx.msk $0xffff, v4  }
0x18d: {  	v8 =	vtrunc.f32 v8;
	v20 =	vld [tilespmem:s9+$0x8000];
	v12 =	vtrunc.f32 v12;
	[tilespmem:v16+s20+$0x0] =	vst.idx.msk $0xffff, v4  }
.Ltmp11:
0x18e: {  	v16 =	vcvt.f32.s32 v18;
	v14 =	vld [tilespmem:s9+$0x8010];
	v22 =	vtrunc.f32 v9;
	[tilespmem:v7+s20+$0x0] =	vst.idx.msk $0xffff, v4;
	(pc) =	sbr.rel @p1 .LBB2_17-.Ltmp11, $4  }
0x18f: {  	v15 =	vcvt.f32.s32 v15;
	v23 =	vcvt.f32.s32 v6;
	v13 =	vld [tilespmem:s9+$0x8020];
	[tilespmem:v19+s20+$0x0] =	vst.idx.msk $0xffff, v4  }
0x190: {  	v17 =	vcvt.f32.s32 v21;
	v7 =	vadd.s32 v3, v16;
	v16 =	vcvt.f32.s32 v8;
	v9 =	vld [tilespmem:s9+$0x8030];
	[tilespmem:v10+s20+$0x0] =	vst.idx.msk $0xffff, v4  }
0x191: {  	v6 =	vadd.s32 v3, v15;
	v15 =	vcvt.f32.s32 v12;
	v8 =	vld [tilespmem:s9+$0x8040];
	v19 =	vmul.f32 $2.550000000e+02, v11  }
0x192: {  	v10 =	vadd.s32 v3, v23;
	v11 =	vcvt.f32.s32 v22;
	v18 =	vmul.f32 $2.550000000e+02, v20;
	v12 =	vld [tilespmem:s9+$0x8050]  }
0x193: {  	_ = 	snop  }
0x194: {  	v14 =	vmul.f32 $2.550000000e+02, v14  }
0x195: {  	v19 =	vtrunc.f32 v19;
	v13 =	vmul.f32 $2.550000000e+02, v13  }
0x196: {  	v20 =	vld [tilespmem:s9+$0x8060];
	v17 =	vadd.s32 v3, v17;
	v19 =	vcvt.f32.s32 v19;
	v18 =	vtrunc.f32 v18  }
0x197: {  	v16 =	vadd.s32 v3, v16;
	[tilespmem:v7+s20+$0x0] =	vst.idx.msk $0xffff, v4;
	v9 =	vmul.f32 $2.550000000e+02, v9;
	v14 =	vtrunc.f32 v14  }
0x198: {  	v7 =	vadd.s32 v3, v15;
	[tilespmem:v6+s20+$0x0] =	vst.idx.msk $0xffff, v4;
	v8 =	vmul.f32 $2.550000000e+02, v8;
	v13 =	vtrunc.f32 v13  }
0x199: {  	[tilespmem:v10+s20+$0x0] =	vst.idx.msk $0xffff, v4;
	v10 =	vadd.s32 v3, v11;
	v11 =	vcvt.f32.s32 v14;
	v6 =	vmul.f32 $2.550000000e+02, v12  }
0x19a: {  	v15 =	vadd.s32 v3, v19;
	v12 =	vcvt.f32.s32 v18;
	v9 =	vtrunc.f32 v9  }
0x19b: {  	v13 =	vcvt.f32.s32 v13;
	v14 =	vmul.f32 $2.550000000e+02, v20;
	[tilespmem:v17+s20+$0x0] =	vst.idx.msk $0xffff, v4;
	v11 =	vadd.s32 v3, v11  }
0x19c: {  	v8 =	vtrunc.f32 v8;
	[tilespmem:v16+s20+$0x0] =	vst.idx.msk $0xffff, v4;
	v9 =	vcvt.f32.s32 v9;
	v12 =	vadd.s32 v3, v12  }
0x19d: {  	[tilespmem:v7+s20+$0x0] =	vst.idx.msk $0xffff, v4;
	v6 =	vtrunc.f32 v6;
	v7 =	vcvt.f32.s32 v8;
	v8 =	vadd.s32 v3, v13  }
0x19e: {  	[tilespmem:v10+s20+$0x0] =	vst.idx.msk $0xffff, v4;
	v13 =	vtrunc.f32 v14;
	v6 =	vcvt.f32.s32 v6;
	v9 =	vadd.s32 v3, v9  }
0x19f: {  	[tilespmem:v15+s20+$0x0] =	vst.idx.msk $0xffff, v4;
	v10 =	vcvt.f32.s32 v13;
	v7 =	vadd.s32 v3, v7  }
0x1a0: {  	v6 =	vadd.s32 v3, v6;
	[tilespmem:v11+s20+$0x0] =	vst.idx.msk $0xffff, v4  }
0x1a1: {  	v10 =	vadd.s32 v3, v10;
	[tilespmem:v12+s20+$0x0] =	vst.idx.msk $0xffff, v4  }
0x1a2: {  	[tilespmem:v8+s20+$0x0] =	vst.idx.msk $0xffff, v4  }
0x1a3: {  	[tilespmem:v9+s20+$0x0] =	vst.idx.msk $0xffff, v4  }
0x1a4: {  	[tilespmem:v7+s20+$0x0] =	vst.idx.msk $0xffff, v4  }
0x1a5: {  	[tilespmem:v6+s20+$0x0] =	vst.idx.msk $0xffff, v4  }
0x1a6: {  	s9 =	simm.s32 $0x0;
	s10 =	simm.s32 $0x0;
	[tilespmem:v10+s20+$0x0] =	vst.idx.msk $0xffff, v4  }
0x1a7: {  	s5 =	sand.u32 $0xE0, s9;
	v6 =	vld [tilespmem:s10+$0x18000]  }
0x1a8: {  	v7 =	vld [tilespmem:s5+$0x18100]  }
0x1a9: {  	v8 =	vld [tilespmem:s10+$0x18010]  }
0x1aa: {  	v9 =	vld [tilespmem:s5+$0x18200]  }
0x1ab: {  	v10 =	vld [tilespmem:s10+$0x18110]  }
0x1ac: {  	v11 =	vld [tilespmem:s5+$0x18300]  }
0x1ad: {  	v6 =	vadd.f32 v7, v6;
	v7 =	vld [tilespmem:s10+$0x18210]  }
0x1ae: {  	v12 =	vld [tilespmem:s5+$0x18400]  }
0x1af: {  	v6 =	vadd.f32 v9, v6;
	v9 =	vld [tilespmem:s10+$0x18310]  }
0x1b0: {  	v13 =	vld [tilespmem:s5+$0x18500];
	v8 =	vadd.f32 v10, v8  }
0x1b1: {  	v10 =	vld [tilespmem:s10+$0x18410];
	v6 =	vadd.f32 v11, v6  }
0x1b2: {  	v11 =	vld [tilespmem:s5+$0x18600];
	v7 =	vadd.f32 v7, v8  }
0x1b3: {  	v8 =	vld [tilespmem:s10+$0x18510];
	v6 =	vadd.f32 v12, v6  }
0x1b4: {  	v12 =	vld [tilespmem:s5+$0x18700];
	v7 =	vadd.f32 v9, v7  }
0x1b5: {  	v9 =	vld [tilespmem:s10+$0x18610];
	v6 =	vadd.f32 v13, v6  }
0x1b6: {  	v13 =	vld [tilespmem:s5+$0x18800];
	v7 =	vadd.f32 v10, v7  }
0x1b7: {  	v10 =	vld [tilespmem:s10+$0x18710];
	v6 =	vadd.f32 v11, v6  }
0x1b8: {  	v11 =	vld [tilespmem:s5+$0x18900];
	v7 =	vadd.f32 v8, v7  }
0x1b9: {  	v8 =	vld [tilespmem:s10+$0x18810];
	v6 =	vadd.f32 v12, v6  }
0x1ba: {  	v12 =	vld [tilespmem:s5+$0x18A00];
	v7 =	vadd.f32 v9, v7  }
0x1bb: {  	v9 =	vld [tilespmem:s10+$0x18910];
	v6 =	vadd.f32 v13, v6  }
0x1bc: {  	v13 =	vld [tilespmem:s5+$0x18B00];
	v7 =	vadd.f32 v10, v7  }
0x1bd: {  	v6 =	vadd.f32 v11, v6;
	v11 =	vld [tilespmem:s10+$0x18A10]  }
0x1be: {  	v14 =	vld [tilespmem:s5+$0x18C00];
	v7 =	vadd.f32 v8, v7  }
0x1bf: {  	v6 =	vadd.f32 v12, v6;
	v12 =	vld [tilespmem:s10+$0x18B10]  }
0x1c0: {  	p1 =	por $0x1, $0x1;
	v15 =	vld [tilespmem:s5+$0x18D00];
	v7 =	vadd.f32 v9, v7  }
.Ltmp12:
0x1c1: {  	v10 =	vld [tilespmem:s10+$0x18C10];
	v8 =	vadd.f32 v13, v6;
	(pc) =	sbr.rel @!p1 .LBB2_20-.Ltmp12, $4  }
0x1c2: {  	v6 =	vld [tilespmem:s5+$0x18E00];
	v9 =	vadd.f32 v11, v7  }
0x1c3: {  	v11 =	vadd.f32 v14, v8;
	v8 =	vld [tilespmem:s10+$0x18D10]  }
0x1c4: {  	s12 =	simm.s32 $0x10;
	s11 =	simm.s32 $0x0;
	v7 =	vld [tilespmem:s5+$0x18F00];
	v12 =	vadd.f32 v12, v9  }
0x1c5: {  	s14 =	simm.s32 $0x30;
	s5 =	sand.u32 $0x70, s12;
	s12 =	simm.s32 $0x80;
	v9 =	vld [tilespmem:s10+$0x18E10];
	v11 =	vadd.f32 v15, v11  }
.LBB2_19:
0x1c6: {  	s16 =	sadd.s32 $0xFFFFFFF0, s14;
	s11 =	sadd.s32 $0x2, s11;
	v10 =	vadd.f32 v10, v12;
	v12 =	vld [tilespmem:s10+$0x18F10];
	s10 =	sshra.s32 s12, $0x2  }
0x1c7: {  	s18 =	sand.u32 $0x70, s14;
	v13 =	vld [tilespmem:s10+$0x18000];
	s15 =	sand.u32 $0xE0, s16;
	p1 =	slt.u32 s11, $0xE;
	v6 =	vadd.f32 v6, v11  }
0x1c8: {  	s24 =	sand.u32 $0x200, s4;
	s4 =	smov.u32 s12;
	v11 =	vld [tilespmem:s15+$0x18100];
	v8 =	vadd.f32 v8, v10  }
0x1c9: {  	s26 =	sand.u32 $0x60, s9;
	s24 =	sor.u32 $0x19000, s24;
	s9 =	smov.u32 s16;
	v10 =	vld [tilespmem:s10+$0x18010];
	v6 =	vadd.f32 v7, v6  }
0x1ca: {  	s16 =	sor.u32 s26, s24;
	s24 =	sor.u32 s5, s24;
	s5 =	smov.u32 s18;
	v7 =	vld [tilespmem:s15+$0x18200];
	v8 =	vadd.f32 v9, v8  }
0x1cb: {  	v9 =	vld [tilespmem:s10+$0x18110];
	[tilespmem:s16+$0x100] =	vst v6  }
0x1cc: {  	v6 =	vld [tilespmem:s15+$0x18300];
	v8 =	vadd.f32 v12, v8  }
0x1cd: {  	v11 =	vadd.f32 v11, v13;
	v12 =	vld [tilespmem:s10+$0x18210]  }
0x1ce: {  	v13 =	vld [tilespmem:s15+$0x18400];
	[tilespmem:s24+$0x100] =	vst v8  }
0x1cf: {  	v7 =	vadd.f32 v7, v11;
	v8 =	vld [tilespmem:s10+$0x18310]  }
0x1d0: {  	v11 =	vld [tilespmem:s15+$0x18500];
	v9 =	vadd.f32 v9, v10  }
0x1d1: {  	v6 =	vadd.f32 v6, v7;
	v7 =	vld [tilespmem:s10+$0x18410]  }
0x1d2: {  	v10 =	vld [tilespmem:s15+$0x18600];
	v9 =	vadd.f32 v12, v9  }
0x1d3: {  	v6 =	vadd.f32 v13, v6;
	v12 =	vld [tilespmem:s10+$0x18510]  }
0x1d4: {  	v13 =	vld [tilespmem:s15+$0x18700];
	v8 =	vadd.f32 v8, v9  }
0x1d5: {  	v6 =	vadd.f32 v11, v6;
	v9 =	vld [tilespmem:s10+$0x18610]  }
0x1d6: {  	v11 =	vld [tilespmem:s15+$0x18800];
	v7 =	vadd.f32 v7, v8  }
0x1d7: {  	v6 =	vadd.f32 v10, v6;
	v8 =	vld [tilespmem:s10+$0x18710]  }
0x1d8: {  	v10 =	vld [tilespmem:s15+$0x18900];
	v7 =	vadd.f32 v12, v7  }
0x1d9: {  	v6 =	vadd.f32 v13, v6;
	v12 =	vld [tilespmem:s10+$0x18810]  }
0x1da: {  	v13 =	vld [tilespmem:s15+$0x18A00];
	v7 =	vadd.f32 v9, v7  }
0x1db: {  	v6 =	vadd.f32 v11, v6;
	v9 =	vld [tilespmem:s10+$0x18910]  }
0x1dc: {  	v11 =	vld [tilespmem:s15+$0x18B00];
	v7 =	vadd.f32 v8, v7  }
0x1dd: {  	v6 =	vadd.f32 v10, v6;
	v8 =	vld [tilespmem:s10+$0x18A10]  }
0x1de: {  	v14 =	vld [tilespmem:s15+$0x18C00];
	v7 =	vadd.f32 v12, v7  }
0x1df: {  	v6 =	vadd.f32 v13, v6;
	v12 =	vld [tilespmem:s10+$0x18B10]  }
0x1e0: {  	v13 =	vld [tilespmem:s15+$0x18D00];
	v7 =	vadd.f32 v9, v7  }
.Ltmp13:
0x1e1: {  	v9 =	vadd.f32 v11, v6;
	v10 =	vld [tilespmem:s10+$0x18C10];
	(pc) =	sbr.rel @p1 .LBB2_19-.Ltmp13, $4  }
0x1e2: {  	v6 =	vld [tilespmem:s15+$0x18E00];
	v11 =	vadd.f32 v8, v7  }
0x1e3: {  	v9 =	vadd.f32 v14, v9;
	v8 =	vld [tilespmem:s10+$0x18D10]  }
0x1e4: {  	v7 =	vld [tilespmem:s15+$0x18F00];
	v12 =	vadd.f32 v12, v11  }
0x1e5: {  	s12 =	sadd.s32 $0x80, s12;
	s14 =	sadd.s32 $0x20, s14;
	v11 =	vadd.f32 v13, v9;
	v9 =	vld [tilespmem:s10+$0x18E10]  }
.LBB2_20:
0x1e6: {  	v10 =	vadd.f32 v10, v12  }
0x1e7: {  	v63 =	vld [tilespmem:s10+$0x18F10]  }
0x1e8: {  	v8 =	vadd.f32 v8, v10  }
0x1e9: {  	v6 =	vadd.f32 v6, v11  }
0x1ea: {  	s4 =	sand.u32 $0x200, s4;
	v8 =	vadd.f32 v9, v8  }
0x1eb: {  	s9 =	sand.u32 $0x60, s9;
	s4 =	sor.u32 $0x19000, s4;
	v6 =	vadd.f32 v7, v6  }
0x1ec: {  	s9 =	sor.u32 s9, s4;
	v7 =	vadd.f32 v63, v8  }
0x1ed: {  	s4 =	sor.u32 s5, s4;
	[tilespmem:s9+$0x100] =	vst v6  }
0x1ee: {  	[tilespmem:s4+$0x100] =	vst v7  }
0x1ef: {  	_ =	swait.ge [sflag:s23], $0x4000  }
0x1f0: {  	[sflag:s23] =	ssyncset.done $0x0  }
0x1f1: {  	s4 =	simm.s32 $0x18040;
	[sflag:s23] =	ssyncadd.s32 $0xFFFFC000  }
0x1f2: {  	[tilespmem:s4+$0xFFFFFFC0] =	vst v0  }
0x1f3: {  	[tilespmem:s4+$0x30] =	vst v0  }
0x1f4: {  	[tilespmem:s4+$0x20] =	vst v0  }
0x1f5: {  	[tilespmem:s4+$0x10] =	vst v0  }
0x1f6: {  	[tilespmem:s4+$0x0] =	vst v0  }
0x1f7: {  	[tilespmem:s4+$0xFFFFFFF0] =	vst v0  }
0x1f8: {  	s5 =	simm.s32 $0x0;
	[tilespmem:s4+$0xFFFFFFE0] =	vst v0  }
.LBB2_21:
0x1f9: {  	s5 =	sadd.s32 $0x8, s5;
	[tilespmem:s4+$0xFFFFFFD0] =	vst v0;
	s4 =	sadd.s32 $0x80, s4  }
0x1fa: {  	[tilespmem:s4+$0xFFFFFFC0] =	vst v0;
	p1 =	slt.u32 s5, $0xF8  }
0x1fb: {  	[tilespmem:s4+$0x30] =	vst v0  }
.Ltmp14:
0x1fc: {  	[tilespmem:s4+$0x20] =	vst v0;
	(pc) =	sbr.rel @p1 .LBB2_21-.Ltmp14, $4  }
0x1fd: {  	[tilespmem:s4+$0x10] =	vst v0  }
0x1fe: {  	[tilespmem:s4+$0x0] =	vst v0  }
0x1ff: {  	[tilespmem:s4+$0xFFFFFFF0] =	vst v0  }
0x200: {  	[tilespmem:s4+$0xFFFFFFE0] =	vst v0  }
0x201: {  	s10 =	simm.s32 $0x0;
	s5 =	simm.s32 $0x0  }
0x202: {  	s11 =	simm.s32 $0x0;
	s5 =	sand.u32 $0x3000, s5;
	s9 =	sand.u32 $0xC00, s10  }
0x203: {  	s11 =	sand.u32 $0x380, s11;
	s5 =	sor.u32 s9, s5  }
0x204: {  	[tilespmem:s4+$0xFFFFFFD0] =	vst v0;
	s24 =	sor.u32 s11, s5  }
0x205: {  	v6 =	vld [tilespmem:s24+$0xC070]  }
0x206: {  	v7 =	vld [tilespmem:s24+$0xC000]  }
0x207: {  	v8 =	vld [tilespmem:s24+$0xC010]  }
0x208: {  	v9 =	vld [tilespmem:s24+$0xC020]  }
0x209: {  	v10 =	vld [tilespmem:s24+$0xC030]  }
0x20a: {  	v11 =	vld [tilespmem:s24+$0xC040]  }
0x20b: {  	v12 =	vld [tilespmem:s24+$0xC050]  }
0x20c: {  	s26 =	simm.s32 $0x80;
	s4 =	simm.s32 $0x400;
	v13 =	vld [tilespmem:s24+$0xC060]  }
0x20d: {  	s30 =	simm.s32 $0x20;
	s28 =	sand.u32 $0xC00, s4;
	s5 =	sand.u32 $0x3000, s26  }
0x20e: {  	s11 =	sand.u32 $0x380, s30;
	s5 =	sor.u32 s28, s5;
	v6 =	vmul.f32 $2.550000000e+02, v6;
	v7 =	vmul.f32 $2.550000000e+02, v7  }
0x20f: {  	s5 =	sor.u32 s11, s5;
	v8 =	vmul.f32 $2.550000000e+02, v8;
	v9 =	vmul.f32 $2.550000000e+02, v9  }
0x210: {  	v15 =	vld [tilespmem:s5+$0xC070];
	v10 =	vmul.f32 $2.550000000e+02, v10;
	v11 =	vmul.f32 $2.550000000e+02, v11  }
0x211: {  	v12 =	vmul.f32 $2.550000000e+02, v12;
	v13 =	vmul.f32 $2.550000000e+02, v13  }
0x212: {  	v6 =	vtrunc.f32 v6;
	v7 =	vtrunc.f32 v7  }
0x213: {  	v8 =	vtrunc.f32 v8;
	v6 =	vcvt.f32.s32 v6  }
0x214: {  	v9 =	vtrunc.f32 v9;
	v10 =	vtrunc.f32 v10  }
0x215: {  	v20 =	vld [tilespmem:s5+$0xC000];
	v21 =	vtrunc.f32 v13;
	v19 =	vmul.f32 $2.550000000e+02, v15;
	v18 =	vadd.s32 v3, v6  }
0x216: {  	v14 =	vld [tilespmem:s5+$0xC010];
	v7 =	vcvt.f32.s32 v7;
	v6 =	vtrunc.f32 v11  }
0x217: {  	v13 =	vld [tilespmem:s5+$0xC020];
	v11 =	vtrunc.f32 v12;
	v12 =	vcvt.f32.s32 v8  }
0x218: {  	v22 =	vcvt.f32.s32 v9;
	v9 =	vld [tilespmem:s5+$0xC030];
	v17 =	vcvt.f32.s32 v10;
	v7 =	vadd.s32 v3, v7  }
0x219: {  	v8 =	vld [tilespmem:s5+$0xC040];
	v16 =	vcvt.f32.s32 v6;
	v15 =	vcvt.f32.s32 v11;
	v6 =	vadd.s32 v3, v12  }
0x21a: {  	s9 =	simm.s32 $0x8;
	v10 =	vadd.s32 v3, v22;
	v11 =	vcvt.f32.s32 v21;
	v12 =	vld [tilespmem:s5+$0xC050];
	[tilespmem:v18+s20+$0x0] =	vst.idx.msk $0xffff, v4;
	v18 =	vmul.f32 $2.550000000e+02, v20  }
.LBB2_23:
0x21b: {  	s9 =	sadd.s32 $0x8, s9;
	v14 =	vmul.f32 $2.550000000e+02, v14;
	v20 =	vld [tilespmem:s5+$0xC060];
	v19 =	vtrunc.f32 v19;
	v17 =	vadd.s32 v3, v17  }
0x21c: {  	s4 =	sadd.s32 $0x400, s4;
	v16 =	vadd.s32 v3, v16;
	s5 =	sshll.u32 s9, $0x4;
	p1 =	slt.u32 s9, $0x3F8;
	v13 =	vmul.f32 $2.550000000e+02, v13;
	v19 =	vcvt.f32.s32 v19  }
0x21d: {  	s11 =	sand.u32 $0xC00, s4;
	s12 =	sshll.u32 s9, $0x2;
	v18 =	vtrunc.f32 v18;
	s5 =	sand.u32 $0x3000, s5;
	v9 =	vmul.f32 $2.550000000e+02, v9;
	[tilespmem:v7+s20+$0x0] =	vst.idx.msk $0xffff, v4;
	v7 =	vadd.s32 v3, v15  }
0x21e: {  	s12 =	sand.u32 $0x380, s12;
	v15 =	vtrunc.f32 v14;
	s5 =	sor.u32 s11, s5;
	v8 =	vmul.f32 $2.550000000e+02, v8;
	v19 =	vadd.s32 v3, v19;
	[tilespmem:v6+s20+$0x0] =	vst.idx.msk $0xffff, v4  }
0x21f: {  	v6 =	vtrunc.f32 v13;
	s5 =	sor.u32 s12, s5;
	v12 =	vmul.f32 $2.550000000e+02, v12;
	[tilespmem:v10+s20+$0x0] =	vst.idx.msk $0xffff, v4;
	v10 =	vadd.s32 v3, v11  }
0x220: {  	v21 =	vtrunc.f32 v9;
	v11 =	vld [tilespmem:s5+$0xC070];
	v9 =	vmul.f32 $2.550000000e+02, v20;
	[tilespmem:v17+s20+$0x0] =	vst.idx.msk $0xffff, v4  }
0x221: {  	v8 =	vtrunc.f32 v8;
	v20 =	vld [tilespmem:s5+$0xC000];
	v12 =	vtrunc.f32 v12;
	[tilespmem:v16+s20+$0x0] =	vst.idx.msk $0xffff, v4  }
.Ltmp15:
0x222: {  	v16 =	vcvt.f32.s32 v18;
	v14 =	vld [tilespmem:s5+$0xC010];
	v22 =	vtrunc.f32 v9;
	[tilespmem:v7+s20+$0x0] =	vst.idx.msk $0xffff, v4;
	(pc) =	sbr.rel @p1 .LBB2_23-.Ltmp15, $4  }
0x223: {  	v15 =	vcvt.f32.s32 v15;
	v23 =	vcvt.f32.s32 v6;
	v13 =	vld [tilespmem:s5+$0xC020];
	[tilespmem:v19+s20+$0x0] =	vst.idx.msk $0xffff, v4  }
0x224: {  	v17 =	vcvt.f32.s32 v21;
	v7 =	vadd.s32 v3, v16;
	v16 =	vcvt.f32.s32 v8;
	v9 =	vld [tilespmem:s5+$0xC030];
	[tilespmem:v10+s20+$0x0] =	vst.idx.msk $0xffff, v4  }
0x225: {  	v6 =	vadd.s32 v3, v15;
	v15 =	vcvt.f32.s32 v12;
	v8 =	vld [tilespmem:s5+$0xC040];
	v19 =	vmul.f32 $2.550000000e+02, v11  }
0x226: {  	v10 =	vadd.s32 v3, v23;
	v11 =	vcvt.f32.s32 v22;
	v18 =	vmul.f32 $2.550000000e+02, v20;
	v12 =	vld [tilespmem:s5+$0xC050]  }
0x227: {  	_ = 	snop  }
0x228: {  	v14 =	vmul.f32 $2.550000000e+02, v14  }
0x229: {  	v19 =	vtrunc.f32 v19;
	v13 =	vmul.f32 $2.550000000e+02, v13  }
0x22a: {  	v20 =	vld [tilespmem:s5+$0xC060];
	v17 =	vadd.s32 v3, v17;
	v19 =	vcvt.f32.s32 v19;
	v18 =	vtrunc.f32 v18  }
0x22b: {  	v16 =	vadd.s32 v3, v16;
	[tilespmem:v7+s20+$0x0] =	vst.idx.msk $0xffff, v4;
	v9 =	vmul.f32 $2.550000000e+02, v9;
	v14 =	vtrunc.f32 v14  }
0x22c: {  	v7 =	vadd.s32 v3, v15;
	[tilespmem:v6+s20+$0x0] =	vst.idx.msk $0xffff, v4;
	v8 =	vmul.f32 $2.550000000e+02, v8;
	v13 =	vtrunc.f32 v13  }
0x22d: {  	[tilespmem:v10+s20+$0x0] =	vst.idx.msk $0xffff, v4;
	v10 =	vadd.s32 v3, v11;
	v11 =	vcvt.f32.s32 v14;
	v6 =	vmul.f32 $2.550000000e+02, v12  }
0x22e: {  	v15 =	vadd.s32 v3, v19;
	v12 =	vcvt.f32.s32 v18;
	v9 =	vtrunc.f32 v9  }
0x22f: {  	v13 =	vcvt.f32.s32 v13;
	v14 =	vmul.f32 $2.550000000e+02, v20;
	[tilespmem:v17+s20+$0x0] =	vst.idx.msk $0xffff, v4;
	v11 =	vadd.s32 v3, v11  }
0x230: {  	v8 =	vtrunc.f32 v8;
	[tilespmem:v16+s20+$0x0] =	vst.idx.msk $0xffff, v4;
	v9 =	vcvt.f32.s32 v9;
	v12 =	vadd.s32 v3, v12  }
0x231: {  	[tilespmem:v7+s20+$0x0] =	vst.idx.msk $0xffff, v4;
	v6 =	vtrunc.f32 v6;
	v7 =	vcvt.f32.s32 v8;
	v8 =	vadd.s32 v3, v13  }
0x232: {  	[tilespmem:v10+s20+$0x0] =	vst.idx.msk $0xffff, v4;
	v13 =	vtrunc.f32 v14;
	v6 =	vcvt.f32.s32 v6;
	v9 =	vadd.s32 v3, v9  }
0x233: {  	[tilespmem:v15+s20+$0x0] =	vst.idx.msk $0xffff, v4;
	v10 =	vcvt.f32.s32 v13;
	v7 =	vadd.s32 v3, v7  }
0x234: {  	v6 =	vadd.s32 v3, v6;
	[tilespmem:v11+s20+$0x0] =	vst.idx.msk $0xffff, v4  }
0x235: {  	v10 =	vadd.s32 v3, v10;
	[tilespmem:v12+s20+$0x0] =	vst.idx.msk $0xffff, v4  }
0x236: {  	[tilespmem:v8+s20+$0x0] =	vst.idx.msk $0xffff, v4  }
0x237: {  	[tilespmem:v9+s20+$0x0] =	vst.idx.msk $0xffff, v4  }
0x238: {  	[tilespmem:v7+s20+$0x0] =	vst.idx.msk $0xffff, v4  }
0x239: {  	[tilespmem:v6+s20+$0x0] =	vst.idx.msk $0xffff, v4  }
0x23a: {  	s4 =	simm.s32 $0x0;
	[tilespmem:v10+s20+$0x0] =	vst.idx.msk $0xffff, v4  }
0x23b: {  	v6 =	vld [tilespmem:s4+$0x18010]  }
0x23c: {  	v7 =	vld [tilespmem:s4+$0x18110];
	_ =	sdelay $0x1  }
0x23d: {  	v8 =	vld [tilespmem:s4+$0x18210];
	_ =	sdelay $0x1  }
0x23e: {  	v9 =	vld [tilespmem:s4+$0x18310]  }
0x23f: {  	v6 =	vadd.f32 v7, v6  }
0x240: {  	v7 =	vld [tilespmem:s4+$0x18410]  }
0x241: {  	v6 =	vadd.f32 v8, v6  }
0x242: {  	v8 =	vld [tilespmem:s4+$0x18510]  }
0x243: {  	v6 =	vadd.f32 v9, v6  }
0x244: {  	v9 =	vld [tilespmem:s4+$0x18610]  }
0x245: {  	v6 =	vadd.f32 v7, v6  }
0x246: {  	v7 =	vld [tilespmem:s4+$0x18710]  }
0x247: {  	v6 =	vadd.f32 v8, v6  }
0x248: {  	v8 =	vld [tilespmem:s4+$0x18810]  }
0x249: {  	v6 =	vadd.f32 v9, v6  }
0x24a: {  	v9 =	vld [tilespmem:s4+$0x18910]  }
0x24b: {  	v6 =	vadd.f32 v7, v6  }
0x24c: {  	v7 =	vld [tilespmem:s4+$0x18A10]  }
0x24d: {  	v6 =	vadd.f32 v8, v6  }
0x24e: {  	v8 =	vld [tilespmem:s4+$0x18B10]  }
0x24f: {  	v6 =	vadd.f32 v9, v6  }
0x250: {  	v9 =	vld [tilespmem:s4+$0x18C10]  }
0x251: {  	v6 =	vadd.f32 v7, v6  }
0x252: {  	p2 =	por $0x1, $0x1;
	v10 =	vld [tilespmem:s4+$0x18D10]  }
.Ltmp16:
0x253: {  	v6 =	vadd.f32 v8, v6;
	(pc) =	sbr.rel @!p2 .LBB2_25-.Ltmp16, $4  }
0x254: {  	_ = 	snop  }
0x255: {  	v14 =	vld [tilespmem:s4+$0x18000];
	v6 =	vadd.f32 v9, v6  }
0x256: {  	v7 =	vld [tilespmem:s4+$0x18F10]  }
0x257: {  	p1 =	por $0x0, $0x0;
	v8 =	vld [tilespmem:s4+$0x18E10];
	s4 =	simm.s32 $0x80;
	v9 =	vadd.f32 v10, v6  }
0x258: {  	s12 =	simm.s32 $0x20  }
0x259: {  	v10 =	vld [tilespmem:s12+$0x18010]  }
0x25a: {  	v11 =	vld [tilespmem:s12+$0x18110]  }
0x25b: {  	v6 =	vld [tilespmem:s12+$0x18000]  }
0x25c: {  	s9 =	sand.u32 $0xE0, s10;
	v12 =	vld [tilespmem:s12+$0x18210]  }
0x25d: {  	v13 =	vld [tilespmem:s9+$0x18100]  }
0x25e: {  	v15 =	vld [tilespmem:s12+$0x18310]  }
0x25f: {  	v10 =	vadd.f32 v11, v10;
	v11 =	vld [tilespmem:s9+$0x18200]  }
0x260: {  	v16 =	vld [tilespmem:s12+$0x18410]  }
0x261: {  	v10 =	vadd.f32 v12, v10;
	v12 =	vld [tilespmem:s9+$0x18300]  }
0x262: {  	v17 =	vld [tilespmem:s12+$0x18510];
	v13 =	vadd.f32 v13, v14  }
0x263: {  	v14 =	vld [tilespmem:s9+$0x18400];
	v10 =	vadd.f32 v15, v10  }
0x264: {  	v15 =	vld [tilespmem:s12+$0x18610];
	v11 =	vadd.f32 v11, v13  }
0x265: {  	v13 =	vld [tilespmem:s9+$0x18500];
	v10 =	vadd.f32 v16, v10  }
0x266: {  	v59 =	vld [tilespmem:s12+$0x18710];
	v11 =	vadd.f32 v12, v11  }
0x267: {  	v12 =	vld [tilespmem:s9+$0x18600];
	v10 =	vadd.f32 v17, v10  }
0x268: {  	v60 =	vld [tilespmem:s12+$0x18810];
	v11 =	vadd.f32 v14, v11  }
0x269: {  	v14 =	vld [tilespmem:s9+$0x18700];
	v10 =	vadd.f32 v15, v10  }
0x26a: {  	v15 =	vld [tilespmem:s12+$0x18910];
	v11 =	vadd.f32 v13, v11  }
0x26b: {  	v13 =	vld [tilespmem:s9+$0x18800];
	v10 =	vadd.f32 v59, v10  }
0x26c: {  	v61 =	vld [tilespmem:s12+$0x18A10];
	v11 =	vadd.f32 v12, v11  }
0x26d: {  	v12 =	vld [tilespmem:s9+$0x18900];
	v10 =	vadd.f32 v60, v10  }
0x26e: {  	v62 =	vld [tilespmem:s12+$0x18B10];
	v11 =	vadd.f32 v14, v11  }
0x26f: {  	v14 =	vld [tilespmem:s9+$0x18A00];
	v10 =	vadd.f32 v15, v10  }
0x270: {  	v15 =	vld [tilespmem:s12+$0x18C10];
	v11 =	vadd.f32 v13, v11  }
0x271: {  	v13 =	vld [tilespmem:s9+$0x18B00];
	v10 =	vadd.f32 v61, v10  }
0x272: {  	p2 =	por $0x1, $0x1;
	v8 =	vadd.f32 v8, v9;
	v9 =	vld [tilespmem:s12+$0x18D10];
	v11 =	vadd.f32 v12, v11  }
.Ltmp17:
0x273: {  	v12 =	vadd.f32 v62, v10;
	v10 =	vld [tilespmem:s9+$0x18C00];
	(pc) =	sbr.rel @!p2 .LBB2_27-.Ltmp17, $4  }
0x274: {  	s11 =	simm.s32 $0x10;
	v63 =	vadd.f32 v7, v8;
	v8 =	vld [tilespmem:s12+$0x18E10];
	v14 =	vadd.f32 v14, v11  }
0x275: {  	s5 =	simm.s32 $0x2;
	s15 =	sor.u32 s11, s10;
	v11 =	vld [tilespmem:s9+$0x18D00];
	v12 =	vadd.f32 v15, v12  }
0x276: {  	s14 =	sor.u32 s10, s10;
	p1 =	por $0x1, $0x1;
	s30 =	sor.u32 $0x180, s15;
	v7 =	vld [tilespmem:s12+$0x18F10];
	v13 =	vadd.f32 v13, v14  }
0x277: {  	s11 =	sor.u32 $0x180, s14;
	s14 =	simm.s32 $0x100;
	[tilespmem:s30+$0x19000] =	vst v63;
	s12 =	simm.s32 $0x0;
	v9 =	vadd.f32 v9, v12;
	v12 =	vld [tilespmem:s9+$0x18E00]  }
.LBB2_28:
0x278: {  	s15 =	sshra.s32 s14, $0x2;
	v10 =	vadd.f32 v10, v13;
	v13 =	vld [tilespmem:s9+$0x18F00]  }
0x279: {  	s5 =	sadd.s32 $0x2, s5;
	s12 =	sadd.s32 $0x20, s12;
	v14 =	vld [tilespmem:s15+$0x18010];
	v8 =	vadd.f32 v8, v9  }
0x27a: {  	p2 =	slt.u32 s5, $0xE;
	s9 =	sand.u32 $0xE0, s12;
	s16 =	sadd.s32 $0x10, s12;
	v9 =	vld [tilespmem:s15+$0x18110];
	v10 =	vadd.f32 v11, v10  }
0x27b: {  	s18 =	sor.u32 s12, s4;
	s16 =	sor.u32 s16, s4;
	s4 =	smov.u32 s14;
	v11 =	vld [tilespmem:s15+$0x18000];
	v7 =	vadd.f32 v7, v8  }
0x27c: {  	s18 =	sor.u32 $0x180, s18;
	s16 =	sor.u32 $0x180, s16;
	v8 =	vld [tilespmem:s15+$0x18210];
	v10 =	vadd.f32 v12, v10  }
0x27d: {  	v12 =	vld [tilespmem:s9+$0x18100];
	[tilespmem:s16+$0x19000] =	vst v7  }
0x27e: {  	v7 =	vld [tilespmem:s15+$0x18310];
	v10 =	vadd.f32 v13, v10  }
0x27f: {  	v9 =	vadd.f32 v9, v14;
	v13 =	vld [tilespmem:s9+$0x18200]  }
0x280: {  	v14 =	vld [tilespmem:s15+$0x18410];
	[tilespmem:s11+$0x19000] =	vst v10;
	s11 =	smov.u32 s18  }
0x281: {  	v8 =	vadd.f32 v8, v9;
	v9 =	vld [tilespmem:s9+$0x18300]  }
0x282: {  	v10 =	vld [tilespmem:s15+$0x18510];
	v12 =	vadd.f32 v12, v6;
	v6 =	vmov v11  }
0x283: {  	v7 =	vadd.f32 v7, v8;
	v8 =	vld [tilespmem:s9+$0x18400]  }
0x284: {  	v11 =	vld [tilespmem:s15+$0x18610];
	v12 =	vadd.f32 v13, v12  }
0x285: {  	v7 =	vadd.f32 v14, v7;
	v13 =	vld [tilespmem:s9+$0x18500]  }
0x286: {  	v14 =	vld [tilespmem:s15+$0x18710];
	v9 =	vadd.f32 v9, v12  }
0x287: {  	v7 =	vadd.f32 v10, v7;
	v10 =	vld [tilespmem:s9+$0x18600]  }
0x288: {  	v12 =	vld [tilespmem:s15+$0x18810];
	v8 =	vadd.f32 v8, v9  }
0x289: {  	v7 =	vadd.f32 v11, v7;
	v9 =	vld [tilespmem:s9+$0x18700]  }
0x28a: {  	v11 =	vld [tilespmem:s15+$0x18910];
	v8 =	vadd.f32 v13, v8  }
0x28b: {  	v7 =	vadd.f32 v14, v7;
	v13 =	vld [tilespmem:s9+$0x18800]  }
0x28c: {  	v14 =	vld [tilespmem:s15+$0x18A10];
	v8 =	vadd.f32 v10, v8  }
0x28d: {  	v7 =	vadd.f32 v12, v7;
	v10 =	vld [tilespmem:s9+$0x18900]  }
0x28e: {  	v12 =	vld [tilespmem:s15+$0x18B10];
	v8 =	vadd.f32 v9, v8  }
0x28f: {  	v7 =	vadd.f32 v11, v7;
	v9 =	vld [tilespmem:s9+$0x18A00]  }
0x290: {  	v11 =	vld [tilespmem:s15+$0x18C10];
	v8 =	vadd.f32 v13, v8  }
0x291: {  	v7 =	vadd.f32 v14, v7;
	v13 =	vld [tilespmem:s9+$0x18B00]  }
0x292: {  	v14 =	vld [tilespmem:s15+$0x18D10];
	v15 =	vadd.f32 v10, v8  }
.Ltmp18:
0x293: {  	v7 =	vadd.f32 v12, v7;
	v10 =	vld [tilespmem:s9+$0x18C00];
	(pc) =	sbr.rel @p2 .LBB2_28-.Ltmp18, $4  }
0x294: {  	v8 =	vld [tilespmem:s15+$0x18E10];
	v9 =	vadd.f32 v9, v15  }
0x295: {  	v12 =	vadd.f32 v11, v7;
	v11 =	vld [tilespmem:s9+$0x18D00]  }
0x296: {  	v7 =	vld [tilespmem:s15+$0x18F10];
	v13 =	vadd.f32 v13, v9  }
0x297: {  	s14 =	sadd.s32 $0x80, s14;
	v9 =	vadd.f32 v14, v12;
	v12 =	vld [tilespmem:s9+$0x18E00]  }
0x298: {  	v14 =	vmov v6  }
.LBB2_30:
0x299: {  	s5 =	sadd.s32 @p1 $0x20, s12  }
0x29a: {  	s10 =	smov.u32 @p1 s5  }
0x29b: {  	s5 =	sand.u32 $0xE0, s10  }
0x29c: {  	v6 =	vld [tilespmem:s5+$0x18100];
	_ =	sdelay $0x1  }
0x29d: {  	v15 =	vld [tilespmem:s5+$0x18200];
	_ =	sdelay $0x1  }
0x29e: {  	v16 =	vld [tilespmem:s5+$0x18300]  }
0x29f: {  	v6 =	vadd.f32 v6, v14  }
0x2a0: {  	v52 =	vld [tilespmem:s5+$0x18400]  }
0x2a1: {  	v6 =	vadd.f32 v15, v6  }
0x2a2: {  	v53 =	vld [tilespmem:s5+$0x18500]  }
0x2a3: {  	v6 =	vadd.f32 v16, v6  }
0x2a4: {  	v54 =	vld [tilespmem:s5+$0x18600]  }
0x2a5: {  	v6 =	vadd.f32 v52, v6  }
0x2a6: {  	v55 =	vld [tilespmem:s5+$0x18700]  }
0x2a7: {  	v6 =	vadd.f32 v53, v6  }
0x2a8: {  	v56 =	vld [tilespmem:s5+$0x18800]  }
0x2a9: {  	v6 =	vadd.f32 v54, v6  }
0x2aa: {  	v57 =	vld [tilespmem:s5+$0x18900]  }
0x2ab: {  	v6 =	vadd.f32 v55, v6  }
0x2ac: {  	v58 =	vld [tilespmem:s5+$0x18A00]  }
0x2ad: {  	v6 =	vadd.f32 v56, v6  }
0x2ae: {  	v59 =	vld [tilespmem:s5+$0x18B00]  }
0x2af: {  	v6 =	vadd.f32 v57, v6  }
0x2b0: {  	v60 =	vld [tilespmem:s5+$0x18C00]  }
0x2b1: {  	v6 =	vadd.f32 v58, v6  }
0x2b2: {  	v61 =	vld [tilespmem:s5+$0x18D00]  }
0x2b3: {  	v6 =	vadd.f32 v59, v6  }
0x2b4: {  	v10 =	vadd.f32 @p1 v10, v13;
	v62 =	vld [tilespmem:s5+$0x18E00]  }
0x2b5: {  	v15 =	vld @p1 [tilespmem:s9+$0x18F00];
	v6 =	vadd.f32 v60, v6  }
0x2b6: {  	v10 =	vadd.f32 @p1 v11, v10;
	v63 =	vld [tilespmem:s5+$0x18F00]  }
0x2b7: {  	v8 =	vadd.f32 v8, v9;
	v6 =	vadd.f32 v61, v6  }
0x2b8: {  	s26 =	sadd.s32 $0x10, s10;
	v9 =	vadd.f32 @p1 v12, v10  }
0x2b9: {  	v7 =	vadd.f32 v7, v8;
	s5 =	sor.u32 s26, s4;
	v6 =	vadd.f32 v62, v6  }
0x2ba: {  	s5 =	sor.u32 $0x180, s5;
	v8 =	vadd.f32 @p1 v15, v9  }
0x2bb: {  	s28 =	sor.u32 s10, s4;
	[tilespmem:s5+$0x19000] =	vst v7;
	v6 =	vadd.f32 v63, v6  }
0x2bc: {  	s4 =	sor.u32 $0x180, s28;
	[tilespmem:s11+$0x19000] =	vst @p1 v8  }
0x2bd: {  	[tilespmem:s4+$0x19000] =	vst v6  }
0x2be: {  	s30 =	simm.s32 $0x19000;
	s4 =	rddreg [dreg:$0x1a]  }
0x2bf: {  	[spmem:s4] =	stream.linear.scatter [tilespmem:s30], [sflag:$0x7], $0x400, $0x38;
	[tilespmem:$0x1DE40] =	vst v63  }
.Ltmp19:
0x2c0: {  	_ =	swait.ge [sflag:s25], $0x400;
	(pc) =	sbr.rel @p0 .LBB2_36-.Ltmp19, $3  }
0x2c1: {  	[sflag:s25] =	ssyncset.done $0x0  }
0x2c2: {  	[sflag:s25] =	ssyncadd.s32 $0xFFFFFC00  }
0x2c3: {  	[bflag:$0x0] =	sbarrier.arrive $0xFFFF;
	_ =	sdelay $0x1  }
0x2c4: {  	s4 =	rddreg [dreg:$0x2];
	s5 =	simm.s32 $0x19500  }
0x2c5: {  	[tilespmem:s5], [sflag:$0x7] =	stream.linear.gather [spmem:s4], $0x4000, $0x38;
	[tilespmem:$0x1DE40] =	vst v63  }
0x2c6: {  	s4 =	simm.s32 $0x0;
	_ =	swait.ge [sflag:s25], $0x4000  }
0x2c7: {  	s9 =	sand.u32 $0x200, s4;
	s5 =	sand.u32 $0x70, s4;
	s10 =	rddreg [dreg:$0x6]  }
0x2c8: {  	s11 =	rddreg [dreg:$0x5];
	[sflag:s25] =	ssyncset.done $0x0;
	s10 =	sadd.s32 s9, s10  }
0x2c9: {  	[sflag:s25] =	ssyncadd.s32 $0xFFFFC000;
	s11 =	sadd.s32 s9, s11;
	s10 =	sadd.s32 s5, s10  }
0x2ca: {  	s12 =	rddreg [dreg:$0x7];
	s11 =	sadd.s32 s5, s11;
	v6 =	vld [tilespmem:s10+$0x0]  }
0x2cb: {  	s15 =	sadd.s32 s9, s12;
	v7 =	vld [tilespmem:s11+$0x0]  }
0x2cc: {  	s14 =	rddreg [dreg:$0x8];
	s11 =	sadd.s32 s5, s15  }
0x2cd: {  	s10 =	sadd.s32 s9, s14;
	v8 =	vld [tilespmem:s11+$0x0]  }
0x2ce: {  	s16 =	rddreg [dreg:$0x9];
	s10 =	sadd.s32 s5, s10  }
0x2cf: {  	s24 =	sadd.s32 s9, s16;
	v9 =	vld [tilespmem:s10+$0x0]  }
0x2d0: {  	s18 =	rddreg [dreg:$0xa];
	s10 =	sadd.s32 s5, s24;
	v6 =	vadd.f32 v6, v7  }
0x2d1: {  	s30 =	sadd.s32 s9, s18;
	v7 =	vld [tilespmem:s10+$0x0]  }
0x2d2: {  	s26 =	rddreg [dreg:$0xb];
	s10 =	sadd.s32 s5, s30;
	v6 =	vadd.f32 v8, v6  }
0x2d3: {  	s12 =	sadd.s32 s9, s26;
	v8 =	vld [tilespmem:s10+$0x0]  }
0x2d4: {  	s7 =	rddreg [dreg:$0xc];
	s10 =	sadd.s32 s5, s12;
	v6 =	vadd.f32 v9, v6  }
0x2d5: {  	s14 =	sadd.s32 s9, s7;
	v9 =	vld [tilespmem:s10+$0x0]  }
0x2d6: {  	s13 =	rddreg [dreg:$0xd];
	s10 =	sadd.s32 s5, s14;
	v6 =	vadd.f32 v7, v6  }
0x2d7: {  	s16 =	sadd.s32 s9, s13;
	v7 =	vld [tilespmem:s10+$0x0]  }
0x2d8: {  	s15 =	rddreg [dreg:$0xe];
	s10 =	sadd.s32 s5, s16;
	v6 =	vadd.f32 v8, v6  }
0x2d9: {  	s24 =	sadd.s32 s9, s15;
	v8 =	vld [tilespmem:s10+$0x0]  }
0x2da: {  	s18 =	rddreg [dreg:$0xf];
	s10 =	sadd.s32 s5, s24;
	v6 =	vadd.f32 v9, v6  }
0x2db: {  	s30 =	sadd.s32 s9, s18;
	v9 =	vld [tilespmem:s10+$0x0]  }
0x2dc: {  	s26 =	rddreg [dreg:$0x10];
	s10 =	sadd.s32 s5, s30;
	v6 =	vadd.f32 v7, v6  }
0x2dd: {  	s13 =	sadd.s32 s9, s26;
	v7 =	vld [tilespmem:s10+$0x0]  }
0x2de: {  	s7 =	rddreg [dreg:$0x11];
	s10 =	sadd.s32 s5, s13;
	v6 =	vadd.f32 v8, v6  }
0x2df: {  	s15 =	sadd.s32 s9, s7;
	v8 =	vld [tilespmem:s10+$0x0]  }
0x2e0: {  	s14 =	rddreg [dreg:$0x12];
	s10 =	sadd.s32 s5, s15;
	v6 =	vadd.f32 v9, v6  }
0x2e1: {  	s18 =	sadd.s32 s9, s14;
	v9 =	vld [tilespmem:s10+$0x0]  }
0x2e2: {  	s16 =	rddreg [dreg:$0x13];
	s10 =	sadd.s32 s5, s18;
	v6 =	vadd.f32 v7, v6  }
0x2e3: {  	s26 =	sadd.s32 s9, s16;
	v7 =	vld [tilespmem:s10+$0x0]  }
0x2e4: {  	s24 =	rddreg [dreg:$0x14];
	s10 =	sadd.s32 s5, s26;
	v6 =	vadd.f32 v8, v6  }
0x2e5: {  	s9 =	sadd.s32 s9, s24;
	v8 =	vld [tilespmem:s10+$0x0]  }
0x2e6: {  	s5 =	sadd.s32 s5, s9;
	v6 =	vadd.f32 v9, v6  }
0x2e7: {  	v9 =	vld [tilespmem:s5+$0x0]  }
0x2e8: {  	v6 =	vadd.f32 v7, v6  }
0x2e9: {  	s14 =	rddreg [dreg:$0x5]  }
0x2ea: {  	s16 =	rddreg [dreg:$0x7];
	v6 =	vadd.f32 v8, v6  }
0x2eb: {  	s24 =	rddreg [dreg:$0x9]  }
0x2ec: {  	s11 =	simm.s32 $0xFFFFFFFF;
	s12 =	simm.s32 $0x40;
	s30 =	rddreg [dreg:$0x6];
	v6 =	vadd.f32 v9, v6  }
0x2ed: {  	s18 =	simm.s32 $0x0;
	s26 =	sand.u32 $0x200, s12;
	s10 =	simm.s32 $0x10  }
0x2ee: {  	s9 =	simm.f32 $0.0e+00;
	s15 =	sand.u32 $0x70, s10;
	s5 =	sadd.s32 s26, s30;
	v7 =	vmov s4;
	v8 =	vtrunc.f32 v6  }
0x2ef: {  	s14 =	sadd.s32 s26, s14;
	s16 =	sadd.s32 s26, s16;
	s5 =	sadd.s32 s15, s5;
	v9 =	vshll.u32 v7, $0x13;
	[tilespmem:s18+$0x19400] =	vst v6;
	v10 =	vcvt.f32.s32 v8  }
0x2f0: {  	s14 =	sadd.s32 s15, s14;
	s28 =	sadd.s32 s15, s16;
	s16 =	simm.s32 $0x40;
	v9 =	vor.u32 v5, v9;
	v7 =	vld [tilespmem:s5+$0x0]  }
0x2f1: {  	s4 =	simm.s32 $0x20;
	s18 =	rddreg [dreg:$0x8];
	vm0 =	vlt.f32 v6, $0.0e+00;
	vm1 =	vgt.f32 v6, $0.0e+00;
	(xrf2) =	vadd.scan.msk.f32 $0xffff, v6;
	s5 =	simm.s32 $0x30;
	v8 =	vld [tilespmem:s14+$0x0];
	v6 =	vadd.s32 v10, v9  }
.LBB2_32:
0x2f2: {  	_ = 	snop  }
0x2f3: {  	v9 =	vld [tilespmem:s28+$0x0];
	s18 =	sadd.s32 s26, s18  }
0x2f4: {  	s14 =	smov.u32 s11;
	vm0 =	vmor vm1, vm0;
	v6 =	vxor.u32 $0x80000000, v6;
	s11 =	sadd.s32 s15, s18  }
0x2f5: {  	s7 =	sadd.s32 s26, s24;
	v6 =	vnsel vm0, $0x7FFFFFFF, v6;
	v10 =	vld [tilespmem:s11+$0x0]  }
0x2f6: {  	s30 =	rddreg [dreg:$0xa];
	(xrf0) =	vmax.scan.msk.u32 $0xffff, v6;
	s11 =	sadd.s32 s15, s7;
	v6 =	vadd.f32 v7, v8  }
0x2f7: {  	s18 =	sadd.s32 s26, s30;
	v7 =	vld [tilespmem:s11+$0x0]  }
0x2f8: {  	s13 =	rddreg [dreg:$0xb];
	s11 =	sadd.s32 s15, s18;
	v6 =	vadd.f32 v9, v6  }
0x2f9: {  	s7 =	sadd.s32 s26, s13;
	v8 =	vld [tilespmem:s11+$0x0]  }
0x2fa: {  	s30 =	rddreg [dreg:$0xc];
	s11 =	sadd.s32 s15, s7;
	v6 =	vadd.f32 v10, v6  }
0x2fb: {  	s18 =	sadd.s32 s26, s30;
	v10 =	vld [tilespmem:s11+$0x0]  }
0x2fc: {  	s13 =	rddreg [dreg:$0xd];
	s11 =	sadd.s32 s15, s18;
	v6 =	vadd.f32 v7, v6  }
0x2fd: {  	s7 =	sadd.s32 s26, s13;
	v7 =	vld [tilespmem:s11+$0x0]  }
0x2fe: {  	s30 =	rddreg [dreg:$0xe];
	s11 =	sadd.s32 s15, s7;
	v6 =	vadd.f32 v8, v6  }
0x2ff: {  	v9, _, _ =	vpop (xrf2);
	s18 =	sadd.s32 s26, s30;
	v8 =	vld [tilespmem:s11+$0x0]  }
0x300: {  	s13 =	rddreg [dreg:$0xf];
	(v2sf) =	vpush v9, $0xF;
	v9, _, _ =	vpop (xrf0);
	s11 =	sadd.s32 s15, s18;
	v6 =	vadd.f32 v10, v6  }
0x301: {  	(v2sf) =	vpush v9, $0xF;
	s7 =	sadd.s32 s26, s13;
	v9 =	vld [tilespmem:s11+$0x0]  }
0x302: {  	s30 =	rddreg [dreg:$0x10];
	s11 =	sadd.s32 s15, s7;
	v6 =	vadd.f32 v7, v6  }
0x303: {  	s18 =	sadd.s32 s26, s30;
	v7 =	vld [tilespmem:s11+$0x0]  }
0x304: {  	s13 =	rddreg [dreg:$0x11];
	s11 =	sadd.s32 s15, s18;
	v6 =	vadd.f32 v8, v6  }
0x305: {  	s7 =	sadd.s32 s26, s13;
	v8 =	vld [tilespmem:s11+$0x0]  }
0x306: {  	s30 =	rddreg [dreg:$0x12];
	s11 =	sadd.s32 s15, s7;
	v6 =	vadd.f32 v9, v6  }
0x307: {  	s18 =	sadd.s32 s26, s30;
	v9 =	vld [tilespmem:s11+$0x0]  }
0x308: {  	s13 =	rddreg [dreg:$0x13];
	s11 =	sadd.s32 s15, s18;
	v6 =	vadd.f32 v7, v6  }
0x309: {  	s7 =	sadd.s32 s26, s13;
	v7 =	vld [tilespmem:s11+$0x0]  }
0x30a: {  	s30 =	rddreg [dreg:$0x14];
	s11 =	sadd.s32 s15, s7;
	v6 =	vadd.f32 v8, v6  }
0x30b: {  	s18 =	sadd.s32 s26, s30;
	v8 =	vld [tilespmem:s11+$0x0]  }
0x30c: {  	s26 =	sadd.s32 s15, s18;
	v6 =	vadd.f32 v9, v6  }
0x30d: {  	v9 =	vld [tilespmem:s26+$0x0]  }
0x30e: {  	v6 =	vadd.f32 v7, v6  }
0x30f: {  	p1 =	sne.s32 s5, $0xF0;
	s12 =	sadd.s32 $0x40, s12;
	s30 =	rddreg [dreg:$0x6]  }
0x310: {  	s16 =	sshra.s32 s16, $0x2;
	s7 =	rddreg [dreg:$0x5];
	s13 =	spop (v2sf);
	v6 =	vadd.f32 v8, v6  }
0x311: {  	s15 =	sand.u32 $0x70, s4;
	s9 =	sadd.f32 s13, s9;
	s24 =	spop (v2sf)  }
0x312: {  	s13 =	rddreg [dreg:$0x7];
	s11 =	sxor.u32 $0x80000000, s24;
	s26 =	sand.u32 $0x200, s12;
	v6 =	vadd.f32 v9, v6  }
.Ltmp20:
0x313: {  	s24 =	rddreg [dreg:$0x9];
	p2 =	sgt.s32 s14, s11;
	(pc) =	sbr.rel @p1 .LBB2_32-.Ltmp20, $4  }
0x314: {  	s18 =	sadd.s32 s26, s7;
	s11 =	smov.u32 @p2 s14;
	s14 =	sadd.s32 s26, s30;
	v8 =	vmov s10;
	v9 =	vtrunc.f32 v6  }
0x315: {  	s28 =	sadd.s32 s15, s18;
	s18 =	rddreg [dreg:$0x8];
	s14 =	sadd.s32 s15, s14;
	v10 =	vshll.u32 v8, $0x13;
	[tilespmem:s16+$0x19400] =	vst v6;
	v9 =	vcvt.f32.s32 v9  }
0x316: {  	s30 =	sadd.s32 s26, s13;
	s10 =	smov.u32 s4;
	s4 =	smov.u32 s5;
	vm0 =	vlt.f32 v6, $0.0e+00;
	vm1 =	vgt.f32 v6, $0.0e+00;
	(xrf2) =	vadd.scan.msk.f32 $0xffff, v6;
	v6 =	vor.u32 v5, v10;
	v7 =	vld [tilespmem:s14+$0x0]  }
0x317: {  	s5 =	sadd.s32 $0x10, s5;
	s16 =	smov.u32 s12;
	v8 =	vld [tilespmem:s28+$0x0];
	s28 =	sadd.s32 s15, s30;
	v6 =	vadd.s32 v9, v6  }
0x318: {  	_ = 	snop  }
0x319: {  	v9 =	vld [tilespmem:s28+$0x0];
	s5 =	sadd.s32 s26, s18  }
0x31a: {  	s5 =	sadd.s32 s15, s5  }
0x31b: {  	s7 =	sadd.s32 s26, s24;
	v10 =	vld [tilespmem:s5+$0x0]  }
0x31c: {  	s14 =	rddreg [dreg:$0xa];
	s5 =	sadd.s32 s15, s7;
	v7 =	vadd.f32 v7, v8  }
0x31d: {  	s14 =	sadd.s32 s26, s14;
	v8 =	vld [tilespmem:s5+$0x0]  }
0x31e: {  	s13 =	rddreg [dreg:$0xb];
	s5 =	sadd.s32 s15, s14;
	v7 =	vadd.f32 v9, v7  }
0x31f: {  	s28 =	sadd.s32 s26, s13;
	v9 =	vld [tilespmem:s5+$0x0]  }
0x320: {  	s24 =	rddreg [dreg:$0xc];
	s5 =	sadd.s32 s15, s28;
	v7 =	vadd.f32 v10, v7  }
0x321: {  	s7 =	sadd.s32 s26, s24;
	v10 =	vld [tilespmem:s5+$0x0]  }
0x322: {  	s30 =	rddreg [dreg:$0xd];
	s5 =	sadd.s32 s15, s7;
	v7 =	vadd.f32 v8, v7  }
0x323: {  	s18 =	sadd.s32 s26, s30;
	v8 =	vld [tilespmem:s5+$0x0]  }
0x324: {  	s13 =	rddreg [dreg:$0xe];
	s5 =	sadd.s32 s15, s18;
	v7 =	vadd.f32 v9, v7  }
0x325: {  	s28 =	sadd.s32 s26, s13;
	v9 =	vld [tilespmem:s5+$0x0]  }
0x326: {  	s24 =	rddreg [dreg:$0xf];
	s5 =	sadd.s32 s15, s28;
	v7 =	vadd.f32 v10, v7  }
0x327: {  	s7 =	sadd.s32 s26, s24;
	v10 =	vld [tilespmem:s5+$0x0]  }
0x328: {  	s30 =	rddreg [dreg:$0x10];
	s5 =	sadd.s32 s15, s7;
	v7 =	vadd.f32 v8, v7  }
0x329: {  	s14 =	sadd.s32 s26, s30;
	v8 =	vld [tilespmem:s5+$0x0]  }
0x32a: {  	s13 =	rddreg [dreg:$0x11];
	s5 =	sadd.s32 s15, s14;
	v7 =	vadd.f32 v9, v7  }
0x32b: {  	s28 =	sadd.s32 s26, s13;
	v9 =	vld [tilespmem:s5+$0x0]  }
0x32c: {  	s24 =	rddreg [dreg:$0x12];
	s5 =	sadd.s32 s15, s28;
	v7 =	vadd.f32 v10, v7  }
0x32d: {  	s7 =	sadd.s32 s26, s24;
	v10 =	vld [tilespmem:s5+$0x0]  }
0x32e: {  	s30 =	rddreg [dreg:$0x13];
	s5 =	sadd.s32 s15, s7;
	v7 =	vadd.f32 v8, v7  }
0x32f: {  	s18 =	sadd.s32 s26, s30;
	v8 =	vld [tilespmem:s5+$0x0]  }
0x330: {  	s13 =	rddreg [dreg:$0x14];
	s5 =	sadd.s32 s15, s18;
	v7 =	vadd.f32 v9, v7  }
0x331: {  	s24 =	sadd.s32 s26, s13;
	v9 =	vld [tilespmem:s5+$0x0]  }
0x332: {  	s5 =	sadd.s32 s15, s24;
	v7 =	vadd.f32 v10, v7  }
0x333: {  	v10 =	vld [tilespmem:s5+$0x0]  }
0x334: {  	v7 =	vadd.f32 v8, v7;
	_ =	sdelay $0x1  }
0x335: {  	v7 =	vadd.f32 v9, v7  }
0x336: {  	s5 =	sadd.s32 $0x40, s12  }
0x337: {  	s16 =	sshra.s32 s16, $0x2;
	s26 =	rddreg [dreg:$0x6];
	s14 =	sand.u32 $0x200, s5;
	v7 =	vadd.f32 v10, v7  }
0x338: {  	s28 =	rddreg [dreg:$0x5];
	s12 =	sand.u32 $0x70, s4;
	s15 =	sadd.s32 s14, s26  }
0x339: {  	s18 =	sadd.s32 s14, s28;
	s15 =	sadd.s32 s12, s15;
	[tilespmem:s16+$0x19400] =	vst v7  }
0x33a: {  	s30 =	rddreg [dreg:$0x7];
	s7 =	sadd.s32 s12, s18;
	v8 =	vld [tilespmem:s15+$0x0]  }
0x33b: {  	s18 =	sadd.s32 s14, s30;
	v9 =	vld [tilespmem:s7+$0x0]  }
0x33c: {  	s13 =	rddreg [dreg:$0x8];
	s16 =	sadd.s32 s12, s18  }
0x33d: {  	v10 =	vld [tilespmem:s16+$0x0];
	s15 =	sadd.s32 s14, s13  }
0x33e: {  	s24 =	rddreg [dreg:$0x9];
	s15 =	sadd.s32 s12, s15  }
0x33f: {  	s28 =	sadd.s32 s14, s24;
	v11 =	vld [tilespmem:s15+$0x0]  }
0x340: {  	s26 =	rddreg [dreg:$0xa];
	s15 =	sadd.s32 s12, s28;
	v8 =	vadd.f32 v8, v9  }
0x341: {  	s7 =	sadd.s32 s14, s26;
	v9 =	vld [tilespmem:s15+$0x0]  }
0x342: {  	s30 =	rddreg [dreg:$0xb];
	s15 =	sadd.s32 s12, s7;
	v8 =	vadd.f32 v10, v8  }
0x343: {  	s24 =	sadd.s32 s14, s30;
	v10 =	vld [tilespmem:s15+$0x0]  }
0x344: {  	s13 =	rddreg [dreg:$0xc];
	s15 =	sadd.s32 s12, s24;
	v8 =	vadd.f32 v11, v8  }
0x345: {  	s28 =	sadd.s32 s14, s13;
	v11 =	vld [tilespmem:s15+$0x0]  }
0x346: {  	s26 =	rddreg [dreg:$0xd];
	s15 =	sadd.s32 s12, s28;
	v8 =	vadd.f32 v9, v8  }
0x347: {  	s7 =	sadd.s32 s14, s26;
	v9 =	vld [tilespmem:s15+$0x0]  }
0x348: {  	s30 =	rddreg [dreg:$0xe];
	s15 =	sadd.s32 s12, s7;
	v8 =	vadd.f32 v10, v8  }
0x349: {  	s24 =	sadd.s32 s14, s30;
	v10 =	vld [tilespmem:s15+$0x0]  }
0x34a: {  	s13 =	rddreg [dreg:$0xf];
	s15 =	sadd.s32 s12, s24;
	v8 =	vadd.f32 v11, v8  }
0x34b: {  	s28 =	sadd.s32 s14, s13;
	v11 =	vld [tilespmem:s15+$0x0]  }
0x34c: {  	s26 =	rddreg [dreg:$0x10];
	s15 =	sadd.s32 s12, s28;
	v8 =	vadd.f32 v9, v8  }
0x34d: {  	s7 =	sadd.s32 s14, s26;
	v9 =	vld [tilespmem:s15+$0x0]  }
0x34e: {  	s30 =	rddreg [dreg:$0x11];
	s15 =	sadd.s32 s12, s7;
	v8 =	vadd.f32 v10, v8  }
0x34f: {  	s24 =	sadd.s32 s14, s30;
	v10 =	vld [tilespmem:s15+$0x0]  }
0x350: {  	s13 =	rddreg [dreg:$0x12];
	s15 =	sadd.s32 s12, s24;
	v8 =	vadd.f32 v11, v8  }
0x351: {  	s28 =	sadd.s32 s14, s13;
	v11 =	vld [tilespmem:s15+$0x0]  }
0x352: {  	s26 =	rddreg [dreg:$0x13];
	s15 =	sadd.s32 s12, s28;
	v8 =	vadd.f32 v9, v8  }
0x353: {  	s7 =	sadd.s32 s14, s26;
	v9 =	vld [tilespmem:s15+$0x0]  }
0x354: {  	s30 =	rddreg [dreg:$0x14];
	s15 =	sadd.s32 s12, s7;
	v8 =	vadd.f32 v10, v8  }
0x355: {  	s14 =	sadd.s32 s14, s30;
	v10 =	vld [tilespmem:s15+$0x0]  }
0x356: {  	s12 =	sadd.s32 s12, s14;
	v8 =	vadd.f32 v11, v8  }
0x357: {  	v11 =	vld [tilespmem:s12+$0x0]  }
0x358: {  	v8 =	vadd.f32 v9, v8  }
0x359: {  	vm0 =	vmor vm1, vm0;
	v6 =	vxor.u32 $0x80000000, v6  }
0x35a: {  	v6 =	vnsel vm0, $0x7FFFFFFF, v6;
	vm0 =	vlt.f32 v7, $0.0e+00;
	v8 =	vadd.f32 v10, v8  }
0x35b: {  	vm1 =	vgt.f32 v7, $0.0e+00;
	v9 =	vmov s10;
	v10 =	vtrunc.f32 v7  }
0x35c: {  	v9 =	vshll.u32 v9, $0x13;
	v10 =	vcvt.f32.s32 v10;
	v8 =	vadd.f32 v11, v8  }
0x35d: {  	vm0 =	vmor vm1, vm0;
	v9 =	vor.u32 v5, v9  }
0x35e: {  	(xrf2) =	vadd.scan.msk.f32 $0xffff, v7;
	v7 =	vadd.s32 v10, v9;
	v9 =	vmov s4;
	v10 =	vtrunc.f32 v8  }
0x35f: {  	(xrf0) =	vmax.scan.msk.u32 $0xffff, v6;
	v7 =	vxor.u32 $0x80000000, v7;
	v9 =	vshll.u32 v9, $0x13;
	v10 =	vcvt.f32.s32 v10  }
0x360: {  	(xrf2) =	vadd.scan.msk.f32 $0xffff, v8;
	v6 =	vnsel vm0, $0x7FFFFFFF, v7;
	v7 =	vor.u32 v5, v9  }
0x361: {  	vm1 =	vgt.f32 v8, $0.0e+00;
	vm0 =	vlt.f32 v8, $0.0e+00;
	v7 =	vadd.s32 v10, v7  }
0x362: {  	(xrf0) =	vmax.scan.msk.u32 $0xffff, v6;
	vm0 =	vmor vm1, vm0;
	v6 =	vxor.u32 $0x80000000, v7  }
0x363: {  	v6 =	vnsel vm0, $0x7FFFFFFF, v6;
	_ =	sdelay $0x1  }
0x364: {  	(xrf0) =	vmax.scan.msk.u32 $0xffff, v6  }
0x365: {  	v6, _, _ =	vpop (xrf2)  }
0x366: {  	v7, _, _ =	vpop (xrf0);
	(v2sf) =	vpush v6, $0xF  }
0x367: {  	v6, _, _ =	vpop (xrf2);
	(v2sf) =	vpush v7, $0xF  }
0x368: {  	v7, _, _ =	vpop (xrf0);
	(v2sf) =	vpush v6, $0xF  }
0x369: {  	v6, _, _ =	vpop (xrf2);
	(v2sf) =	vpush v7, $0xF  }
0x36a: {  	(v2sf) =	vpush v6, $0xF;
	v6, _, _ =	vpop (xrf0)  }
0x36b: {  	(v2sf) =	vpush v6, $0xF;
	_ =	sdelay $0x9  }
0x36c: {  	s13 =	spop (v2sf)  }
0x36d: {  	s15 =	spop (v2sf)  }
0x36e: {  	s16 =	spop (v2sf);
	s10 =	sxor.u32 $0x80000000, s15  }
0x36f: {  	s18 =	spop (v2sf);
	p1 =	sgt.s32 s11, s10  }
0x370: {  	s10 =	smov.u32 @p1 s11;
	s11 =	sxor.u32 $0x80000000, s18;
	s24 =	spop (v2sf)  }
0x371: {  	p1 =	sgt.s32 s10, s11;
	s26 =	spop (v2sf)  }
0x372: {  	s11 =	smov.u32 @p1 s10;
	s10 =	sxor.u32 $0x80000000, s26  }
0x373: {  	s4 =	sadd.f32 s13, s9;
	p1 =	sgt.s32 s11, s10  }
0x374: {  	s10 =	smov.u32 @p1 s11  }
0x375: {  	s4 =	sadd.f32 s16, s4;
	v6 =	vmov s10  }
0x376: {  	s5 =	sshra.s32 s5, $0x2;
	v6 =	vand.u32 $0x7FFFF, v6  }
0x377: {  	s28 =	simm.s32 $0x19400;
	[tilespmem:s5+$0x19400] =	vst v8;
	s4 =	sadd.f32 s24, s4;
	v6 =	vcvt.s32.f32 v6  }
0x378: {  	v7 =	vld [tilespmem:s28+$0x0]  }
0x379: {  	v6 =	vsub.f32 s4, v6;
	_ =	sdelay $0x1  }
0x37a: {  	v6 =	vbroadcast v6, $0x0;
	_ =	sdelay $0x1  }
0x37b: {  	(xrf2) =	vadd.scan.msk.f32 $0xffff, v7;
	v6 =	vmul.f32 v6, v2;
	_ =	sdelay $0x1  }
0x37c: {  	v6 =	vtrunc.f32 v6  }
0x37d: {  	v8 =	vcvt.f32.s32 v6;
	_ =	sdelay $0x1  }
0x37e: {  	v6 =	vcvt.s32.f32 v8;
	_ =	sdelay $0x1  }
0x37f: {  	v9 =	vmax.f32 v6, $1.000000000e+00  }
0x380: {  	(erf) = vrcp.f32 v9  }
0x381: {  	v6 =	vmul.f32 $5.000000000e-01, v6  }
0x382: {  	s4 =	simm.f32 $0.0e+00;
	v9, _, _ =	vpop (xrf2)  }
0x383: {  	v6 =	vtrunc.f32 v6;
	v10 =	vadd.f32 s4, v9  }
0x384: {  	v6 =	vcvt.f32.s32 v6;
	(v2sf) =	vpush v9, $0xF  }
0x385: {  	v7 =	vsub.f32 v10, v7  }
0x386: {  	v6 =	vcvt.s32.f32 v6;
	_ =	sdelay $0x1  }
0x387: {  	v9 =	vadd.f32 v6, v7  }
0x388: {  	v7 =	vpop (erf)  }
0x389: {  	v9 =	vmul.f32 v9, v7  }
0x38a: {  	s30 =	simm.s32 $0x0  }
0x38b: {  	v10 =	vor.u32 s30, v1;
	v9 =	vtrunc.f32 v9  }
0x38c: {  	v10 =	vcvt.s32.f32 v10;
	v9 =	vmax.f32 v9, $0.0e+00  }
0x38d: {  	vm0 =	veq.s32 v8, $0x0;
	v8 =	vmin.f32 v9, $2.550000000e+02  }
0x38e: {  	v8 =	vsel vm0, v10, v8  }
0x38f: {  	v8 =	vmul.f32 v8, v2  }
0x390: {  	s5 =	simm.s32 $0x1D500  }
0x391: {  	s10 =	simm.s32 $0x19410;
	[tilespmem:s5+$0x0] =	vst v8  }
0x392: {  	s9 =	simm.s32 $0x10;
	s11 =	simm.s32 $0x20;
	s12 =	spop (v2sf);
	v8 =	vld [tilespmem:s10+$0x0]  }
.LBB2_34:
0x393: {  	p1 =	sne.s32 s11, $0xF0;
	s4 =	sadd.f32 s12, s4;
	_ =	sdelay $0x3  }
0x394: {  	(xrf2) =	vadd.scan.msk.f32 $0xffff, v8;
	_ =	sdelay $0x9  }
0x395: {  	v9, _, _ =	vpop (xrf2)  }
0x396: {  	v10 =	vadd.f32 s4, v9;
	(v2sf) =	vpush v9, $0xF;
	_ =	sdelay $0x1  }
0x397: {  	v8 =	vsub.f32 v10, v8;
	_ =	sdelay $0x1  }
0x398: {  	v8 =	vadd.f32 v6, v8;
	_ =	sdelay $0x1  }
0x399: {  	v8 =	vmul.f32 v8, v7;
	_ =	sdelay $0x1  }
0x39a: {  	v9 =	vor.u32 s9, v1;
	s9 =	smov.u32 s11;
	v8 =	vtrunc.f32 v8  }
0x39b: {  	v9 =	vcvt.s32.f32 v9;
	v8 =	vmax.f32 v8, $0.0e+00  }
0x39c: {  	v8 =	vmin.f32 v8, $2.550000000e+02  }
.Ltmp21:
0x39d: {  	v8 =	vsel vm0, v9, v8;
	(pc) =	sbr.rel @p1 .LBB2_34-.Ltmp21, $4  }
0x39e: {  	v8 =	vmul.f32 v8, v2  }
0x39f: {  	s5 =	sadd.s32 $0x10, s5  }
0x3a0: {  	s10 =	sadd.s32 $0x10, s10;
	[tilespmem:s5+$0x0] =	vst v8  }
0x3a1: {  	s11 =	sadd.s32 $0x10, s11;
	v8 =	vld [tilespmem:s10+$0x0];
	s12 =	spop (v2sf)  }
0x3a2: {  	_ =	sdelay $0x3  }
0x3a3: {  	(xrf2) =	vadd.scan.msk.f32 $0xffff, v8;
	_ =	sdelay $0x9  }
0x3a4: {  	s4 =	sadd.f32 s12, s4;
	v9, _, _ =	vpop (xrf2)  }
0x3a5: {  	(v2sf) =	vpush v9, $0xF  }
0x3a6: {  	v9 =	vadd.f32 s4, v9;
	_ =	sdelay $0x1  }
0x3a7: {  	v63 =	vsub.f32 v9, v8;
	_ =	sdelay $0x1  }
0x3a8: {  	v6 =	vadd.f32 v6, v63;
	_ =	sdelay $0x1  }
0x3a9: {  	v6 =	vmul.f32 v6, v7;
	_ =	sdelay $0x1  }
0x3aa: {  	v7 =	vor.u32 s9, v1;
	v6 =	vtrunc.f32 v6  }
0x3ab: {  	v7 =	vcvt.s32.f32 v7;
	v6 =	vmax.f32 v6, $0.0e+00  }
0x3ac: {  	v6 =	vmin.f32 v6, $2.550000000e+02  }
0x3ad: {  	v6 =	vsel vm0, v7, v6  }
0x3ae: {  	v6 =	vmul.f32 v6, v2  }
0x3af: {  	s26 =	sadd.s32 $0x10, s5  }
0x3b0: {  	s30 =	simm.s32 $0x1D500;
	s4 =	rddreg [dreg:$0x1b];
	[tilespmem:s26+$0x0] =	vst v6;
	s28 =	spop (v2sf)  }
0x3b1: {  	[spmem:s4] =	stream.linear.scatter [tilespmem:s30], [sflag:$0x7], $0x100, $0x38;
	[tilespmem:$0x1DE40] =	vst v63  }
0x3b2: {  	_ =	swait.ge [sflag:s25], $0x100  }
0x3b3: {  	[sflag:s25] =	ssyncset.done $0x0  }
0x3b4: {  	[sflag:s25] =	ssyncadd.s32 $0xFFFFFF00  }
.LBB2_36:
0x3b5: {  	[bflag:$0x0] =	sbarrier.arrive $0xFFFF  }
0x3b6: {  	s4 =	rddreg [dreg:$0x3]  }
0x3b7: {  	[tilespmem:s29], [sflag:$0x7] =	stream.linear.gather [spmem:s4], $0x400, $0x38;
	[tilespmem:$0x1DE40] =	vst v63  }
0x3b8: {  	p1 =	seq.s32 s17, $0x0;
	_ =	swait.ge [sflag:s25], $0x400  }
0x3b9: {  	s5 =	simm.s32 $0x0;
	s9 =	simm.s32 $0x0;
	[sflag:s25] =	ssyncset.done $0x0  }
0x3ba: {  	s10 =	simm.s32 $0x0;
	s4 =	simm.s32 @!p1 $0x5;
	[sflag:s25] =	ssyncadd.s32 $0xFFFFFC00  }
0x3bb: {  	s9 =	sand.u32 $0x3000, s9;
	s5 =	sand.u32 $0xC00, s5;
	_ =	swait.ge @!p1 [sflag:s4], $0x4000  }
0x3bc: {  	s7 =	sand.u32 $0x380, s10;
	s5 =	sor.u32 s5, s9;
	[sflag:s4] =	ssyncset.done @!p1 $0x0  }
0x3bd: {  	s26 =	sor.u32 s7, s5;
	[sflag:s4] =	ssyncadd.s32 @!p1 $0xFFFFC000  }
0x3be: {  	v6 =	vld [tilespmem:s26+$0x70];
	_ =	sdelay $0x2  }
0x3bf: {  	v7 =	vld [tilespmem:s26+$0x0]  }
0x3c0: {  	v8 =	vld [tilespmem:s26+$0x10]  }
0x3c1: {  	v9 =	vld [tilespmem:s26+$0x20];
	v6 =	vmul.f32 $2.550000000e+02, v6  }
0x3c2: {  	v10 =	vld [tilespmem:s26+$0x30]  }
0x3c3: {  	v11 =	vld [tilespmem:s26+$0x40];
	v6 =	vtrunc.f32 v6  }
0x3c4: {  	s14 =	simm.s32 $0x400;
	s10 =	simm.s32 $0x80;
	v12 =	vld [tilespmem:s26+$0x50];
	v6 =	vcvt.f32.s32 v6  }
0x3c5: {  	s12 =	simm.s32 $0x20;
	s11 =	sand.u32 $0xC00, s14;
	s4 =	sand.u32 $0x3000, s10  }
0x3c6: {  	s13 =	sand.u32 $0x380, s12;
	v13 =	vld [tilespmem:s26+$0x60];
	s4 =	sor.u32 s11, s4;
	v7 =	vmul.f32 $2.550000000e+02, v7  }
0x3c7: {  	s28 =	sor.u32 s13, s4;
	v8 =	vmul.f32 $2.550000000e+02, v8;
	v9 =	vmul.f32 $2.550000000e+02, v9  }
0x3c8: {  	v19 =	vld [tilespmem:s28+$0x20];
	v10 =	vmul.f32 $2.550000000e+02, v10;
	v11 =	vmul.f32 $2.550000000e+02, v11  }
0x3c9: {  	v12 =	vmul.f32 $2.550000000e+02, v12;
	v7 =	vtrunc.f32 v7  }
0x3ca: {  	s15 =	sshll.u32 s17, $0x2;
	s16 =	rddreg [dreg:$0x15];
	v8 =	vtrunc.f32 v8;
	v9 =	vtrunc.f32 v9;
	v17 =	vld.idx.msk [tilespmem:v6+s29+$0x0], $0xffff  }
0x3cb: {  	s10 =	sadd.s32 s16, s15;
	v6 =	vtrunc.f32 v10;
	v10 =	vmul.f32 $2.550000000e+02, v13;
	v13 =	vld [tilespmem:s28+$0x70]  }
0x3cc: {  	s5 =	smulhi.u32 $0x55555556, s10;
	s24 =	sor.u32 $0x2, s10;
	v14 =	vld [tilespmem:s28+$0x0];
	v11 =	vtrunc.f32 v11;
	v12 =	vtrunc.f32 v12  }
0x3cd: {  	s7 =	sor.u32 $0x3, s10;
	s15 =	smulhi.u32 $0x55555556, s24;
	v19 =	vmul.f32 $2.550000000e+02, v19;
	v16 =	vcvt.f32.s32 v7  }
0x3ce: {  	s4 =	sor.u32 $0x1, s10;
	s11 =	smulhi.u32 $0x55555556, s7;
	v18 =	vld [tilespmem:s28+$0x10];
	v21 =	vcvt.f32.s32 v8;
	v22 =	vcvt.f32.s32 v9  }
0x3cf: {  	s16 =	smulhi.u32 $0x55555556, s4;
	v20 =	vld [tilespmem:s28+$0x30];
	v8 =	vcvt.f32.s32 v11;
	v7 =	vcvt.f32.s32 v12  }
0x3d0: {  	s18 =	smul.u32 $0x3, s5;
	v23 =	vld [tilespmem:s28+$0x40];
	v9 =	vcvt.f32.s32 v6;
	v11 =	vmul.f32 $2.550000000e+02, v13  }
0x3d1: {  	v15 =	vld [tilespmem:s28+$0x50];
	s13 =	smul.u32 $0x3, s15;
	v12 =	vmul.f32 $2.550000000e+02, v14;
	v10 =	vtrunc.f32 v10  }
0x3d2: {  	s30 =	smul.u32 $0x3, s11;
	v14 =	vld [tilespmem:s28+$0x60];
	v6 =	vcvt.f32.s32 v10;
	v10 =	vtrunc.f32 v11  }
0x3d3: {  	s12 =	smul.u32 $0x3, s16;
	v13 =	vmul.f32 $2.550000000e+02, v18;
	v11 =	vld.idx.msk [tilespmem:v16+s29+$0x0], $0xffff;
	v10 =	vcvt.f32.s32 v10  }
0x3d4: {  	s18 =	ssub.s32 s10, s18;
	s9 =	ssub.s32 s24, s13;
	v20 =	vmul.f32 $2.550000000e+02, v20;
	v16 =	vtrunc.f32 v12;
	v12 =	vld.idx.msk [tilespmem:v21+s29+$0x0], $0xffff  }
0x3d5: {  	s24 =	simm.s32 $0x8;
	s4 =	ssub.s32 s4, s12;
	s12 =	ssub.s32 s7, s30;
	[tilespmem:s26+$0x10070] =	vst v17;
	v18 =	vmul.f32 $2.550000000e+02, v23;
	v17 =	vtrunc.f32 v13;
	v13 =	vld.idx.msk [tilespmem:v22+s29+$0x0], $0xffff  }
.LBB2_37:
0x3d6: {  	s24 =	sadd.s32 $0x8, s24;
	v19 =	vtrunc.f32 v19;
	v15 =	vmul.f32 $2.550000000e+02, v15;
	v21 =	vld.idx.msk [tilespmem:v9+s29+$0x0], $0xffff  }
0x3d7: {  	v9 =	vtrunc.f32 v20;
	s14 =	sadd.s32 $0x400, s14;
	s7 =	sshll.u32 s24, $0x4;
	p1 =	slt.u32 s24, $0x3F8;
	v14 =	vmul.f32 $2.550000000e+02, v14;
	v20 =	vld.idx.msk [tilespmem:v8+s29+$0x0], $0xffff  }
0x3d8: {  	s13 =	sand.u32 $0xC00, s14;
	s30 =	sshll.u32 s24, $0x2;
	v8 =	vtrunc.f32 v18;
	s7 =	sand.u32 $0x3000, s7;
	v15 =	vtrunc.f32 v15;
	v18 =	vld.idx.msk [tilespmem:v7+s29+$0x0], $0xffff  }
0x3d9: {  	v16 =	vcvt.f32.s32 v16;
	s7 =	sor.u32 s13, s7;
	s13 =	sand.u32 $0x380, s30;
	v14 =	vtrunc.f32 v14;
	v10 =	vld.idx.msk [tilespmem:v10+s29+$0x0], $0xffff;
	[tilespmem:s26+$0x10000] =	vst v11  }
0x3da: {  	v17 =	vcvt.f32.s32 v17;
	v22 =	vcvt.f32.s32 v19;
	s7 =	sor.u32 s13, s7;
	[tilespmem:s26+$0x10010] =	vst v12;
	v11 =	vld.idx.msk [tilespmem:v6+s29+$0x0], $0xffff  }
0x3db: {  	v9 =	vcvt.f32.s32 v9;
	v8 =	vcvt.f32.s32 v8;
	v12 =	vld [tilespmem:s7+$0x70];
	[tilespmem:s26+$0x10020] =	vst v13  }
0x3dc: {  	v7 =	vcvt.f32.s32 v15;
	v6 =	vcvt.f32.s32 v14;
	v13 =	vld [tilespmem:s7+$0x0];
	[tilespmem:s26+$0x10030] =	vst v21  }
0x3dd: {  	v14 =	vld [tilespmem:s7+$0x10];
	[tilespmem:s26+$0x10040] =	vst v20  }
0x3de: {  	v19 =	vld [tilespmem:s7+$0x20];
	[tilespmem:s26+$0x10050] =	vst v18  }
0x3df: {  	v18 =	vld [tilespmem:s7+$0x30];
	[tilespmem:s28+$0x10070] =	vst v10  }
0x3e0: {  	v21 =	vld [tilespmem:s7+$0x40];
	v10 =	vmul.f32 $2.550000000e+02, v12;
	[tilespmem:s26+$0x10060] =	vst v11;
	s26 =	smov.u32 s28;
	s28 =	smov.u32 s7  }
.Ltmp22:
0x3e1: {  	v12 =	vmul.f32 $2.550000000e+02, v13;
	v15 =	vld [tilespmem:s28+$0x50];
	(pc) =	sbr.rel @p1 .LBB2_37-.Ltmp22, $4  }
0x3e2: {  	v13 =	vmul.f32 $2.550000000e+02, v14;
	v14 =	vld [tilespmem:s28+$0x60];
	v10 =	vtrunc.f32 v10  }
0x3e3: {  	v19 =	vmul.f32 $2.550000000e+02, v19;
	v10 =	vcvt.f32.s32 v10;
	v11 =	vld.idx.msk [tilespmem:v16+s29+$0x0], $0xffff  }
0x3e4: {  	v16 =	vtrunc.f32 v12;
	v20 =	vmul.f32 $2.550000000e+02, v18;
	v12 =	vld.idx.msk [tilespmem:v17+s29+$0x0], $0xffff  }
0x3e5: {  	v17 =	vtrunc.f32 v13;
	v18 =	vmul.f32 $2.550000000e+02, v21;
	v13 =	vld.idx.msk [tilespmem:v22+s29+$0x0], $0xffff  }
0x3e6: {  	_ =	sdelay $0x1  }
0x3e7: {  	v19 =	vtrunc.f32 v19  }
0x3e8: {  	v15 =	vmul.f32 $2.550000000e+02, v15;
	v16 =	vcvt.f32.s32 v16  }
0x3e9: {  	v9 =	vld.idx.msk [tilespmem:v9+s29+$0x0], $0xffff;
	v20 =	vtrunc.f32 v20;
	v17 =	vcvt.f32.s32 v17  }
0x3ea: {  	v8 =	vld.idx.msk [tilespmem:v8+s29+$0x0], $0xffff;
	v14 =	vmul.f32 $2.550000000e+02, v14;
	v19 =	vcvt.f32.s32 v19  }
0x3eb: {  	v7 =	vld.idx.msk [tilespmem:v7+s29+$0x0], $0xffff;
	v18 =	vtrunc.f32 v18;
	[tilespmem:s26+$0x10000] =	vst v11;
	v11 =	vcvt.f32.s32 v20  }
0x3ec: {  	v10 =	vld.idx.msk [tilespmem:v10+s29+$0x0], $0xffff;
	v15 =	vtrunc.f32 v15;
	[tilespmem:s26+$0x10010] =	vst v12;
	v12 =	vcvt.f32.s32 v18  }
0x3ed: {  	v6 =	vld.idx.msk [tilespmem:v6+s29+$0x0], $0xffff;
	v14 =	vtrunc.f32 v14;
	[tilespmem:s26+$0x10020] =	vst v13;
	v13 =	vcvt.f32.s32 v15  }
0x3ee: {  	v14 =	vcvt.f32.s32 v14;
	[tilespmem:s26+$0x10030] =	vst v9;
	v9 =	vld.idx.msk [tilespmem:v16+s29+$0x0], $0xffff  }
0x3ef: {  	[tilespmem:s26+$0x10040] =	vst v8;
	v8 =	vld.idx.msk [tilespmem:v17+s29+$0x0], $0xffff  }
0x3f0: {  	[tilespmem:s26+$0x10050] =	vst v7;
	v7 =	vld.idx.msk [tilespmem:v19+s29+$0x0], $0xffff  }
0x3f1: {  	[tilespmem:s28+$0x10070] =	vst v10;
	v10 =	vld.idx.msk [tilespmem:v11+s29+$0x0], $0xffff  }
0x3f2: {  	[tilespmem:s26+$0x10060] =	vst v6;
	v6 =	vld.idx.msk [tilespmem:v12+s29+$0x0], $0xffff  }
0x3f3: {  	v11 =	vld.idx.msk [tilespmem:v13+s29+$0x0], $0xffff;
	[tilespmem:s28+$0x10000] =	vst v9  }
0x3f4: {  	s5 =	smul.u32 $0xC0000, s5;
	[tilespmem:s28+$0x10010] =	vst v8;
	v8 =	vld.idx.msk [tilespmem:v14+s29+$0x0], $0xffff  }
0x3f5: {  	s7 =	sshll.u32 s18, $0x12;
	p1 =	seq.s32 s17, $0x5;
	[tilespmem:s28+$0x10020] =	vst v7  }
0x3f6: {  	s5 =	sadd.s32 s7, s5;
	s7 =	sadd.s32 @!p1 $0x4, s10;
	[tilespmem:s28+$0x10030] =	vst v10  }
0x3f7: {  	s5 =	sor.u32 s8, s5;
	s13 =	smulhi.u32 @!p1 $0x55555556, s7;
	[tilespmem:s28+$0x10040] =	vst v6  }
0x3f8: {  	s5 =	sshrl.u32 s5, $0x3;
	[tilespmem:s28+$0x10050] =	vst v11  }
0x3f9: {  	s24 =	simm.s32 $0x10000;
	s5 =	sadd.s32 s2, s5;
	s14 =	smul.u32 @!p1 $0x3, s13;
	[tilespmem:s28+$0x10060] =	vst v8  }
0x3fa: {  	[hbm4b:s5+s6] =	stream.linear.scatter [tilespmem:s24], [sflag:$0x5], $0x4000, $0x38;
	[tilespmem:$0x1DE40] =	vst v63  }
0x3fb: {  	s7 =	ssub.s32 @!p1 s7, s14;
	s5 =	smul.u32 @!p1 $0xC0000, s13  }
0x3fc: {  	s7 =	sshll.u32 @!p1 s7, $0x12  }
0x3fd: {  	s5 =	sadd.s32 @!p1 s7, s5  }
0x3fe: {  	s18 =	simm.s32 $0x0;
	p2 =	seq.s32 @!p1 s17, $0x0;
	s5 =	sor.u32 @!p1 s8, s5  }
0x3ff: {  	p2 =	por p1, !p2;
	s26 =	simm.s32 $0x0;
	s5 =	sshrl.u32 @!p1 s5, $0x3  }
0x400: {  	s14 =	simm.s32 $0x0;
	s7 =	simm.s32 @!p1 $0x0;
	s5 =	sadd.s32 @!p1 s1, s5  }
0x401: {  	[tilespmem:s7], [sflag:$0x1] =	stream.linear.gather @!p1 [hbm4b:s5+s7], $0x4000, $0x38;
	[tilespmem:$0x1DE40] =	vst v63  }
0x402: {  	s7 =	sand.u32 $0x3000, s18;
	s5 =	sand.u32 $0xC00, s14;
	_ =	swait.ge @p2 [sflag:s3], $0x4000  }
0x403: {  	s30 =	sand.u32 $0x380, s26;
	s5 =	sor.u32 s5, s7;
	[sflag:s3] =	ssyncset.done @p2 $0x0  }
0x404: {  	s26 =	sor.u32 s30, s5;
	[sflag:s3] =	ssyncadd.s32 @p2 $0xFFFFC000  }
0x405: {  	v6 =	vld [tilespmem:s26+$0x4070];
	_ =	sdelay $0x3  }
0x406: {  	v7 =	vld [tilespmem:s26+$0x4000]  }
0x407: {  	v8 =	vld [tilespmem:s26+$0x4010];
	v6 =	vmul.f32 $2.550000000e+02, v6  }
0x408: {  	v9 =	vld [tilespmem:s26+$0x4020]  }
0x409: {  	v10 =	vld [tilespmem:s26+$0x4030];
	v6 =	vtrunc.f32 v6  }
0x40a: {  	v11 =	vld [tilespmem:s26+$0x4040];
	v6 =	vcvt.f32.s32 v6  }
0x40b: {  	s13 =	simm.s32 $0x80;
	s5 =	simm.s32 $0x400;
	v12 =	vld [tilespmem:s26+$0x4050]  }
0x40c: {  	s18 =	simm.s32 $0x20;
	s7 =	sand.u32 $0x3000, s13;
	s14 =	sand.u32 $0xC00, s5;
	v6 =	vadd.s32 $0x100, v6  }
0x40d: {  	s30 =	sand.u32 $0x380, s18;
	v13 =	vld [tilespmem:s26+$0x4060];
	s7 =	sor.u32 s14, s7;
	v7 =	vmul.f32 $2.550000000e+02, v7  }
0x40e: {  	s28 =	sor.u32 s30, s7;
	v8 =	vmul.f32 $2.550000000e+02, v8;
	v9 =	vmul.f32 $2.550000000e+02, v9  }
0x40f: {  	v14 =	vld [tilespmem:s28+$0x4000];
	v10 =	vmul.f32 $2.550000000e+02, v10;
	v11 =	vmul.f32 $2.550000000e+02, v11  }
0x410: {  	v16 =	vld [tilespmem:s28+$0x4010];
	v12 =	vmul.f32 $2.550000000e+02, v12;
	v7 =	vtrunc.f32 v7  }
0x411: {  	v8 =	vtrunc.f32 v8;
	v9 =	vtrunc.f32 v9;
	v17 =	vld.idx.msk [tilespmem:v6+s29+$0x0], $0xffff  }
0x412: {  	v6 =	vtrunc.f32 v10;
	v10 =	vmul.f32 $2.550000000e+02, v13;
	v13 =	vld [tilespmem:s28+$0x4070]  }
0x413: {  	v11 =	vtrunc.f32 v11;
	v7 =	vcvt.f32.s32 v7  }
0x414: {  	v12 =	vtrunc.f32 v12;
	v8 =	vcvt.f32.s32 v8  }
0x415: {  	v19 =	vld [tilespmem:s28+$0x4020];
	v23 =	vmul.f32 $2.550000000e+02, v14;
	v9 =	vcvt.f32.s32 v9;
	v18 =	vadd.s32 $0x100, v7  }
0x416: {  	v20 =	vld [tilespmem:s28+$0x4030];
	v7 =	vcvt.f32.s32 v11;
	v11 =	vadd.s32 $0x100, v8;
	v6 =	vcvt.f32.s32 v6  }
0x417: {  	v22 =	vld [tilespmem:s28+$0x4040];
	v24 =	vmul.f32 $2.550000000e+02, v16;
	v21 =	vadd.s32 $0x100, v9;
	v13 =	vmul.f32 $2.550000000e+02, v13  }
0x418: {  	v15 =	vld [tilespmem:s28+$0x4050];
	v12 =	vcvt.f32.s32 v12;
	v10 =	vtrunc.f32 v10;
	v9 =	vadd.s32 $0x100, v6  }
0x419: {  	v14 =	vld [tilespmem:s28+$0x4060];
	v8 =	vadd.s32 $0x100, v7;
	v10 =	vcvt.f32.s32 v10;
	v6 =	vtrunc.f32 v13  }
0x41a: {  	v19 =	vmul.f32 $2.550000000e+02, v19;
	v7 =	vadd.s32 $0x100, v12;
	v12 =	vld.idx.msk [tilespmem:v18+s29+$0x0], $0xffff;
	v13 =	vcvt.f32.s32 v6  }
0x41b: {  	v20 =	vmul.f32 $2.550000000e+02, v20;
	v16 =	vtrunc.f32 v23;
	v6 =	vadd.s32 $0x100, v10;
	v10 =	vld.idx.msk [tilespmem:v11+s29+$0x0], $0xffff  }
0x41c: {  	s14 =	simm.s32 $0x8;
	v18 =	vmul.f32 $2.550000000e+02, v22;
	[tilespmem:s26+$0x14070] =	vst v17;
	v17 =	vtrunc.f32 v24;
	v11 =	vld.idx.msk [tilespmem:v21+s29+$0x0], $0xffff;
	v13 =	vadd.s32 $0x100, v13  }
.LBB2_39:
0x41d: {  	s14 =	sadd.s32 $0x8, s14;
	v19 =	vtrunc.f32 v19;
	v15 =	vmul.f32 $2.550000000e+02, v15;
	v9 =	vld.idx.msk [tilespmem:v9+s29+$0x0], $0xffff  }
0x41e: {  	v20 =	vtrunc.f32 v20;
	s5 =	sadd.s32 $0x400, s5;
	s7 =	sshll.u32 s14, $0x4;
	p2 =	slt.u32 s14, $0x3F8;
	v14 =	vmul.f32 $2.550000000e+02, v14;
	v21 =	vld.idx.msk [tilespmem:v8+s29+$0x0], $0xffff  }
0x41f: {  	s13 =	sand.u32 $0xC00, s5;
	s18 =	sshll.u32 s14, $0x2;
	v8 =	vtrunc.f32 v18;
	s7 =	sand.u32 $0x3000, s7;
	v15 =	vtrunc.f32 v15;
	v18 =	vld.idx.msk [tilespmem:v7+s29+$0x0], $0xffff  }
0x420: {  	v7 =	vcvt.f32.s32 v16;
	s7 =	sor.u32 s13, s7;
	s13 =	sand.u32 $0x380, s18;
	v14 =	vtrunc.f32 v14;
	[tilespmem:s26+$0x14000] =	vst v12;
	v12 =	vld.idx.msk [tilespmem:v6+s29+$0x0], $0xffff  }
0x421: {  	v16 =	vcvt.f32.s32 v19;
	v6 =	vcvt.f32.s32 v17;
	s7 =	sor.u32 s13, s7;
	v13 =	vld.idx.msk [tilespmem:v13+s29+$0x0], $0xffff;
	[tilespmem:s26+$0x14010] =	vst v10  }
0x422: {  	v8 =	vcvt.f32.s32 v8;
	v17 =	vadd.s32 $0x100, v7;
	v7 =	vcvt.f32.s32 v20;
	v10 =	vld [tilespmem:s7+$0x4070];
	[tilespmem:s26+$0x14020] =	vst v11  }
0x423: {  	v14 =	vcvt.f32.s32 v14;
	v22 =	vadd.s32 $0x100, v6;
	v6 =	vcvt.f32.s32 v15;
	v11 =	vld [tilespmem:s7+$0x4000];
	[tilespmem:s26+$0x14030] =	vst v9  }
0x424: {  	v23 =	vadd.s32 $0x100, v16;
	v8 =	vadd.s32 $0x100, v8;
	v9 =	vadd.s32 $0x100, v7;
	v19 =	vld [tilespmem:s7+$0x4010];
	[tilespmem:s26+$0x14040] =	vst v21  }
0x425: {  	v7 =	vadd.s32 $0x100, v6;
	v6 =	vadd.s32 $0x100, v14;
	v16 =	vld [tilespmem:s7+$0x4020];
	[tilespmem:s26+$0x14050] =	vst v18  }
0x426: {  	v18 =	vld [tilespmem:s7+$0x4030];
	[tilespmem:s26+$0x14060] =	vst v12;
	s26 =	smov.u32 s28;
	s28 =	smov.u32 s7  }
0x427: {  	v21 =	vld [tilespmem:s28+$0x4040];
	v10 =	vmul.f32 $2.550000000e+02, v10;
	[tilespmem:s26+$0x14070] =	vst v13  }
.Ltmp23:
0x428: {  	v11 =	vmul.f32 $2.550000000e+02, v11;
	v15 =	vld [tilespmem:s28+$0x4050];
	(pc) =	sbr.rel @p2 .LBB2_39-.Ltmp23, $4  }
0x429: {  	v13 =	vmul.f32 $2.550000000e+02, v19;
	v14 =	vld [tilespmem:s28+$0x4060];
	v10 =	vtrunc.f32 v10  }
0x42a: {  	v19 =	vmul.f32 $2.550000000e+02, v16;
	v24 =	vcvt.f32.s32 v10;
	v12 =	vld.idx.msk [tilespmem:v17+s29+$0x0], $0xffff  }
0x42b: {  	v16 =	vtrunc.f32 v11;
	v20 =	vmul.f32 $2.550000000e+02, v18;
	v10 =	vld.idx.msk [tilespmem:v22+s29+$0x0], $0xffff  }
0x42c: {  	v17 =	vtrunc.f32 v13;
	v18 =	vmul.f32 $2.550000000e+02, v21;
	v13 =	vadd.s32 $0x100, v24;
	v11 =	vld.idx.msk [tilespmem:v23+s29+$0x0], $0xffff  }
0x42d: {  	_ = 	snop  }
0x42e: {  	v19 =	vtrunc.f32 v19  }
0x42f: {  	v15 =	vmul.f32 $2.550000000e+02, v15;
	v16 =	vcvt.f32.s32 v16  }
0x430: {  	v20 =	vtrunc.f32 v20;
	v17 =	vcvt.f32.s32 v17  }
0x431: {  	v9 =	vld.idx.msk [tilespmem:v9+s29+$0x0], $0xffff;
	v14 =	vmul.f32 $2.550000000e+02, v14;
	v19 =	vcvt.f32.s32 v19;
	v16 =	vadd.s32 $0x100, v16  }
0x432: {  	v8 =	vld.idx.msk [tilespmem:v8+s29+$0x0], $0xffff;
	v18 =	vtrunc.f32 v18;
	v20 =	vcvt.f32.s32 v20;
	v17 =	vadd.s32 $0x100, v17  }
0x433: {  	v7 =	vld.idx.msk [tilespmem:v7+s29+$0x0], $0xffff;
	v15 =	vtrunc.f32 v15;
	[tilespmem:s26+$0x14000] =	vst v12;
	v12 =	vcvt.f32.s32 v18;
	v18 =	vadd.s32 $0x100, v19  }
0x434: {  	v6 =	vld.idx.msk [tilespmem:v6+s29+$0x0], $0xffff;
	v14 =	vtrunc.f32 v14;
	[tilespmem:s26+$0x14010] =	vst v10;
	v10 =	vcvt.f32.s32 v15;
	v15 =	vadd.s32 $0x100, v20  }
0x435: {  	v13 =	vld.idx.msk [tilespmem:v13+s29+$0x0], $0xffff;
	[tilespmem:s26+$0x14020] =	vst v11;
	v11 =	vcvt.f32.s32 v14;
	v12 =	vadd.s32 $0x100, v12  }
0x436: {  	[tilespmem:s26+$0x14030] =	vst v9;
	v9 =	vadd.s32 $0x100, v10;
	v10 =	vld.idx.msk [tilespmem:v16+s29+$0x0], $0xffff  }
0x437: {  	[tilespmem:s26+$0x14040] =	vst v8;
	v8 =	vadd.s32 $0x100, v11;
	v11 =	vld.idx.msk [tilespmem:v17+s29+$0x0], $0xffff  }
0x438: {  	[tilespmem:s26+$0x14050] =	vst v7;
	v7 =	vld.idx.msk [tilespmem:v18+s29+$0x0], $0xffff  }
0x439: {  	[tilespmem:s26+$0x14060] =	vst v6;
	v6 =	vld.idx.msk [tilespmem:v15+s29+$0x0], $0xffff  }
0x43a: {  	[tilespmem:s28+$0x14070] =	vst v13;
	v12 =	vld.idx.msk [tilespmem:v12+s29+$0x0], $0xffff  }
0x43b: {  	v9 =	vld.idx.msk [tilespmem:v9+s29+$0x0], $0xffff;
	[tilespmem:s28+$0x14000] =	vst v10  }
0x43c: {  	s5 =	smul.u32 $0xC0000, s16;
	v8 =	vld.idx.msk [tilespmem:v8+s29+$0x0], $0xffff;
	[tilespmem:s28+$0x14010] =	vst v11  }
0x43d: {  	s4 =	sshll.u32 s4, $0x12;
	[tilespmem:s28+$0x14020] =	vst v7  }
0x43e: {  	s4 =	sadd.s32 s4, s5;
	s5 =	sadd.s32 @!p1 $0x5, s10;
	[tilespmem:s28+$0x14030] =	vst v6  }
0x43f: {  	s4 =	sor.u32 s8, s4;
	s7 =	smulhi.u32 @!p1 $0x55555556, s5;
	[tilespmem:s28+$0x14040] =	vst v12  }
0x440: {  	s4 =	sshrl.u32 s4, $0x3;
	[tilespmem:s28+$0x14050] =	vst v9  }
0x441: {  	s4 =	sadd.s32 s2, s4;
	s13 =	smul.u32 @!p1 $0x3, s7;
	[tilespmem:s28+$0x14060] =	vst v8  }
0x442: {  	[hbm4b:s4+s6] =	stream.linear.scatter [tilespmem:s31], [sflag:$0x6], $0x4000, $0x38;
	[tilespmem:$0x1DE40] =	vst v63  }
0x443: {  	s5 =	ssub.s32 @!p1 s5, s13;
	s4 =	smul.u32 @!p1 $0xC0000, s7  }
0x444: {  	s5 =	sshll.u32 @!p1 s5, $0x12  }
0x445: {  	s4 =	sadd.s32 @!p1 s5, s4  }
0x446: {  	s14 =	simm.s32 $0x0;
	s4 =	sor.u32 @!p1 s8, s4  }
0x447: {  	s16 =	simm.s32 $0x0;
	s18 =	simm.s32 $0x0;
	s4 =	sshrl.u32 @!p1 s4, $0x3  }
0x448: {  	s7 =	simm.s32 @!p1 $0x4000;
	s5 =	simm.s32 @!p1 $0x0;
	s4 =	sadd.s32 @!p1 s1, s4  }
0x449: {  	[tilespmem:s7], [sflag:$0x2] =	stream.linear.gather @!p1 [hbm4b:s4+s5], $0x4000, $0x38;
	[tilespmem:$0x1DE40] =	vst v63  }
0x44a: {  	s5 =	sand.u32 $0x3000, s16;
	s4 =	sand.u32 $0xC00, s14;
	_ =	swait.ge [sflag:s0], $0x4000  }
0x44b: {  	s7 =	sand.u32 $0x380, s18;
	s4 =	sor.u32 s4, s5;
	[sflag:s0] =	ssyncset.done $0x0  }
0x44c: {  	s4 =	sor.u32 s7, s4;
	[sflag:s0] =	ssyncadd.s32 $0xFFFFC000  }
0x44d: {  	v6 =	vld [tilespmem:s4+$0x8070];
	_ =	sdelay $0x2  }
0x44e: {  	v7 =	vld [tilespmem:s4+$0x8000]  }
0x44f: {  	v8 =	vld [tilespmem:s4+$0x8010]  }
0x450: {  	s26 =	simm.s32 $0x80;
	s5 =	simm.s32 $0x400;
	v9 =	vld [tilespmem:s4+$0x8020];
	v6 =	vmul.f32 $2.550000000e+02, v6  }
0x451: {  	s14 =	simm.s32 $0x20;
	s7 =	sand.u32 $0x3000, s26;
	s28 =	sand.u32 $0xC00, s5;
	v10 =	vld [tilespmem:s4+$0x8030]  }
0x452: {  	s14 =	sand.u32 $0x380, s14;
	s7 =	sor.u32 s28, s7;
	v11 =	vld [tilespmem:s4+$0x8040];
	v6 =	vtrunc.f32 v6  }
0x453: {  	v12 =	vld [tilespmem:s4+$0x8050];
	s16 =	sor.u32 s14, s7;
	v6 =	vcvt.f32.s32 v6  }
0x454: {  	v14 =	vld [tilespmem:s16+$0x8000]  }
0x455: {  	v16 =	vld [tilespmem:s16+$0x8010];
	v6 =	vadd.s32 $0x200, v6  }
0x456: {  	v13 =	vld [tilespmem:s4+$0x8060];
	v7 =	vmul.f32 $2.550000000e+02, v7  }
0x457: {  	v8 =	vmul.f32 $2.550000000e+02, v8;
	v9 =	vmul.f32 $2.550000000e+02, v9  }
0x458: {  	v10 =	vmul.f32 $2.550000000e+02, v10;
	v11 =	vmul.f32 $2.550000000e+02, v11  }
0x459: {  	v12 =	vmul.f32 $2.550000000e+02, v12;
	v23 =	vmul.f32 $2.550000000e+02, v14  }
0x45a: {  	v24 =	vmul.f32 $2.550000000e+02, v16;
	v7 =	vtrunc.f32 v7;
	v17 =	vld.idx.msk [tilespmem:v6+s29+$0x0], $0xffff  }
0x45b: {  	v6 =	vtrunc.f32 v10;
	v10 =	vmul.f32 $2.550000000e+02, v13;
	v13 =	vld [tilespmem:s16+$0x8070]  }
0x45c: {  	v8 =	vtrunc.f32 v8;
	v7 =	vcvt.f32.s32 v7  }
0x45d: {  	v9 =	vtrunc.f32 v9;
	v8 =	vcvt.f32.s32 v8  }
0x45e: {  	v19 =	vld [tilespmem:s16+$0x8020];
	v11 =	vtrunc.f32 v11;
	v9 =	vcvt.f32.s32 v9;
	v18 =	vadd.s32 $0x200, v7  }
0x45f: {  	v20 =	vld [tilespmem:s16+$0x8030];
	v7 =	vcvt.f32.s32 v11;
	v11 =	vadd.s32 $0x200, v8;
	v6 =	vcvt.f32.s32 v6  }
0x460: {  	s30 =	smul.u32 $0xC0000, s15;
	v22 =	vld [tilespmem:s16+$0x8040];
	v12 =	vtrunc.f32 v12;
	v21 =	vadd.s32 $0x200, v9;
	v13 =	vmul.f32 $2.550000000e+02, v13  }
0x461: {  	s9 =	sshll.u32 s9, $0x12;
	v15 =	vld [tilespmem:s16+$0x8050];
	v12 =	vcvt.f32.s32 v12;
	v10 =	vtrunc.f32 v10;
	v9 =	vadd.s32 $0x200, v6  }
0x462: {  	s7 =	sadd.s32 s9, s30;
	v14 =	vld [tilespmem:s16+$0x8060];
	v8 =	vadd.s32 $0x200, v7;
	v10 =	vcvt.f32.s32 v10;
	v6 =	vtrunc.f32 v13  }
0x463: {  	s7 =	sor.u32 s8, s7;
	v19 =	vmul.f32 $2.550000000e+02, v19;
	v7 =	vadd.s32 $0x200, v12;
	v12 =	vld.idx.msk [tilespmem:v18+s29+$0x0], $0xffff;
	v13 =	vcvt.f32.s32 v6  }
0x464: {  	s7 =	sshrl.u32 s7, $0x3;
	v20 =	vmul.f32 $2.550000000e+02, v20;
	v16 =	vtrunc.f32 v23;
	v6 =	vadd.s32 $0x200, v10;
	v10 =	vld.idx.msk [tilespmem:v11+s29+$0x0], $0xffff  }
0x465: {  	s14 =	simm.s32 $0x8;
	s9 =	sadd.s32 s2, s7;
	v18 =	vmul.f32 $2.550000000e+02, v22;
	[tilespmem:s4+$0x10070] =	vst v17;
	v17 =	vtrunc.f32 v24;
	v11 =	vld.idx.msk [tilespmem:v21+s29+$0x0], $0xffff;
	v13 =	vadd.s32 $0x200, v13  }
.LBB2_41:
0x466: {  	s14 =	sadd.s32 $0x8, s14;
	v19 =	vtrunc.f32 v19;
	v15 =	vmul.f32 $2.550000000e+02, v15;
	v9 =	vld.idx.msk [tilespmem:v9+s29+$0x0], $0xffff  }
0x467: {  	v20 =	vtrunc.f32 v20;
	s5 =	sadd.s32 $0x400, s5;
	s7 =	sshll.u32 s14, $0x4;
	p2 =	slt.u32 s14, $0x3F8;
	v14 =	vmul.f32 $2.550000000e+02, v14;
	v21 =	vld.idx.msk [tilespmem:v8+s29+$0x0], $0xffff  }
0x468: {  	s13 =	sand.u32 $0xC00, s5;
	s15 =	sshll.u32 s14, $0x2;
	v8 =	vtrunc.f32 v18;
	s7 =	sand.u32 $0x3000, s7;
	v15 =	vtrunc.f32 v15;
	v18 =	vld.idx.msk [tilespmem:v7+s29+$0x0], $0xffff  }
0x469: {  	s15 =	sand.u32 $0x380, s15;
	v7 =	vcvt.f32.s32 v16;
	s7 =	sor.u32 s13, s7;
	v14 =	vtrunc.f32 v14;
	[tilespmem:s4+$0x10000] =	vst v12;
	v12 =	vld.idx.msk [tilespmem:v6+s29+$0x0], $0xffff  }
0x46a: {  	v16 =	vcvt.f32.s32 v19;
	v6 =	vcvt.f32.s32 v17;
	s7 =	sor.u32 s15, s7;
	v13 =	vld.idx.msk [tilespmem:v13+s29+$0x0], $0xffff;
	[tilespmem:s4+$0x10010] =	vst v10  }
0x46b: {  	v8 =	vcvt.f32.s32 v8;
	v17 =	vadd.s32 $0x200, v7;
	v7 =	vcvt.f32.s32 v20;
	v10 =	vld [tilespmem:s7+$0x8070];
	[tilespmem:s4+$0x10020] =	vst v11  }
0x46c: {  	v14 =	vcvt.f32.s32 v14;
	v22 =	vadd.s32 $0x200, v6;
	v6 =	vcvt.f32.s32 v15;
	v11 =	vld [tilespmem:s7+$0x8000];
	[tilespmem:s4+$0x10030] =	vst v9  }
0x46d: {  	v23 =	vadd.s32 $0x200, v16;
	v8 =	vadd.s32 $0x200, v8;
	v9 =	vadd.s32 $0x200, v7;
	v19 =	vld [tilespmem:s7+$0x8010];
	[tilespmem:s4+$0x10040] =	vst v21  }
0x46e: {  	v7 =	vadd.s32 $0x200, v6;
	v6 =	vadd.s32 $0x200, v14;
	v16 =	vld [tilespmem:s7+$0x8020];
	[tilespmem:s4+$0x10050] =	vst v18  }
0x46f: {  	v18 =	vld [tilespmem:s7+$0x8030];
	[tilespmem:s4+$0x10060] =	vst v12;
	s4 =	smov.u32 s16;
	s16 =	smov.u32 s7  }
0x470: {  	v21 =	vld [tilespmem:s16+$0x8040];
	v10 =	vmul.f32 $2.550000000e+02, v10;
	[tilespmem:s4+$0x10070] =	vst v13  }
.Ltmp24:
0x471: {  	v11 =	vmul.f32 $2.550000000e+02, v11;
	v15 =	vld [tilespmem:s16+$0x8050];
	(pc) =	sbr.rel @p2 .LBB2_41-.Ltmp24, $4  }
0x472: {  	v13 =	vmul.f32 $2.550000000e+02, v19;
	v14 =	vld [tilespmem:s16+$0x8060];
	v10 =	vtrunc.f32 v10  }
0x473: {  	v19 =	vmul.f32 $2.550000000e+02, v16;
	v24 =	vcvt.f32.s32 v10;
	v12 =	vld.idx.msk [tilespmem:v17+s29+$0x0], $0xffff  }
0x474: {  	v16 =	vtrunc.f32 v11;
	v20 =	vmul.f32 $2.550000000e+02, v18;
	v10 =	vld.idx.msk [tilespmem:v22+s29+$0x0], $0xffff  }
0x475: {  	v17 =	vtrunc.f32 v13;
	v18 =	vmul.f32 $2.550000000e+02, v21;
	v13 =	vadd.s32 $0x200, v24;
	v11 =	vld.idx.msk [tilespmem:v23+s29+$0x0], $0xffff  }
0x476: {  	_ =	sdelay $0x1  }
0x477: {  	v19 =	vtrunc.f32 v19  }
0x478: {  	v15 =	vmul.f32 $2.550000000e+02, v15;
	v16 =	vcvt.f32.s32 v16  }
0x479: {  	v20 =	vtrunc.f32 v20;
	v17 =	vcvt.f32.s32 v17;
	v9 =	vld.idx.msk [tilespmem:v9+s29+$0x0], $0xffff  }
0x47a: {  	v8 =	vld.idx.msk [tilespmem:v8+s29+$0x0], $0xffff;
	v14 =	vmul.f32 $2.550000000e+02, v14;
	v19 =	vcvt.f32.s32 v19;
	v16 =	vadd.s32 $0x200, v16  }
0x47b: {  	v7 =	vld.idx.msk [tilespmem:v7+s29+$0x0], $0xffff;
	v18 =	vtrunc.f32 v18;
	v20 =	vcvt.f32.s32 v20;
	v17 =	vadd.s32 $0x200, v17;
	[tilespmem:s4+$0x10000] =	vst v12  }
0x47c: {  	v6 =	vld.idx.msk [tilespmem:v6+s29+$0x0], $0xffff;
	v15 =	vtrunc.f32 v15;
	v12 =	vcvt.f32.s32 v18;
	v18 =	vadd.s32 $0x200, v19;
	[tilespmem:s4+$0x10010] =	vst v10  }
0x47d: {  	v14 =	vtrunc.f32 v14;
	v10 =	vcvt.f32.s32 v15;
	v15 =	vadd.s32 $0x200, v20;
	[tilespmem:s4+$0x10020] =	vst v11  }
0x47e: {  	v13 =	vld.idx.msk [tilespmem:v13+s29+$0x0], $0xffff;
	v11 =	vcvt.f32.s32 v14;
	v12 =	vadd.s32 $0x200, v12;
	[tilespmem:s4+$0x10030] =	vst v9  }
0x47f: {  	v9 =	vadd.s32 $0x200, v10;
	[tilespmem:s4+$0x10040] =	vst v8;
	v10 =	vld.idx.msk [tilespmem:v16+s29+$0x0], $0xffff  }
0x480: {  	[tilespmem:s4+$0x10050] =	vst v7;
	v8 =	vadd.s32 $0x200, v11;
	v11 =	vld.idx.msk [tilespmem:v17+s29+$0x0], $0xffff  }
0x481: {  	[tilespmem:s4+$0x10060] =	vst v6;
	s4 =	sadd.s32 @!p1 $0x6, s10;
	v7 =	vld.idx.msk [tilespmem:v18+s29+$0x0], $0xffff  }
0x482: {  	s5 =	smulhi.u32 @!p1 $0x55555556, s4;
	v6 =	vld.idx.msk [tilespmem:v15+s29+$0x0], $0xffff  }
0x483: {  	[tilespmem:s16+$0x10070] =	vst v13;
	v12 =	vld.idx.msk [tilespmem:v12+s29+$0x0], $0xffff  }
0x484: {  	s7 =	smul.u32 @!p1 $0x3, s5;
	v9 =	vld.idx.msk [tilespmem:v9+s29+$0x0], $0xffff;
	[tilespmem:s16+$0x10000] =	vst v10  }
0x485: {  	v8 =	vld.idx.msk [tilespmem:v8+s29+$0x0], $0xffff;
	[tilespmem:s16+$0x10010] =	vst v11  }
0x486: {  	s5 =	smul.u32 @!p1 $0xC0000, s5;
	s4 =	ssub.s32 @!p1 s4, s7;
	[tilespmem:s16+$0x10020] =	vst v7  }
0x487: {  	s4 =	sshll.u32 @!p1 s4, $0x12;
	[tilespmem:s16+$0x10030] =	vst v6  }
0x488: {  	s4 =	sadd.s32 @!p1 s4, s5;
	[tilespmem:s16+$0x10040] =	vst v12  }
0x489: {  	s15 =	simm.s32 $0x0;
	s4 =	sor.u32 @!p1 s8, s4;
	[tilespmem:s16+$0x10050] =	vst v9  }
0x48a: {  	s18 =	simm.s32 $0x0;
	s7 =	simm.s32 @!p1 $0x8000;
	s4 =	sshrl.u32 @!p1 s4, $0x3;
	[tilespmem:s16+$0x10060] =	vst v8  }
0x48b: {  	[hbm4b:s9+s6] =	stream.linear.scatter [tilespmem:s24], [sflag:$0x5], $0x4000, $0x38;
	[tilespmem:$0x1DE40] =	vst v63  }
0x48c: {  	s5 =	simm.s32 @!p1 $0x0;
	s4 =	sadd.s32 @!p1 s1, s4;
	s16 =	simm.s32 $0x0  }
0x48d: {  	[tilespmem:s7], [sflag:$0x3] =	stream.linear.gather @!p1 [hbm4b:s4+s5], $0x4000, $0x38;
	[tilespmem:$0x1DE40] =	vst v63  }
0x48e: {  	s5 =	sand.u32 $0x3000, s16;
	s4 =	sand.u32 $0xC00, s15;
	_ =	swait.ge [sflag:s3], $0x4000  }
0x48f: {  	s7 =	sand.u32 $0x380, s18;
	s4 =	sor.u32 s4, s5;
	[sflag:s3] =	ssyncset.done $0x0  }
0x490: {  	s4 =	sor.u32 s7, s4;
	[sflag:s3] =	ssyncadd.s32 $0xFFFFC000  }
0x491: {  	v6 =	vld [tilespmem:s4+$0xC070];
	_ =	sdelay $0x2  }
0x492: {  	v7 =	vld [tilespmem:s4+$0xC000]  }
0x493: {  	v8 =	vld [tilespmem:s4+$0xC010]  }
0x494: {  	s24 =	simm.s32 $0x80;
	s5 =	simm.s32 $0x400;
	v9 =	vld [tilespmem:s4+$0xC020];
	v6 =	vmul.f32 $2.550000000e+02, v6  }
0x495: {  	s13 =	simm.s32 $0x20;
	s7 =	sand.u32 $0x3000, s24;
	s26 =	sand.u32 $0xC00, s5;
	v10 =	vld [tilespmem:s4+$0xC030]  }
0x496: {  	s13 =	sand.u32 $0x380, s13;
	s7 =	sor.u32 s26, s7;
	v11 =	vld [tilespmem:s4+$0xC040];
	v6 =	vtrunc.f32 v6  }
0x497: {  	v12 =	vld [tilespmem:s4+$0xC050];
	s9 =	sor.u32 s13, s7;
	v6 =	vcvt.f32.s32 v6  }
0x498: {  	v14 =	vld [tilespmem:s9+$0xC000]  }
0x499: {  	v16 =	vld [tilespmem:s9+$0xC010];
	v6 =	vadd.s32 $0x300, v6  }
0x49a: {  	v13 =	vld [tilespmem:s4+$0xC060];
	v7 =	vmul.f32 $2.550000000e+02, v7  }
0x49b: {  	v8 =	vmul.f32 $2.550000000e+02, v8;
	v9 =	vmul.f32 $2.550000000e+02, v9  }
0x49c: {  	v10 =	vmul.f32 $2.550000000e+02, v10;
	v11 =	vmul.f32 $2.550000000e+02, v11  }
0x49d: {  	v12 =	vmul.f32 $2.550000000e+02, v12;
	v23 =	vmul.f32 $2.550000000e+02, v14  }
0x49e: {  	v24 =	vmul.f32 $2.550000000e+02, v16;
	v7 =	vtrunc.f32 v7;
	v17 =	vld.idx.msk [tilespmem:v6+s29+$0x0], $0xffff  }
0x49f: {  	v6 =	vtrunc.f32 v10;
	v10 =	vmul.f32 $2.550000000e+02, v13;
	v13 =	vld [tilespmem:s9+$0xC070]  }
0x4a0: {  	v8 =	vtrunc.f32 v8;
	v7 =	vcvt.f32.s32 v7  }
0x4a1: {  	v9 =	vtrunc.f32 v9;
	v8 =	vcvt.f32.s32 v8  }
0x4a2: {  	v19 =	vld [tilespmem:s9+$0xC020];
	v11 =	vtrunc.f32 v11;
	v9 =	vcvt.f32.s32 v9;
	v18 =	vadd.s32 $0x300, v7  }
0x4a3: {  	v20 =	vld [tilespmem:s9+$0xC030];
	v7 =	vcvt.f32.s32 v11;
	v11 =	vadd.s32 $0x300, v8;
	v6 =	vcvt.f32.s32 v6  }
0x4a4: {  	s28 =	smul.u32 $0xC0000, s11;
	v22 =	vld [tilespmem:s9+$0xC040];
	v12 =	vtrunc.f32 v12;
	v21 =	vadd.s32 $0x300, v9;
	v13 =	vmul.f32 $2.550000000e+02, v13  }
0x4a5: {  	s30 =	sshll.u32 s12, $0x12;
	v15 =	vld [tilespmem:s9+$0xC050];
	v12 =	vcvt.f32.s32 v12;
	v10 =	vtrunc.f32 v10;
	v9 =	vadd.s32 $0x300, v6  }
0x4a6: {  	s7 =	sadd.s32 s30, s28;
	v14 =	vld [tilespmem:s9+$0xC060];
	v8 =	vadd.s32 $0x300, v7;
	v10 =	vcvt.f32.s32 v10;
	v6 =	vtrunc.f32 v13  }
0x4a7: {  	s7 =	sor.u32 s8, s7;
	v19 =	vmul.f32 $2.550000000e+02, v19;
	v7 =	vadd.s32 $0x300, v12;
	v12 =	vld.idx.msk [tilespmem:v18+s29+$0x0], $0xffff;
	v13 =	vcvt.f32.s32 v6  }
0x4a8: {  	s7 =	sshrl.u32 s7, $0x3;
	v20 =	vmul.f32 $2.550000000e+02, v20;
	v16 =	vtrunc.f32 v23;
	v6 =	vadd.s32 $0x300, v10;
	v10 =	vld.idx.msk [tilespmem:v11+s29+$0x0], $0xffff  }
0x4a9: {  	s12 =	simm.s32 $0x8;
	s11 =	sadd.s32 s2, s7;
	v18 =	vmul.f32 $2.550000000e+02, v22;
	[tilespmem:s4+$0x14070] =	vst v17;
	v17 =	vtrunc.f32 v24;
	v11 =	vld.idx.msk [tilespmem:v21+s29+$0x0], $0xffff;
	v13 =	vadd.s32 $0x300, v13  }
.LBB2_43:
0x4aa: {  	s12 =	sadd.s32 $0x8, s12;
	v19 =	vtrunc.f32 v19;
	v15 =	vmul.f32 $2.550000000e+02, v15;
	v9 =	vld.idx.msk [tilespmem:v9+s29+$0x0], $0xffff  }
0x4ab: {  	v20 =	vtrunc.f32 v20;
	s5 =	sadd.s32 $0x400, s5;
	s7 =	sshll.u32 s12, $0x4;
	p2 =	slt.u32 s12, $0x3F8;
	v14 =	vmul.f32 $2.550000000e+02, v14;
	v21 =	vld.idx.msk [tilespmem:v8+s29+$0x0], $0xffff  }
0x4ac: {  	s13 =	sand.u32 $0xC00, s5;
	s14 =	sshll.u32 s12, $0x2;
	v8 =	vtrunc.f32 v18;
	s7 =	sand.u32 $0x3000, s7;
	v15 =	vtrunc.f32 v15;
	v18 =	vld.idx.msk [tilespmem:v7+s29+$0x0], $0xffff  }
0x4ad: {  	s14 =	sand.u32 $0x380, s14;
	v7 =	vcvt.f32.s32 v16;
	s7 =	sor.u32 s13, s7;
	v14 =	vtrunc.f32 v14;
	[tilespmem:s4+$0x14000] =	vst v12;
	v12 =	vld.idx.msk [tilespmem:v6+s29+$0x0], $0xffff  }
0x4ae: {  	v16 =	vcvt.f32.s32 v19;
	v6 =	vcvt.f32.s32 v17;
	s7 =	sor.u32 s14, s7;
	v13 =	vld.idx.msk [tilespmem:v13+s29+$0x0], $0xffff;
	[tilespmem:s4+$0x14010] =	vst v10  }
0x4af: {  	v8 =	vcvt.f32.s32 v8;
	v17 =	vadd.s32 $0x300, v7;
	v7 =	vcvt.f32.s32 v20;
	v10 =	vld [tilespmem:s7+$0xC070];
	[tilespmem:s4+$0x14020] =	vst v11  }
0x4b0: {  	v14 =	vcvt.f32.s32 v14;
	v22 =	vadd.s32 $0x300, v6;
	v6 =	vcvt.f32.s32 v15;
	v11 =	vld [tilespmem:s7+$0xC000];
	[tilespmem:s4+$0x14030] =	vst v9  }
0x4b1: {  	v23 =	vadd.s32 $0x300, v16;
	v8 =	vadd.s32 $0x300, v8;
	v9 =	vadd.s32 $0x300, v7;
	v19 =	vld [tilespmem:s7+$0xC010];
	[tilespmem:s4+$0x14040] =	vst v21  }
0x4b2: {  	v7 =	vadd.s32 $0x300, v6;
	v6 =	vadd.s32 $0x300, v14;
	v16 =	vld [tilespmem:s7+$0xC020];
	[tilespmem:s4+$0x14050] =	vst v18  }
0x4b3: {  	v18 =	vld [tilespmem:s7+$0xC030];
	[tilespmem:s4+$0x14060] =	vst v12;
	s4 =	smov.u32 s9;
	s9 =	smov.u32 s7  }
0x4b4: {  	v21 =	vld [tilespmem:s9+$0xC040];
	v10 =	vmul.f32 $2.550000000e+02, v10;
	[tilespmem:s4+$0x14070] =	vst v13  }
.Ltmp25:
0x4b5: {  	v11 =	vmul.f32 $2.550000000e+02, v11;
	v15 =	vld [tilespmem:s9+$0xC050];
	(pc) =	sbr.rel @p2 .LBB2_43-.Ltmp25, $4  }
0x4b6: {  	v13 =	vmul.f32 $2.550000000e+02, v19;
	v14 =	vld [tilespmem:s9+$0xC060];
	v10 =	vtrunc.f32 v10  }
0x4b7: {  	v19 =	vmul.f32 $2.550000000e+02, v16;
	v24 =	vcvt.f32.s32 v10;
	v12 =	vld.idx.msk [tilespmem:v17+s29+$0x0], $0xffff  }
0x4b8: {  	v16 =	vtrunc.f32 v11;
	v20 =	vmul.f32 $2.550000000e+02, v18;
	v10 =	vld.idx.msk [tilespmem:v22+s29+$0x0], $0xffff  }
0x4b9: {  	v17 =	vtrunc.f32 v13;
	v18 =	vmul.f32 $2.550000000e+02, v21;
	v13 =	vadd.s32 $0x300, v24;
	v11 =	vld.idx.msk [tilespmem:v23+s29+$0x0], $0xffff  }
0x4ba: {  	_ = 	snop  }
0x4bb: {  	v19 =	vtrunc.f32 v19  }
0x4bc: {  	v15 =	vmul.f32 $2.550000000e+02, v15;
	v16 =	vcvt.f32.s32 v16  }
0x4bd: {  	v20 =	vtrunc.f32 v20;
	v17 =	vcvt.f32.s32 v17  }
0x4be: {  	v9 =	vld.idx.msk [tilespmem:v9+s29+$0x0], $0xffff;
	v14 =	vmul.f32 $2.550000000e+02, v14;
	v19 =	vcvt.f32.s32 v19;
	v16 =	vadd.s32 $0x300, v16  }
0x4bf: {  	v8 =	vld.idx.msk [tilespmem:v8+s29+$0x0], $0xffff;
	v18 =	vtrunc.f32 v18;
	v20 =	vcvt.f32.s32 v20;
	v17 =	vadd.s32 $0x300, v17  }
0x4c0: {  	v7 =	vld.idx.msk [tilespmem:v7+s29+$0x0], $0xffff;
	v15 =	vtrunc.f32 v15;
	[tilespmem:s4+$0x14000] =	vst v12;
	v55 =	vcvt.f32.s32 v18;
	v56 =	vadd.s32 $0x300, v19  }
0x4c1: {  	v6 =	vld.idx.msk [tilespmem:v6+s29+$0x0], $0xffff;
	v14 =	vtrunc.f32 v14;
	[tilespmem:s4+$0x14010] =	vst v10;
	v57 =	vcvt.f32.s32 v15;
	v58 =	vadd.s32 $0x300, v20  }
0x4c2: {  	v13 =	vld.idx.msk [tilespmem:v13+s29+$0x0], $0xffff;
	[tilespmem:s4+$0x14020] =	vst v11;
	v59 =	vcvt.f32.s32 v14;
	v12 =	vadd.s32 $0x300, v55  }
0x4c3: {  	[tilespmem:s4+$0x14030] =	vst v9;
	v60 =	vadd.s32 $0x300, v57;
	v61 =	vld.idx.msk [tilespmem:v16+s29+$0x0], $0xffff  }
0x4c4: {  	[tilespmem:s4+$0x14040] =	vst v8;
	v62 =	vadd.s32 $0x300, v59;
	v63 =	vld.idx.msk [tilespmem:v17+s29+$0x0], $0xffff  }
0x4c5: {  	[tilespmem:s4+$0x14050] =	vst v7;
	v7 =	vld.idx.msk [tilespmem:v56+s29+$0x0], $0xffff  }
0x4c6: {  	[tilespmem:s4+$0x14060] =	vst v6;
	v6 =	vld.idx.msk [tilespmem:v58+s29+$0x0], $0xffff  }
0x4c7: {  	[tilespmem:s9+$0x14070] =	vst v13;
	v12 =	vld.idx.msk [tilespmem:v12+s29+$0x0], $0xffff  }
0x4c8: {  	v9 =	vld.idx.msk [tilespmem:v60+s29+$0x0], $0xffff;
	[tilespmem:s9+$0x14000] =	vst v61  }
0x4c9: {  	v8 =	vld.idx.msk [tilespmem:v62+s29+$0x0], $0xffff;
	[tilespmem:s9+$0x14010] =	vst v63  }
0x4ca: {  	[tilespmem:s9+$0x14020] =	vst v7  }
.Ltmp26:
0x4cb: {  	[tilespmem:s9+$0x14030] =	vst v6;
	(pc) =	sbr.rel @p1 .LBB2_46-.Ltmp26, $4  }
0x4cc: {  	[tilespmem:s9+$0x14040] =	vst v12  }
0x4cd: {  	[tilespmem:s9+$0x14050] =	vst v9  }
0x4ce: {  	[tilespmem:s9+$0x14060] =	vst v8  }
0x4cf: {  	[hbm4b:s11+s6] =	stream.linear.scatter [tilespmem:s31], [sflag:$0x6], $0x4000, $0x38;
	[tilespmem:$0x1DE40] =	vst v63  }
0x4d0: {  	s4 =	sadd.s32 $0x7, s10  }
0x4d1: {  	s5 =	smulhi.u32 $0x55555556, s4;
	_ =	sdelay $0x1  }
0x4d2: {  	s7 =	smul.u32 $0x3, s5;
	_ =	sdelay $0x1  }
0x4d3: {  	s5 =	smul.u32 $0xC0000, s5;
	s4 =	ssub.s32 s4, s7  }
0x4d4: {  	s4 =	sshll.u32 s4, $0x12  }
.Ltmp27:
0x4d5: {  	s4 =	sadd.s32 s4, s5;
	(pc) =	sbr.rel .LBB2_2-.Ltmp27, $4  }
0x4d6: {  	s4 =	sor.u32 s8, s4  }
0x4d7: {  	s4 =	sshrl.u32 s4, $0x3  }
0x4d8: {  	s30 =	simm.s32 $0xC000;
	s17 =	sadd.s32 $0x1, s17;
	s4 =	sadd.s32 s1, s4  }
0x4d9: {  	[tilespmem:s30], [sflag:$0x4] =	stream.linear.gather [hbm4b:s4+s6], $0x4000, $0x38;
	[tilespmem:$0x1DE40] =	vst v63  }
.LBB2_25:
.Ltmp28:
0x4da: {  	(pc) =	sbr.rel .LBB2_30-.Ltmp28, $2  }
0x4db: {  	_ =	sdelay $0x2  }
0x4dc: {  	s12 =	simm.s32 $0x0;
	s4 =	simm.s32 $0x0  }
.LBB2_27:
.Ltmp29:
0x4dd: {  	(pc) =	sbr.rel .LBB2_30-.Ltmp29, $2  }
0x4de: {  	_ =	sdelay $0x2  }
0x4df: {  	s12 =	simm.s32 $0x0;
	v14 =	vmov v6  }
.LBB2_47:
0x4e0: {  	_ =	sfence.sel $0x180000  }
0x4e1: {  	[bflag:$0x0] =	sbarrier.arrive $0xFFFF  }
0x4e2: {  	_ =	strace $0x90000047  }
0x4e3: {  	s0 =	stileid.u32;
	[bflag:$0x2] =	sbarrier.arrive $0xFFFF  }
0x4e4: {  	p0 =	sne.s32 s0, $0x0;
	s0 =	rddreg [dreg:$0x4]  }
0x4e5: {  	s0 =	sadd.s32 @!p0 $0x100000, s0  }
0x4e6: {  	[sflag:s0] =	ssyncadd.tile.s32 @!p0 $0x1;
	_ =	shalt  }
.Lfunc_end2:
_tile_overlayer_lowered:
.L_overlay_start_2:
0x4e7: {  	(tag) =	ssettag $0x2  }
0x4e8: {  	s0 =	rddreg [dreg:$0x0];
	s2 =	stileid.u32  }
0x4e9: {  	s1 =	rddreg [dreg:$0x1];
	p0 =	sne.s32 s2, $0x0  }
0x4ea: {  	s3 =	rddreg [dreg:$0x2];
	[bflag:$0x3] =	sbarrier.arrive $0xFFFF;
	s2 =	simm.s32 @!p0 $0x1C07  }
0x4eb: {  	[timem:s3], [sflag:s2] =	dma.local @!p0 [hbm:s0], s1  }
0x4ec: {  	s0 =	simm.s32 @!p0 $0x7  }
0x4ed: {  	_ =	swait.ge @!p0 [sflag:s0], s1  }
0x4ee: {  	s1 =	ssub.s32 @!p0 $0x0, s1;
	[sflag:s0] =	ssyncset.done @!p0 $0x0  }
0x4ef: {  	[sflag:s0] =	ssyncadd.s32 @!p0 s1  }
0x4f0: {  	[bflag:$0x3] =	sbarrier.arrive $0xFFFF  }
0x4f1: {  	_ =	shalt  }

</sc_bundles>
